<compile_context>
chip_gen: v7x
topology: tpu7x:2x2x1
jax: 0.10.2.dev20260603
libtpu: 0.0.44.dev20260713+nightly
codegen_flags: <defaults>
</compile_context>

<pallas_src>
import jax
import jax.numpy as jnp
from jax import lax
from jax.experimental import pallas as pl
from jax.experimental.pallas import tpu as pltpu
from jax.experimental.pallas import tpu_sc as plsc

N = 10000
E = 320000
DIN = 128
DHID = 256
DOUT = 64

NC = 2
NS = 16
NW = NC * NS
NP = 10016
RPT = NP // NS
DEGW = 8

B1, NB1 = 32, 316
B2, NB2 = 128, 80
EPAD1 = NW * NB1 * B1
EPAD2 = NW * NB2 * B2


def _seg_sum_kernel(D, B, NB, with_deg, depth=2):
    assert NB % depth == 0 and NB // depth >= 2 and RPT > B
    mesh = plsc.VectorSubcoreMesh(core_axis_name="c", subcore_axis_name="s")
    out_type = [jax.ShapeDtypeStruct((NC, NP, D), jnp.float32)]
    scratch = [
        pltpu.VMEM_SHARED((NP, D), jnp.float32),
        pltpu.VMEM((NB, B), jnp.int32),
        pltpu.VMEM((NB, B), jnp.int32),
    ]
    scratch += [pltpu.VMEM((B, D), jnp.float32) for _ in range(depth)]
    scratch += [pltpu.SemaphoreType.DMA for _ in range(depth)]
    scratch += [pltpu.SemaphoreType.DMA]
    if with_deg:
        out_type.append(jax.ShapeDtypeStruct((NC, NP, DEGW), jnp.float32))
        scratch += [
            pltpu.VMEM_SHARED((NP, DEGW), jnp.float32),
            pltpu.VMEM((B, DEGW), jnp.float32),
            pltpu.VMEM((B, DEGW), jnp.float32),
        ]
    nfull, rem = divmod(RPT, B)

    def body(*refs):
        if with_deg:
            (table_hbm, src_hbm, dst_hbm, zer_hbm, one_hbm, z8_hbm,
             agg_out, deg_out, agg_sh, idx_s_all, idx_d_all) = refs[:11]
            bufs = refs[11:11 + depth]
            sems = refs[11 + depth:11 + 2 * depth]
            sem_s = refs[11 + 2 * depth]
            deg_sh, one, b8 = refs[12 + 2 * depth:]
        else:
            (table_hbm, src_hbm, dst_hbm, zer_hbm,
             agg_out, agg_sh, idx_s_all, idx_d_all) = refs[:8]
            bufs = refs[8:8 + depth]
            sems = refs[8 + depth:8 + 2 * depth]
            sem_s = refs[8 + 2 * depth]
        c = lax.axis_index("c")
        s = lax.axis_index("s")
        wid = c * NS + s
        r0 = s * RPT

        pltpu.sync_copy(src_hbm.at[wid], idx_s_all)
        pltpu.sync_copy(dst_hbm.at[wid], idx_d_all)
        pltpu.sync_copy(zer_hbm, bufs[0])
        if with_deg:
            pltpu.sync_copy(one_hbm, one)
            pltpu.sync_copy(z8_hbm, b8)

        for k in range(nfull):
            pltpu.sync_copy(bufs[0], agg_sh.at[pl.ds(r0 + k * B, B)])
            if with_deg:
                pltpu.sync_copy(b8, deg_sh.at[pl.ds(r0 + k * B, B)])
        if rem:
            r = r0 + nfull * B
            pltpu.sync_copy(bufs[0].at[pl.ds(0, rem)], agg_sh.at[pl.ds(r, rem)])
            if with_deg:
                pltpu.sync_copy(b8.at[pl.ds(0, rem)], deg_sh.at[pl.ds(r, rem)])
        plsc.subcore_barrier()

        def g_issue(j, t):
            pltpu.async_copy(table_hbm.at[idx_s_all.at[j]], bufs[t], sems[t])

        def g_wait(j, t):
            pltpu.make_async_copy(table_hbm.at[idx_s_all.at[j]], bufs[t],
                                  sems[t]).wait()

        def s_do(j, t):
            if with_deg:
                d2 = pltpu.async_copy(one, deg_sh.at[idx_d_all.at[j]], sem_s,
                                      add=True)
            pltpu.sync_copy(bufs[t], agg_sh.at[idx_d_all.at[j]], add=True)
            if with_deg:
                d2.wait()

        for t in range(depth):
            g_issue(t, t)

        def step(jj, carry):
            j0 = jj * depth
            for t in range(depth):
                g_wait(j0 + t, t)
                s_do(j0 + t, t)
                g_issue(j0 + t + depth, t)
            return carry

        lax.fori_loop(0, NB // depth - 1, step, 0)
        j0 = NB - depth
        for t in range(depth):
            g_wait(j0 + t, t)
            s_do(j0 + t, t)
        plsc.subcore_barrier()

        pltpu.sync_copy(agg_sh.at[pl.ds(r0, RPT)], agg_out.at[c, pl.ds(r0, RPT)])
        if with_deg:
            pltpu.sync_copy(deg_sh.at[pl.ds(r0, RPT)],
                            deg_out.at[c, pl.ds(r0, RPT)])

    return pl.kernel(body, out_type=tuple(out_type), mesh=mesh,
                     scratch_types=tuple(scratch),
                     compiler_params=pltpu.CompilerParams(
                         use_tc_tiling_on_sc=False))


_seg128 = _seg_sum_kernel(DIN, B1, NB1, with_deg=True, depth=4)
_seg64 = _seg_sum_kernel(DOUT, B2, NB2, with_deg=False, depth=8)


def _wprep_body(w1s_ref, w1n_ref, w2s_ref, w2n_ref, b1_ref, b2_ref,
                msu_ref, mss_ref, mc_ref, c2n_ref, c2s_ref):
    w1s, w1n = w1s_ref[...], w1n_ref[...]
    w2s, w2n = w2s_ref[...], w2n_ref[...]
    dot = lambda a, b: jnp.dot(a, b, preferred_element_type=jnp.float32)
    msu_ref[...] = dot(w1n, w2n)
    mss_ref[...] = dot(w1s, w2s)
    mc_ref[...] = dot(w1n, w2s) + dot(w1s, w2n)
    c2n_ref[...] = dot(b1_ref[...], w2n)
    c2s_ref[...] = dot(b1_ref[...], w2s) + b2_ref[...]


def _wprep(w1sT, w1nT, w2sT, w2nT, b1r, b2r):
    full = lambda s: pl.BlockSpec(s, lambda: tuple(0 for _ in s))
    m = jax.ShapeDtypeStruct((DIN, DOUT), jnp.float32)
    v = jax.ShapeDtypeStruct((1, DOUT), jnp.float32)
    return pl.pallas_call(
        _wprep_body,
        in_specs=[full((DIN, DHID)), full((DIN, DHID)),
                  full((DHID, DOUT)), full((DHID, DOUT)),
                  full((1, DHID)), full((1, DOUT))],
        out_specs=[full((DIN, DOUT))] * 3 + [full((1, DOUT))] * 2,
        out_shape=[m, m, m, v, v],
    )(w1sT, w1nT, w2sT, w2nT, b1r, b2r)


def _inv_deg(deg_ref):
    dg = deg_ref[0, :, 0:1] + deg_ref[1, :, 0:1]
    return dg, 1.0 / jnp.maximum(dg, 1.0)


def _tcmid_body(agg_ref, deg_ref, msu_ref, u_ref):
    _, inv = _inv_deg(deg_ref)
    agg = agg_ref[0] + agg_ref[1]
    u_ref[...] = jnp.dot(agg, msu_ref[...],
                         preferred_element_type=jnp.float32) * inv


def _tcpar_body(x_ref, agg_ref, deg_ref, mss_ref, mc_ref, c2n_ref, c2s_ref,
                b_ref):
    dg, inv = _inv_deg(deg_ref)
    agg = agg_ref[0] + agg_ref[1]
    b = jnp.dot(x_ref[...], mss_ref[...], preferred_element_type=jnp.float32)
    b = b + jnp.dot(agg, mc_ref[...], preferred_element_type=jnp.float32) * inv
    b_ref[...] = b + c2s_ref[...] + jnp.where(dg > 0.0, c2n_ref[...], 0.0)


def _tcfin_body(b_ref, agg2_ref, deg_ref, o_ref):
    _, inv = _inv_deg(deg_ref)
    o_ref[...] = b_ref[...] + (agg2_ref[0] + agg2_ref[1]) * inv


_RP = 2504
_R = 2000


def _tcmid(aggp, degp, msu):
    return pl.pallas_call(
        _tcmid_body,
        grid=(NP // _RP,),
        in_specs=[
            pl.BlockSpec((NC, _RP, DIN), lambda i: (0, i, 0)),
            pl.BlockSpec((NC, _RP, DEGW), lambda i: (0, i, 0)),
            pl.BlockSpec((DIN, DOUT), lambda i: (0, 0)),
        ],
        out_specs=pl.BlockSpec((_RP, DOUT), lambda i: (i, 0)),
        out_shape=jax.ShapeDtypeStruct((NP, DOUT), jnp.float32),
    )(aggp, degp, msu)


def _tcpar(x, aggp, degp, mss, mc, c2n, c2s):
    return pl.pallas_call(
        _tcpar_body,
        grid=(N // _R,),
        in_specs=[
            pl.BlockSpec((_R, DIN), lambda i: (i, 0)),
            pl.BlockSpec((NC, _R, DIN), lambda i: (0, i, 0)),
            pl.BlockSpec((NC, _R, DEGW), lambda i: (0, i, 0)),
            pl.BlockSpec((DIN, DOUT), lambda i: (0, 0)),
            pl.BlockSpec((DIN, DOUT), lambda i: (0, 0)),
            pl.BlockSpec((1, DOUT), lambda i: (0, 0)),
            pl.BlockSpec((1, DOUT), lambda i: (0, 0)),
        ],
        out_specs=pl.BlockSpec((_R, DOUT), lambda i: (i, 0)),
        out_shape=jax.ShapeDtypeStruct((N, DOUT), jnp.float32),
    )(x, aggp, degp, mss, mc, c2n, c2s)


def _tcfin(base, agg2p, degp):
    return pl.pallas_call(
        _tcfin_body,
        grid=(N // _R,),
        in_specs=[
            pl.BlockSpec((_R, DOUT), lambda i: (i, 0)),
            pl.BlockSpec((NC, _R, DOUT), lambda i: (0, i, 0)),
            pl.BlockSpec((NC, _R, DEGW), lambda i: (0, i, 0)),
        ],
        out_specs=pl.BlockSpec((_R, DOUT), lambda i: (i, 0)),
        out_shape=jax.ShapeDtypeStruct((N, DOUT), jnp.float32),
    )(base, agg2p, degp)


def _pad_edges(src, dst, epad, nb, b):
    pad = epad - E
    src_p = jnp.concatenate([src, jnp.zeros((pad,), jnp.int32)])
    dst_p = jnp.concatenate([dst, jnp.full((pad,), N, jnp.int32)])
    return src_p.reshape(NW, nb, b), dst_p.reshape(NW, nb, b)


def kernel(features, edge_index, W1_self, W1_neigh, b1, W2_self, W2_neigh, b2):
    src = edge_index[0].astype(jnp.int32)
    dst = edge_index[1].astype(jnp.int32)
    s1, d1 = _pad_edges(src, dst, EPAD1, NB1, B1)
    s2e, d2e = _pad_edges(src, dst, EPAD2, NB2, B2)

    zer1 = jnp.zeros((B1, DIN), jnp.float32)
    zer2 = jnp.zeros((B2, DOUT), jnp.float32)
    one8 = jnp.ones((B1, DEGW), jnp.float32)
    zer8 = jnp.zeros((B1, DEGW), jnp.float32)

    msu, mss, mc, c2n, c2s = _wprep(W1_self.T, W1_neigh.T, W2_self.T,
                                    W2_neigh.T, b1[None], b2[None])

    aggp, degp = _seg128(features, s1, d1, zer1, one8, zer8)
    u = _tcmid(aggp, degp, msu)
    base = _tcpar(features, aggp, degp, mss, mc, c2n, c2s)

    (agg2p,) = _seg64(u, s2e, d2e, zer2)
    return _tcfin(base, agg2p, degp)

# --- scband reference (transcript-rebuilt; emitter-appended) ---
"""Pipeline reference for scband-dgl-sage-18047452578199 (READ-ONLY COPY).

The authoritative reference and input builder live on the scoring server;
editing this copy changes nothing except your own understanding.
"""

import jax, jax.numpy as jnp
import numpy as np

N_NODES = 10000
N_EDGES = 320000
IN_DIM = 128
HIDDEN = 256
NCLASSES = 64


def setup_inputs(seed: int = 0) -> dict:
    key = jax.random.key(seed)
    k_feat, k_ei, k1, k2, k3, k4 = jax.random.split(key, 6)
    features = jax.random.normal(k_feat, (N_NODES, IN_DIM), dtype=jnp.float32)
    edge_index = jax.random.randint(k_ei, (2, N_EDGES), 0, N_NODES, dtype=jnp.int64)
    # SAGEConv layer 1 params (fc_self, fc_neigh, bias)
    s1 = 1.0 / np.sqrt(IN_DIM)
    W1_self = jax.random.uniform(k1, (HIDDEN, IN_DIM), jnp.float32, -s1, s1)
    W1_neigh = jax.random.uniform(k2, (HIDDEN, IN_DIM), jnp.float32, -s1, s1)
    b1 = jnp.zeros((HIDDEN,), jnp.float32)
    # SAGEConv layer 2 params
    s2 = 1.0 / np.sqrt(HIDDEN)
    W2_self = jax.random.uniform(k3, (NCLASSES, HIDDEN), jnp.float32, -s2, s2)
    W2_neigh = jax.random.uniform(k4, (NCLASSES, HIDDEN), jnp.float32, -s2, s2)
    b2 = jnp.zeros((NCLASSES,), jnp.float32)
    return {
        "features": features,
        "edge_index": edge_index,
        "W1_self": W1_self,
        "W1_neigh": W1_neigh,
        "b1": b1,
        "W2_self": W2_self,
        "W2_neigh": W2_neigh,
        "b2": b2,
    }


def _sage_conv_mean(x, src, dst, W_self, W_neigh, b):
    # DGL SAGEConv with aggregator_type='mean':
    # h_neigh = mean_{j in N(i)} x_j ; rst = fc_self(x_i) + fc_neigh(h_neigh) + bias
    msg = jnp.take(x, src, axis=0)
    agg = jax.ops.segment_sum(msg, dst, num_segments=N_NODES)
    deg = jax.ops.segment_sum(jnp.ones((src.shape[0],), jnp.float32), dst, num_segments=N_NODES)
    h_neigh = agg / jnp.maximum(deg, 1.0)[:, None]
    return x @ W_self.T + h_neigh @ W_neigh.T + b


def reference(features, edge_index, W1_self, W1_neigh, b1, W2_self, W2_neigh, b2):
    src = edge_index[0]
    dst = edge_index[1]
    h = _sage_conv_mean(features, src, dst, W1_self, W1_neigh, b1)
    out = _sage_conv_mean(h, src, dst, W2_self, W2_neigh, b2)
    return out

if __name__ == "__main__":
    import jax
    _d = setup_inputs()
    print(jax.jit(kernel)(*tuple(_d.values())))

</pallas_src>

<mosaic_0001>
#map = affine_map<(d0, d1) -> (0, 0)>
#map1 = affine_map<(d0, d1) -> (0, 0, 0)>
module attributes {stable_mosaic.version = 14 : i64} {
  func.func @body(%arg0: i32, %arg1: i32, %arg2: memref<10016x64xf32, #tpu.memory_space<hbm>>, %arg3: memref<32x80x128xi32, #tpu.memory_space<hbm>>, %arg4: memref<32x80x128xi32, #tpu.memory_space<hbm>>, %arg5: memref<128x64xf32, #tpu.memory_space<hbm>>, %arg6: memref<2x10016x64xf32, #tpu.memory_space<hbm>>, %arg7: memref<10016x64xf32, #tpu.memory_space<vmem_shared>>, %arg8: memref<80x128xi32, #tpu.memory_space<vmem>>, %arg9: memref<80x128xi32, #tpu.memory_space<vmem>>, %arg10: memref<128x64xf32, #tpu.memory_space<vmem>>, %arg11: memref<128x64xf32, #tpu.memory_space<vmem>>, %arg12: memref<128x64xf32, #tpu.memory_space<vmem>>, %arg13: memref<128x64xf32, #tpu.memory_space<vmem>>, %arg14: memref<128x64xf32, #tpu.memory_space<vmem>>, %arg15: memref<128x64xf32, #tpu.memory_space<vmem>>, %arg16: memref<128x64xf32, #tpu.memory_space<vmem>>, %arg17: memref<128x64xf32, #tpu.memory_space<vmem>>, %arg18: memref<!tpu.dma_semaphore, #tpu.memory_space<semaphore_mem>>, %arg19: memref<!tpu.dma_semaphore, #tpu.memory_space<semaphore_mem>>, %arg20: memref<!tpu.dma_semaphore, #tpu.memory_space<semaphore_mem>>, %arg21: memref<!tpu.dma_semaphore, #tpu.memory_space<semaphore_mem>>, %arg22: memref<!tpu.dma_semaphore, #tpu.memory_space<semaphore_mem>>, %arg23: memref<!tpu.dma_semaphore, #tpu.memory_space<semaphore_mem>>, %arg24: memref<!tpu.dma_semaphore, #tpu.memory_space<semaphore_mem>>, %arg25: memref<!tpu.dma_semaphore, #tpu.memory_space<semaphore_mem>>, %arg26: memref<!tpu.dma_semaphore, #tpu.memory_space<semaphore_mem>>) attributes {dimension_semantics = [#tpu.dimension_semantics<core_parallel>, #tpu.dimension_semantics<subcore_parallel>], iteration_bounds = array<i64: 2, 16>, scalar_prefetch = 0 : i64, scratch_operands = 20 : i64, tpu.core_type = #tpu.core_type<sc_vector_subcore>, window_params = [{transform_indices = #map}, {transform_indices = #map1}, {transform_indices = #map1}, {transform_indices = #map}, {transform_indices = #map1}]} {
    %mul3A = arith.constant 16 : i32
    %mul3A_0 = arith.muli %arg0, %mul3A : i32
    %add3A = arith.addi %mul3A_0, %arg1 : i32
    %mul3A_1 = arith.constant 626 : i32
    %mul3A_2 = arith.muli %arg1, %mul3A_1 : i32
    "tpu.region"() ({
      %run_scoped3A_136 = tpu.sem_alloc : memref<!tpu.dma_semaphore, #tpu.memory_space<semaphore_mem>>
      %dma_start3A_137 = arith.constant 0 : i32
      %dma_start3A_138 = arith.constant 0 : i32
      %dma_start3A_139 = tpu.memref_slice %arg3[%add3A, %dma_start3A_137, %dma_start3A_138] : memref<32x80x128xi32, #tpu.memory_space<hbm>> -> memref<1x80x128xi32, #tpu.memory_space<hbm>>
      %dma_start3A_140 = tpu.memref_squeeze %dma_start3A_139 : memref<1x80x128xi32, #tpu.memory_space<hbm>> -> memref<80x128xi32, #tpu.memory_space<hbm>>
      %dma_start3A_141 = arith.constant 0 : i32
      %dma_start3A_142 = arith.constant 0 : i32
      %dma_start3A_143 = tpu.memref_slice %arg3[%add3A, %dma_start3A_141, %dma_start3A_142] : memref<32x80x128xi32, #tpu.memory_space<hbm>> -> memref<1x80x128xi32, #tpu.memory_space<hbm>>
      %dma_start3A_144 = tpu.memref_squeeze %dma_start3A_143 : memref<1x80x128xi32, #tpu.memory_space<hbm>> -> memref<80x128xi32, #tpu.memory_space<hbm>>
      tpu.enqueue_dma source(%dma_start3A_144 : memref<80x128xi32, #tpu.memory_space<hbm>>) target(%arg8 : memref<80x128xi32, #tpu.memory_space<vmem>>) target_semaphore(%run_scoped3A_136 : memref<!tpu.dma_semaphore, #tpu.memory_space<semaphore_mem>>)
      %dma_wait3A_145 = arith.constant 0 : i32
      %dma_wait3A_146 = arith.constant 0 : i32
      %dma_wait3A_147 = tpu.memref_slice %arg3[%add3A, %dma_wait3A_145, %dma_wait3A_146] : memref<32x80x128xi32, #tpu.memory_space<hbm>> -> memref<1x80x128xi32, #tpu.memory_space<hbm>>
      %dma_wait3A_148 = tpu.memref_squeeze %dma_wait3A_147 : memref<1x80x128xi32, #tpu.memory_space<hbm>> -> memref<80x128xi32, #tpu.memory_space<hbm>>
      %dma_wait3A_149 = arith.constant 0 : i32
      %dma_wait3A_150 = arith.constant 0 : i32
      %dma_wait3A_151 = tpu.memref_slice %arg3[%add3A, %dma_wait3A_149, %dma_wait3A_150] : memref<32x80x128xi32, #tpu.memory_space<hbm>> -> memref<1x80x128xi32, #tpu.memory_space<hbm>>
      %dma_wait3A_152 = tpu.memref_squeeze %dma_wait3A_151 : memref<1x80x128xi32, #tpu.memory_space<hbm>> -> memref<80x128xi32, #tpu.memory_space<hbm>>
      tpu.wait_dma2 semaphore(%run_scoped3A_136 : memref<!tpu.dma_semaphore, #tpu.memory_space<semaphore_mem>>) src(%dma_wait3A_152 : memref<80x128xi32, #tpu.memory_space<hbm>>) dst(%arg8 : memref<80x128xi32, #tpu.memory_space<vmem>>)
      tpu.yield
    }) : () -> ()
    "tpu.region"() ({
      %run_scoped3A_136 = tpu.sem_alloc : memref<!tpu.dma_semaphore, #tpu.memory_space<semaphore_mem>>
      %dma_start3A_137 = arith.constant 0 : i32
      %dma_start3A_138 = arith.constant 0 : i32
      %dma_start3A_139 = tpu.memref_slice %arg4[%add3A, %dma_start3A_137, %dma_start3A_138] : memref<32x80x128xi32, #tpu.memory_space<hbm>> -> memref<1x80x128xi32, #tpu.memory_space<hbm>>
      %dma_start3A_140 = tpu.memref_squeeze %dma_start3A_139 : memref<1x80x128xi32, #tpu.memory_space<hbm>> -> memref<80x128xi32, #tpu.memory_space<hbm>>
      %dma_start3A_141 = arith.constant 0 : i32
      %dma_start3A_142 = arith.constant 0 : i32
      %dma_start3A_143 = tpu.memref_slice %arg4[%add3A, %dma_start3A_141, %dma_start3A_142] : memref<32x80x128xi32, #tpu.memory_space<hbm>> -> memref<1x80x128xi32, #tpu.memory_space<hbm>>
      %dma_start3A_144 = tpu.memref_squeeze %dma_start3A_143 : memref<1x80x128xi32, #tpu.memory_space<hbm>> -> memref<80x128xi32, #tpu.memory_space<hbm>>
      tpu.enqueue_dma source(%dma_start3A_144 : memref<80x128xi32, #tpu.memory_space<hbm>>) target(%arg9 : memref<80x128xi32, #tpu.memory_space<vmem>>) target_semaphore(%run_scoped3A_136 : memref<!tpu.dma_semaphore, #tpu.memory_space<semaphore_mem>>)
      %dma_wait3A_145 = arith.constant 0 : i32
      %dma_wait3A_146 = arith.constant 0 : i32
      %dma_wait3A_147 = tpu.memref_slice %arg4[%add3A, %dma_wait3A_145, %dma_wait3A_146] : memref<32x80x128xi32, #tpu.memory_space<hbm>> -> memref<1x80x128xi32, #tpu.memory_space<hbm>>
      %dma_wait3A_148 = tpu.memref_squeeze %dma_wait3A_147 : memref<1x80x128xi32, #tpu.memory_space<hbm>> -> memref<80x128xi32, #tpu.memory_space<hbm>>
      %dma_wait3A_149 = arith.constant 0 : i32
      %dma_wait3A_150 = arith.constant 0 : i32
      %dma_wait3A_151 = tpu.memref_slice %arg4[%add3A, %dma_wait3A_149, %dma_wait3A_150] : memref<32x80x128xi32, #tpu.memory_space<hbm>> -> memref<1x80x128xi32, #tpu.memory_space<hbm>>
      %dma_wait3A_152 = tpu.memref_squeeze %dma_wait3A_151 : memref<1x80x128xi32, #tpu.memory_space<hbm>> -> memref<80x128xi32, #tpu.memory_space<hbm>>
      tpu.wait_dma2 semaphore(%run_scoped3A_136 : memref<!tpu.dma_semaphore, #tpu.memory_space<semaphore_mem>>) src(%dma_wait3A_152 : memref<80x128xi32, #tpu.memory_space<hbm>>) dst(%arg9 : memref<80x128xi32, #tpu.memory_space<vmem>>)
      tpu.yield
    }) : () -> ()
    "tpu.region"() ({
      %run_scoped3A_136 = tpu.sem_alloc : memref<!tpu.dma_semaphore, #tpu.memory_space<semaphore_mem>>
      tpu.enqueue_dma source(%arg5 : memref<128x64xf32, #tpu.memory_space<hbm>>) target(%arg10 : memref<128x64xf32, #tpu.memory_space<vmem>>) target_semaphore(%run_scoped3A_136 : memref<!tpu.dma_semaphore, #tpu.memory_space<semaphore_mem>>)
      tpu.wait_dma2 semaphore(%run_scoped3A_136 : memref<!tpu.dma_semaphore, #tpu.memory_space<semaphore_mem>>) src(%arg5 : memref<128x64xf32, #tpu.memory_space<hbm>>) dst(%arg10 : memref<128x64xf32, #tpu.memory_space<vmem>>)
      tpu.yield
    }) : () -> ()
    %add3A_3 = arith.constant 0 : i32
    %add3A_4 = arith.addi %mul3A_2, %add3A_3 : i32
    "tpu.region"() ({
      %run_scoped3A_136 = tpu.sem_alloc : memref<!tpu.dma_semaphore, #tpu.memory_space<semaphore_mem>>
      %dma_start3A_137 = arith.constant 0 : i32
      %dma_start3A_138 = tpu.memref_slice %arg7[%add3A_4, %dma_start3A_137] : memref<10016x64xf32, #tpu.memory_space<vmem_shared>> -> memref<128x64xf32, #tpu.memory_space<vmem_shared>>
      %dma_start3A_139 = arith.constant 0 : i32
      %dma_start3A_140 = tpu.memref_slice %arg7[%add3A_4, %dma_start3A_139] : memref<10016x64xf32, #tpu.memory_space<vmem_shared>> -> memref<128x64xf32, #tpu.memory_space<vmem_shared>>
      tpu.enqueue_dma source(%arg10 : memref<128x64xf32, #tpu.memory_space<vmem>>) target(%dma_start3A_140 : memref<128x64xf32, #tpu.memory_space<vmem_shared>>) target_semaphore(%run_scoped3A_136 : memref<!tpu.dma_semaphore, #tpu.memory_space<semaphore_mem>>)
      %dma_wait3A_141 = arith.constant 0 : i32
      %dma_wait3A_142 = tpu.memref_slice %arg7[%add3A_4, %dma_wait3A_141] : memref<10016x64xf32, #tpu.memory_space<vmem_shared>> -> memref<128x64xf32, #tpu.memory_space<vmem_shared>>
      %dma_wait3A_143 = arith.constant 0 : i32
      %dma_wait3A_144 = tpu.memref_slice %arg7[%add3A_4, %dma_wait3A_143] : memref<10016x64xf32, #tpu.memory_space<vmem_shared>> -> memref<128x64xf32, #tpu.memory_space<vmem_shared>>
      tpu.wait_dma2 semaphore(%run_scoped3A_136 : memref<!tpu.dma_semaphore, #tpu.memory_space<semaphore_mem>>) src(%arg10 : memref<128x64xf32, #tpu.memory_space<vmem>>) dst(%dma_wait3A_144 : memref<128x64xf32, #tpu.memory_space<vmem_shared>>)
      tpu.yield
    }) : () -> ()
    %add3A_5 = arith.constant 128 : i32
    %add3A_6 = arith.addi %mul3A_2, %add3A_5 : i32
    "tpu.region"() ({
      %run_scoped3A_136 = tpu.sem_alloc : memref<!tpu.dma_semaphore, #tpu.memory_space<semaphore_mem>>
      %dma_start3A_137 = arith.constant 0 : i32
      %dma_start3A_138 = tpu.memref_slice %arg7[%add3A_6, %dma_start3A_137] : memref<10016x64xf32, #tpu.memory_space<vmem_shared>> -> memref<128x64xf32, #tpu.memory_space<vmem_shared>>
      %dma_start3A_139 = arith.constant 0 : i32
      %dma_start3A_140 = tpu.memref_slice %arg7[%add3A_6, %dma_start3A_139] : memref<10016x64xf32, #tpu.memory_space<vmem_shared>> -> memref<128x64xf32, #tpu.memory_space<vmem_shared>>
      tpu.enqueue_dma source(%arg10 : memref<128x64xf32, #tpu.memory_space<vmem>>) target(%dma_start3A_140 : memref<128x64xf32, #tpu.memory_space<vmem_shared>>) target_semaphore(%run_scoped3A_136 : memref<!tpu.dma_semaphore, #tpu.memory_space<semaphore_mem>>)
      %dma_wait3A_141 = arith.constant 0 : i32
      %dma_wait3A_142 = tpu.memref_slice %arg7[%add3A_6, %dma_wait3A_141] : memref<10016x64xf32, #tpu.memory_space<vmem_shared>> -> memref<128x64xf32, #tpu.memory_space<vmem_shared>>
      %dma_wait3A_143 = arith.constant 0 : i32
      %dma_wait3A_144 = tpu.memref_slice %arg7[%add3A_6, %dma_wait3A_143] : memref<10016x64xf32, #tpu.memory_space<vmem_shared>> -> memref<128x64xf32, #tpu.memory_space<vmem_shared>>
      tpu.wait_dma2 semaphore(%run_scoped3A_136 : memref<!tpu.dma_semaphore, #tpu.memory_space<semaphore_mem>>) src(%arg10 : memref<128x64xf32, #tpu.memory_space<vmem>>) dst(%dma_wait3A_144 : memref<128x64xf32, #tpu.memory_space<vmem_shared>>)
      tpu.yield
    }) : () -> ()
    %add3A_7 = arith.constant 256 : i32
    %add3A_8 = arith.addi %mul3A_2, %add3A_7 : i32
    "tpu.region"() ({
      %run_scoped3A_136 = tpu.sem_alloc : memref<!tpu.dma_semaphore, #tpu.memory_space<semaphore_mem>>
      %dma_start3A_137 = arith.constant 0 : i32
      %dma_start3A_138 = tpu.memref_slice %arg7[%add3A_8, %dma_start3A_137] : memref<10016x64xf32, #tpu.memory_space<vmem_shared>> -> memref<128x64xf32, #tpu.memory_space<vmem_shared>>
      %dma_start3A_139 = arith.constant 0 : i32
      %dma_start3A_140 = tpu.memref_slice %arg7[%add3A_8, %dma_start3A_139] : memref<10016x64xf32, #tpu.memory_space<vmem_shared>> -> memref<128x64xf32, #tpu.memory_space<vmem_shared>>
      tpu.enqueue_dma source(%arg10 : memref<128x64xf32, #tpu.memory_space<vmem>>) target(%dma_start3A_140 : memref<128x64xf32, #tpu.memory_space<vmem_shared>>) target_semaphore(%run_scoped3A_136 : memref<!tpu.dma_semaphore, #tpu.memory_space<semaphore_mem>>)
      %dma_wait3A_141 = arith.constant 0 : i32
      %dma_wait3A_142 = tpu.memref_slice %arg7[%add3A_8, %dma_wait3A_141] : memref<10016x64xf32, #tpu.memory_space<vmem_shared>> -> memref<128x64xf32, #tpu.memory_space<vmem_shared>>
      %dma_wait3A_143 = arith.constant 0 : i32
      %dma_wait3A_144 = tpu.memref_slice %arg7[%add3A_8, %dma_wait3A_143] : memref<10016x64xf32, #tpu.memory_space<vmem_shared>> -> memref<128x64xf32, #tpu.memory_space<vmem_shared>>
      tpu.wait_dma2 semaphore(%run_scoped3A_136 : memref<!tpu.dma_semaphore, #tpu.memory_space<semaphore_mem>>) src(%arg10 : memref<128x64xf32, #tpu.memory_space<vmem>>) dst(%dma_wait3A_144 : memref<128x64xf32, #tpu.memory_space<vmem_shared>>)
      tpu.yield
    }) : () -> ()
    %add3A_9 = arith.constant 384 : i32
    %add3A_10 = arith.addi %mul3A_2, %add3A_9 : i32
    "tpu.region"() ({
      %run_scoped3A_136 = tpu.sem_alloc : memref<!tpu.dma_semaphore, #tpu.memory_space<semaphore_mem>>
      %dma_start3A_137 = arith.constant 0 : i32
      %dma_start3A_138 = tpu.memref_slice %arg7[%add3A_10, %dma_start3A_137] : memref<10016x64xf32, #tpu.memory_space<vmem_shared>> -> memref<128x64xf32, #tpu.memory_space<vmem_shared>>
      %dma_start3A_139 = arith.constant 0 : i32
      %dma_start3A_140 = tpu.memref_slice %arg7[%add3A_10, %dma_start3A_139] : memref<10016x64xf32, #tpu.memory_space<vmem_shared>> -> memref<128x64xf32, #tpu.memory_space<vmem_shared>>
      tpu.enqueue_dma source(%arg10 : memref<128x64xf32, #tpu.memory_space<vmem>>) target(%dma_start3A_140 : memref<128x64xf32, #tpu.memory_space<vmem_shared>>) target_semaphore(%run_scoped3A_136 : memref<!tpu.dma_semaphore, #tpu.memory_space<semaphore_mem>>)
      %dma_wait3A_141 = arith.constant 0 : i32
      %dma_wait3A_142 = tpu.memref_slice %arg7[%add3A_10, %dma_wait3A_141] : memref<10016x64xf32, #tpu.memory_space<vmem_shared>> -> memref<128x64xf32, #tpu.memory_space<vmem_shared>>
      %dma_wait3A_143 = arith.constant 0 : i32
      %dma_wait3A_144 = tpu.memref_slice %arg7[%add3A_10, %dma_wait3A_143] : memref<10016x64xf32, #tpu.memory_space<vmem_shared>> -> memref<128x64xf32, #tpu.memory_space<vmem_shared>>
      tpu.wait_dma2 semaphore(%run_scoped3A_136 : memref<!tpu.dma_semaphore, #tpu.memory_space<semaphore_mem>>) src(%arg10 : memref<128x64xf32, #tpu.memory_space<vmem>>) dst(%dma_wait3A_144 : memref<128x64xf32, #tpu.memory_space<vmem_shared>>)
      tpu.yield
    }) : () -> ()
    %add3A_11 = arith.constant 512 : i32
    %add3A_12 = arith.addi %mul3A_2, %add3A_11 : i32
    "tpu.region"() ({
      %run_scoped3A_136 = tpu.sem_alloc : memref<!tpu.dma_semaphore, #tpu.memory_space<semaphore_mem>>
      %dma_start3A_137 = arith.constant 0 : i32
      %dma_start3A_138 = arith.constant 0 : i32
      %dma_start3A_139 = tpu.memref_slice %arg10[%dma_start3A_137, %dma_start3A_138] : memref<128x64xf32, #tpu.memory_space<vmem>> -> memref<114x64xf32, #tpu.memory_space<vmem>>
      %dma_start3A_140 = arith.constant 0 : i32
      %dma_start3A_141 = tpu.memref_slice %arg7[%add3A_12, %dma_start3A_140] : memref<10016x64xf32, #tpu.memory_space<vmem_shared>> -> memref<114x64xf32, #tpu.memory_space<vmem_shared>>
      %dma_start3A_142 = arith.constant 0 : i32
      %dma_start3A_143 = tpu.memref_slice %arg7[%add3A_12, %dma_start3A_142] : memref<10016x64xf32, #tpu.memory_space<vmem_shared>> -> memref<114x64xf32, #tpu.memory_space<vmem_shared>>
      %dma_start3A_144 = arith.constant 0 : i32
      %dma_start3A_145 = arith.constant 0 : i32
      %dma_start3A_146 = tpu.memref_slice %arg10[%dma_start3A_144, %dma_start3A_145] : memref<128x64xf32, #tpu.memory_space<vmem>> -> memref<114x64xf32, #tpu.memory_space<vmem>>
      tpu.enqueue_dma source(%dma_start3A_146 : memref<114x64xf32, #tpu.memory_space<vmem>>) target(%dma_start3A_143 : memref<114x64xf32, #tpu.memory_space<vmem_shared>>) target_semaphore(%run_scoped3A_136 : memref<!tpu.dma_semaphore, #tpu.memory_space<semaphore_mem>>)
      %dma_wait3A_147 = arith.constant 0 : i32
      %dma_wait3A_148 = arith.constant 0 : i32
      %dma_wait3A_149 = tpu.memref_slice %arg10[%dma_wait3A_147, %dma_wait3A_148] : memref<128x64xf32, #tpu.memory_space<vmem>> -> memref<114x64xf32, #tpu.memory_space<vmem>>
      %dma_wait3A_150 = arith.constant 0 : i32
      %dma_wait3A_151 = tpu.memref_slice %arg7[%add3A_12, %dma_wait3A_150] : memref<10016x64xf32, #tpu.memory_space<vmem_shared>> -> memref<114x64xf32, #tpu.memory_space<vmem_shared>>
      %dma_wait3A_152 = arith.constant 0 : i32
      %dma_wait3A_153 = tpu.memref_slice %arg7[%add3A_12, %dma_wait3A_152] : memref<10016x64xf32, #tpu.memory_space<vmem_shared>> -> memref<114x64xf32, #tpu.memory_space<vmem_shared>>
      %dma_wait3A_154 = arith.constant 0 : i32
      %dma_wait3A_155 = arith.constant 0 : i32
      %dma_wait3A_156 = tpu.memref_slice %arg10[%dma_wait3A_154, %dma_wait3A_155] : memref<128x64xf32, #tpu.memory_space<vmem>> -> memref<114x64xf32, #tpu.memory_space<vmem>>
      tpu.wait_dma2 semaphore(%run_scoped3A_136 : memref<!tpu.dma_semaphore, #tpu.memory_space<semaphore_mem>>) src(%dma_wait3A_156 : memref<114x64xf32, #tpu.memory_space<vmem>>) dst(%dma_wait3A_153 : memref<114x64xf32, #tpu.memory_space<vmem_shared>>)
      tpu.yield
    }) : () -> ()
    %barrier3A = arith.constant 0 : index
    tpu.barrier barrier_id(%barrier3A)
    %dma_start3A = arith.constant 0 : i32
    %dma_start3A_13 = arith.constant 0 : i32
    %dma_start3A_14 = tpu.memref_slice %arg8[%dma_start3A, %dma_start3A_13] : memref<80x128xi32, #tpu.memory_space<vmem>> -> memref<1x128xi32, #tpu.memory_space<vmem>>
    %dma_start3A_15 = tpu.memref_squeeze %dma_start3A_14 : memref<1x128xi32, #tpu.memory_space<vmem>> -> memref<128xi32, #tpu.memory_space<vmem>>
    %dma_start3A_16 = arith.constant 0 : i32
    %dma_start3A_17 = arith.constant 0 : i32
    %dma_start3A_18 = tpu.memref_slice %arg2[%dma_start3A_16, %dma_start3A_17] : memref<10016x64xf32, #tpu.memory_space<hbm>> -> memref<10016x64xf32, #tpu.memory_space<hbm>>
    tpu.enqueue_indirect_dma source(%dma_start3A_18 : memref<10016x64xf32, #tpu.memory_space<hbm>>) target(%arg10 : memref<128x64xf32, #tpu.memory_space<vmem>>) offsets(%dma_start3A_15 : memref<128xi32, #tpu.memory_space<vmem>>) semaphore(%arg18 : memref<!tpu.dma_semaphore, #tpu.memory_space<semaphore_mem>>)
    %dma_start3A_19 = arith.constant 1 : i32
    %dma_start3A_20 = arith.constant 0 : i32
    %dma_start3A_21 = tpu.memref_slice %arg8[%dma_start3A_19, %dma_start3A_20] : memref<80x128xi32, #tpu.memory_space<vmem>> -> memref<1x128xi32, #tpu.memory_space<vmem>>
    %dma_start3A_22 = tpu.memref_squeeze %dma_start3A_21 : memref<1x128xi32, #tpu.memory_space<vmem>> -> memref<128xi32, #tpu.memory_space<vmem>>
    %dma_start3A_23 = arith.constant 0 : i32
    %dma_start3A_24 = arith.constant 0 : i32
    %dma_start3A_25 = tpu.memref_slice %arg2[%dma_start3A_23, %dma_start3A_24] : memref<10016x64xf32, #tpu.memory_space<hbm>> -> memref<10016x64xf32, #tpu.memory_space<hbm>>
    tpu.enqueue_indirect_dma source(%dma_start3A_25 : memref<10016x64xf32, #tpu.memory_space<hbm>>) target(%arg11 : memref<128x64xf32, #tpu.memory_space<vmem>>) offsets(%dma_start3A_22 : memref<128xi32, #tpu.memory_space<vmem>>) semaphore(%arg19 : memref<!tpu.dma_semaphore, #tpu.memory_space<semaphore_mem>>)
    %dma_start3A_26 = arith.constant 2 : i32
    %dma_start3A_27 = arith.constant 0 : i32
    %dma_start3A_28 = tpu.memref_slice %arg8[%dma_start3A_26, %dma_start3A_27] : memref<80x128xi32, #tpu.memory_space<vmem>> -> memref<1x128xi32, #tpu.memory_space<vmem>>
    %dma_start3A_29 = tpu.memref_squeeze %dma_start3A_28 : memref<1x128xi32, #tpu.memory_space<vmem>> -> memref<128xi32, #tpu.memory_space<vmem>>
    %dma_start3A_30 = arith.constant 0 : i32
    %dma_start3A_31 = arith.constant 0 : i32
    %dma_start3A_32 = tpu.memref_slice %arg2[%dma_start3A_30, %dma_start3A_31] : memref<10016x64xf32, #tpu.memory_space<hbm>> -> memref<10016x64xf32, #tpu.memory_space<hbm>>
    tpu.enqueue_indirect_dma source(%dma_start3A_32 : memref<10016x64xf32, #tpu.memory_space<hbm>>) target(%arg12 : memref<128x64xf32, #tpu.memory_space<vmem>>) offsets(%dma_start3A_29 : memref<128xi32, #tpu.memory_space<vmem>>) semaphore(%arg20 : memref<!tpu.dma_semaphore, #tpu.memory_space<semaphore_mem>>)
    %dma_start3A_33 = arith.constant 3 : i32
    %dma_start3A_34 = arith.constant 0 : i32
    %dma_start3A_35 = tpu.memref_slice %arg8[%dma_start3A_33, %dma_start3A_34] : memref<80x128xi32, #tpu.memory_space<vmem>> -> memref<1x128xi32, #tpu.memory_space<vmem>>
    %dma_start3A_36 = tpu.memref_squeeze %dma_start3A_35 : memref<1x128xi32, #tpu.memory_space<vmem>> -> memref<128xi32, #tpu.memory_space<vmem>>
    %dma_start3A_37 = arith.constant 0 : i32
    %dma_start3A_38 = arith.constant 0 : i32
    %dma_start3A_39 = tpu.memref_slice %arg2[%dma_start3A_37, %dma_start3A_38] : memref<10016x64xf32, #tpu.memory_space<hbm>> -> memref<10016x64xf32, #tpu.memory_space<hbm>>
    tpu.enqueue_indirect_dma source(%dma_start3A_39 : memref<10016x64xf32, #tpu.memory_space<hbm>>) target(%arg13 : memref<128x64xf32, #tpu.memory_space<vmem>>) offsets(%dma_start3A_36 : memref<128xi32, #tpu.memory_space<vmem>>) semaphore(%arg21 : memref<!tpu.dma_semaphore, #tpu.memory_space<semaphore_mem>>)
    %dma_start3A_40 = arith.constant 4 : i32
    %dma_start3A_41 = arith.constant 0 : i32
    %dma_start3A_42 = tpu.memref_slice %arg8[%dma_start3A_40, %dma_start3A_41] : memref<80x128xi32, #tpu.memory_space<vmem>> -> memref<1x128xi32, #tpu.memory_space<vmem>>
    %dma_start3A_43 = tpu.memref_squeeze %dma_start3A_42 : memref<1x128xi32, #tpu.memory_space<vmem>> -> memref<128xi32, #tpu.memory_space<vmem>>
    %dma_start3A_44 = arith.constant 0 : i32
    %dma_start3A_45 = arith.constant 0 : i32
    %dma_start3A_46 = tpu.memref_slice %arg2[%dma_start3A_44, %dma_start3A_45] : memref<10016x64xf32, #tpu.memory_space<hbm>> -> memref<10016x64xf32, #tpu.memory_space<hbm>>
    tpu.enqueue_indirect_dma source(%dma_start3A_46 : memref<10016x64xf32, #tpu.memory_space<hbm>>) target(%arg14 : memref<128x64xf32, #tpu.memory_space<vmem>>) offsets(%dma_start3A_43 : memref<128xi32, #tpu.memory_space<vmem>>) semaphore(%arg22 : memref<!tpu.dma_semaphore, #tpu.memory_space<semaphore_mem>>)
    %dma_start3A_47 = arith.constant 5 : i32
    %dma_start3A_48 = arith.constant 0 : i32
    %dma_start3A_49 = tpu.memref_slice %arg8[%dma_start3A_47, %dma_start3A_48] : memref<80x128xi32, #tpu.memory_space<vmem>> -> memref<1x128xi32, #tpu.memory_space<vmem>>
    %dma_start3A_50 = tpu.memref_squeeze %dma_start3A_49 : memref<1x128xi32, #tpu.memory_space<vmem>> -> memref<128xi32, #tpu.memory_space<vmem>>
    %dma_start3A_51 = arith.constant 0 : i32
    %dma_start3A_52 = arith.constant 0 : i32
    %dma_start3A_53 = tpu.memref_slice %arg2[%dma_start3A_51, %dma_start3A_52] : memref<10016x64xf32, #tpu.memory_space<hbm>> -> memref<10016x64xf32, #tpu.memory_space<hbm>>
    tpu.enqueue_indirect_dma source(%dma_start3A_53 : memref<10016x64xf32, #tpu.memory_space<hbm>>) target(%arg15 : memref<128x64xf32, #tpu.memory_space<vmem>>) offsets(%dma_start3A_50 : memref<128xi32, #tpu.memory_space<vmem>>) semaphore(%arg23 : memref<!tpu.dma_semaphore, #tpu.memory_space<semaphore_mem>>)
    %dma_start3A_54 = arith.constant 6 : i32
    %dma_start3A_55 = arith.constant 0 : i32
    %dma_start3A_56 = tpu.memref_slice %arg8[%dma_start3A_54, %dma_start3A_55] : memref<80x128xi32, #tpu.memory_space<vmem>> -> memref<1x128xi32, #tpu.memory_space<vmem>>
    %dma_start3A_57 = tpu.memref_squeeze %dma_start3A_56 : memref<1x128xi32, #tpu.memory_space<vmem>> -> memref<128xi32, #tpu.memory_space<vmem>>
    %dma_start3A_58 = arith.constant 0 : i32
    %dma_start3A_59 = arith.constant 0 : i32
    %dma_start3A_60 = tpu.memref_slice %arg2[%dma_start3A_58, %dma_start3A_59] : memref<10016x64xf32, #tpu.memory_space<hbm>> -> memref<10016x64xf32, #tpu.memory_space<hbm>>
    tpu.enqueue_indirect_dma source(%dma_start3A_60 : memref<10016x64xf32, #tpu.memory_space<hbm>>) target(%arg16 : memref<128x64xf32, #tpu.memory_space<vmem>>) offsets(%dma_start3A_57 : memref<128xi32, #tpu.memory_space<vmem>>) semaphore(%arg24 : memref<!tpu.dma_semaphore, #tpu.memory_space<semaphore_mem>>)
    %dma_start3A_61 = arith.constant 7 : i32
    %dma_start3A_62 = arith.constant 0 : i32
    %dma_start3A_63 = tpu.memref_slice %arg8[%dma_start3A_61, %dma_start3A_62] : memref<80x128xi32, #tpu.memory_space<vmem>> -> memref<1x128xi32, #tpu.memory_space<vmem>>
    %dma_start3A_64 = tpu.memref_squeeze %dma_start3A_63 : memref<1x128xi32, #tpu.memory_space<vmem>> -> memref<128xi32, #tpu.memory_space<vmem>>
    %dma_start3A_65 = arith.constant 0 : i32
    %dma_start3A_66 = arith.constant 0 : i32
    %dma_start3A_67 = tpu.memref_slice %arg2[%dma_start3A_65, %dma_start3A_66] : memref<10016x64xf32, #tpu.memory_space<hbm>> -> memref<10016x64xf32, #tpu.memory_space<hbm>>
    tpu.enqueue_indirect_dma source(%dma_start3A_67 : memref<10016x64xf32, #tpu.memory_space<hbm>>) target(%arg17 : memref<128x64xf32, #tpu.memory_space<vmem>>) offsets(%dma_start3A_64 : memref<128xi32, #tpu.memory_space<vmem>>) semaphore(%arg25 : memref<!tpu.dma_semaphore, #tpu.memory_space<semaphore_mem>>)
    %scan3A = arith.constant 0 : i32
    %scan3A_68 = arith.constant 0 : i32
    %scan3A_69 = arith.constant 9 : i32
    %scan3A_70 = arith.addi %scan3A_68, %scan3A_69 : i32
    %scan3A_71 = arith.constant 1 : i32
    scf.for %scan3A_136 = %scan3A_68 to %scan3A_70 step %scan3A_71  : i32 {
      %mul3A_137 = arith.constant 8 : i32
      %mul3A_138 = arith.muli %scan3A_136, %mul3A_137 : i32
      %add3A_139 = arith.constant 0 : i32
      %add3A_140 = arith.addi %mul3A_138, %add3A_139 : i32
      %dma_wait3A_141 = arith.constant 0 : i32
      %dma_wait3A_142 = tpu.memref_slice %arg8[%add3A_140, %dma_wait3A_141] : memref<80x128xi32, #tpu.memory_space<vmem>> -> memref<1x128xi32, #tpu.memory_space<vmem>>
      %dma_wait3A_143 = tpu.memref_squeeze %dma_wait3A_142 : memref<1x128xi32, #tpu.memory_space<vmem>> -> memref<128xi32, #tpu.memory_space<vmem>>
      %dma_wait3A_144 = arith.constant 0 : i32
      %dma_wait3A_145 = arith.constant 0 : i32
      %dma_wait3A_146 = tpu.memref_slice %arg2[%dma_wait3A_144, %dma_wait3A_145] : memref<10016x64xf32, #tpu.memory_space<hbm>> -> memref<10016x64xf32, #tpu.memory_space<hbm>>
      tpu.wait_indirect_dma semaphore(%arg18 : memref<!tpu.dma_semaphore, #tpu.memory_space<semaphore_mem>>) src(%dma_wait3A_146 : memref<10016x64xf32, #tpu.memory_space<hbm>>) dst(%arg10 : memref<128x64xf32, #tpu.memory_space<vmem>>)
      %add3A_147 = arith.constant 0 : i32
      %add3A_148 = arith.addi %mul3A_138, %add3A_147 : i32
      "tpu.region"() ({
        %run_scoped3A_299 = tpu.sem_alloc : memref<!tpu.dma_semaphore, #tpu.memory_space<semaphore_mem>>
        %dma_start3A_300 = arith.constant 0 : i32
        %dma_start3A_301 = tpu.memref_slice %arg9[%add3A_148, %dma_start3A_300] : memref<80x128xi32, #tpu.memory_space<vmem>> -> memref<1x128xi32, #tpu.memory_space<vmem>>
        %dma_start3A_302 = tpu.memref_squeeze %dma_start3A_301 : memref<1x128xi32, #tpu.memory_space<vmem>> -> memref<128xi32, #tpu.memory_space<vmem>>
        %dma_start3A_303 = arith.constant 0 : i32
        %dma_start3A_304 = arith.constant 0 : i32
        %dma_start3A_305 = tpu.memref_slice %arg7[%dma_start3A_303, %dma_start3A_304] : memref<10016x64xf32, #tpu.memory_space<vmem_shared>> -> memref<10016x64xf32, #tpu.memory_space<vmem_shared>>
        tpu.enqueue_indirect_dma source(%arg10 : memref<128x64xf32, #tpu.memory_space<vmem>>) target(%dma_start3A_305 : memref<10016x64xf32, #tpu.memory_space<vmem_shared>>) offsets(%dma_start3A_302 : memref<128xi32, #tpu.memory_space<vmem>>) semaphore(%run_scoped3A_299 : memref<!tpu.dma_semaphore, #tpu.memory_space<semaphore_mem>>) {add = true}
        %dma_wait3A_306 = arith.constant 0 : i32
        %dma_wait3A_307 = tpu.memref_slice %arg9[%add3A_148, %dma_wait3A_306] : memref<80x128xi32, #tpu.memory_space<vmem>> -> memref<1x128xi32, #tpu.memory_space<vmem>>
        %dma_wait3A_308 = tpu.memref_squeeze %dma_wait3A_307 : memref<1x128xi32, #tpu.memory_space<vmem>> -> memref<128xi32, #tpu.memory_space<vmem>>
        %dma_wait3A_309 = arith.constant 0 : i32
        %dma_wait3A_310 = arith.constant 0 : i32
        %dma_wait3A_311 = tpu.memref_slice %arg7[%dma_wait3A_309, %dma_wait3A_310] : memref<10016x64xf32, #tpu.memory_space<vmem_shared>> -> memref<10016x64xf32, #tpu.memory_space<vmem_shared>>
        tpu.wait_indirect_dma semaphore(%run_scoped3A_299 : memref<!tpu.dma_semaphore, #tpu.memory_space<semaphore_mem>>) src(%arg10 : memref<128x64xf32, #tpu.memory_space<vmem>>) dst(%dma_wait3A_311 : memref<10016x64xf32, #tpu.memory_space<vmem_shared>>)
        tpu.yield
      }) : () -> ()
      %add3A_149 = arith.constant 0 : i32
      %add3A_150 = arith.addi %mul3A_138, %add3A_149 : i32
      %add3A_151 = arith.constant 8 : i32
      %add3A_152 = arith.addi %add3A_150, %add3A_151 : i32
      %dma_start3A_153 = arith.constant 0 : i32
      %dma_start3A_154 = tpu.memref_slice %arg8[%add3A_152, %dma_start3A_153] : memref<80x128xi32, #tpu.memory_space<vmem>> -> memref<1x128xi32, #tpu.memory_space<vmem>>
      %dma_start3A_155 = tpu.memref_squeeze %dma_start3A_154 : memref<1x128xi32, #tpu.memory_space<vmem>> -> memref<128xi32, #tpu.memory_space<vmem>>
      %dma_start3A_156 = arith.constant 0 : i32
      %dma_start3A_157 = arith.constant 0 : i32
      %dma_start3A_158 = tpu.memref_slice %arg2[%dma_start3A_156, %dma_start3A_157] : memref<10016x64xf32, #tpu.memory_space<hbm>> -> memref<10016x64xf32, #tpu.memory_space<hbm>>
      tpu.enqueue_indirect_dma source(%dma_start3A_158 : memref<10016x64xf32, #tpu.memory_space<hbm>>) target(%arg10 : memref<128x64xf32, #tpu.memory_space<vmem>>) offsets(%dma_start3A_155 : memref<128xi32, #tpu.memory_space<vmem>>) semaphore(%arg18 : memref<!tpu.dma_semaphore, #tpu.memory_space<semaphore_mem>>)
      %add3A_159 = arith.constant 1 : i32
      %add3A_160 = arith.addi %mul3A_138, %add3A_159 : i32
      %dma_wait3A_161 = arith.constant 0 : i32
      %dma_wait3A_162 = tpu.memref_slice %arg8[%add3A_160, %dma_wait3A_161] : memref<80x128xi32, #tpu.memory_space<vmem>> -> memref<1x128xi32, #tpu.memory_space<vmem>>
      %dma_wait3A_163 = tpu.memref_squeeze %dma_wait3A_162 : memref<1x128xi32, #tpu.memory_space<vmem>> -> memref<128xi32, #tpu.memory_space<vmem>>
      %dma_wait3A_164 = arith.constant 0 : i32
      %dma_wait3A_165 = arith.constant 0 : i32
      %dma_wait3A_166 = tpu.memref_slice %arg2[%dma_wait3A_164, %dma_wait3A_165] : memref<10016x64xf32, #tpu.memory_space<hbm>> -> memref<10016x64xf32, #tpu.memory_space<hbm>>
      tpu.wait_indirect_dma semaphore(%arg19 : memref<!tpu.dma_semaphore, #tpu.memory_space<semaphore_mem>>) src(%dma_wait3A_166 : memref<10016x64xf32, #tpu.memory_space<hbm>>) dst(%arg11 : memref<128x64xf32, #tpu.memory_space<vmem>>)
      %add3A_167 = arith.constant 1 : i32
      %add3A_168 = arith.addi %mul3A_138, %add3A_167 : i32
      "tpu.region"() ({
        %run_scoped3A_299 = tpu.sem_alloc : memref<!tpu.dma_semaphore, #tpu.memory_space<semaphore_mem>>
        %dma_start3A_300 = arith.constant 0 : i32
        %dma_start3A_301 = tpu.memref_slice %arg9[%add3A_168, %dma_start3A_300] : memref<80x128xi32, #tpu.memory_space<vmem>> -> memref<1x128xi32, #tpu.memory_space<vmem>>
        %dma_start3A_302 = tpu.memref_squeeze %dma_start3A_301 : memref<1x128xi32, #tpu.memory_space<vmem>> -> memref<128xi32, #tpu.memory_space<vmem>>
        %dma_start3A_303 = arith.constant 0 : i32
        %dma_start3A_304 = arith.constant 0 : i32
        %dma_start3A_305 = tpu.memref_slice %arg7[%dma_start3A_303, %dma_start3A_304] : memref<10016x64xf32, #tpu.memory_space<vmem_shared>> -> memref<10016x64xf32, #tpu.memory_space<vmem_shared>>
        tpu.enqueue_indirect_dma source(%arg11 : memref<128x64xf32, #tpu.memory_space<vmem>>) target(%dma_start3A_305 : memref<10016x64xf32, #tpu.memory_space<vmem_shared>>) offsets(%dma_start3A_302 : memref<128xi32, #tpu.memory_space<vmem>>) semaphore(%run_scoped3A_299 : memref<!tpu.dma_semaphore, #tpu.memory_space<semaphore_mem>>) {add = true}
        %dma_wait3A_306 = arith.constant 0 : i32
        %dma_wait3A_307 = tpu.memref_slice %arg9[%add3A_168, %dma_wait3A_306] : memref<80x128xi32, #tpu.memory_space<vmem>> -> memref<1x128xi32, #tpu.memory_space<vmem>>
        %dma_wait3A_308 = tpu.memref_squeeze %dma_wait3A_307 : memref<1x128xi32, #tpu.memory_space<vmem>> -> memref<128xi32, #tpu.memory_space<vmem>>
        %dma_wait3A_309 = arith.constant 0 : i32
        %dma_wait3A_310 = arith.constant 0 : i32
        %dma_wait3A_311 = tpu.memref_slice %arg7[%dma_wait3A_309, %dma_wait3A_310] : memref<10016x64xf32, #tpu.memory_space<vmem_shared>> -> memref<10016x64xf32, #tpu.memory_space<vmem_shared>>
        tpu.wait_indirect_dma semaphore(%run_scoped3A_299 : memref<!tpu.dma_semaphore, #tpu.memory_space<semaphore_mem>>) src(%arg11 : memref<128x64xf32, #tpu.memory_space<vmem>>) dst(%dma_wait3A_311 : memref<10016x64xf32, #tpu.memory_space<vmem_shared>>)
        tpu.yield
      }) : () -> ()
      %add3A_169 = arith.constant 1 : i32
      %add3A_170 = arith.addi %mul3A_138, %add3A_169 : i32
      %add3A_171 = arith.constant 8 : i32
      %add3A_172 = arith.addi %add3A_170, %add3A_171 : i32
      %dma_start3A_173 = arith.constant 0 : i32
      %dma_start3A_174 = tpu.memref_slice %arg8[%add3A_172, %dma_start3A_173] : memref<80x128xi32, #tpu.memory_space<vmem>> -> memref<1x128xi32, #tpu.memory_space<vmem>>
      %dma_start3A_175 = tpu.memref_squeeze %dma_start3A_174 : memref<1x128xi32, #tpu.memory_space<vmem>> -> memref<128xi32, #tpu.memory_space<vmem>>
      %dma_start3A_176 = arith.constant 0 : i32
      %dma_start3A_177 = arith.constant 0 : i32
      %dma_start3A_178 = tpu.memref_slice %arg2[%dma_start3A_176, %dma_start3A_177] : memref<10016x64xf32, #tpu.memory_space<hbm>> -> memref<10016x64xf32, #tpu.memory_space<hbm>>
      tpu.enqueue_indirect_dma source(%dma_start3A_178 : memref<10016x64xf32, #tpu.memory_space<hbm>>) target(%arg11 : memref<128x64xf32, #tpu.memory_space<vmem>>) offsets(%dma_start3A_175 : memref<128xi32, #tpu.memory_space<vmem>>) semaphore(%arg19 : memref<!tpu.dma_semaphore, #tpu.memory_space<semaphore_mem>>)
      %add3A_179 = arith.constant 2 : i32
      %add3A_180 = arith.addi %mul3A_138, %add3A_179 : i32
      %dma_wait3A_181 = arith.constant 0 : i32
      %dma_wait3A_182 = tpu.memref_slice %arg8[%add3A_180, %dma_wait3A_181] : memref<80x128xi32, #tpu.memory_space<vmem>> -> memref<1x128xi32, #tpu.memory_space<vmem>>
      %dma_wait3A_183 = tpu.memref_squeeze %dma_wait3A_182 : memref<1x128xi32, #tpu.memory_space<vmem>> -> memref<128xi32, #tpu.memory_space<vmem>>
      %dma_wait3A_184 = arith.constant 0 : i32
      %dma_wait3A_185 = arith.constant 0 : i32
      %dma_wait3A_186 = tpu.memref_slice %arg2[%dma_wait3A_184, %dma_wait3A_185] : memref<10016x64xf32, #tpu.memory_space<hbm>> -> memref<10016x64xf32, #tpu.memory_space<hbm>>
      tpu.wait_indirect_dma semaphore(%arg20 : memref<!tpu.dma_semaphore, #tpu.memory_space<semaphore_mem>>) src(%dma_wait3A_186 : memref<10016x64xf32, #tpu.memory_space<hbm>>) dst(%arg12 : memref<128x64xf32, #tpu.memory_space<vmem>>)
      %add3A_187 = arith.constant 2 : i32
      %add3A_188 = arith.addi %mul3A_138, %add3A_187 : i32
      "tpu.region"() ({
        %run_scoped3A_299 = tpu.sem_alloc : memref<!tpu.dma_semaphore, #tpu.memory_space<semaphore_mem>>
        %dma_start3A_300 = arith.constant 0 : i32
        %dma_start3A_301 = tpu.memref_slice %arg9[%add3A_188, %dma_start3A_300] : memref<80x128xi32, #tpu.memory_space<vmem>> -> memref<1x128xi32, #tpu.memory_space<vmem>>
        %dma_start3A_302 = tpu.memref_squeeze %dma_start3A_301 : memref<1x128xi32, #tpu.memory_space<vmem>> -> memref<128xi32, #tpu.memory_space<vmem>>
        %dma_start3A_303 = arith.constant 0 : i32
        %dma_start3A_304 = arith.constant 0 : i32
        %dma_start3A_305 = tpu.memref_slice %arg7[%dma_start3A_303, %dma_start3A_304] : memref<10016x64xf32, #tpu.memory_space<vmem_shared>> -> memref<10016x64xf32, #tpu.memory_space<vmem_shared>>
        tpu.enqueue_indirect_dma source(%arg12 : memref<128x64xf32, #tpu.memory_space<vmem>>) target(%dma_start3A_305 : memref<10016x64xf32, #tpu.memory_space<vmem_shared>>) offsets(%dma_start3A_302 : memref<128xi32, #tpu.memory_space<vmem>>) semaphore(%run_scoped3A_299 : memref<!tpu.dma_semaphore, #tpu.memory_space<semaphore_mem>>) {add = true}
        %dma_wait3A_306 = arith.constant 0 : i32
        %dma_wait3A_307 = tpu.memref_slice %arg9[%add3A_188, %dma_wait3A_306] : memref<80x128xi32, #tpu.memory_space<vmem>> -> memref<1x128xi32, #tpu.memory_space<vmem>>
        %dma_wait3A_308 = tpu.memref_squeeze %dma_wait3A_307 : memref<1x128xi32, #tpu.memory_space<vmem>> -> memref<128xi32, #tpu.memory_space<vmem>>
        %dma_wait3A_309 = arith.constant 0 : i32
        %dma_wait3A_310 = arith.constant 0 : i32
        %dma_wait3A_311 = tpu.memref_slice %arg7[%dma_wait3A_309, %dma_wait3A_310] : memref<10016x64xf32, #tpu.memory_space<vmem_shared>> -> memref<10016x64xf32, #tpu.memory_space<vmem_shared>>
        tpu.wait_indirect_dma semaphore(%run_scoped3A_299 : memref<!tpu.dma_semaphore, #tpu.memory_space<semaphore_mem>>) src(%arg12 : memref<128x64xf32, #tpu.memory_space<vmem>>) dst(%dma_wait3A_311 : memref<10016x64xf32, #tpu.memory_space<vmem_shared>>)
        tpu.yield
      }) : () -> ()
      %add3A_189 = arith.constant 2 : i32
      %add3A_190 = arith.addi %mul3A_138, %add3A_189 : i32
      %add3A_191 = arith.constant 8 : i32
      %add3A_192 = arith.addi %add3A_190, %add3A_191 : i32
      %dma_start3A_193 = arith.constant 0 : i32
      %dma_start3A_194 = tpu.memref_slice %arg8[%add3A_192, %dma_start3A_193] : memref<80x128xi32, #tpu.memory_space<vmem>> -> memref<1x128xi32, #tpu.memory_space<vmem>>
      %dma_start3A_195 = tpu.memref_squeeze %dma_start3A_194 : memref<1x128xi32, #tpu.memory_space<vmem>> -> memref<128xi32, #tpu.memory_space<vmem>>
      %dma_start3A_196 = arith.constant 0 : i32
      %dma_start3A_197 = arith.constant 0 : i32
      %dma_start3A_198 = tpu.memref_slice %arg2[%dma_start3A_196, %dma_start3A_197] : memref<10016x64xf32, #tpu.memory_space<hbm>> -> memref<10016x64xf32, #tpu.memory_space<hbm>>
      tpu.enqueue_indirect_dma source(%dma_start3A_198 : memref<10016x64xf32, #tpu.memory_space<hbm>>) target(%arg12 : memref<128x64xf32, #tpu.memory_space<vmem>>) offsets(%dma_start3A_195 : memref<128xi32, #tpu.memory_space<vmem>>) semaphore(%arg20 : memref<!tpu.dma_semaphore, #tpu.memory_space<semaphore_mem>>)
      %add3A_199 = arith.constant 3 : i32
      %add3A_200 = arith.addi %mul3A_138, %add3A_199 : i32
      %dma_wait3A_201 = arith.constant 0 : i32
      %dma_wait3A_202 = tpu.memref_slice %arg8[%add3A_200, %dma_wait3A_201] : memref<80x128xi32, #tpu.memory_space<vmem>> -> memref<1x128xi32, #tpu.memory_space<vmem>>
      %dma_wait3A_203 = tpu.memref_squeeze %dma_wait3A_202 : memref<1x128xi32, #tpu.memory_space<vmem>> -> memref<128xi32, #tpu.memory_space<vmem>>
      %dma_wait3A_204 = arith.constant 0 : i32
      %dma_wait3A_205 = arith.constant 0 : i32
      %dma_wait3A_206 = tpu.memref_slice %arg2[%dma_wait3A_204, %dma_wait3A_205] : memref<10016x64xf32, #tpu.memory_space<hbm>> -> memref<10016x64xf32, #tpu.memory_space<hbm>>
      tpu.wait_indirect_dma semaphore(%arg21 : memref<!tpu.dma_semaphore, #tpu.memory_space<semaphore_mem>>) src(%dma_wait3A_206 : memref<10016x64xf32, #tpu.memory_space<hbm>>) dst(%arg13 : memref<128x64xf32, #tpu.memory_space<vmem>>)
      %add3A_207 = arith.constant 3 : i32
      %add3A_208 = arith.addi %mul3A_138, %add3A_207 : i32
      "tpu.region"() ({
        %run_scoped3A_299 = tpu.sem_alloc : memref<!tpu.dma_semaphore, #tpu.memory_space<semaphore_mem>>
        %dma_start3A_300 = arith.constant 0 : i32
        %dma_start3A_301 = tpu.memref_slice %arg9[%add3A_208, %dma_start3A_300] : memref<80x128xi32, #tpu.memory_space<vmem>> -> memref<1x128xi32, #tpu.memory_space<vmem>>
        %dma_start3A_302 = tpu.memref_squeeze %dma_start3A_301 : memref<1x128xi32, #tpu.memory_space<vmem>> -> memref<128xi32, #tpu.memory_space<vmem>>
        %dma_start3A_303 = arith.constant 0 : i32
        %dma_start3A_304 = arith.constant 0 : i32
        %dma_start3A_305 = tpu.memref_slice %arg7[%dma_start3A_303, %dma_start3A_304] : memref<10016x64xf32, #tpu.memory_space<vmem_shared>> -> memref<10016x64xf32, #tpu.memory_space<vmem_shared>>
        tpu.enqueue_indirect_dma source(%arg13 : memref<128x64xf32, #tpu.memory_space<vmem>>) target(%dma_start3A_305 : memref<10016x64xf32, #tpu.memory_space<vmem_shared>>) offsets(%dma_start3A_302 : memref<128xi32, #tpu.memory_space<vmem>>) semaphore(%run_scoped3A_299 : memref<!tpu.dma_semaphore, #tpu.memory_space<semaphore_mem>>) {add = true}
        %dma_wait3A_306 = arith.constant 0 : i32
        %dma_wait3A_307 = tpu.memref_slice %arg9[%add3A_208, %dma_wait3A_306] : memref<80x128xi32, #tpu.memory_space<vmem>> -> memref<1x128xi32, #tpu.memory_space<vmem>>
        %dma_wait3A_308 = tpu.memref_squeeze %dma_wait3A_307 : memref<1x128xi32, #tpu.memory_space<vmem>> -> memref<128xi32, #tpu.memory_space<vmem>>
        %dma_wait3A_309 = arith.constant 0 : i32
        %dma_wait3A_310 = arith.constant 0 : i32
        %dma_wait3A_311 = tpu.memref_slice %arg7[%dma_wait3A_309, %dma_wait3A_310] : memref<10016x64xf32, #tpu.memory_space<vmem_shared>> -> memref<10016x64xf32, #tpu.memory_space<vmem_shared>>
        tpu.wait_indirect_dma semaphore(%run_scoped3A_299 : memref<!tpu.dma_semaphore, #tpu.memory_space<semaphore_mem>>) src(%arg13 : memref<128x64xf32, #tpu.memory_space<vmem>>) dst(%dma_wait3A_311 : memref<10016x64xf32, #tpu.memory_space<vmem_shared>>)
        tpu.yield
      }) : () -> ()
      %add3A_209 = arith.constant 3 : i32
      %add3A_210 = arith.addi %mul3A_138, %add3A_209 : i32
      %add3A_211 = arith.constant 8 : i32
      %add3A_212 = arith.addi %add3A_210, %add3A_211 : i32
      %dma_start3A_213 = arith.constant 0 : i32
      %dma_start3A_214 = tpu.memref_slice %arg8[%add3A_212, %dma_start3A_213] : memref<80x128xi32, #tpu.memory_space<vmem>> -> memref<1x128xi32, #tpu.memory_space<vmem>>
      %dma_start3A_215 = tpu.memref_squeeze %dma_start3A_214 : memref<1x128xi32, #tpu.memory_space<vmem>> -> memref<128xi32, #tpu.memory_space<vmem>>
      %dma_start3A_216 = arith.constant 0 : i32
      %dma_start3A_217 = arith.constant 0 : i32
      %dma_start3A_218 = tpu.memref_slice %arg2[%dma_start3A_216, %dma_start3A_217] : memref<10016x64xf32, #tpu.memory_space<hbm>> -> memref<10016x64xf32, #tpu.memory_space<hbm>>
      tpu.enqueue_indirect_dma source(%dma_start3A_218 : memref<10016x64xf32, #tpu.memory_space<hbm>>) target(%arg13 : memref<128x64xf32, #tpu.memory_space<vmem>>) offsets(%dma_start3A_215 : memref<128xi32, #tpu.memory_space<vmem>>) semaphore(%arg21 : memref<!tpu.dma_semaphore, #tpu.memory_space<semaphore_mem>>)
      %add3A_219 = arith.constant 4 : i32
      %add3A_220 = arith.addi %mul3A_138, %add3A_219 : i32
      %dma_wait3A_221 = arith.constant 0 : i32
      %dma_wait3A_222 = tpu.memref_slice %arg8[%add3A_220, %dma_wait3A_221] : memref<80x128xi32, #tpu.memory_space<vmem>> -> memref<1x128xi32, #tpu.memory_space<vmem>>
      %dma_wait3A_223 = tpu.memref_squeeze %dma_wait3A_222 : memref<1x128xi32, #tpu.memory_space<vmem>> -> memref<128xi32, #tpu.memory_space<vmem>>
      %dma_wait3A_224 = arith.constant 0 : i32
      %dma_wait3A_225 = arith.constant 0 : i32
      %dma_wait3A_226 = tpu.memref_slice %arg2[%dma_wait3A_224, %dma_wait3A_225] : memref<10016x64xf32, #tpu.memory_space<hbm>> -> memref<10016x64xf32, #tpu.memory_space<hbm>>
      tpu.wait_indirect_dma semaphore(%arg22 : memref<!tpu.dma_semaphore, #tpu.memory_space<semaphore_mem>>) src(%dma_wait3A_226 : memref<10016x64xf32, #tpu.memory_space<hbm>>) dst(%arg14 : memref<128x64xf32, #tpu.memory_space<vmem>>)
      %add3A_227 = arith.constant 4 : i32
      %add3A_228 = arith.addi %mul3A_138, %add3A_227 : i32
      "tpu.region"() ({
        %run_scoped3A_299 = tpu.sem_alloc : memref<!tpu.dma_semaphore, #tpu.memory_space<semaphore_mem>>
        %dma_start3A_300 = arith.constant 0 : i32
        %dma_start3A_301 = tpu.memref_slice %arg9[%add3A_228, %dma_start3A_300] : memref<80x128xi32, #tpu.memory_space<vmem>> -> memref<1x128xi32, #tpu.memory_space<vmem>>
        %dma_start3A_302 = tpu.memref_squeeze %dma_start3A_301 : memref<1x128xi32, #tpu.memory_space<vmem>> -> memref<128xi32, #tpu.memory_space<vmem>>
        %dma_start3A_303 = arith.constant 0 : i32
        %dma_start3A_304 = arith.constant 0 : i32
        %dma_start3A_305 = tpu.memref_slice %arg7[%dma_start3A_303, %dma_start3A_304] : memref<10016x64xf32, #tpu.memory_space<vmem_shared>> -> memref<10016x64xf32, #tpu.memory_space<vmem_shared>>
        tpu.enqueue_indirect_dma source(%arg14 : memref<128x64xf32, #tpu.memory_space<vmem>>) target(%dma_start3A_305 : memref<10016x64xf32, #tpu.memory_space<vmem_shared>>) offsets(%dma_start3A_302 : memref<128xi32, #tpu.memory_space<vmem>>) semaphore(%run_scoped3A_299 : memref<!tpu.dma_semaphore, #tpu.memory_space<semaphore_mem>>) {add = true}
        %dma_wait3A_306 = arith.constant 0 : i32
        %dma_wait3A_307 = tpu.memref_slice %arg9[%add3A_228, %dma_wait3A_306] : memref<80x128xi32, #tpu.memory_space<vmem>> -> memref<1x128xi32, #tpu.memory_space<vmem>>
        %dma_wait3A_308 = tpu.memref_squeeze %dma_wait3A_307 : memref<1x128xi32, #tpu.memory_space<vmem>> -> memref<128xi32, #tpu.memory_space<vmem>>
        %dma_wait3A_309 = arith.constant 0 : i32
        %dma_wait3A_310 = arith.constant 0 : i32
        %dma_wait3A_311 = tpu.memref_slice %arg7[%dma_wait3A_309, %dma_wait3A_310] : memref<10016x64xf32, #tpu.memory_space<vmem_shared>> -> memref<10016x64xf32, #tpu.memory_space<vmem_shared>>
        tpu.wait_indirect_dma semaphore(%run_scoped3A_299 : memref<!tpu.dma_semaphore, #tpu.memory_space<semaphore_mem>>) src(%arg14 : memref<128x64xf32, #tpu.memory_space<vmem>>) dst(%dma_wait3A_311 : memref<10016x64xf32, #tpu.memory_space<vmem_shared>>)
        tpu.yield
      }) : () -> ()
      %add3A_229 = arith.constant 4 : i32
      %add3A_230 = arith.addi %mul3A_138, %add3A_229 : i32
      %add3A_231 = arith.constant 8 : i32
      %add3A_232 = arith.addi %add3A_230, %add3A_231 : i32
      %dma_start3A_233 = arith.constant 0 : i32
      %dma_start3A_234 = tpu.memref_slice %arg8[%add3A_232, %dma_start3A_233] : memref<80x128xi32, #tpu.memory_space<vmem>> -> memref<1x128xi32, #tpu.memory_space<vmem>>
      %dma_start3A_235 = tpu.memref_squeeze %dma_start3A_234 : memref<1x128xi32, #tpu.memory_space<vmem>> -> memref<128xi32, #tpu.memory_space<vmem>>
      %dma_start3A_236 = arith.constant 0 : i32
      %dma_start3A_237 = arith.constant 0 : i32
      %dma_start3A_238 = tpu.memref_slice %arg2[%dma_start3A_236, %dma_start3A_237] : memref<10016x64xf32, #tpu.memory_space<hbm>> -> memref<10016x64xf32, #tpu.memory_space<hbm>>
      tpu.enqueue_indirect_dma source(%dma_start3A_238 : memref<10016x64xf32, #tpu.memory_space<hbm>>) target(%arg14 : memref<128x64xf32, #tpu.memory_space<vmem>>) offsets(%dma_start3A_235 : memref<128xi32, #tpu.memory_space<vmem>>) semaphore(%arg22 : memref<!tpu.dma_semaphore, #tpu.memory_space<semaphore_mem>>)
      %add3A_239 = arith.constant 5 : i32
      %add3A_240 = arith.addi %mul3A_138, %add3A_239 : i32
      %dma_wait3A_241 = arith.constant 0 : i32
      %dma_wait3A_242 = tpu.memref_slice %arg8[%add3A_240, %dma_wait3A_241] : memref<80x128xi32, #tpu.memory_space<vmem>> -> memref<1x128xi32, #tpu.memory_space<vmem>>
      %dma_wait3A_243 = tpu.memref_squeeze %dma_wait3A_242 : memref<1x128xi32, #tpu.memory_space<vmem>> -> memref<128xi32, #tpu.memory_space<vmem>>
      %dma_wait3A_244 = arith.constant 0 : i32
      %dma_wait3A_245 = arith.constant 0 : i32
      %dma_wait3A_246 = tpu.memref_slice %arg2[%dma_wait3A_244, %dma_wait3A_245] : memref<10016x64xf32, #tpu.memory_space<hbm>> -> memref<10016x64xf32, #tpu.memory_space<hbm>>
      tpu.wait_indirect_dma semaphore(%arg23 : memref<!tpu.dma_semaphore, #tpu.memory_space<semaphore_mem>>) src(%dma_wait3A_246 : memref<10016x64xf32, #tpu.memory_space<hbm>>) dst(%arg15 : memref<128x64xf32, #tpu.memory_space<vmem>>)
      %add3A_247 = arith.constant 5 : i32
      %add3A_248 = arith.addi %mul3A_138, %add3A_247 : i32
      "tpu.region"() ({
        %run_scoped3A_299 = tpu.sem_alloc : memref<!tpu.dma_semaphore, #tpu.memory_space<semaphore_mem>>
        %dma_start3A_300 = arith.constant 0 : i32
        %dma_start3A_301 = tpu.memref_slice %arg9[%add3A_248, %dma_start3A_300] : memref<80x128xi32, #tpu.memory_space<vmem>> -> memref<1x128xi32, #tpu.memory_space<vmem>>
        %dma_start3A_302 = tpu.memref_squeeze %dma_start3A_301 : memref<1x128xi32, #tpu.memory_space<vmem>> -> memref<128xi32, #tpu.memory_space<vmem>>
        %dma_start3A_303 = arith.constant 0 : i32
        %dma_start3A_304 = arith.constant 0 : i32
        %dma_start3A_305 = tpu.memref_slice %arg7[%dma_start3A_303, %dma_start3A_304] : memref<10016x64xf32, #tpu.memory_space<vmem_shared>> -> memref<10016x64xf32, #tpu.memory_space<vmem_shared>>
        tpu.enqueue_indirect_dma source(%arg15 : memref<128x64xf32, #tpu.memory_space<vmem>>) target(%dma_start3A_305 : memref<10016x64xf32, #tpu.memory_space<vmem_shared>>) offsets(%dma_start3A_302 : memref<128xi32, #tpu.memory_space<vmem>>) semaphore(%run_scoped3A_299 : memref<!tpu.dma_semaphore, #tpu.memory_space<semaphore_mem>>) {add = true}
        %dma_wait3A_306 = arith.constant 0 : i32
        %dma_wait3A_307 = tpu.memref_slice %arg9[%add3A_248, %dma_wait3A_306] : memref<80x128xi32, #tpu.memory_space<vmem>> -> memref<1x128xi32, #tpu.memory_space<vmem>>
        %dma_wait3A_308 = tpu.memref_squeeze %dma_wait3A_307 : memref<1x128xi32, #tpu.memory_space<vmem>> -> memref<128xi32, #tpu.memory_space<vmem>>
        %dma_wait3A_309 = arith.constant 0 : i32
        %dma_wait3A_310 = arith.constant 0 : i32
        %dma_wait3A_311 = tpu.memref_slice %arg7[%dma_wait3A_309, %dma_wait3A_310] : memref<10016x64xf32, #tpu.memory_space<vmem_shared>> -> memref<10016x64xf32, #tpu.memory_space<vmem_shared>>
        tpu.wait_indirect_dma semaphore(%run_scoped3A_299 : memref<!tpu.dma_semaphore, #tpu.memory_space<semaphore_mem>>) src(%arg15 : memref<128x64xf32, #tpu.memory_space<vmem>>) dst(%dma_wait3A_311 : memref<10016x64xf32, #tpu.memory_space<vmem_shared>>)
        tpu.yield
      }) : () -> ()
      %add3A_249 = arith.constant 5 : i32
      %add3A_250 = arith.addi %mul3A_138, %add3A_249 : i32
      %add3A_251 = arith.constant 8 : i32
      %add3A_252 = arith.addi %add3A_250, %add3A_251 : i32
      %dma_start3A_253 = arith.constant 0 : i32
      %dma_start3A_254 = tpu.memref_slice %arg8[%add3A_252, %dma_start3A_253] : memref<80x128xi32, #tpu.memory_space<vmem>> -> memref<1x128xi32, #tpu.memory_space<vmem>>
      %dma_start3A_255 = tpu.memref_squeeze %dma_start3A_254 : memref<1x128xi32, #tpu.memory_space<vmem>> -> memref<128xi32, #tpu.memory_space<vmem>>
      %dma_start3A_256 = arith.constant 0 : i32
      %dma_start3A_257 = arith.constant 0 : i32
      %dma_start3A_258 = tpu.memref_slice %arg2[%dma_start3A_256, %dma_start3A_257] : memref<10016x64xf32, #tpu.memory_space<hbm>> -> memref<10016x64xf32, #tpu.memory_space<hbm>>
      tpu.enqueue_indirect_dma source(%dma_start3A_258 : memref<10016x64xf32, #tpu.memory_space<hbm>>) target(%arg15 : memref<128x64xf32, #tpu.memory_space<vmem>>) offsets(%dma_start3A_255 : memref<128xi32, #tpu.memory_space<vmem>>) semaphore(%arg23 : memref<!tpu.dma_semaphore, #tpu.memory_space<semaphore_mem>>)
      %add3A_259 = arith.constant 6 : i32
      %add3A_260 = arith.addi %mul3A_138, %add3A_259 : i32
      %dma_wait3A_261 = arith.constant 0 : i32
      %dma_wait3A_262 = tpu.memref_slice %arg8[%add3A_260, %dma_wait3A_261] : memref<80x128xi32, #tpu.memory_space<vmem>> -> memref<1x128xi32, #tpu.memory_space<vmem>>
      %dma_wait3A_263 = tpu.memref_squeeze %dma_wait3A_262 : memref<1x128xi32, #tpu.memory_space<vmem>> -> memref<128xi32, #tpu.memory_space<vmem>>
      %dma_wait3A_264 = arith.constant 0 : i32
      %dma_wait3A_265 = arith.constant 0 : i32
      %dma_wait3A_266 = tpu.memref_slice %arg2[%dma_wait3A_264, %dma_wait3A_265] : memref<10016x64xf32, #tpu.memory_space<hbm>> -> memref<10016x64xf32, #tpu.memory_space<hbm>>
      tpu.wait_indirect_dma semaphore(%arg24 : memref<!tpu.dma_semaphore, #tpu.memory_space<semaphore_mem>>) src(%dma_wait3A_266 : memref<10016x64xf32, #tpu.memory_space<hbm>>) dst(%arg16 : memref<128x64xf32, #tpu.memory_space<vmem>>)
      %add3A_267 = arith.constant 6 : i32
      %add3A_268 = arith.addi %mul3A_138, %add3A_267 : i32
      "tpu.region"() ({
        %run_scoped3A_299 = tpu.sem_alloc : memref<!tpu.dma_semaphore, #tpu.memory_space<semaphore_mem>>
        %dma_start3A_300 = arith.constant 0 : i32
        %dma_start3A_301 = tpu.memref_slice %arg9[%add3A_268, %dma_start3A_300] : memref<80x128xi32, #tpu.memory_space<vmem>> -> memref<1x128xi32, #tpu.memory_space<vmem>>
        %dma_start3A_302 = tpu.memref_squeeze %dma_start3A_301 : memref<1x128xi32, #tpu.memory_space<vmem>> -> memref<128xi32, #tpu.memory_space<vmem>>
        %dma_start3A_303 = arith.constant 0 : i32
        %dma_start3A_304 = arith.constant 0 : i32
        %dma_start3A_305 = tpu.memref_slice %arg7[%dma_start3A_303, %dma_start3A_304] : memref<10016x64xf32, #tpu.memory_space<vmem_shared>> -> memref<10016x64xf32, #tpu.memory_space<vmem_shared>>
        tpu.enqueue_indirect_dma source(%arg16 : memref<128x64xf32, #tpu.memory_space<vmem>>) target(%dma_start3A_305 : memref<10016x64xf32, #tpu.memory_space<vmem_shared>>) offsets(%dma_start3A_302 : memref<128xi32, #tpu.memory_space<vmem>>) semaphore(%run_scoped3A_299 : memref<!tpu.dma_semaphore, #tpu.memory_space<semaphore_mem>>) {add = true}
        %dma_wait3A_306 = arith.constant 0 : i32
        %dma_wait3A_307 = tpu.memref_slice %arg9[%add3A_268, %dma_wait3A_306] : memref<80x128xi32, #tpu.memory_space<vmem>> -> memref<1x128xi32, #tpu.memory_space<vmem>>
        %dma_wait3A_308 = tpu.memref_squeeze %dma_wait3A_307 : memref<1x128xi32, #tpu.memory_space<vmem>> -> memref<128xi32, #tpu.memory_space<vmem>>
        %dma_wait3A_309 = arith.constant 0 : i32
        %dma_wait3A_310 = arith.constant 0 : i32
        %dma_wait3A_311 = tpu.memref_slice %arg7[%dma_wait3A_309, %dma_wait3A_310] : memref<10016x64xf32, #tpu.memory_space<vmem_shared>> -> memref<10016x64xf32, #tpu.memory_space<vmem_shared>>
        tpu.wait_indirect_dma semaphore(%run_scoped3A_299 : memref<!tpu.dma_semaphore, #tpu.memory_space<semaphore_mem>>) src(%arg16 : memref<128x64xf32, #tpu.memory_space<vmem>>) dst(%dma_wait3A_311 : memref<10016x64xf32, #tpu.memory_space<vmem_shared>>)
        tpu.yield
      }) : () -> ()
      %add3A_269 = arith.constant 6 : i32
      %add3A_270 = arith.addi %mul3A_138, %add3A_269 : i32
      %add3A_271 = arith.constant 8 : i32
      %add3A_272 = arith.addi %add3A_270, %add3A_271 : i32
      %dma_start3A_273 = arith.constant 0 : i32
      %dma_start3A_274 = tpu.memref_slice %arg8[%add3A_272, %dma_start3A_273] : memref<80x128xi32, #tpu.memory_space<vmem>> -> memref<1x128xi32, #tpu.memory_space<vmem>>
      %dma_start3A_275 = tpu.memref_squeeze %dma_start3A_274 : memref<1x128xi32, #tpu.memory_space<vmem>> -> memref<128xi32, #tpu.memory_space<vmem>>
      %dma_start3A_276 = arith.constant 0 : i32
      %dma_start3A_277 = arith.constant 0 : i32
      %dma_start3A_278 = tpu.memref_slice %arg2[%dma_start3A_276, %dma_start3A_277] : memref<10016x64xf32, #tpu.memory_space<hbm>> -> memref<10016x64xf32, #tpu.memory_space<hbm>>
      tpu.enqueue_indirect_dma source(%dma_start3A_278 : memref<10016x64xf32, #tpu.memory_space<hbm>>) target(%arg16 : memref<128x64xf32, #tpu.memory_space<vmem>>) offsets(%dma_start3A_275 : memref<128xi32, #tpu.memory_space<vmem>>) semaphore(%arg24 : memref<!tpu.dma_semaphore, #tpu.memory_space<semaphore_mem>>)
      %add3A_279 = arith.constant 7 : i32
      %add3A_280 = arith.addi %mul3A_138, %add3A_279 : i32
      %dma_wait3A_281 = arith.constant 0 : i32
      %dma_wait3A_282 = tpu.memref_slice %arg8[%add3A_280, %dma_wait3A_281] : memref<80x128xi32, #tpu.memory_space<vmem>> -> memref<1x128xi32, #tpu.memory_space<vmem>>
      %dma_wait3A_283 = tpu.memref_squeeze %dma_wait3A_282 : memref<1x128xi32, #tpu.memory_space<vmem>> -> memref<128xi32, #tpu.memory_space<vmem>>
      %dma_wait3A_284 = arith.constant 0 : i32
      %dma_wait3A_285 = arith.constant 0 : i32
      %dma_wait3A_286 = tpu.memref_slice %arg2[%dma_wait3A_284, %dma_wait3A_285] : memref<10016x64xf32, #tpu.memory_space<hbm>> -> memref<10016x64xf32, #tpu.memory_space<hbm>>
      tpu.wait_indirect_dma semaphore(%arg25 : memref<!tpu.dma_semaphore, #tpu.memory_space<semaphore_mem>>) src(%dma_wait3A_286 : memref<10016x64xf32, #tpu.memory_space<hbm>>) dst(%arg17 : memref<128x64xf32, #tpu.memory_space<vmem>>)
      %add3A_287 = arith.constant 7 : i32
      %add3A_288 = arith.addi %mul3A_138, %add3A_287 : i32
      "tpu.region"() ({
        %run_scoped3A_299 = tpu.sem_alloc : memref<!tpu.dma_semaphore, #tpu.memory_space<semaphore_mem>>
        %dma_start3A_300 = arith.constant 0 : i32
        %dma_start3A_301 = tpu.memref_slice %arg9[%add3A_288, %dma_start3A_300] : memref<80x128xi32, #tpu.memory_space<vmem>> -> memref<1x128xi32, #tpu.memory_space<vmem>>
        %dma_start3A_302 = tpu.memref_squeeze %dma_start3A_301 : memref<1x128xi32, #tpu.memory_space<vmem>> -> memref<128xi32, #tpu.memory_space<vmem>>
        %dma_start3A_303 = arith.constant 0 : i32
        %dma_start3A_304 = arith.constant 0 : i32
        %dma_start3A_305 = tpu.memref_slice %arg7[%dma_start3A_303, %dma_start3A_304] : memref<10016x64xf32, #tpu.memory_space<vmem_shared>> -> memref<10016x64xf32, #tpu.memory_space<vmem_shared>>
        tpu.enqueue_indirect_dma source(%arg17 : memref<128x64xf32, #tpu.memory_space<vmem>>) target(%dma_start3A_305 : memref<10016x64xf32, #tpu.memory_space<vmem_shared>>) offsets(%dma_start3A_302 : memref<128xi32, #tpu.memory_space<vmem>>) semaphore(%run_scoped3A_299 : memref<!tpu.dma_semaphore, #tpu.memory_space<semaphore_mem>>) {add = true}
        %dma_wait3A_306 = arith.constant 0 : i32
        %dma_wait3A_307 = tpu.memref_slice %arg9[%add3A_288, %dma_wait3A_306] : memref<80x128xi32, #tpu.memory_space<vmem>> -> memref<1x128xi32, #tpu.memory_space<vmem>>
        %dma_wait3A_308 = tpu.memref_squeeze %dma_wait3A_307 : memref<1x128xi32, #tpu.memory_space<vmem>> -> memref<128xi32, #tpu.memory_space<vmem>>
        %dma_wait3A_309 = arith.constant 0 : i32
        %dma_wait3A_310 = arith.constant 0 : i32
        %dma_wait3A_311 = tpu.memref_slice %arg7[%dma_wait3A_309, %dma_wait3A_310] : memref<10016x64xf32, #tpu.memory_space<vmem_shared>> -> memref<10016x64xf32, #tpu.memory_space<vmem_shared>>
        tpu.wait_indirect_dma semaphore(%run_scoped3A_299 : memref<!tpu.dma_semaphore, #tpu.memory_space<semaphore_mem>>) src(%arg17 : memref<128x64xf32, #tpu.memory_space<vmem>>) dst(%dma_wait3A_311 : memref<10016x64xf32, #tpu.memory_space<vmem_shared>>)
        tpu.yield
      }) : () -> ()
      %add3A_289 = arith.constant 7 : i32
      %add3A_290 = arith.addi %mul3A_138, %add3A_289 : i32
      %add3A_291 = arith.constant 8 : i32
      %add3A_292 = arith.addi %add3A_290, %add3A_291 : i32
      %dma_start3A_293 = arith.constant 0 : i32
      %dma_start3A_294 = tpu.memref_slice %arg8[%add3A_292, %dma_start3A_293] : memref<80x128xi32, #tpu.memory_space<vmem>> -> memref<1x128xi32, #tpu.memory_space<vmem>>
      %dma_start3A_295 = tpu.memref_squeeze %dma_start3A_294 : memref<1x128xi32, #tpu.memory_space<vmem>> -> memref<128xi32, #tpu.memory_space<vmem>>
      %dma_start3A_296 = arith.constant 0 : i32
      %dma_start3A_297 = arith.constant 0 : i32
      %dma_start3A_298 = tpu.memref_slice %arg2[%dma_start3A_296, %dma_start3A_297] : memref<10016x64xf32, #tpu.memory_space<hbm>> -> memref<10016x64xf32, #tpu.memory_space<hbm>>
      tpu.enqueue_indirect_dma source(%dma_start3A_298 : memref<10016x64xf32, #tpu.memory_space<hbm>>) target(%arg17 : memref<128x64xf32, #tpu.memory_space<vmem>>) offsets(%dma_start3A_295 : memref<128xi32, #tpu.memory_space<vmem>>) semaphore(%arg25 : memref<!tpu.dma_semaphore, #tpu.memory_space<semaphore_mem>>)
    }
    %scan3A_72 = arith.constant 9 : i32
    %dma_wait3A = arith.constant 72 : i32
    %dma_wait3A_73 = arith.constant 0 : i32
    %dma_wait3A_74 = tpu.memref_slice %arg8[%dma_wait3A, %dma_wait3A_73] : memref<80x128xi32, #tpu.memory_space<vmem>> -> memref<1x128xi32, #tpu.memory_space<vmem>>
    %dma_wait3A_75 = tpu.memref_squeeze %dma_wait3A_74 : memref<1x128xi32, #tpu.memory_space<vmem>> -> memref<128xi32, #tpu.memory_space<vmem>>
    %dma_wait3A_76 = arith.constant 0 : i32
    %dma_wait3A_77 = arith.constant 0 : i32
    %dma_wait3A_78 = tpu.memref_slice %arg2[%dma_wait3A_76, %dma_wait3A_77] : memref<10016x64xf32, #tpu.memory_space<hbm>> -> memref<10016x64xf32, #tpu.memory_space<hbm>>
    tpu.wait_indirect_dma semaphore(%arg18 : memref<!tpu.dma_semaphore, #tpu.memory_space<semaphore_mem>>) src(%dma_wait3A_78 : memref<10016x64xf32, #tpu.memory_space<hbm>>) dst(%arg10 : memref<128x64xf32, #tpu.memory_space<vmem>>)
    %run_scoped3A = arith.constant 72 : i32
    "tpu.region"() ({
      %run_scoped3A_136 = tpu.sem_alloc : memref<!tpu.dma_semaphore, #tpu.memory_space<semaphore_mem>>
      %dma_start3A_137 = arith.constant 0 : i32
      %dma_start3A_138 = tpu.memref_slice %arg9[%run_scoped3A, %dma_start3A_137] : memref<80x128xi32, #tpu.memory_space<vmem>> -> memref<1x128xi32, #tpu.memory_space<vmem>>
      %dma_start3A_139 = tpu.memref_squeeze %dma_start3A_138 : memref<1x128xi32, #tpu.memory_space<vmem>> -> memref<128xi32, #tpu.memory_space<vmem>>
      %dma_start3A_140 = arith.constant 0 : i32
      %dma_start3A_141 = arith.constant 0 : i32
      %dma_start3A_142 = tpu.memref_slice %arg7[%dma_start3A_140, %dma_start3A_141] : memref<10016x64xf32, #tpu.memory_space<vmem_shared>> -> memref<10016x64xf32, #tpu.memory_space<vmem_shared>>
      tpu.enqueue_indirect_dma source(%arg10 : memref<128x64xf32, #tpu.memory_space<vmem>>) target(%dma_start3A_142 : memref<10016x64xf32, #tpu.memory_space<vmem_shared>>) offsets(%dma_start3A_139 : memref<128xi32, #tpu.memory_space<vmem>>) semaphore(%run_scoped3A_136 : memref<!tpu.dma_semaphore, #tpu.memory_space<semaphore_mem>>) {add = true}
      %dma_wait3A_143 = arith.constant 0 : i32
      %dma_wait3A_144 = tpu.memref_slice %arg9[%run_scoped3A, %dma_wait3A_143] : memref<80x128xi32, #tpu.memory_space<vmem>> -> memref<1x128xi32, #tpu.memory_space<vmem>>
      %dma_wait3A_145 = tpu.memref_squeeze %dma_wait3A_144 : memref<1x128xi32, #tpu.memory_space<vmem>> -> memref<128xi32, #tpu.memory_space<vmem>>
      %dma_wait3A_146 = arith.constant 0 : i32
      %dma_wait3A_147 = arith.constant 0 : i32
      %dma_wait3A_148 = tpu.memref_slice %arg7[%dma_wait3A_146, %dma_wait3A_147] : memref<10016x64xf32, #tpu.memory_space<vmem_shared>> -> memref<10016x64xf32, #tpu.memory_space<vmem_shared>>
      tpu.wait_indirect_dma semaphore(%run_scoped3A_136 : memref<!tpu.dma_semaphore, #tpu.memory_space<semaphore_mem>>) src(%arg10 : memref<128x64xf32, #tpu.memory_space<vmem>>) dst(%dma_wait3A_148 : memref<10016x64xf32, #tpu.memory_space<vmem_shared>>)
      tpu.yield
    }) : () -> ()
    %dma_wait3A_79 = arith.constant 73 : i32
    %dma_wait3A_80 = arith.constant 0 : i32
    %dma_wait3A_81 = tpu.memref_slice %arg8[%dma_wait3A_79, %dma_wait3A_80] : memref<80x128xi32, #tpu.memory_space<vmem>> -> memref<1x128xi32, #tpu.memory_space<vmem>>
    %dma_wait3A_82 = tpu.memref_squeeze %dma_wait3A_81 : memref<1x128xi32, #tpu.memory_space<vmem>> -> memref<128xi32, #tpu.memory_space<vmem>>
    %dma_wait3A_83 = arith.constant 0 : i32
    %dma_wait3A_84 = arith.constant 0 : i32
    %dma_wait3A_85 = tpu.memref_slice %arg2[%dma_wait3A_83, %dma_wait3A_84] : memref<10016x64xf32, #tpu.memory_space<hbm>> -> memref<10016x64xf32, #tpu.memory_space<hbm>>
    tpu.wait_indirect_dma semaphore(%arg19 : memref<!tpu.dma_semaphore, #tpu.memory_space<semaphore_mem>>) src(%dma_wait3A_85 : memref<10016x64xf32, #tpu.memory_space<hbm>>) dst(%arg11 : memref<128x64xf32, #tpu.memory_space<vmem>>)
    %run_scoped3A_86 = arith.constant 73 : i32
    "tpu.region"() ({
      %run_scoped3A_136 = tpu.sem_alloc : memref<!tpu.dma_semaphore, #tpu.memory_space<semaphore_mem>>
      %dma_start3A_137 = arith.constant 0 : i32
      %dma_start3A_138 = tpu.memref_slice %arg9[%run_scoped3A_86, %dma_start3A_137] : memref<80x128xi32, #tpu.memory_space<vmem>> -> memref<1x128xi32, #tpu.memory_space<vmem>>
      %dma_start3A_139 = tpu.memref_squeeze %dma_start3A_138 : memref<1x128xi32, #tpu.memory_space<vmem>> -> memref<128xi32, #tpu.memory_space<vmem>>
      %dma_start3A_140 = arith.constant 0 : i32
      %dma_start3A_141 = arith.constant 0 : i32
      %dma_start3A_142 = tpu.memref_slice %arg7[%dma_start3A_140, %dma_start3A_141] : memref<10016x64xf32, #tpu.memory_space<vmem_shared>> -> memref<10016x64xf32, #tpu.memory_space<vmem_shared>>
      tpu.enqueue_indirect_dma source(%arg11 : memref<128x64xf32, #tpu.memory_space<vmem>>) target(%dma_start3A_142 : memref<10016x64xf32, #tpu.memory_space<vmem_shared>>) offsets(%dma_start3A_139 : memref<128xi32, #tpu.memory_space<vmem>>) semaphore(%run_scoped3A_136 : memref<!tpu.dma_semaphore, #tpu.memory_space<semaphore_mem>>) {add = true}
      %dma_wait3A_143 = arith.constant 0 : i32
      %dma_wait3A_144 = tpu.memref_slice %arg9[%run_scoped3A_86, %dma_wait3A_143] : memref<80x128xi32, #tpu.memory_space<vmem>> -> memref<1x128xi32, #tpu.memory_space<vmem>>
      %dma_wait3A_145 = tpu.memref_squeeze %dma_wait3A_144 : memref<1x128xi32, #tpu.memory_space<vmem>> -> memref<128xi32, #tpu.memory_space<vmem>>
      %dma_wait3A_146 = arith.constant 0 : i32
      %dma_wait3A_147 = arith.constant 0 : i32
      %dma_wait3A_148 = tpu.memref_slice %arg7[%dma_wait3A_146, %dma_wait3A_147] : memref<10016x64xf32, #tpu.memory_space<vmem_shared>> -> memref<10016x64xf32, #tpu.memory_space<vmem_shared>>
      tpu.wait_indirect_dma semaphore(%run_scoped3A_136 : memref<!tpu.dma_semaphore, #tpu.memory_space<semaphore_mem>>) src(%arg11 : memref<128x64xf32, #tpu.memory_space<vmem>>) dst(%dma_wait3A_148 : memref<10016x64xf32, #tpu.memory_space<vmem_shared>>)
      tpu.yield
    }) : () -> ()
    %dma_wait3A_87 = arith.constant 74 : i32
    %dma_wait3A_88 = arith.constant 0 : i32
    %dma_wait3A_89 = tpu.memref_slice %arg8[%dma_wait3A_87, %dma_wait3A_88] : memref<80x128xi32, #tpu.memory_space<vmem>> -> memref<1x128xi32, #tpu.memory_space<vmem>>
    %dma_wait3A_90 = tpu.memref_squeeze %dma_wait3A_89 : memref<1x128xi32, #tpu.memory_space<vmem>> -> memref<128xi32, #tpu.memory_space<vmem>>
    %dma_wait3A_91 = arith.constant 0 : i32
    %dma_wait3A_92 = arith.constant 0 : i32
    %dma_wait3A_93 = tpu.memref_slice %arg2[%dma_wait3A_91, %dma_wait3A_92] : memref<10016x64xf32, #tpu.memory_space<hbm>> -> memref<10016x64xf32, #tpu.memory_space<hbm>>
    tpu.wait_indirect_dma semaphore(%arg20 : memref<!tpu.dma_semaphore, #tpu.memory_space<semaphore_mem>>) src(%dma_wait3A_93 : memref<10016x64xf32, #tpu.memory_space<hbm>>) dst(%arg12 : memref<128x64xf32, #tpu.memory_space<vmem>>)
    %run_scoped3A_94 = arith.constant 74 : i32
    "tpu.region"() ({
      %run_scoped3A_136 = tpu.sem_alloc : memref<!tpu.dma_semaphore, #tpu.memory_space<semaphore_mem>>
      %dma_start3A_137 = arith.constant 0 : i32
      %dma_start3A_138 = tpu.memref_slice %arg9[%run_scoped3A_94, %dma_start3A_137] : memref<80x128xi32, #tpu.memory_space<vmem>> -> memref<1x128xi32, #tpu.memory_space<vmem>>
      %dma_start3A_139 = tpu.memref_squeeze %dma_start3A_138 : memref<1x128xi32, #tpu.memory_space<vmem>> -> memref<128xi32, #tpu.memory_space<vmem>>
      %dma_start3A_140 = arith.constant 0 : i32
      %dma_start3A_141 = arith.constant 0 : i32
      %dma_start3A_142 = tpu.memref_slice %arg7[%dma_start3A_140, %dma_start3A_141] : memref<10016x64xf32, #tpu.memory_space<vmem_shared>> -> memref<10016x64xf32, #tpu.memory_space<vmem_shared>>
      tpu.enqueue_indirect_dma source(%arg12 : memref<128x64xf32, #tpu.memory_space<vmem>>) target(%dma_start3A_142 : memref<10016x64xf32, #tpu.memory_space<vmem_shared>>) offsets(%dma_start3A_139 : memref<128xi32, #tpu.memory_space<vmem>>) semaphore(%run_scoped3A_136 : memref<!tpu.dma_semaphore, #tpu.memory_space<semaphore_mem>>) {add = true}
      %dma_wait3A_143 = arith.constant 0 : i32
      %dma_wait3A_144 = tpu.memref_slice %arg9[%run_scoped3A_94, %dma_wait3A_143] : memref<80x128xi32, #tpu.memory_space<vmem>> -> memref<1x128xi32, #tpu.memory_space<vmem>>
      %dma_wait3A_145 = tpu.memref_squeeze %dma_wait3A_144 : memref<1x128xi32, #tpu.memory_space<vmem>> -> memref<128xi32, #tpu.memory_space<vmem>>
      %dma_wait3A_146 = arith.constant 0 : i32
      %dma_wait3A_147 = arith.constant 0 : i32
      %dma_wait3A_148 = tpu.memref_slice %arg7[%dma_wait3A_146, %dma_wait3A_147] : memref<10016x64xf32, #tpu.memory_space<vmem_shared>> -> memref<10016x64xf32, #tpu.memory_space<vmem_shared>>
      tpu.wait_indirect_dma semaphore(%run_scoped3A_136 : memref<!tpu.dma_semaphore, #tpu.memory_space<semaphore_mem>>) src(%arg12 : memref<128x64xf32, #tpu.memory_space<vmem>>) dst(%dma_wait3A_148 : memref<10016x64xf32, #tpu.memory_space<vmem_shared>>)
      tpu.yield
    }) : () -> ()
    %dma_wait3A_95 = arith.constant 75 : i32
    %dma_wait3A_96 = arith.constant 0 : i32
    %dma_wait3A_97 = tpu.memref_slice %arg8[%dma_wait3A_95, %dma_wait3A_96] : memref<80x128xi32, #tpu.memory_space<vmem>> -> memref<1x128xi32, #tpu.memory_space<vmem>>
    %dma_wait3A_98 = tpu.memref_squeeze %dma_wait3A_97 : memref<1x128xi32, #tpu.memory_space<vmem>> -> memref<128xi32, #tpu.memory_space<vmem>>
    %dma_wait3A_99 = arith.constant 0 : i32
    %dma_wait3A_100 = arith.constant 0 : i32
    %dma_wait3A_101 = tpu.memref_slice %arg2[%dma_wait3A_99, %dma_wait3A_100] : memref<10016x64xf32, #tpu.memory_space<hbm>> -> memref<10016x64xf32, #tpu.memory_space<hbm>>
    tpu.wait_indirect_dma semaphore(%arg21 : memref<!tpu.dma_semaphore, #tpu.memory_space<semaphore_mem>>) src(%dma_wait3A_101 : memref<10016x64xf32, #tpu.memory_space<hbm>>) dst(%arg13 : memref<128x64xf32, #tpu.memory_space<vmem>>)
    %run_scoped3A_102 = arith.constant 75 : i32
    "tpu.region"() ({
      %run_scoped3A_136 = tpu.sem_alloc : memref<!tpu.dma_semaphore, #tpu.memory_space<semaphore_mem>>
      %dma_start3A_137 = arith.constant 0 : i32
      %dma_start3A_138 = tpu.memref_slice %arg9[%run_scoped3A_102, %dma_start3A_137] : memref<80x128xi32, #tpu.memory_space<vmem>> -> memref<1x128xi32, #tpu.memory_space<vmem>>
      %dma_start3A_139 = tpu.memref_squeeze %dma_start3A_138 : memref<1x128xi32, #tpu.memory_space<vmem>> -> memref<128xi32, #tpu.memory_space<vmem>>
      %dma_start3A_140 = arith.constant 0 : i32
      %dma_start3A_141 = arith.constant 0 : i32
      %dma_start3A_142 = tpu.memref_slice %arg7[%dma_start3A_140, %dma_start3A_141] : memref<10016x64xf32, #tpu.memory_space<vmem_shared>> -> memref<10016x64xf32, #tpu.memory_space<vmem_shared>>
      tpu.enqueue_indirect_dma source(%arg13 : memref<128x64xf32, #tpu.memory_space<vmem>>) target(%dma_start3A_142 : memref<10016x64xf32, #tpu.memory_space<vmem_shared>>) offsets(%dma_start3A_139 : memref<128xi32, #tpu.memory_space<vmem>>) semaphore(%run_scoped3A_136 : memref<!tpu.dma_semaphore, #tpu.memory_space<semaphore_mem>>) {add = true}
      %dma_wait3A_143 = arith.constant 0 : i32
      %dma_wait3A_144 = tpu.memref_slice %arg9[%run_scoped3A_102, %dma_wait3A_143] : memref<80x128xi32, #tpu.memory_space<vmem>> -> memref<1x128xi32, #tpu.memory_space<vmem>>
      %dma_wait3A_145 = tpu.memref_squeeze %dma_wait3A_144 : memref<1x128xi32, #tpu.memory_space<vmem>> -> memref<128xi32, #tpu.memory_space<vmem>>
      %dma_wait3A_146 = arith.constant 0 : i32
      %dma_wait3A_147 = arith.constant 0 : i32
      %dma_wait3A_148 = tpu.memref_slice %arg7[%dma_wait3A_146, %dma_wait3A_147] : memref<10016x64xf32, #tpu.memory_space<vmem_shared>> -> memref<10016x64xf32, #tpu.memory_space<vmem_shared>>
      tpu.wait_indirect_dma semaphore(%run_scoped3A_136 : memref<!tpu.dma_semaphore, #tpu.memory_space<semaphore_mem>>) src(%arg13 : memref<128x64xf32, #tpu.memory_space<vmem>>) dst(%dma_wait3A_148 : memref<10016x64xf32, #tpu.memory_space<vmem_shared>>)
      tpu.yield
    }) : () -> ()
    %dma_wait3A_103 = arith.constant 76 : i32
    %dma_wait3A_104 = arith.constant 0 : i32
    %dma_wait3A_105 = tpu.memref_slice %arg8[%dma_wait3A_103, %dma_wait3A_104] : memref<80x128xi32, #tpu.memory_space<vmem>> -> memref<1x128xi32, #tpu.memory_space<vmem>>
    %dma_wait3A_106 = tpu.memref_squeeze %dma_wait3A_105 : memref<1x128xi32, #tpu.memory_space<vmem>> -> memref<128xi32, #tpu.memory_space<vmem>>
    %dma_wait3A_107 = arith.constant 0 : i32
    %dma_wait3A_108 = arith.constant 0 : i32
    %dma_wait3A_109 = tpu.memref_slice %arg2[%dma_wait3A_107, %dma_wait3A_108] : memref<10016x64xf32, #tpu.memory_space<hbm>> -> memref<10016x64xf32, #tpu.memory_space<hbm>>
    tpu.wait_indirect_dma semaphore(%arg22 : memref<!tpu.dma_semaphore, #tpu.memory_space<semaphore_mem>>) src(%dma_wait3A_109 : memref<10016x64xf32, #tpu.memory_space<hbm>>) dst(%arg14 : memref<128x64xf32, #tpu.memory_space<vmem>>)
    %run_scoped3A_110 = arith.constant 76 : i32
    "tpu.region"() ({
      %run_scoped3A_136 = tpu.sem_alloc : memref<!tpu.dma_semaphore, #tpu.memory_space<semaphore_mem>>
      %dma_start3A_137 = arith.constant 0 : i32
      %dma_start3A_138 = tpu.memref_slice %arg9[%run_scoped3A_110, %dma_start3A_137] : memref<80x128xi32, #tpu.memory_space<vmem>> -> memref<1x128xi32, #tpu.memory_space<vmem>>
      %dma_start3A_139 = tpu.memref_squeeze %dma_start3A_138 : memref<1x128xi32, #tpu.memory_space<vmem>> -> memref<128xi32, #tpu.memory_space<vmem>>
      %dma_start3A_140 = arith.constant 0 : i32
      %dma_start3A_141 = arith.constant 0 : i32
      %dma_start3A_142 = tpu.memref_slice %arg7[%dma_start3A_140, %dma_start3A_141] : memref<10016x64xf32, #tpu.memory_space<vmem_shared>> -> memref<10016x64xf32, #tpu.memory_space<vmem_shared>>
      tpu.enqueue_indirect_dma source(%arg14 : memref<128x64xf32, #tpu.memory_space<vmem>>) target(%dma_start3A_142 : memref<10016x64xf32, #tpu.memory_space<vmem_shared>>) offsets(%dma_start3A_139 : memref<128xi32, #tpu.memory_space<vmem>>) semaphore(%run_scoped3A_136 : memref<!tpu.dma_semaphore, #tpu.memory_space<semaphore_mem>>) {add = true}
      %dma_wait3A_143 = arith.constant 0 : i32
      %dma_wait3A_144 = tpu.memref_slice %arg9[%run_scoped3A_110, %dma_wait3A_143] : memref<80x128xi32, #tpu.memory_space<vmem>> -> memref<1x128xi32, #tpu.memory_space<vmem>>
      %dma_wait3A_145 = tpu.memref_squeeze %dma_wait3A_144 : memref<1x128xi32, #tpu.memory_space<vmem>> -> memref<128xi32, #tpu.memory_space<vmem>>
      %dma_wait3A_146 = arith.constant 0 : i32
      %dma_wait3A_147 = arith.constant 0 : i32
      %dma_wait3A_148 = tpu.memref_slice %arg7[%dma_wait3A_146, %dma_wait3A_147] : memref<10016x64xf32, #tpu.memory_space<vmem_shared>> -> memref<10016x64xf32, #tpu.memory_space<vmem_shared>>
      tpu.wait_indirect_dma semaphore(%run_scoped3A_136 : memref<!tpu.dma_semaphore, #tpu.memory_space<semaphore_mem>>) src(%arg14 : memref<128x64xf32, #tpu.memory_space<vmem>>) dst(%dma_wait3A_148 : memref<10016x64xf32, #tpu.memory_space<vmem_shared>>)
      tpu.yield
    }) : () -> ()
    %dma_wait3A_111 = arith.constant 77 : i32
    %dma_wait3A_112 = arith.constant 0 : i32
    %dma_wait3A_113 = tpu.memref_slice %arg8[%dma_wait3A_111, %dma_wait3A_112] : memref<80x128xi32, #tpu.memory_space<vmem>> -> memref<1x128xi32, #tpu.memory_space<vmem>>
    %dma_wait3A_114 = tpu.memref_squeeze %dma_wait3A_113 : memref<1x128xi32, #tpu.memory_space<vmem>> -> memref<128xi32, #tpu.memory_space<vmem>>
    %dma_wait3A_115 = arith.constant 0 : i32
    %dma_wait3A_116 = arith.constant 0 : i32
    %dma_wait3A_117 = tpu.memref_slice %arg2[%dma_wait3A_115, %dma_wait3A_116] : memref<10016x64xf32, #tpu.memory_space<hbm>> -> memref<10016x64xf32, #tpu.memory_space<hbm>>
    tpu.wait_indirect_dma semaphore(%arg23 : memref<!tpu.dma_semaphore, #tpu.memory_space<semaphore_mem>>) src(%dma_wait3A_117 : memref<10016x64xf32, #tpu.memory_space<hbm>>) dst(%arg15 : memref<128x64xf32, #tpu.memory_space<vmem>>)
    %run_scoped3A_118 = arith.constant 77 : i32
    "tpu.region"() ({
      %run_scoped3A_136 = tpu.sem_alloc : memref<!tpu.dma_semaphore, #tpu.memory_space<semaphore_mem>>
      %dma_start3A_137 = arith.constant 0 : i32
      %dma_start3A_138 = tpu.memref_slice %arg9[%run_scoped3A_118, %dma_start3A_137] : memref<80x128xi32, #tpu.memory_space<vmem>> -> memref<1x128xi32, #tpu.memory_space<vmem>>
      %dma_start3A_139 = tpu.memref_squeeze %dma_start3A_138 : memref<1x128xi32, #tpu.memory_space<vmem>> -> memref<128xi32, #tpu.memory_space<vmem>>
      %dma_start3A_140 = arith.constant 0 : i32
      %dma_start3A_141 = arith.constant 0 : i32
      %dma_start3A_142 = tpu.memref_slice %arg7[%dma_start3A_140, %dma_start3A_141] : memref<10016x64xf32, #tpu.memory_space<vmem_shared>> -> memref<10016x64xf32, #tpu.memory_space<vmem_shared>>
      tpu.enqueue_indirect_dma source(%arg15 : memref<128x64xf32, #tpu.memory_space<vmem>>) target(%dma_start3A_142 : memref<10016x64xf32, #tpu.memory_space<vmem_shared>>) offsets(%dma_start3A_139 : memref<128xi32, #tpu.memory_space<vmem>>) semaphore(%run_scoped3A_136 : memref<!tpu.dma_semaphore, #tpu.memory_space<semaphore_mem>>) {add = true}
      %dma_wait3A_143 = arith.constant 0 : i32
      %dma_wait3A_144 = tpu.memref_slice %arg9[%run_scoped3A_118, %dma_wait3A_143] : memref<80x128xi32, #tpu.memory_space<vmem>> -> memref<1x128xi32, #tpu.memory_space<vmem>>
      %dma_wait3A_145 = tpu.memref_squeeze %dma_wait3A_144 : memref<1x128xi32, #tpu.memory_space<vmem>> -> memref<128xi32, #tpu.memory_space<vmem>>
      %dma_wait3A_146 = arith.constant 0 : i32
      %dma_wait3A_147 = arith.constant 0 : i32
      %dma_wait3A_148 = tpu.memref_slice %arg7[%dma_wait3A_146, %dma_wait3A_147] : memref<10016x64xf32, #tpu.memory_space<vmem_shared>> -> memref<10016x64xf32, #tpu.memory_space<vmem_shared>>
      tpu.wait_indirect_dma semaphore(%run_scoped3A_136 : memref<!tpu.dma_semaphore, #tpu.memory_space<semaphore_mem>>) src(%arg15 : memref<128x64xf32, #tpu.memory_space<vmem>>) dst(%dma_wait3A_148 : memref<10016x64xf32, #tpu.memory_space<vmem_shared>>)
      tpu.yield
    }) : () -> ()
    %dma_wait3A_119 = arith.constant 78 : i32
    %dma_wait3A_120 = arith.constant 0 : i32
    %dma_wait3A_121 = tpu.memref_slice %arg8[%dma_wait3A_119, %dma_wait3A_120] : memref<80x128xi32, #tpu.memory_space<vmem>> -> memref<1x128xi32, #tpu.memory_space<vmem>>
    %dma_wait3A_122 = tpu.memref_squeeze %dma_wait3A_121 : memref<1x128xi32, #tpu.memory_space<vmem>> -> memref<128xi32, #tpu.memory_space<vmem>>
    %dma_wait3A_123 = arith.constant 0 : i32
    %dma_wait3A_124 = arith.constant 0 : i32
    %dma_wait3A_125 = tpu.memref_slice %arg2[%dma_wait3A_123, %dma_wait3A_124] : memref<10016x64xf32, #tpu.memory_space<hbm>> -> memref<10016x64xf32, #tpu.memory_space<hbm>>
    tpu.wait_indirect_dma semaphore(%arg24 : memref<!tpu.dma_semaphore, #tpu.memory_space<semaphore_mem>>) src(%dma_wait3A_125 : memref<10016x64xf32, #tpu.memory_space<hbm>>) dst(%arg16 : memref<128x64xf32, #tpu.memory_space<vmem>>)
    %run_scoped3A_126 = arith.constant 78 : i32
    "tpu.region"() ({
      %run_scoped3A_136 = tpu.sem_alloc : memref<!tpu.dma_semaphore, #tpu.memory_space<semaphore_mem>>
      %dma_start3A_137 = arith.constant 0 : i32
      %dma_start3A_138 = tpu.memref_slice %arg9[%run_scoped3A_126, %dma_start3A_137] : memref<80x128xi32, #tpu.memory_space<vmem>> -> memref<1x128xi32, #tpu.memory_space<vmem>>
      %dma_start3A_139 = tpu.memref_squeeze %dma_start3A_138 : memref<1x128xi32, #tpu.memory_space<vmem>> -> memref<128xi32, #tpu.memory_space<vmem>>
      %dma_start3A_140 = arith.constant 0 : i32
      %dma_start3A_141 = arith.constant 0 : i32
      %dma_start3A_142 = tpu.memref_slice %arg7[%dma_start3A_140, %dma_start3A_141] : memref<10016x64xf32, #tpu.memory_space<vmem_shared>> -> memref<10016x64xf32, #tpu.memory_space<vmem_shared>>
      tpu.enqueue_indirect_dma source(%arg16 : memref<128x64xf32, #tpu.memory_space<vmem>>) target(%dma_start3A_142 : memref<10016x64xf32, #tpu.memory_space<vmem_shared>>) offsets(%dma_start3A_139 : memref<128xi32, #tpu.memory_space<vmem>>) semaphore(%run_scoped3A_136 : memref<!tpu.dma_semaphore, #tpu.memory_space<semaphore_mem>>) {add = true}
      %dma_wait3A_143 = arith.constant 0 : i32
      %dma_wait3A_144 = tpu.memref_slice %arg9[%run_scoped3A_126, %dma_wait3A_143] : memref<80x128xi32, #tpu.memory_space<vmem>> -> memref<1x128xi32, #tpu.memory_space<vmem>>
      %dma_wait3A_145 = tpu.memref_squeeze %dma_wait3A_144 : memref<1x128xi32, #tpu.memory_space<vmem>> -> memref<128xi32, #tpu.memory_space<vmem>>
      %dma_wait3A_146 = arith.constant 0 : i32
      %dma_wait3A_147 = arith.constant 0 : i32
      %dma_wait3A_148 = tpu.memref_slice %arg7[%dma_wait3A_146, %dma_wait3A_147] : memref<10016x64xf32, #tpu.memory_space<vmem_shared>> -> memref<10016x64xf32, #tpu.memory_space<vmem_shared>>
      tpu.wait_indirect_dma semaphore(%run_scoped3A_136 : memref<!tpu.dma_semaphore, #tpu.memory_space<semaphore_mem>>) src(%arg16 : memref<128x64xf32, #tpu.memory_space<vmem>>) dst(%dma_wait3A_148 : memref<10016x64xf32, #tpu.memory_space<vmem_shared>>)
      tpu.yield
    }) : () -> ()
    %dma_wait3A_127 = arith.constant 79 : i32
    %dma_wait3A_128 = arith.constant 0 : i32
    %dma_wait3A_129 = tpu.memref_slice %arg8[%dma_wait3A_127, %dma_wait3A_128] : memref<80x128xi32, #tpu.memory_space<vmem>> -> memref<1x128xi32, #tpu.memory_space<vmem>>
    %dma_wait3A_130 = tpu.memref_squeeze %dma_wait3A_129 : memref<1x128xi32, #tpu.memory_space<vmem>> -> memref<128xi32, #tpu.memory_space<vmem>>
    %dma_wait3A_131 = arith.constant 0 : i32
    %dma_wait3A_132 = arith.constant 0 : i32
    %dma_wait3A_133 = tpu.memref_slice %arg2[%dma_wait3A_131, %dma_wait3A_132] : memref<10016x64xf32, #tpu.memory_space<hbm>> -> memref<10016x64xf32, #tpu.memory_space<hbm>>
    tpu.wait_indirect_dma semaphore(%arg25 : memref<!tpu.dma_semaphore, #tpu.memory_space<semaphore_mem>>) src(%dma_wait3A_133 : memref<10016x64xf32, #tpu.memory_space<hbm>>) dst(%arg17 : memref<128x64xf32, #tpu.memory_space<vmem>>)
    %run_scoped3A_134 = arith.constant 79 : i32
    "tpu.region"() ({
      %run_scoped3A_136 = tpu.sem_alloc : memref<!tpu.dma_semaphore, #tpu.memory_space<semaphore_mem>>
      %dma_start3A_137 = arith.constant 0 : i32
      %dma_start3A_138 = tpu.memref_slice %arg9[%run_scoped3A_134, %dma_start3A_137] : memref<80x128xi32, #tpu.memory_space<vmem>> -> memref<1x128xi32, #tpu.memory_space<vmem>>
      %dma_start3A_139 = tpu.memref_squeeze %dma_start3A_138 : memref<1x128xi32, #tpu.memory_space<vmem>> -> memref<128xi32, #tpu.memory_space<vmem>>
      %dma_start3A_140 = arith.constant 0 : i32
      %dma_start3A_141 = arith.constant 0 : i32
      %dma_start3A_142 = tpu.memref_slice %arg7[%dma_start3A_140, %dma_start3A_141] : memref<10016x64xf32, #tpu.memory_space<vmem_shared>> -> memref<10016x64xf32, #tpu.memory_space<vmem_shared>>
      tpu.enqueue_indirect_dma source(%arg17 : memref<128x64xf32, #tpu.memory_space<vmem>>) target(%dma_start3A_142 : memref<10016x64xf32, #tpu.memory_space<vmem_shared>>) offsets(%dma_start3A_139 : memref<128xi32, #tpu.memory_space<vmem>>) semaphore(%run_scoped3A_136 : memref<!tpu.dma_semaphore, #tpu.memory_space<semaphore_mem>>) {add = true}
      %dma_wait3A_143 = arith.constant 0 : i32
      %dma_wait3A_144 = tpu.memref_slice %arg9[%run_scoped3A_134, %dma_wait3A_143] : memref<80x128xi32, #tpu.memory_space<vmem>> -> memref<1x128xi32, #tpu.memory_space<vmem>>
      %dma_wait3A_145 = tpu.memref_squeeze %dma_wait3A_144 : memref<1x128xi32, #tpu.memory_space<vmem>> -> memref<128xi32, #tpu.memory_space<vmem>>
      %dma_wait3A_146 = arith.constant 0 : i32
      %dma_wait3A_147 = arith.constant 0 : i32
      %dma_wait3A_148 = tpu.memref_slice %arg7[%dma_wait3A_146, %dma_wait3A_147] : memref<10016x64xf32, #tpu.memory_space<vmem_shared>> -> memref<10016x64xf32, #tpu.memory_space<vmem_shared>>
      tpu.wait_indirect_dma semaphore(%run_scoped3A_136 : memref<!tpu.dma_semaphore, #tpu.memory_space<semaphore_mem>>) src(%arg17 : memref<128x64xf32, #tpu.memory_space<vmem>>) dst(%dma_wait3A_148 : memref<10016x64xf32, #tpu.memory_space<vmem_shared>>)
      tpu.yield
    }) : () -> ()
    %barrier3A_135 = arith.constant 0 : index
    tpu.barrier barrier_id(%barrier3A_135)
    "tpu.region"() ({
      %run_scoped3A_136 = tpu.sem_alloc : memref<!tpu.dma_semaphore, #tpu.memory_space<semaphore_mem>>
      %dma_start3A_137 = arith.constant 0 : i32
      %dma_start3A_138 = tpu.memref_slice %arg6[%arg0, %mul3A_2, %dma_start3A_137] : memref<2x10016x64xf32, #tpu.memory_space<hbm>> -> memref<1x626x64xf32, #tpu.memory_space<hbm>>
      %dma_start3A_139 = tpu.memref_squeeze %dma_start3A_138 : memref<1x626x64xf32, #tpu.memory_space<hbm>> -> memref<626x64xf32, #tpu.memory_space<hbm>>
      %dma_start3A_140 = arith.constant 0 : i32
      %dma_start3A_141 = tpu.memref_slice %arg7[%mul3A_2, %dma_start3A_140] : memref<10016x64xf32, #tpu.memory_space<vmem_shared>> -> memref<626x64xf32, #tpu.memory_space<vmem_shared>>
      tpu.enqueue_dma source(%dma_start3A_141 : memref<626x64xf32, #tpu.memory_space<vmem_shared>>) target(%dma_start3A_139 : memref<626x64xf32, #tpu.memory_space<hbm>>) target_semaphore(%run_scoped3A_136 : memref<!tpu.dma_semaphore, #tpu.memory_space<semaphore_mem>>)
      %dma_wait3A_142 = arith.constant 0 : i32
      %dma_wait3A_143 = tpu.memref_slice %arg6[%arg0, %mul3A_2, %dma_wait3A_142] : memref<2x10016x64xf32, #tpu.memory_space<hbm>> -> memref<1x626x64xf32, #tpu.memory_space<hbm>>
      %dma_wait3A_144 = tpu.memref_squeeze %dma_wait3A_143 : memref<1x626x64xf32, #tpu.memory_space<hbm>> -> memref<626x64xf32, #tpu.memory_space<hbm>>
      %dma_wait3A_145 = arith.constant 0 : i32
      %dma_wait3A_146 = tpu.memref_slice %arg7[%mul3A_2, %dma_wait3A_145] : memref<10016x64xf32, #tpu.memory_space<vmem_shared>> -> memref<626x64xf32, #tpu.memory_space<vmem_shared>>
      tpu.wait_dma2 semaphore(%run_scoped3A_136 : memref<!tpu.dma_semaphore, #tpu.memory_space<semaphore_mem>>) src(%dma_wait3A_146 : memref<626x64xf32, #tpu.memory_space<vmem_shared>>) dst(%dma_wait3A_144 : memref<626x64xf32, #tpu.memory_space<hbm>>)
      tpu.yield
    }) : () -> ()
    return
  }
}

#map = affine_map<(d0, d1) -> (0, 0)>
#map1 = affine_map<(d0, d1) -> (0, 0, 0)>
module attributes {stable_mosaic.version = 14 : i64} {
  func.func @body(%arg0: i32, %arg1: i32, %arg2: memref<10000x128xf32, #tpu.memory_space<hbm>>, %arg3: memref<32x316x32xi32, #tpu.memory_space<hbm>>, %arg4: memref<32x316x32xi32, #tpu.memory_space<hbm>>, %arg5: memref<32x128xf32, #tpu.memory_space<hbm>>, %arg6: memref<32x8xf32, #tpu.memory_space<hbm>>, %arg7: memref<32x8xf32, #tpu.memory_space<hbm>>, %arg8: memref<2x10016x128xf32, #tpu.memory_space<hbm>>, %arg9: memref<2x10016x8xf32, #tpu.memory_space<hbm>>, %arg10: memref<10016x128xf32, #tpu.memory_space<vmem_shared>>, %arg11: memref<316x32xi32, #tpu.memory_space<vmem>>, %arg12: memref<316x32xi32, #tpu.memory_space<vmem>>, %arg13: memref<32x128xf32, #tpu.memory_space<vmem>>, %arg14: memref<32x128xf32, #tpu.memory_space<vmem>>, %arg15: memref<32x128xf32, #tpu.memory_space<vmem>>, %arg16: memref<32x128xf32, #tpu.memory_space<vmem>>, %arg17: memref<!tpu.dma_semaphore, #tpu.memory_space<semaphore_mem>>, %arg18: memref<!tpu.dma_semaphore, #tpu.memory_space<semaphore_mem>>, %arg19: memref<!tpu.dma_semaphore, #tpu.memory_space<semaphore_mem>>, %arg20: memref<!tpu.dma_semaphore, #tpu.memory_space<semaphore_mem>>, %arg21: memref<!tpu.dma_semaphore, #tpu.memory_space<semaphore_mem>>, %arg22: memref<10016x8xf32, #tpu.memory_space<vmem_shared>>, %arg23: memref<32x8xf32, #tpu.memory_space<vmem>>, %arg24: memref<32x8xf32, #tpu.memory_space<vmem>>) attributes {dimension_semantics = [#tpu.dimension_semantics<core_parallel>, #tpu.dimension_semantics<subcore_parallel>], iteration_bounds = array<i64: 2, 16>, scalar_prefetch = 0 : i64, scratch_operands = 15 : i64, tpu.core_type = #tpu.core_type<sc_vector_subcore>, window_params = [{transform_indices = #map}, {transform_indices = #map1}, {transform_indices = #map1}, {transform_indices = #map}, {transform_indices = #map}, {transform_indices = #map}, {transform_indices = #map1}, {transform_indices = #map1}]} {
    %mul3A = arith.constant 16 : i32
    %mul3A_0 = arith.muli %arg0, %mul3A : i32
    %add3A = arith.addi %mul3A_0, %arg1 : i32
    %mul3A_1 = arith.constant 626 : i32
    %mul3A_2 = arith.muli %arg1, %mul3A_1 : i32
    "tpu.region"() ({
      %run_scoped3A_200 = tpu.sem_alloc : memref<!tpu.dma_semaphore, #tpu.memory_space<semaphore_mem>>
      %dma_start3A_201 = arith.constant 0 : i32
      %dma_start3A_202 = arith.constant 0 : i32
      %dma_start3A_203 = tpu.memref_slice %arg3[%add3A, %dma_start3A_201, %dma_start3A_202] : memref<32x316x32xi32, #tpu.memory_space<hbm>> -> memref<1x316x32xi32, #tpu.memory_space<hbm>>
      %dma_start3A_204 = tpu.memref_squeeze %dma_start3A_203 : memref<1x316x32xi32, #tpu.memory_space<hbm>> -> memref<316x32xi32, #tpu.memory_space<hbm>>
      %dma_start3A_205 = arith.constant 0 : i32
      %dma_start3A_206 = arith.constant 0 : i32
      %dma_start3A_207 = tpu.memref_slice %arg3[%add3A, %dma_start3A_205, %dma_start3A_206] : memref<32x316x32xi32, #tpu.memory_space<hbm>> -> memref<1x316x32xi32, #tpu.memory_space<hbm>>
      %dma_start3A_208 = tpu.memref_squeeze %dma_start3A_207 : memref<1x316x32xi32, #tpu.memory_space<hbm>> -> memref<316x32xi32, #tpu.memory_space<hbm>>
      tpu.enqueue_dma source(%dma_start3A_208 : memref<316x32xi32, #tpu.memory_space<hbm>>) target(%arg11 : memref<316x32xi32, #tpu.memory_space<vmem>>) target_semaphore(%run_scoped3A_200 : memref<!tpu.dma_semaphore, #tpu.memory_space<semaphore_mem>>)
      %dma_wait3A_209 = arith.constant 0 : i32
      %dma_wait3A_210 = arith.constant 0 : i32
      %dma_wait3A_211 = tpu.memref_slice %arg3[%add3A, %dma_wait3A_209, %dma_wait3A_210] : memref<32x316x32xi32, #tpu.memory_space<hbm>> -> memref<1x316x32xi32, #tpu.memory_space<hbm>>
      %dma_wait3A_212 = tpu.memref_squeeze %dma_wait3A_211 : memref<1x316x32xi32, #tpu.memory_space<hbm>> -> memref<316x32xi32, #tpu.memory_space<hbm>>
      %dma_wait3A_213 = arith.constant 0 : i32
      %dma_wait3A_214 = arith.constant 0 : i32
      %dma_wait3A_215 = tpu.memref_slice %arg3[%add3A, %dma_wait3A_213, %dma_wait3A_214] : memref<32x316x32xi32, #tpu.memory_space<hbm>> -> memref<1x316x32xi32, #tpu.memory_space<hbm>>
      %dma_wait3A_216 = tpu.memref_squeeze %dma_wait3A_215 : memref<1x316x32xi32, #tpu.memory_space<hbm>> -> memref<316x32xi32, #tpu.memory_space<hbm>>
      tpu.wait_dma2 semaphore(%run_scoped3A_200 : memref<!tpu.dma_semaphore, #tpu.memory_space<semaphore_mem>>) src(%dma_wait3A_216 : memref<316x32xi32, #tpu.memory_space<hbm>>) dst(%arg11 : memref<316x32xi32, #tpu.memory_space<vmem>>)
      tpu.yield
    }) : () -> ()
    "tpu.region"() ({
      %run_scoped3A_200 = tpu.sem_alloc : memref<!tpu.dma_semaphore, #tpu.memory_space<semaphore_mem>>
      %dma_start3A_201 = arith.constant 0 : i32
      %dma_start3A_202 = arith.constant 0 : i32
      %dma_start3A_203 = tpu.memref_slice %arg4[%add3A, %dma_start3A_201, %dma_start3A_202] : memref<32x316x32xi32, #tpu.memory_space<hbm>> -> memref<1x316x32xi32, #tpu.memory_space<hbm>>
      %dma_start3A_204 = tpu.memref_squeeze %dma_start3A_203 : memref<1x316x32xi32, #tpu.memory_space<hbm>> -> memref<316x32xi32, #tpu.memory_space<hbm>>
      %dma_start3A_205 = arith.constant 0 : i32
      %dma_start3A_206 = arith.constant 0 : i32
      %dma_start3A_207 = tpu.memref_slice %arg4[%add3A, %dma_start3A_205, %dma_start3A_206] : memref<32x316x32xi32, #tpu.memory_space<hbm>> -> memref<1x316x32xi32, #tpu.memory_space<hbm>>
      %dma_start3A_208 = tpu.memref_squeeze %dma_start3A_207 : memref<1x316x32xi32, #tpu.memory_space<hbm>> -> memref<316x32xi32, #tpu.memory_space<hbm>>
      tpu.enqueue_dma source(%dma_start3A_208 : memref<316x32xi32, #tpu.memory_space<hbm>>) target(%arg12 : memref<316x32xi32, #tpu.memory_space<vmem>>) target_semaphore(%run_scoped3A_200 : memref<!tpu.dma_semaphore, #tpu.memory_space<semaphore_mem>>)
      %dma_wait3A_209 = arith.constant 0 : i32
      %dma_wait3A_210 = arith.constant 0 : i32
      %dma_wait3A_211 = tpu.memref_slice %arg4[%add3A, %dma_wait3A_209, %dma_wait3A_210] : memref<32x316x32xi32, #tpu.memory_space<hbm>> -> memref<1x316x32xi32, #tpu.memory_space<hbm>>
      %dma_wait3A_212 = tpu.memref_squeeze %dma_wait3A_211 : memref<1x316x32xi32, #tpu.memory_space<hbm>> -> memref<316x32xi32, #tpu.memory_space<hbm>>
      %dma_wait3A_213 = arith.constant 0 : i32
      %dma_wait3A_214 = arith.constant 0 : i32
      %dma_wait3A_215 = tpu.memref_slice %arg4[%add3A, %dma_wait3A_213, %dma_wait3A_214] : memref<32x316x32xi32, #tpu.memory_space<hbm>> -> memref<1x316x32xi32, #tpu.memory_space<hbm>>
      %dma_wait3A_216 = tpu.memref_squeeze %dma_wait3A_215 : memref<1x316x32xi32, #tpu.memory_space<hbm>> -> memref<316x32xi32, #tpu.memory_space<hbm>>
      tpu.wait_dma2 semaphore(%run_scoped3A_200 : memref<!tpu.dma_semaphore, #tpu.memory_space<semaphore_mem>>) src(%dma_wait3A_216 : memref<316x32xi32, #tpu.memory_space<hbm>>) dst(%arg12 : memref<316x32xi32, #tpu.memory_space<vmem>>)
      tpu.yield
    }) : () -> ()
    "tpu.region"() ({
      %run_scoped3A_200 = tpu.sem_alloc : memref<!tpu.dma_semaphore, #tpu.memory_space<semaphore_mem>>
      tpu.enqueue_dma source(%arg5 : memref<32x128xf32, #tpu.memory_space<hbm>>) target(%arg13 : memref<32x128xf32, #tpu.memory_space<vmem>>) target_semaphore(%run_scoped3A_200 : memref<!tpu.dma_semaphore, #tpu.memory_space<semaphore_mem>>)
      tpu.wait_dma2 semaphore(%run_scoped3A_200 : memref<!tpu.dma_semaphore, #tpu.memory_space<semaphore_mem>>) src(%arg5 : memref<32x128xf32, #tpu.memory_space<hbm>>) dst(%arg13 : memref<32x128xf32, #tpu.memory_space<vmem>>)
      tpu.yield
    }) : () -> ()
    "tpu.region"() ({
      %run_scoped3A_200 = tpu.sem_alloc : memref<!tpu.dma_semaphore, #tpu.memory_space<semaphore_mem>>
      tpu.enqueue_dma source(%arg6 : memref<32x8xf32, #tpu.memory_space<hbm>>) target(%arg23 : memref<32x8xf32, #tpu.memory_space<vmem>>) target_semaphore(%run_scoped3A_200 : memref<!tpu.dma_semaphore, #tpu.memory_space<semaphore_mem>>)
      tpu.wait_dma2 semaphore(%run_scoped3A_200 : memref<!tpu.dma_semaphore, #tpu.memory_space<semaphore_mem>>) src(%arg6 : memref<32x8xf32, #tpu.memory_space<hbm>>) dst(%arg23 : memref<32x8xf32, #tpu.memory_space<vmem>>)
      tpu.yield
    }) : () -> ()
    "tpu.region"() ({
      %run_scoped3A_200 = tpu.sem_alloc : memref<!tpu.dma_semaphore, #tpu.memory_space<semaphore_mem>>
      tpu.enqueue_dma source(%arg7 : memref<32x8xf32, #tpu.memory_space<hbm>>) target(%arg24 : memref<32x8xf32, #tpu.memory_space<vmem>>) target_semaphore(%run_scoped3A_200 : memref<!tpu.dma_semaphore, #tpu.memory_space<semaphore_mem>>)
      tpu.wait_dma2 semaphore(%run_scoped3A_200 : memref<!tpu.dma_semaphore, #tpu.memory_space<semaphore_mem>>) src(%arg7 : memref<32x8xf32, #tpu.memory_space<hbm>>) dst(%arg24 : memref<32x8xf32, #tpu.memory_space<vmem>>)
      tpu.yield
    }) : () -> ()
    %add3A_3 = arith.constant 0 : i32
    %add3A_4 = arith.addi %mul3A_2, %add3A_3 : i32
    "tpu.region"() ({
      %run_scoped3A_200 = tpu.sem_alloc : memref<!tpu.dma_semaphore, #tpu.memory_space<semaphore_mem>>
      %dma_start3A_201 = arith.constant 0 : i32
      %dma_start3A_202 = tpu.memref_slice %arg10[%add3A_4, %dma_start3A_201] : memref<10016x128xf32, #tpu.memory_space<vmem_shared>> -> memref<32x128xf32, #tpu.memory_space<vmem_shared>>
      %dma_start3A_203 = arith.constant 0 : i32
      %dma_start3A_204 = tpu.memref_slice %arg10[%add3A_4, %dma_start3A_203] : memref<10016x128xf32, #tpu.memory_space<vmem_shared>> -> memref<32x128xf32, #tpu.memory_space<vmem_shared>>
      tpu.enqueue_dma source(%arg13 : memref<32x128xf32, #tpu.memory_space<vmem>>) target(%dma_start3A_204 : memref<32x128xf32, #tpu.memory_space<vmem_shared>>) target_semaphore(%run_scoped3A_200 : memref<!tpu.dma_semaphore, #tpu.memory_space<semaphore_mem>>)
      %dma_wait3A_205 = arith.constant 0 : i32
      %dma_wait3A_206 = tpu.memref_slice %arg10[%add3A_4, %dma_wait3A_205] : memref<10016x128xf32, #tpu.memory_space<vmem_shared>> -> memref<32x128xf32, #tpu.memory_space<vmem_shared>>
      %dma_wait3A_207 = arith.constant 0 : i32
      %dma_wait3A_208 = tpu.memref_slice %arg10[%add3A_4, %dma_wait3A_207] : memref<10016x128xf32, #tpu.memory_space<vmem_shared>> -> memref<32x128xf32, #tpu.memory_space<vmem_shared>>
      tpu.wait_dma2 semaphore(%run_scoped3A_200 : memref<!tpu.dma_semaphore, #tpu.memory_space<semaphore_mem>>) src(%arg13 : memref<32x128xf32, #tpu.memory_space<vmem>>) dst(%dma_wait3A_208 : memref<32x128xf32, #tpu.memory_space<vmem_shared>>)
      tpu.yield
    }) : () -> ()
    %add3A_5 = arith.constant 0 : i32
    %add3A_6 = arith.addi %mul3A_2, %add3A_5 : i32
    "tpu.region"() ({
      %run_scoped3A_200 = tpu.sem_alloc : memref<!tpu.dma_semaphore, #tpu.memory_space<semaphore_mem>>
      %dma_start3A_201 = arith.constant 0 : i32
      %dma_start3A_202 = tpu.memref_slice %arg22[%add3A_6, %dma_start3A_201] : memref<10016x8xf32, #tpu.memory_space<vmem_shared>> -> memref<32x8xf32, #tpu.memory_space<vmem_shared>>
      %dma_start3A_203 = arith.constant 0 : i32
      %dma_start3A_204 = tpu.memref_slice %arg22[%add3A_6, %dma_start3A_203] : memref<10016x8xf32, #tpu.memory_space<vmem_shared>> -> memref<32x8xf32, #tpu.memory_space<vmem_shared>>
      tpu.enqueue_dma source(%arg24 : memref<32x8xf32, #tpu.memory_space<vmem>>) target(%dma_start3A_204 : memref<32x8xf32, #tpu.memory_space<vmem_shared>>) target_semaphore(%run_scoped3A_200 : memref<!tpu.dma_semaphore, #tpu.memory_space<semaphore_mem>>)
      %dma_wait3A_205 = arith.constant 0 : i32
      %dma_wait3A_206 = tpu.memref_slice %arg22[%add3A_6, %dma_wait3A_205] : memref<10016x8xf32, #tpu.memory_space<vmem_shared>> -> memref<32x8xf32, #tpu.memory_space<vmem_shared>>
      %dma_wait3A_207 = arith.constant 0 : i32
      %dma_wait3A_208 = tpu.memref_slice %arg22[%add3A_6, %dma_wait3A_207] : memref<10016x8xf32, #tpu.memory_space<vmem_shared>> -> memref<32x8xf32, #tpu.memory_space<vmem_shared>>
      tpu.wait_dma2 semaphore(%run_scoped3A_200 : memref<!tpu.dma_semaphore, #tpu.memory_space<semaphore_mem>>) src(%arg24 : memref<32x8xf32, #tpu.memory_space<vmem>>) dst(%dma_wait3A_208 : memref<32x8xf32, #tpu.memory_space<vmem_shared>>)
      tpu.yield
    }) : () -> ()
    %add3A_7 = arith.constant 32 : i32
    %add3A_8 = arith.addi %mul3A_2, %add3A_7 : i32
    "tpu.region"() ({
      %run_scoped3A_200 = tpu.sem_alloc : memref<!tpu.dma_semaphore, #tpu.memory_space<semaphore_mem>>
      %dma_start3A_201 = arith.constant 0 : i32
      %dma_start3A_202 = tpu.memref_slice %arg10[%add3A_8, %dma_start3A_201] : memref<10016x128xf32, #tpu.memory_space<vmem_shared>> -> memref<32x128xf32, #tpu.memory_space<vmem_shared>>
      %dma_start3A_203 = arith.constant 0 : i32
      %dma_start3A_204 = tpu.memref_slice %arg10[%add3A_8, %dma_start3A_203] : memref<10016x128xf32, #tpu.memory_space<vmem_shared>> -> memref<32x128xf32, #tpu.memory_space<vmem_shared>>
      tpu.enqueue_dma source(%arg13 : memref<32x128xf32, #tpu.memory_space<vmem>>) target(%dma_start3A_204 : memref<32x128xf32, #tpu.memory_space<vmem_shared>>) target_semaphore(%run_scoped3A_200 : memref<!tpu.dma_semaphore, #tpu.memory_space<semaphore_mem>>)
      %dma_wait3A_205 = arith.constant 0 : i32
      %dma_wait3A_206 = tpu.memref_slice %arg10[%add3A_8, %dma_wait3A_205] : memref<10016x128xf32, #tpu.memory_space<vmem_shared>> -> memref<32x128xf32, #tpu.memory_space<vmem_shared>>
      %dma_wait3A_207 = arith.constant 0 : i32
      %dma_wait3A_208 = tpu.memref_slice %arg10[%add3A_8, %dma_wait3A_207] : memref<10016x128xf32, #tpu.memory_space<vmem_shared>> -> memref<32x128xf32, #tpu.memory_space<vmem_shared>>
      tpu.wait_dma2 semaphore(%run_scoped3A_200 : memref<!tpu.dma_semaphore, #tpu.memory_space<semaphore_mem>>) src(%arg13 : memref<32x128xf32, #tpu.memory_space<vmem>>) dst(%dma_wait3A_208 : memref<32x128xf32, #tpu.memory_space<vmem_shared>>)
      tpu.yield
    }) : () -> ()
    %add3A_9 = arith.constant 32 : i32
    %add3A_10 = arith.addi %mul3A_2, %add3A_9 : i32
    "tpu.region"() ({
      %run_scoped3A_200 = tpu.sem_alloc : memref<!tpu.dma_semaphore, #tpu.memory_space<semaphore_mem>>
      %dma_start3A_201 = arith.constant 0 : i32
      %dma_start3A_202 = tpu.memref_slice %arg22[%add3A_10, %dma_start3A_201] : memref<10016x8xf32, #tpu.memory_space<vmem_shared>> -> memref<32x8xf32, #tpu.memory_space<vmem_shared>>
      %dma_start3A_203 = arith.constant 0 : i32
      %dma_start3A_204 = tpu.memref_slice %arg22[%add3A_10, %dma_start3A_203] : memref<10016x8xf32, #tpu.memory_space<vmem_shared>> -> memref<32x8xf32, #tpu.memory_space<vmem_shared>>
      tpu.enqueue_dma source(%arg24 : memref<32x8xf32, #tpu.memory_space<vmem>>) target(%dma_start3A_204 : memref<32x8xf32, #tpu.memory_space<vmem_shared>>) target_semaphore(%run_scoped3A_200 : memref<!tpu.dma_semaphore, #tpu.memory_space<semaphore_mem>>)
      %dma_wait3A_205 = arith.constant 0 : i32
      %dma_wait3A_206 = tpu.memref_slice %arg22[%add3A_10, %dma_wait3A_205] : memref<10016x8xf32, #tpu.memory_space<vmem_shared>> -> memref<32x8xf32, #tpu.memory_space<vmem_shared>>
      %dma_wait3A_207 = arith.constant 0 : i32
      %dma_wait3A_208 = tpu.memref_slice %arg22[%add3A_10, %dma_wait3A_207] : memref<10016x8xf32, #tpu.memory_space<vmem_shared>> -> memref<32x8xf32, #tpu.memory_space<vmem_shared>>
      tpu.wait_dma2 semaphore(%run_scoped3A_200 : memref<!tpu.dma_semaphore, #tpu.memory_space<semaphore_mem>>) src(%arg24 : memref<32x8xf32, #tpu.memory_space<vmem>>) dst(%dma_wait3A_208 : memref<32x8xf32, #tpu.memory_space<vmem_shared>>)
      tpu.yield
    }) : () -> ()
    %add3A_11 = arith.constant 64 : i32
    %add3A_12 = arith.addi %mul3A_2, %add3A_11 : i32
    "tpu.region"() ({
      %run_scoped3A_200 = tpu.sem_alloc : memref<!tpu.dma_semaphore, #tpu.memory_space<semaphore_mem>>
      %dma_start3A_201 = arith.constant 0 : i32
      %dma_start3A_202 = tpu.memref_slice %arg10[%add3A_12, %dma_start3A_201] : memref<10016x128xf32, #tpu.memory_space<vmem_shared>> -> memref<32x128xf32, #tpu.memory_space<vmem_shared>>
      %dma_start3A_203 = arith.constant 0 : i32
      %dma_start3A_204 = tpu.memref_slice %arg10[%add3A_12, %dma_start3A_203] : memref<10016x128xf32, #tpu.memory_space<vmem_shared>> -> memref<32x128xf32, #tpu.memory_space<vmem_shared>>
      tpu.enqueue_dma source(%arg13 : memref<32x128xf32, #tpu.memory_space<vmem>>) target(%dma_start3A_204 : memref<32x128xf32, #tpu.memory_space<vmem_shared>>) target_semaphore(%run_scoped3A_200 : memref<!tpu.dma_semaphore, #tpu.memory_space<semaphore_mem>>)
      %dma_wait3A_205 = arith.constant 0 : i32
      %dma_wait3A_206 = tpu.memref_slice %arg10[%add3A_12, %dma_wait3A_205] : memref<10016x128xf32, #tpu.memory_space<vmem_shared>> -> memref<32x128xf32, #tpu.memory_space<vmem_shared>>
      %dma_wait3A_207 = arith.constant 0 : i32
      %dma_wait3A_208 = tpu.memref_slice %arg10[%add3A_12, %dma_wait3A_207] : memref<10016x128xf32, #tpu.memory_space<vmem_shared>> -> memref<32x128xf32, #tpu.memory_space<vmem_shared>>
      tpu.wait_dma2 semaphore(%run_scoped3A_200 : memref<!tpu.dma_semaphore, #tpu.memory_space<semaphore_mem>>) src(%arg13 : memref<32x128xf32, #tpu.memory_space<vmem>>) dst(%dma_wait3A_208 : memref<32x128xf32, #tpu.memory_space<vmem_shared>>)
      tpu.yield
    }) : () -> ()
    %add3A_13 = arith.constant 64 : i32
    %add3A_14 = arith.addi %mul3A_2, %add3A_13 : i32
    "tpu.region"() ({
      %run_scoped3A_200 = tpu.sem_alloc : memref<!tpu.dma_semaphore, #tpu.memory_space<semaphore_mem>>
      %dma_start3A_201 = arith.constant 0 : i32
      %dma_start3A_202 = tpu.memref_slice %arg22[%add3A_14, %dma_start3A_201] : memref<10016x8xf32, #tpu.memory_space<vmem_shared>> -> memref<32x8xf32, #tpu.memory_space<vmem_shared>>
      %dma_start3A_203 = arith.constant 0 : i32
      %dma_start3A_204 = tpu.memref_slice %arg22[%add3A_14, %dma_start3A_203] : memref<10016x8xf32, #tpu.memory_space<vmem_shared>> -> memref<32x8xf32, #tpu.memory_space<vmem_shared>>
      tpu.enqueue_dma source(%arg24 : memref<32x8xf32, #tpu.memory_space<vmem>>) target(%dma_start3A_204 : memref<32x8xf32, #tpu.memory_space<vmem_shared>>) target_semaphore(%run_scoped3A_200 : memref<!tpu.dma_semaphore, #tpu.memory_space<semaphore_mem>>)
      %dma_wait3A_205 = arith.constant 0 : i32
      %dma_wait3A_206 = tpu.memref_slice %arg22[%add3A_14, %dma_wait3A_205] : memref<10016x8xf32, #tpu.memory_space<vmem_shared>> -> memref<32x8xf32, #tpu.memory_space<vmem_shared>>
      %dma_wait3A_207 = arith.constant 0 : i32
      %dma_wait3A_208 = tpu.memref_slice %arg22[%add3A_14, %dma_wait3A_207] : memref<10016x8xf32, #tpu.memory_space<vmem_shared>> -> memref<32x8xf32, #tpu.memory_space<vmem_shared>>
      tpu.wait_dma2 semaphore(%run_scoped3A_200 : memref<!tpu.dma_semaphore, #tpu.memory_space<semaphore_mem>>) src(%arg24 : memref<32x8xf32, #tpu.memory_space<vmem>>) dst(%dma_wait3A_208 : memref<32x8xf32, #tpu.memory_space<vmem_shared>>)
      tpu.yield
    }) : () -> ()
    %add3A_15 = arith.constant 96 : i32
    %add3A_16 = arith.addi %mul3A_2, %add3A_15 : i32
    "tpu.region"() ({
      %run_scoped3A_200 = tpu.sem_alloc : memref<!tpu.dma_semaphore, #tpu.memory_space<semaphore_mem>>
      %dma_start3A_201 = arith.constant 0 : i32
      %dma_start3A_202 = tpu.memref_slice %arg10[%add3A_16, %dma_start3A_201] : memref<10016x128xf32, #tpu.memory_space<vmem_shared>> -> memref<32x128xf32, #tpu.memory_space<vmem_shared>>
      %dma_start3A_203 = arith.constant 0 : i32
      %dma_start3A_204 = tpu.memref_slice %arg10[%add3A_16, %dma_start3A_203] : memref<10016x128xf32, #tpu.memory_space<vmem_shared>> -> memref<32x128xf32, #tpu.memory_space<vmem_shared>>
      tpu.enqueue_dma source(%arg13 : memref<32x128xf32, #tpu.memory_space<vmem>>) target(%dma_start3A_204 : memref<32x128xf32, #tpu.memory_space<vmem_shared>>) target_semaphore(%run_scoped3A_200 : memref<!tpu.dma_semaphore, #tpu.memory_space<semaphore_mem>>)
      %dma_wait3A_205 = arith.constant 0 : i32
      %dma_wait3A_206 = tpu.memref_slice %arg10[%add3A_16, %dma_wait3A_205] : memref<10016x128xf32, #tpu.memory_space<vmem_shared>> -> memref<32x128xf32, #tpu.memory_space<vmem_shared>>
      %dma_wait3A_207 = arith.constant 0 : i32
      %dma_wait3A_208 = tpu.memref_slice %arg10[%add3A_16, %dma_wait3A_207] : memref<10016x128xf32, #tpu.memory_space<vmem_shared>> -> memref<32x128xf32, #tpu.memory_space<vmem_shared>>
      tpu.wait_dma2 semaphore(%run_scoped3A_200 : memref<!tpu.dma_semaphore, #tpu.memory_space<semaphore_mem>>) src(%arg13 : memref<32x128xf32, #tpu.memory_space<vmem>>) dst(%dma_wait3A_208 : memref<32x128xf32, #tpu.memory_space<vmem_shared>>)
      tpu.yield
    }) : () -> ()
    %add3A_17 = arith.constant 96 : i32
    %add3A_18 = arith.addi %mul3A_2, %add3A_17 : i32
    "tpu.region"() ({
      %run_scoped3A_200 = tpu.sem_alloc : memref<!tpu.dma_semaphore, #tpu.memory_space<semaphore_mem>>
      %dma_start3A_201 = arith.constant 0 : i32
      %dma_start3A_202 = tpu.memref_slice %arg22[%add3A_18, %dma_start3A_201] : memref<10016x8xf32, #tpu.memory_space<vmem_shared>> -> memref<32x8xf32, #tpu.memory_space<vmem_shared>>
      %dma_start3A_203 = arith.constant 0 : i32
      %dma_start3A_204 = tpu.memref_slice %arg22[%add3A_18, %dma_start3A_203] : memref<10016x8xf32, #tpu.memory_space<vmem_shared>> -> memref<32x8xf32, #tpu.memory_space<vmem_shared>>
      tpu.enqueue_dma source(%arg24 : memref<32x8xf32, #tpu.memory_space<vmem>>) target(%dma_start3A_204 : memref<32x8xf32, #tpu.memory_space<vmem_shared>>) target_semaphore(%run_scoped3A_200 : memref<!tpu.dma_semaphore, #tpu.memory_space<semaphore_mem>>)
      %dma_wait3A_205 = arith.constant 0 : i32
      %dma_wait3A_206 = tpu.memref_slice %arg22[%add3A_18, %dma_wait3A_205] : memref<10016x8xf32, #tpu.memory_space<vmem_shared>> -> memref<32x8xf32, #tpu.memory_space<vmem_shared>>
      %dma_wait3A_207 = arith.constant 0 : i32
      %dma_wait3A_208 = tpu.memref_slice %arg22[%add3A_18, %dma_wait3A_207] : memref<10016x8xf32, #tpu.memory_space<vmem_shared>> -> memref<32x8xf32, #tpu.memory_space<vmem_shared>>
      tpu.wait_dma2 semaphore(%run_scoped3A_200 : memref<!tpu.dma_semaphore, #tpu.memory_space<semaphore_mem>>) src(%arg24 : memref<32x8xf32, #tpu.memory_space<vmem>>) dst(%dma_wait3A_208 : memref<32x8xf32, #tpu.memory_space<vmem_shared>>)
      tpu.yield
    }) : () -> ()
    %add3A_19 = arith.constant 128 : i32
    %add3A_20 = arith.addi %mul3A_2, %add3A_19 : i32
    "tpu.region"() ({
      %run_scoped3A_200 = tpu.sem_alloc : memref<!tpu.dma_semaphore, #tpu.memory_space<semaphore_mem>>
      %dma_start3A_201 = arith.constant 0 : i32
      %dma_start3A_202 = tpu.memref_slice %arg10[%add3A_20, %dma_start3A_201] : memref<10016x128xf32, #tpu.memory_space<vmem_shared>> -> memref<32x128xf32, #tpu.memory_space<vmem_shared>>
      %dma_start3A_203 = arith.constant 0 : i32
      %dma_start3A_204 = tpu.memref_slice %arg10[%add3A_20, %dma_start3A_203] : memref<10016x128xf32, #tpu.memory_space<vmem_shared>> -> memref<32x128xf32, #tpu.memory_space<vmem_shared>>
      tpu.enqueue_dma source(%arg13 : memref<32x128xf32, #tpu.memory_space<vmem>>) target(%dma_start3A_204 : memref<32x128xf32, #tpu.memory_space<vmem_shared>>) target_semaphore(%run_scoped3A_200 : memref<!tpu.dma_semaphore, #tpu.memory_space<semaphore_mem>>)
      %dma_wait3A_205 = arith.constant 0 : i32
      %dma_wait3A_206 = tpu.memref_slice %arg10[%add3A_20, %dma_wait3A_205] : memref<10016x128xf32, #tpu.memory_space<vmem_shared>> -> memref<32x128xf32, #tpu.memory_space<vmem_shared>>
      %dma_wait3A_207 = arith.constant 0 : i32
      %dma_wait3A_208 = tpu.memref_slice %arg10[%add3A_20, %dma_wait3A_207] : memref<10016x128xf32, #tpu.memory_space<vmem_shared>> -> memref<32x128xf32, #tpu.memory_space<vmem_shared>>
      tpu.wait_dma2 semaphore(%run_scoped3A_200 : memref<!tpu.dma_semaphore, #tpu.memory_space<semaphore_mem>>) src(%arg13 : memref<32x128xf32, #tpu.memory_space<vmem>>) dst(%dma_wait3A_208 : memref<32x128xf32, #tpu.memory_space<vmem_shared>>)
      tpu.yield
    }) : () -> ()
    %add3A_21 = arith.constant 128 : i32
    %add3A_22 = arith.addi %mul3A_2, %add3A_21 : i32
    "tpu.region"() ({
      %run_scoped3A_200 = tpu.sem_alloc : memref<!tpu.dma_semaphore, #tpu.memory_space<semaphore_mem>>
      %dma_start3A_201 = arith.constant 0 : i32
      %dma_start3A_202 = tpu.memref_slice %arg22[%add3A_22, %dma_start3A_201] : memref<10016x8xf32, #tpu.memory_space<vmem_shared>> -> memref<32x8xf32, #tpu.memory_space<vmem_shared>>
      %dma_start3A_203 = arith.constant 0 : i32
      %dma_start3A_204 = tpu.memref_slice %arg22[%add3A_22, %dma_start3A_203] : memref<10016x8xf32, #tpu.memory_space<vmem_shared>> -> memref<32x8xf32, #tpu.memory_space<vmem_shared>>
      tpu.enqueue_dma source(%arg24 : memref<32x8xf32, #tpu.memory_space<vmem>>) target(%dma_start3A_204 : memref<32x8xf32, #tpu.memory_space<vmem_shared>>) target_semaphore(%run_scoped3A_200 : memref<!tpu.dma_semaphore, #tpu.memory_space<semaphore_mem>>)
      %dma_wait3A_205 = arith.constant 0 : i32
      %dma_wait3A_206 = tpu.memref_slice %arg22[%add3A_22, %dma_wait3A_205] : memref<10016x8xf32, #tpu.memory_space<vmem_shared>> -> memref<32x8xf32, #tpu.memory_space<vmem_shared>>
      %dma_wait3A_207 = arith.constant 0 : i32
      %dma_wait3A_208 = tpu.memref_slice %arg22[%add3A_22, %dma_wait3A_207] : memref<10016x8xf32, #tpu.memory_space<vmem_shared>> -> memref<32x8xf32, #tpu.memory_space<vmem_shared>>
      tpu.wait_dma2 semaphore(%run_scoped3A_200 : memref<!tpu.dma_semaphore, #tpu.memory_space<semaphore_mem>>) src(%arg24 : memref<32x8xf32, #tpu.memory_space<vmem>>) dst(%dma_wait3A_208 : memref<32x8xf32, #tpu.memory_space<vmem_shared>>)
      tpu.yield
    }) : () -> ()
    %add3A_23 = arith.constant 160 : i32
    %add3A_24 = arith.addi %mul3A_2, %add3A_23 : i32
    "tpu.region"() ({
      %run_scoped3A_200 = tpu.sem_alloc : memref<!tpu.dma_semaphore, #tpu.memory_space<semaphore_mem>>
      %dma_start3A_201 = arith.constant 0 : i32
      %dma_start3A_202 = tpu.memref_slice %arg10[%add3A_24, %dma_start3A_201] : memref<10016x128xf32, #tpu.memory_space<vmem_shared>> -> memref<32x128xf32, #tpu.memory_space<vmem_shared>>
      %dma_start3A_203 = arith.constant 0 : i32
      %dma_start3A_204 = tpu.memref_slice %arg10[%add3A_24, %dma_start3A_203] : memref<10016x128xf32, #tpu.memory_space<vmem_shared>> -> memref<32x128xf32, #tpu.memory_space<vmem_shared>>
      tpu.enqueue_dma source(%arg13 : memref<32x128xf32, #tpu.memory_space<vmem>>) target(%dma_start3A_204 : memref<32x128xf32, #tpu.memory_space<vmem_shared>>) target_semaphore(%run_scoped3A_200 : memref<!tpu.dma_semaphore, #tpu.memory_space<semaphore_mem>>)
      %dma_wait3A_205 = arith.constant 0 : i32
      %dma_wait3A_206 = tpu.memref_slice %arg10[%add3A_24, %dma_wait3A_205] : memref<10016x128xf32, #tpu.memory_space<vmem_shared>> -> memref<32x128xf32, #tpu.memory_space<vmem_shared>>
      %dma_wait3A_207 = arith.constant 0 : i32
      %dma_wait3A_208 = tpu.memref_slice %arg10[%add3A_24, %dma_wait3A_207] : memref<10016x128xf32, #tpu.memory_space<vmem_shared>> -> memref<32x128xf32, #tpu.memory_space<vmem_shared>>
      tpu.wait_dma2 semaphore(%run_scoped3A_200 : memref<!tpu.dma_semaphore, #tpu.memory_space<semaphore_mem>>) src(%arg13 : memref<32x128xf32, #tpu.memory_space<vmem>>) dst(%dma_wait3A_208 : memref<32x128xf32, #tpu.memory_space<vmem_shared>>)
      tpu.yield
    }) : () -> ()
    %add3A_25 = arith.constant 160 : i32
    %add3A_26 = arith.addi %mul3A_2, %add3A_25 : i32
    "tpu.region"() ({
      %run_scoped3A_200 = tpu.sem_alloc : memref<!tpu.dma_semaphore, #tpu.memory_space<semaphore_mem>>
      %dma_start3A_201 = arith.constant 0 : i32
      %dma_start3A_202 = tpu.memref_slice %arg22[%add3A_26, %dma_start3A_201] : memref<10016x8xf32, #tpu.memory_space<vmem_shared>> -> memref<32x8xf32, #tpu.memory_space<vmem_shared>>
      %dma_start3A_203 = arith.constant 0 : i32
      %dma_start3A_204 = tpu.memref_slice %arg22[%add3A_26, %dma_start3A_203] : memref<10016x8xf32, #tpu.memory_space<vmem_shared>> -> memref<32x8xf32, #tpu.memory_space<vmem_shared>>
      tpu.enqueue_dma source(%arg24 : memref<32x8xf32, #tpu.memory_space<vmem>>) target(%dma_start3A_204 : memref<32x8xf32, #tpu.memory_space<vmem_shared>>) target_semaphore(%run_scoped3A_200 : memref<!tpu.dma_semaphore, #tpu.memory_space<semaphore_mem>>)
      %dma_wait3A_205 = arith.constant 0 : i32
      %dma_wait3A_206 = tpu.memref_slice %arg22[%add3A_26, %dma_wait3A_205] : memref<10016x8xf32, #tpu.memory_space<vmem_shared>> -> memref<32x8xf32, #tpu.memory_space<vmem_shared>>
      %dma_wait3A_207 = arith.constant 0 : i32
      %dma_wait3A_208 = tpu.memref_slice %arg22[%add3A_26, %dma_wait3A_207] : memref<10016x8xf32, #tpu.memory_space<vmem_shared>> -> memref<32x8xf32, #tpu.memory_space<vmem_shared>>
      tpu.wait_dma2 semaphore(%run_scoped3A_200 : memref<!tpu.dma_semaphore, #tpu.memory_space<semaphore_mem>>) src(%arg24 : memref<32x8xf32, #tpu.memory_space<vmem>>) dst(%dma_wait3A_208 : memref<32x8xf32, #tpu.memory_space<vmem_shared>>)
      tpu.yield
    }) : () -> ()
    %add3A_27 = arith.constant 192 : i32
    %add3A_28 = arith.addi %mul3A_2, %add3A_27 : i32
    "tpu.region"() ({
      %run_scoped3A_200 = tpu.sem_alloc : memref<!tpu.dma_semaphore, #tpu.memory_space<semaphore_mem>>
      %dma_start3A_201 = arith.constant 0 : i32
      %dma_start3A_202 = tpu.memref_slice %arg10[%add3A_28, %dma_start3A_201] : memref<10016x128xf32, #tpu.memory_space<vmem_shared>> -> memref<32x128xf32, #tpu.memory_space<vmem_shared>>
      %dma_start3A_203 = arith.constant 0 : i32
      %dma_start3A_204 = tpu.memref_slice %arg10[%add3A_28, %dma_start3A_203] : memref<10016x128xf32, #tpu.memory_space<vmem_shared>> -> memref<32x128xf32, #tpu.memory_space<vmem_shared>>
      tpu.enqueue_dma source(%arg13 : memref<32x128xf32, #tpu.memory_space<vmem>>) target(%dma_start3A_204 : memref<32x128xf32, #tpu.memory_space<vmem_shared>>) target_semaphore(%run_scoped3A_200 : memref<!tpu.dma_semaphore, #tpu.memory_space<semaphore_mem>>)
      %dma_wait3A_205 = arith.constant 0 : i32
      %dma_wait3A_206 = tpu.memref_slice %arg10[%add3A_28, %dma_wait3A_205] : memref<10016x128xf32, #tpu.memory_space<vmem_shared>> -> memref<32x128xf32, #tpu.memory_space<vmem_shared>>
      %dma_wait3A_207 = arith.constant 0 : i32
      %dma_wait3A_208 = tpu.memref_slice %arg10[%add3A_28, %dma_wait3A_207] : memref<10016x128xf32, #tpu.memory_space<vmem_shared>> -> memref<32x128xf32, #tpu.memory_space<vmem_shared>>
      tpu.wait_dma2 semaphore(%run_scoped3A_200 : memref<!tpu.dma_semaphore, #tpu.memory_space<semaphore_mem>>) src(%arg13 : memref<32x128xf32, #tpu.memory_space<vmem>>) dst(%dma_wait3A_208 : memref<32x128xf32, #tpu.memory_space<vmem_shared>>)
      tpu.yield
    }) : () -> ()
    %add3A_29 = arith.constant 192 : i32
    %add3A_30 = arith.addi %mul3A_2, %add3A_29 : i32
    "tpu.region"() ({
      %run_scoped3A_200 = tpu.sem_alloc : memref<!tpu.dma_semaphore, #tpu.memory_space<semaphore_mem>>
      %dma_start3A_201 = arith.constant 0 : i32
      %dma_start3A_202 = tpu.memref_slice %arg22[%add3A_30, %dma_start3A_201] : memref<10016x8xf32, #tpu.memory_space<vmem_shared>> -> memref<32x8xf32, #tpu.memory_space<vmem_shared>>
      %dma_start3A_203 = arith.constant 0 : i32
      %dma_start3A_204 = tpu.memref_slice %arg22[%add3A_30, %dma_start3A_203] : memref<10016x8xf32, #tpu.memory_space<vmem_shared>> -> memref<32x8xf32, #tpu.memory_space<vmem_shared>>
      tpu.enqueue_dma source(%arg24 : memref<32x8xf32, #tpu.memory_space<vmem>>) target(%dma_start3A_204 : memref<32x8xf32, #tpu.memory_space<vmem_shared>>) target_semaphore(%run_scoped3A_200 : memref<!tpu.dma_semaphore, #tpu.memory_space<semaphore_mem>>)
      %dma_wait3A_205 = arith.constant 0 : i32
      %dma_wait3A_206 = tpu.memref_slice %arg22[%add3A_30, %dma_wait3A_205] : memref<10016x8xf32, #tpu.memory_space<vmem_shared>> -> memref<32x8xf32, #tpu.memory_space<vmem_shared>>
      %dma_wait3A_207 = arith.constant 0 : i32
      %dma_wait3A_208 = tpu.memref_slice %arg22[%add3A_30, %dma_wait3A_207] : memref<10016x8xf32, #tpu.memory_space<vmem_shared>> -> memref<32x8xf32, #tpu.memory_space<vmem_shared>>
      tpu.wait_dma2 semaphore(%run_scoped3A_200 : memref<!tpu.dma_semaphore, #tpu.memory_space<semaphore_mem>>) src(%arg24 : memref<32x8xf32, #tpu.memory_space<vmem>>) dst(%dma_wait3A_208 : memref<32x8xf32, #tpu.memory_space<vmem_shared>>)
      tpu.yield
    }) : () -> ()
    %add3A_31 = arith.constant 224 : i32
    %add3A_32 = arith.addi %mul3A_2, %add3A_31 : i32
    "tpu.region"() ({
      %run_scoped3A_200 = tpu.sem_alloc : memref<!tpu.dma_semaphore, #tpu.memory_space<semaphore_mem>>
      %dma_start3A_201 = arith.constant 0 : i32
      %dma_start3A_202 = tpu.memref_slice %arg10[%add3A_32, %dma_start3A_201] : memref<10016x128xf32, #tpu.memory_space<vmem_shared>> -> memref<32x128xf32, #tpu.memory_space<vmem_shared>>
      %dma_start3A_203 = arith.constant 0 : i32
      %dma_start3A_204 = tpu.memref_slice %arg10[%add3A_32, %dma_start3A_203] : memref<10016x128xf32, #tpu.memory_space<vmem_shared>> -> memref<32x128xf32, #tpu.memory_space<vmem_shared>>
      tpu.enqueue_dma source(%arg13 : memref<32x128xf32, #tpu.memory_space<vmem>>) target(%dma_start3A_204 : memref<32x128xf32, #tpu.memory_space<vmem_shared>>) target_semaphore(%run_scoped3A_200 : memref<!tpu.dma_semaphore, #tpu.memory_space<semaphore_mem>>)
      %dma_wait3A_205 = arith.constant 0 : i32
      %dma_wait3A_206 = tpu.memref_slice %arg10[%add3A_32, %dma_wait3A_205] : memref<10016x128xf32, #tpu.memory_space<vmem_shared>> -> memref<32x128xf32, #tpu.memory_space<vmem_shared>>
      %dma_wait3A_207 = arith.constant 0 : i32
      %dma_wait3A_208 = tpu.memref_slice %arg10[%add3A_32, %dma_wait3A_207] : memref<10016x128xf32, #tpu.memory_space<vmem_shared>> -> memref<32x128xf32, #tpu.memory_space<vmem_shared>>
      tpu.wait_dma2 semaphore(%run_scoped3A_200 : memref<!tpu.dma_semaphore, #tpu.memory_space<semaphore_mem>>) src(%arg13 : memref<32x128xf32, #tpu.memory_space<vmem>>) dst(%dma_wait3A_208 : memref<32x128xf32, #tpu.memory_space<vmem_shared>>)
      tpu.yield
    }) : () -> ()
    %add3A_33 = arith.constant 224 : i32
    %add3A_34 = arith.addi %mul3A_2, %add3A_33 : i32
    "tpu.region"() ({
      %run_scoped3A_200 = tpu.sem_alloc : memref<!tpu.dma_semaphore, #tpu.memory_space<semaphore_mem>>
      %dma_start3A_201 = arith.constant 0 : i32
      %dma_start3A_202 = tpu.memref_slice %arg22[%add3A_34, %dma_start3A_201] : memref<10016x8xf32, #tpu.memory_space<vmem_shared>> -> memref<32x8xf32, #tpu.memory_space<vmem_shared>>
      %dma_start3A_203 = arith.constant 0 : i32
      %dma_start3A_204 = tpu.memref_slice %arg22[%add3A_34, %dma_start3A_203] : memref<10016x8xf32, #tpu.memory_space<vmem_shared>> -> memref<32x8xf32, #tpu.memory_space<vmem_shared>>
      tpu.enqueue_dma source(%arg24 : memref<32x8xf32, #tpu.memory_space<vmem>>) target(%dma_start3A_204 : memref<32x8xf32, #tpu.memory_space<vmem_shared>>) target_semaphore(%run_scoped3A_200 : memref<!tpu.dma_semaphore, #tpu.memory_space<semaphore_mem>>)
      %dma_wait3A_205 = arith.constant 0 : i32
      %dma_wait3A_206 = tpu.memref_slice %arg22[%add3A_34, %dma_wait3A_205] : memref<10016x8xf32, #tpu.memory_space<vmem_shared>> -> memref<32x8xf32, #tpu.memory_space<vmem_shared>>
      %dma_wait3A_207 = arith.constant 0 : i32
      %dma_wait3A_208 = tpu.memref_slice %arg22[%add3A_34, %dma_wait3A_207] : memref<10016x8xf32, #tpu.memory_space<vmem_shared>> -> memref<32x8xf32, #tpu.memory_space<vmem_shared>>
      tpu.wait_dma2 semaphore(%run_scoped3A_200 : memref<!tpu.dma_semaphore, #tpu.memory_space<semaphore_mem>>) src(%arg24 : memref<32x8xf32, #tpu.memory_space<vmem>>) dst(%dma_wait3A_208 : memref<32x8xf32, #tpu.memory_space<vmem_shared>>)
      tpu.yield
    }) : () -> ()
    %add3A_35 = arith.constant 256 : i32
    %add3A_36 = arith.addi %mul3A_2, %add3A_35 : i32
    "tpu.region"() ({
      %run_scoped3A_200 = tpu.sem_alloc : memref<!tpu.dma_semaphore, #tpu.memory_space<semaphore_mem>>
      %dma_start3A_201 = arith.constant 0 : i32
      %dma_start3A_202 = tpu.memref_slice %arg10[%add3A_36, %dma_start3A_201] : memref<10016x128xf32, #tpu.memory_space<vmem_shared>> -> memref<32x128xf32, #tpu.memory_space<vmem_shared>>
      %dma_start3A_203 = arith.constant 0 : i32
      %dma_start3A_204 = tpu.memref_slice %arg10[%add3A_36, %dma_start3A_203] : memref<10016x128xf32, #tpu.memory_space<vmem_shared>> -> memref<32x128xf32, #tpu.memory_space<vmem_shared>>
      tpu.enqueue_dma source(%arg13 : memref<32x128xf32, #tpu.memory_space<vmem>>) target(%dma_start3A_204 : memref<32x128xf32, #tpu.memory_space<vmem_shared>>) target_semaphore(%run_scoped3A_200 : memref<!tpu.dma_semaphore, #tpu.memory_space<semaphore_mem>>)
      %dma_wait3A_205 = arith.constant 0 : i32
      %dma_wait3A_206 = tpu.memref_slice %arg10[%add3A_36, %dma_wait3A_205] : memref<10016x128xf32, #tpu.memory_space<vmem_shared>> -> memref<32x128xf32, #tpu.memory_space<vmem_shared>>
      %dma_wait3A_207 = arith.constant 0 : i32
      %dma_wait3A_208 = tpu.memref_slice %arg10[%add3A_36, %dma_wait3A_207] : memref<10016x128xf32, #tpu.memory_space<vmem_shared>> -> memref<32x128xf32, #tpu.memory_space<vmem_shared>>
      tpu.wait_dma2 semaphore(%run_scoped3A_200 : memref<!tpu.dma_semaphore, #tpu.memory_space<semaphore_mem>>) src(%arg13 : memref<32x128xf32, #tpu.memory_space<vmem>>) dst(%dma_wait3A_208 : memref<32x128xf32, #tpu.memory_space<vmem_shared>>)
      tpu.yield
    }) : () -> ()
    %add3A_37 = arith.constant 256 : i32
    %add3A_38 = arith.addi %mul3A_2, %add3A_37 : i32
    "tpu.region"() ({
      %run_scoped3A_200 = tpu.sem_alloc : memref<!tpu.dma_semaphore, #tpu.memory_space<semaphore_mem>>
      %dma_start3A_201 = arith.constant 0 : i32
      %dma_start3A_202 = tpu.memref_slice %arg22[%add3A_38, %dma_start3A_201] : memref<10016x8xf32, #tpu.memory_space<vmem_shared>> -> memref<32x8xf32, #tpu.memory_space<vmem_shared>>
      %dma_start3A_203 = arith.constant 0 : i32
      %dma_start3A_204 = tpu.memref_slice %arg22[%add3A_38, %dma_start3A_203] : memref<10016x8xf32, #tpu.memory_space<vmem_shared>> -> memref<32x8xf32, #tpu.memory_space<vmem_shared>>
      tpu.enqueue_dma source(%arg24 : memref<32x8xf32, #tpu.memory_space<vmem>>) target(%dma_start3A_204 : memref<32x8xf32, #tpu.memory_space<vmem_shared>>) target_semaphore(%run_scoped3A_200 : memref<!tpu.dma_semaphore, #tpu.memory_space<semaphore_mem>>)
      %dma_wait3A_205 = arith.constant 0 : i32
      %dma_wait3A_206 = tpu.memref_slice %arg22[%add3A_38, %dma_wait3A_205] : memref<10016x8xf32, #tpu.memory_space<vmem_shared>> -> memref<32x8xf32, #tpu.memory_space<vmem_shared>>
      %dma_wait3A_207 = arith.constant 0 : i32
      %dma_wait3A_208 = tpu.memref_slice %arg22[%add3A_38, %dma_wait3A_207] : memref<10016x8xf32, #tpu.memory_space<vmem_shared>> -> memref<32x8xf32, #tpu.memory_space<vmem_shared>>
      tpu.wait_dma2 semaphore(%run_scoped3A_200 : memref<!tpu.dma_semaphore, #tpu.memory_space<semaphore_mem>>) src(%arg24 : memref<32x8xf32, #tpu.memory_space<vmem>>) dst(%dma_wait3A_208 : memref<32x8xf32, #tpu.memory_space<vmem_shared>>)
      tpu.yield
    }) : () -> ()
    %add3A_39 = arith.constant 288 : i32
    %add3A_40 = arith.addi %mul3A_2, %add3A_39 : i32
    "tpu.region"() ({
      %run_scoped3A_200 = tpu.sem_alloc : memref<!tpu.dma_semaphore, #tpu.memory_space<semaphore_mem>>
      %dma_start3A_201 = arith.constant 0 : i32
      %dma_start3A_202 = tpu.memref_slice %arg10[%add3A_40, %dma_start3A_201] : memref<10016x128xf32, #tpu.memory_space<vmem_shared>> -> memref<32x128xf32, #tpu.memory_space<vmem_shared>>
      %dma_start3A_203 = arith.constant 0 : i32
      %dma_start3A_204 = tpu.memref_slice %arg10[%add3A_40, %dma_start3A_203] : memref<10016x128xf32, #tpu.memory_space<vmem_shared>> -> memref<32x128xf32, #tpu.memory_space<vmem_shared>>
      tpu.enqueue_dma source(%arg13 : memref<32x128xf32, #tpu.memory_space<vmem>>) target(%dma_start3A_204 : memref<32x128xf32, #tpu.memory_space<vmem_shared>>) target_semaphore(%run_scoped3A_200 : memref<!tpu.dma_semaphore, #tpu.memory_space<semaphore_mem>>)
      %dma_wait3A_205 = arith.constant 0 : i32
      %dma_wait3A_206 = tpu.memref_slice %arg10[%add3A_40, %dma_wait3A_205] : memref<10016x128xf32, #tpu.memory_space<vmem_shared>> -> memref<32x128xf32, #tpu.memory_space<vmem_shared>>
      %dma_wait3A_207 = arith.constant 0 : i32
      %dma_wait3A_208 = tpu.memref_slice %arg10[%add3A_40, %dma_wait3A_207] : memref<10016x128xf32, #tpu.memory_space<vmem_shared>> -> memref<32x128xf32, #tpu.memory_space<vmem_shared>>
      tpu.wait_dma2 semaphore(%run_scoped3A_200 : memref<!tpu.dma_semaphore, #tpu.memory_space<semaphore_mem>>) src(%arg13 : memref<32x128xf32, #tpu.memory_space<vmem>>) dst(%dma_wait3A_208 : memref<32x128xf32, #tpu.memory_space<vmem_shared>>)
      tpu.yield
    }) : () -> ()
    %add3A_41 = arith.constant 288 : i32
    %add3A_42 = arith.addi %mul3A_2, %add3A_41 : i32
    "tpu.region"() ({
      %run_scoped3A_200 = tpu.sem_alloc : memref<!tpu.dma_semaphore, #tpu.memory_space<semaphore_mem>>
      %dma_start3A_201 = arith.constant 0 : i32
      %dma_start3A_202 = tpu.memref_slice %arg22[%add3A_42, %dma_start3A_201] : memref<10016x8xf32, #tpu.memory_space<vmem_shared>> -> memref<32x8xf32, #tpu.memory_space<vmem_shared>>
      %dma_start3A_203 = arith.constant 0 : i32
      %dma_start3A_204 = tpu.memref_slice %arg22[%add3A_42, %dma_start3A_203] : memref<10016x8xf32, #tpu.memory_space<vmem_shared>> -> memref<32x8xf32, #tpu.memory_space<vmem_shared>>
      tpu.enqueue_dma source(%arg24 : memref<32x8xf32, #tpu.memory_space<vmem>>) target(%dma_start3A_204 : memref<32x8xf32, #tpu.memory_space<vmem_shared>>) target_semaphore(%run_scoped3A_200 : memref<!tpu.dma_semaphore, #tpu.memory_space<semaphore_mem>>)
      %dma_wait3A_205 = arith.constant 0 : i32
      %dma_wait3A_206 = tpu.memref_slice %arg22[%add3A_42, %dma_wait3A_205] : memref<10016x8xf32, #tpu.memory_space<vmem_shared>> -> memref<32x8xf32, #tpu.memory_space<vmem_shared>>
      %dma_wait3A_207 = arith.constant 0 : i32
      %dma_wait3A_208 = tpu.memref_slice %arg22[%add3A_42, %dma_wait3A_207] : memref<10016x8xf32, #tpu.memory_space<vmem_shared>> -> memref<32x8xf32, #tpu.memory_space<vmem_shared>>
      tpu.wait_dma2 semaphore(%run_scoped3A_200 : memref<!tpu.dma_semaphore, #tpu.memory_space<semaphore_mem>>) src(%arg24 : memref<32x8xf32, #tpu.memory_space<vmem>>) dst(%dma_wait3A_208 : memref<32x8xf32, #tpu.memory_space<vmem_shared>>)
      tpu.yield
    }) : () -> ()
    %add3A_43 = arith.constant 320 : i32
    %add3A_44 = arith.addi %mul3A_2, %add3A_43 : i32
    "tpu.region"() ({
      %run_scoped3A_200 = tpu.sem_alloc : memref<!tpu.dma_semaphore, #tpu.memory_space<semaphore_mem>>
      %dma_start3A_201 = arith.constant 0 : i32
      %dma_start3A_202 = tpu.memref_slice %arg10[%add3A_44, %dma_start3A_201] : memref<10016x128xf32, #tpu.memory_space<vmem_shared>> -> memref<32x128xf32, #tpu.memory_space<vmem_shared>>
      %dma_start3A_203 = arith.constant 0 : i32
      %dma_start3A_204 = tpu.memref_slice %arg10[%add3A_44, %dma_start3A_203] : memref<10016x128xf32, #tpu.memory_space<vmem_shared>> -> memref<32x128xf32, #tpu.memory_space<vmem_shared>>
      tpu.enqueue_dma source(%arg13 : memref<32x128xf32, #tpu.memory_space<vmem>>) target(%dma_start3A_204 : memref<32x128xf32, #tpu.memory_space<vmem_shared>>) target_semaphore(%run_scoped3A_200 : memref<!tpu.dma_semaphore, #tpu.memory_space<semaphore_mem>>)
      %dma_wait3A_205 = arith.constant 0 : i32
      %dma_wait3A_206 = tpu.memref_slice %arg10[%add3A_44, %dma_wait3A_205] : memref<10016x128xf32, #tpu.memory_space<vmem_shared>> -> memref<32x128xf32, #tpu.memory_space<vmem_shared>>
      %dma_wait3A_207 = arith.constant 0 : i32
      %dma_wait3A_208 = tpu.memref_slice %arg10[%add3A_44, %dma_wait3A_207] : memref<10016x128xf32, #tpu.memory_space<vmem_shared>> -> memref<32x128xf32, #tpu.memory_space<vmem_shared>>
      tpu.wait_dma2 semaphore(%run_scoped3A_200 : memref<!tpu.dma_semaphore, #tpu.memory_space<semaphore_mem>>) src(%arg13 : memref<32x128xf32, #tpu.memory_space<vmem>>) dst(%dma_wait3A_208 : memref<32x128xf32, #tpu.memory_space<vmem_shared>>)
      tpu.yield
    }) : () -> ()
    %add3A_45 = arith.constant 320 : i32
    %add3A_46 = arith.addi %mul3A_2, %add3A_45 : i32
    "tpu.region"() ({
      %run_scoped3A_200 = tpu.sem_alloc : memref<!tpu.dma_semaphore, #tpu.memory_space<semaphore_mem>>
      %dma_start3A_201 = arith.constant 0 : i32
      %dma_start3A_202 = tpu.memref_slice %arg22[%add3A_46, %dma_start3A_201] : memref<10016x8xf32, #tpu.memory_space<vmem_shared>> -> memref<32x8xf32, #tpu.memory_space<vmem_shared>>
      %dma_start3A_203 = arith.constant 0 : i32
      %dma_start3A_204 = tpu.memref_slice %arg22[%add3A_46, %dma_start3A_203] : memref<10016x8xf32, #tpu.memory_space<vmem_shared>> -> memref<32x8xf32, #tpu.memory_space<vmem_shared>>
      tpu.enqueue_dma source(%arg24 : memref<32x8xf32, #tpu.memory_space<vmem>>) target(%dma_start3A_204 : memref<32x8xf32, #tpu.memory_space<vmem_shared>>) target_semaphore(%run_scoped3A_200 : memref<!tpu.dma_semaphore, #tpu.memory_space<semaphore_mem>>)
      %dma_wait3A_205 = arith.constant 0 : i32
      %dma_wait3A_206 = tpu.memref_slice %arg22[%add3A_46, %dma_wait3A_205] : memref<10016x8xf32, #tpu.memory_space<vmem_shared>> -> memref<32x8xf32, #tpu.memory_space<vmem_shared>>
      %dma_wait3A_207 = arith.constant 0 : i32
      %dma_wait3A_208 = tpu.memref_slice %arg22[%add3A_46, %dma_wait3A_207] : memref<10016x8xf32, #tpu.memory_space<vmem_shared>> -> memref<32x8xf32, #tpu.memory_space<vmem_shared>>
      tpu.wait_dma2 semaphore(%run_scoped3A_200 : memref<!tpu.dma_semaphore, #tpu.memory_space<semaphore_mem>>) src(%arg24 : memref<32x8xf32, #tpu.memory_space<vmem>>) dst(%dma_wait3A_208 : memref<32x8xf32, #tpu.memory_space<vmem_shared>>)
      tpu.yield
    }) : () -> ()
    %add3A_47 = arith.constant 352 : i32
    %add3A_48 = arith.addi %mul3A_2, %add3A_47 : i32
    "tpu.region"() ({
      %run_scoped3A_200 = tpu.sem_alloc : memref<!tpu.dma_semaphore, #tpu.memory_space<semaphore_mem>>
      %dma_start3A_201 = arith.constant 0 : i32
      %dma_start3A_202 = tpu.memref_slice %arg10[%add3A_48, %dma_start3A_201] : memref<10016x128xf32, #tpu.memory_space<vmem_shared>> -> memref<32x128xf32, #tpu.memory_space<vmem_shared>>
      %dma_start3A_203 = arith.constant 0 : i32
      %dma_start3A_204 = tpu.memref_slice %arg10[%add3A_48, %dma_start3A_203] : memref<10016x128xf32, #tpu.memory_space<vmem_shared>> -> memref<32x128xf32, #tpu.memory_space<vmem_shared>>
      tpu.enqueue_dma source(%arg13 : memref<32x128xf32, #tpu.memory_space<vmem>>) target(%dma_start3A_204 : memref<32x128xf32, #tpu.memory_space<vmem_shared>>) target_semaphore(%run_scoped3A_200 : memref<!tpu.dma_semaphore, #tpu.memory_space<semaphore_mem>>)
      %dma_wait3A_205 = arith.constant 0 : i32
      %dma_wait3A_206 = tpu.memref_slice %arg10[%add3A_48, %dma_wait3A_205] : memref<10016x128xf32, #tpu.memory_space<vmem_shared>> -> memref<32x128xf32, #tpu.memory_space<vmem_shared>>
      %dma_wait3A_207 = arith.constant 0 : i32
      %dma_wait3A_208 = tpu.memref_slice %arg10[%add3A_48, %dma_wait3A_207] : memref<10016x128xf32, #tpu.memory_space<vmem_shared>> -> memref<32x128xf32, #tpu.memory_space<vmem_shared>>
      tpu.wait_dma2 semaphore(%run_scoped3A_200 : memref<!tpu.dma_semaphore, #tpu.memory_space<semaphore_mem>>) src(%arg13 : memref<32x128xf32, #tpu.memory_space<vmem>>) dst(%dma_wait3A_208 : memref<32x128xf32, #tpu.memory_space<vmem_shared>>)
      tpu.yield
    }) : () -> ()
    %add3A_49 = arith.constant 352 : i32
    %add3A_50 = arith.addi %mul3A_2, %add3A_49 : i32
    "tpu.region"() ({
      %run_scoped3A_200 = tpu.sem_alloc : memref<!tpu.dma_semaphore, #tpu.memory_space<semaphore_mem>>
      %dma_start3A_201 = arith.constant 0 : i32
      %dma_start3A_202 = tpu.memref_slice %arg22[%add3A_50, %dma_start3A_201] : memref<10016x8xf32, #tpu.memory_space<vmem_shared>> -> memref<32x8xf32, #tpu.memory_space<vmem_shared>>
      %dma_start3A_203 = arith.constant 0 : i32
      %dma_start3A_204 = tpu.memref_slice %arg22[%add3A_50, %dma_start3A_203] : memref<10016x8xf32, #tpu.memory_space<vmem_shared>> -> memref<32x8xf32, #tpu.memory_space<vmem_shared>>
      tpu.enqueue_dma source(%arg24 : memref<32x8xf32, #tpu.memory_space<vmem>>) target(%dma_start3A_204 : memref<32x8xf32, #tpu.memory_space<vmem_shared>>) target_semaphore(%run_scoped3A_200 : memref<!tpu.dma_semaphore, #tpu.memory_space<semaphore_mem>>)
      %dma_wait3A_205 = arith.constant 0 : i32
      %dma_wait3A_206 = tpu.memref_slice %arg22[%add3A_50, %dma_wait3A_205] : memref<10016x8xf32, #tpu.memory_space<vmem_shared>> -> memref<32x8xf32, #tpu.memory_space<vmem_shared>>
      %dma_wait3A_207 = arith.constant 0 : i32
      %dma_wait3A_208 = tpu.memref_slice %arg22[%add3A_50, %dma_wait3A_207] : memref<10016x8xf32, #tpu.memory_space<vmem_shared>> -> memref<32x8xf32, #tpu.memory_space<vmem_shared>>
      tpu.wait_dma2 semaphore(%run_scoped3A_200 : memref<!tpu.dma_semaphore, #tpu.memory_space<semaphore_mem>>) src(%arg24 : memref<32x8xf32, #tpu.memory_space<vmem>>) dst(%dma_wait3A_208 : memref<32x8xf32, #tpu.memory_space<vmem_shared>>)
      tpu.yield
    }) : () -> ()
    %add3A_51 = arith.constant 384 : i32
    %add3A_52 = arith.addi %mul3A_2, %add3A_51 : i32
    "tpu.region"() ({
      %run_scoped3A_200 = tpu.sem_alloc : memref<!tpu.dma_semaphore, #tpu.memory_space<semaphore_mem>>
      %dma_start3A_201 = arith.constant 0 : i32
      %dma_start3A_202 = tpu.memref_slice %arg10[%add3A_52, %dma_start3A_201] : memref<10016x128xf32, #tpu.memory_space<vmem_shared>> -> memref<32x128xf32, #tpu.memory_space<vmem_shared>>
      %dma_start3A_203 = arith.constant 0 : i32
      %dma_start3A_204 = tpu.memref_slice %arg10[%add3A_52, %dma_start3A_203] : memref<10016x128xf32, #tpu.memory_space<vmem_shared>> -> memref<32x128xf32, #tpu.memory_space<vmem_shared>>
      tpu.enqueue_dma source(%arg13 : memref<32x128xf32, #tpu.memory_space<vmem>>) target(%dma_start3A_204 : memref<32x128xf32, #tpu.memory_space<vmem_shared>>) target_semaphore(%run_scoped3A_200 : memref<!tpu.dma_semaphore, #tpu.memory_space<semaphore_mem>>)
      %dma_wait3A_205 = arith.constant 0 : i32
      %dma_wait3A_206 = tpu.memref_slice %arg10[%add3A_52, %dma_wait3A_205] : memref<10016x128xf32, #tpu.memory_space<vmem_shared>> -> memref<32x128xf32, #tpu.memory_space<vmem_shared>>
      %dma_wait3A_207 = arith.constant 0 : i32
      %dma_wait3A_208 = tpu.memref_slice %arg10[%add3A_52, %dma_wait3A_207] : memref<10016x128xf32, #tpu.memory_space<vmem_shared>> -> memref<32x128xf32, #tpu.memory_space<vmem_shared>>
      tpu.wait_dma2 semaphore(%run_scoped3A_200 : memref<!tpu.dma_semaphore, #tpu.memory_space<semaphore_mem>>) src(%arg13 : memref<32x128xf32, #tpu.memory_space<vmem>>) dst(%dma_wait3A_208 : memref<32x128xf32, #tpu.memory_space<vmem_shared>>)
      tpu.yield
    }) : () -> ()
    %add3A_53 = arith.constant 384 : i32
    %add3A_54 = arith.addi %mul3A_2, %add3A_53 : i32
    "tpu.region"() ({
      %run_scoped3A_200 = tpu.sem_alloc : memref<!tpu.dma_semaphore, #tpu.memory_space<semaphore_mem>>
      %dma_start3A_201 = arith.constant 0 : i32
      %dma_start3A_202 = tpu.memref_slice %arg22[%add3A_54, %dma_start3A_201] : memref<10016x8xf32, #tpu.memory_space<vmem_shared>> -> memref<32x8xf32, #tpu.memory_space<vmem_shared>>
      %dma_start3A_203 = arith.constant 0 : i32
      %dma_start3A_204 = tpu.memref_slice %arg22[%add3A_54, %dma_start3A_203] : memref<10016x8xf32, #tpu.memory_space<vmem_shared>> -> memref<32x8xf32, #tpu.memory_space<vmem_shared>>
      tpu.enqueue_dma source(%arg24 : memref<32x8xf32, #tpu.memory_space<vmem>>) target(%dma_start3A_204 : memref<32x8xf32, #tpu.memory_space<vmem_shared>>) target_semaphore(%run_scoped3A_200 : memref<!tpu.dma_semaphore, #tpu.memory_space<semaphore_mem>>)
      %dma_wait3A_205 = arith.constant 0 : i32
      %dma_wait3A_206 = tpu.memref_slice %arg22[%add3A_54, %dma_wait3A_205] : memref<10016x8xf32, #tpu.memory_space<vmem_shared>> -> memref<32x8xf32, #tpu.memory_space<vmem_shared>>
      %dma_wait3A_207 = arith.constant 0 : i32
      %dma_wait3A_208 = tpu.memref_slice %arg22[%add3A_54, %dma_wait3A_207] : memref<10016x8xf32, #tpu.memory_space<vmem_shared>> -> memref<32x8xf32, #tpu.memory_space<vmem_shared>>
      tpu.wait_dma2 semaphore(%run_scoped3A_200 : memref<!tpu.dma_semaphore, #tpu.memory_space<semaphore_mem>>) src(%arg24 : memref<32x8xf32, #tpu.memory_space<vmem>>) dst(%dma_wait3A_208 : memref<32x8xf32, #tpu.memory_space<vmem_shared>>)
      tpu.yield
    }) : () -> ()
    %add3A_55 = arith.constant 416 : i32
    %add3A_56 = arith.addi %mul3A_2, %add3A_55 : i32
    "tpu.region"() ({
      %run_scoped3A_200 = tpu.sem_alloc : memref<!tpu.dma_semaphore, #tpu.memory_space<semaphore_mem>>
      %dma_start3A_201 = arith.constant 0 : i32
      %dma_start3A_202 = tpu.memref_slice %arg10[%add3A_56, %dma_start3A_201] : memref<10016x128xf32, #tpu.memory_space<vmem_shared>> -> memref<32x128xf32, #tpu.memory_space<vmem_shared>>
      %dma_start3A_203 = arith.constant 0 : i32
      %dma_start3A_204 = tpu.memref_slice %arg10[%add3A_56, %dma_start3A_203] : memref<10016x128xf32, #tpu.memory_space<vmem_shared>> -> memref<32x128xf32, #tpu.memory_space<vmem_shared>>
      tpu.enqueue_dma source(%arg13 : memref<32x128xf32, #tpu.memory_space<vmem>>) target(%dma_start3A_204 : memref<32x128xf32, #tpu.memory_space<vmem_shared>>) target_semaphore(%run_scoped3A_200 : memref<!tpu.dma_semaphore, #tpu.memory_space<semaphore_mem>>)
      %dma_wait3A_205 = arith.constant 0 : i32
      %dma_wait3A_206 = tpu.memref_slice %arg10[%add3A_56, %dma_wait3A_205] : memref<10016x128xf32, #tpu.memory_space<vmem_shared>> -> memref<32x128xf32, #tpu.memory_space<vmem_shared>>
      %dma_wait3A_207 = arith.constant 0 : i32
      %dma_wait3A_208 = tpu.memref_slice %arg10[%add3A_56, %dma_wait3A_207] : memref<10016x128xf32, #tpu.memory_space<vmem_shared>> -> memref<32x128xf32, #tpu.memory_space<vmem_shared>>
      tpu.wait_dma2 semaphore(%run_scoped3A_200 : memref<!tpu.dma_semaphore, #tpu.memory_space<semaphore_mem>>) src(%arg13 : memref<32x128xf32, #tpu.memory_space<vmem>>) dst(%dma_wait3A_208 : memref<32x128xf32, #tpu.memory_space<vmem_shared>>)
      tpu.yield
    }) : () -> ()
    %add3A_57 = arith.constant 416 : i32
    %add3A_58 = arith.addi %mul3A_2, %add3A_57 : i32
    "tpu.region"() ({
      %run_scoped3A_200 = tpu.sem_alloc : memref<!tpu.dma_semaphore, #tpu.memory_space<semaphore_mem>>
      %dma_start3A_201 = arith.constant 0 : i32
      %dma_start3A_202 = tpu.memref_slice %arg22[%add3A_58, %dma_start3A_201] : memref<10016x8xf32, #tpu.memory_space<vmem_shared>> -> memref<32x8xf32, #tpu.memory_space<vmem_shared>>
      %dma_start3A_203 = arith.constant 0 : i32
      %dma_start3A_204 = tpu.memref_slice %arg22[%add3A_58, %dma_start3A_203] : memref<10016x8xf32, #tpu.memory_space<vmem_shared>> -> memref<32x8xf32, #tpu.memory_space<vmem_shared>>
      tpu.enqueue_dma source(%arg24 : memref<32x8xf32, #tpu.memory_space<vmem>>) target(%dma_start3A_204 : memref<32x8xf32, #tpu.memory_space<vmem_shared>>) target_semaphore(%run_scoped3A_200 : memref<!tpu.dma_semaphore, #tpu.memory_space<semaphore_mem>>)
      %dma_wait3A_205 = arith.constant 0 : i32
      %dma_wait3A_206 = tpu.memref_slice %arg22[%add3A_58, %dma_wait3A_205] : memref<10016x8xf32, #tpu.memory_space<vmem_shared>> -> memref<32x8xf32, #tpu.memory_space<vmem_shared>>
      %dma_wait3A_207 = arith.constant 0 : i32
      %dma_wait3A_208 = tpu.memref_slice %arg22[%add3A_58, %dma_wait3A_207] : memref<10016x8xf32, #tpu.memory_space<vmem_shared>> -> memref<32x8xf32, #tpu.memory_space<vmem_shared>>
      tpu.wait_dma2 semaphore(%run_scoped3A_200 : memref<!tpu.dma_semaphore, #tpu.memory_space<semaphore_mem>>) src(%arg24 : memref<32x8xf32, #tpu.memory_space<vmem>>) dst(%dma_wait3A_208 : memref<32x8xf32, #tpu.memory_space<vmem_shared>>)
      tpu.yield
    }) : () -> ()
    %add3A_59 = arith.constant 448 : i32
    %add3A_60 = arith.addi %mul3A_2, %add3A_59 : i32
    "tpu.region"() ({
      %run_scoped3A_200 = tpu.sem_alloc : memref<!tpu.dma_semaphore, #tpu.memory_space<semaphore_mem>>
      %dma_start3A_201 = arith.constant 0 : i32
      %dma_start3A_202 = tpu.memref_slice %arg10[%add3A_60, %dma_start3A_201] : memref<10016x128xf32, #tpu.memory_space<vmem_shared>> -> memref<32x128xf32, #tpu.memory_space<vmem_shared>>
      %dma_start3A_203 = arith.constant 0 : i32
      %dma_start3A_204 = tpu.memref_slice %arg10[%add3A_60, %dma_start3A_203] : memref<10016x128xf32, #tpu.memory_space<vmem_shared>> -> memref<32x128xf32, #tpu.memory_space<vmem_shared>>
      tpu.enqueue_dma source(%arg13 : memref<32x128xf32, #tpu.memory_space<vmem>>) target(%dma_start3A_204 : memref<32x128xf32, #tpu.memory_space<vmem_shared>>) target_semaphore(%run_scoped3A_200 : memref<!tpu.dma_semaphore, #tpu.memory_space<semaphore_mem>>)
      %dma_wait3A_205 = arith.constant 0 : i32
      %dma_wait3A_206 = tpu.memref_slice %arg10[%add3A_60, %dma_wait3A_205] : memref<10016x128xf32, #tpu.memory_space<vmem_shared>> -> memref<32x128xf32, #tpu.memory_space<vmem_shared>>
      %dma_wait3A_207 = arith.constant 0 : i32
      %dma_wait3A_208 = tpu.memref_slice %arg10[%add3A_60, %dma_wait3A_207] : memref<10016x128xf32, #tpu.memory_space<vmem_shared>> -> memref<32x128xf32, #tpu.memory_space<vmem_shared>>
      tpu.wait_dma2 semaphore(%run_scoped3A_200 : memref<!tpu.dma_semaphore, #tpu.memory_space<semaphore_mem>>) src(%arg13 : memref<32x128xf32, #tpu.memory_space<vmem>>) dst(%dma_wait3A_208 : memref<32x128xf32, #tpu.memory_space<vmem_shared>>)
      tpu.yield
    }) : () -> ()
    %add3A_61 = arith.constant 448 : i32
    %add3A_62 = arith.addi %mul3A_2, %add3A_61 : i32
    "tpu.region"() ({
      %run_scoped3A_200 = tpu.sem_alloc : memref<!tpu.dma_semaphore, #tpu.memory_space<semaphore_mem>>
      %dma_start3A_201 = arith.constant 0 : i32
      %dma_start3A_202 = tpu.memref_slice %arg22[%add3A_62, %dma_start3A_201] : memref<10016x8xf32, #tpu.memory_space<vmem_shared>> -> memref<32x8xf32, #tpu.memory_space<vmem_shared>>
      %dma_start3A_203 = arith.constant 0 : i32
      %dma_start3A_204 = tpu.memref_slice %arg22[%add3A_62, %dma_start3A_203] : memref<10016x8xf32, #tpu.memory_space<vmem_shared>> -> memref<32x8xf32, #tpu.memory_space<vmem_shared>>
      tpu.enqueue_dma source(%arg24 : memref<32x8xf32, #tpu.memory_space<vmem>>) target(%dma_start3A_204 : memref<32x8xf32, #tpu.memory_space<vmem_shared>>) target_semaphore(%run_scoped3A_200 : memref<!tpu.dma_semaphore, #tpu.memory_space<semaphore_mem>>)
      %dma_wait3A_205 = arith.constant 0 : i32
      %dma_wait3A_206 = tpu.memref_slice %arg22[%add3A_62, %dma_wait3A_205] : memref<10016x8xf32, #tpu.memory_space<vmem_shared>> -> memref<32x8xf32, #tpu.memory_space<vmem_shared>>
      %dma_wait3A_207 = arith.constant 0 : i32
      %dma_wait3A_208 = tpu.memref_slice %arg22[%add3A_62, %dma_wait3A_207] : memref<10016x8xf32, #tpu.memory_space<vmem_shared>> -> memref<32x8xf32, #tpu.memory_space<vmem_shared>>
      tpu.wait_dma2 semaphore(%run_scoped3A_200 : memref<!tpu.dma_semaphore, #tpu.memory_space<semaphore_mem>>) src(%arg24 : memref<32x8xf32, #tpu.memory_space<vmem>>) dst(%dma_wait3A_208 : memref<32x8xf32, #tpu.memory_space<vmem_shared>>)
      tpu.yield
    }) : () -> ()
    %add3A_63 = arith.constant 480 : i32
    %add3A_64 = arith.addi %mul3A_2, %add3A_63 : i32
    "tpu.region"() ({
      %run_scoped3A_200 = tpu.sem_alloc : memref<!tpu.dma_semaphore, #tpu.memory_space<semaphore_mem>>
      %dma_start3A_201 = arith.constant 0 : i32
      %dma_start3A_202 = tpu.memref_slice %arg10[%add3A_64, %dma_start3A_201] : memref<10016x128xf32, #tpu.memory_space<vmem_shared>> -> memref<32x128xf32, #tpu.memory_space<vmem_shared>>
      %dma_start3A_203 = arith.constant 0 : i32
      %dma_start3A_204 = tpu.memref_slice %arg10[%add3A_64, %dma_start3A_203] : memref<10016x128xf32, #tpu.memory_space<vmem_shared>> -> memref<32x128xf32, #tpu.memory_space<vmem_shared>>
      tpu.enqueue_dma source(%arg13 : memref<32x128xf32, #tpu.memory_space<vmem>>) target(%dma_start3A_204 : memref<32x128xf32, #tpu.memory_space<vmem_shared>>) target_semaphore(%run_scoped3A_200 : memref<!tpu.dma_semaphore, #tpu.memory_space<semaphore_mem>>)
      %dma_wait3A_205 = arith.constant 0 : i32
      %dma_wait3A_206 = tpu.memref_slice %arg10[%add3A_64, %dma_wait3A_205] : memref<10016x128xf32, #tpu.memory_space<vmem_shared>> -> memref<32x128xf32, #tpu.memory_space<vmem_shared>>
      %dma_wait3A_207 = arith.constant 0 : i32
      %dma_wait3A_208 = tpu.memref_slice %arg10[%add3A_64, %dma_wait3A_207] : memref<10016x128xf32, #tpu.memory_space<vmem_shared>> -> memref<32x128xf32, #tpu.memory_space<vmem_shared>>
      tpu.wait_dma2 semaphore(%run_scoped3A_200 : memref<!tpu.dma_semaphore, #tpu.memory_space<semaphore_mem>>) src(%arg13 : memref<32x128xf32, #tpu.memory_space<vmem>>) dst(%dma_wait3A_208 : memref<32x128xf32, #tpu.memory_space<vmem_shared>>)
      tpu.yield
    }) : () -> ()
    %add3A_65 = arith.constant 480 : i32
    %add3A_66 = arith.addi %mul3A_2, %add3A_65 : i32
    "tpu.region"() ({
      %run_scoped3A_200 = tpu.sem_alloc : memref<!tpu.dma_semaphore, #tpu.memory_space<semaphore_mem>>
      %dma_start3A_201 = arith.constant 0 : i32
      %dma_start3A_202 = tpu.memref_slice %arg22[%add3A_66, %dma_start3A_201] : memref<10016x8xf32, #tpu.memory_space<vmem_shared>> -> memref<32x8xf32, #tpu.memory_space<vmem_shared>>
      %dma_start3A_203 = arith.constant 0 : i32
      %dma_start3A_204 = tpu.memref_slice %arg22[%add3A_66, %dma_start3A_203] : memref<10016x8xf32, #tpu.memory_space<vmem_shared>> -> memref<32x8xf32, #tpu.memory_space<vmem_shared>>
      tpu.enqueue_dma source(%arg24 : memref<32x8xf32, #tpu.memory_space<vmem>>) target(%dma_start3A_204 : memref<32x8xf32, #tpu.memory_space<vmem_shared>>) target_semaphore(%run_scoped3A_200 : memref<!tpu.dma_semaphore, #tpu.memory_space<semaphore_mem>>)
      %dma_wait3A_205 = arith.constant 0 : i32
      %dma_wait3A_206 = tpu.memref_slice %arg22[%add3A_66, %dma_wait3A_205] : memref<10016x8xf32, #tpu.memory_space<vmem_shared>> -> memref<32x8xf32, #tpu.memory_space<vmem_shared>>
      %dma_wait3A_207 = arith.constant 0 : i32
      %dma_wait3A_208 = tpu.memref_slice %arg22[%add3A_66, %dma_wait3A_207] : memref<10016x8xf32, #tpu.memory_space<vmem_shared>> -> memref<32x8xf32, #tpu.memory_space<vmem_shared>>
      tpu.wait_dma2 semaphore(%run_scoped3A_200 : memref<!tpu.dma_semaphore, #tpu.memory_space<semaphore_mem>>) src(%arg24 : memref<32x8xf32, #tpu.memory_space<vmem>>) dst(%dma_wait3A_208 : memref<32x8xf32, #tpu.memory_space<vmem_shared>>)
      tpu.yield
    }) : () -> ()
    %add3A_67 = arith.constant 512 : i32
    %add3A_68 = arith.addi %mul3A_2, %add3A_67 : i32
    "tpu.region"() ({
      %run_scoped3A_200 = tpu.sem_alloc : memref<!tpu.dma_semaphore, #tpu.memory_space<semaphore_mem>>
      %dma_start3A_201 = arith.constant 0 : i32
      %dma_start3A_202 = tpu.memref_slice %arg10[%add3A_68, %dma_start3A_201] : memref<10016x128xf32, #tpu.memory_space<vmem_shared>> -> memref<32x128xf32, #tpu.memory_space<vmem_shared>>
      %dma_start3A_203 = arith.constant 0 : i32
      %dma_start3A_204 = tpu.memref_slice %arg10[%add3A_68, %dma_start3A_203] : memref<10016x128xf32, #tpu.memory_space<vmem_shared>> -> memref<32x128xf32, #tpu.memory_space<vmem_shared>>
      tpu.enqueue_dma source(%arg13 : memref<32x128xf32, #tpu.memory_space<vmem>>) target(%dma_start3A_204 : memref<32x128xf32, #tpu.memory_space<vmem_shared>>) target_semaphore(%run_scoped3A_200 : memref<!tpu.dma_semaphore, #tpu.memory_space<semaphore_mem>>)
      %dma_wait3A_205 = arith.constant 0 : i32
      %dma_wait3A_206 = tpu.memref_slice %arg10[%add3A_68, %dma_wait3A_205] : memref<10016x128xf32, #tpu.memory_space<vmem_shared>> -> memref<32x128xf32, #tpu.memory_space<vmem_shared>>
      %dma_wait3A_207 = arith.constant 0 : i32
      %dma_wait3A_208 = tpu.memref_slice %arg10[%add3A_68, %dma_wait3A_207] : memref<10016x128xf32, #tpu.memory_space<vmem_shared>> -> memref<32x128xf32, #tpu.memory_space<vmem_shared>>
      tpu.wait_dma2 semaphore(%run_scoped3A_200 : memref<!tpu.dma_semaphore, #tpu.memory_space<semaphore_mem>>) src(%arg13 : memref<32x128xf32, #tpu.memory_space<vmem>>) dst(%dma_wait3A_208 : memref<32x128xf32, #tpu.memory_space<vmem_shared>>)
      tpu.yield
    }) : () -> ()
    %add3A_69 = arith.constant 512 : i32
    %add3A_70 = arith.addi %mul3A_2, %add3A_69 : i32
    "tpu.region"() ({
      %run_scoped3A_200 = tpu.sem_alloc : memref<!tpu.dma_semaphore, #tpu.memory_space<semaphore_mem>>
      %dma_start3A_201 = arith.constant 0 : i32
      %dma_start3A_202 = tpu.memref_slice %arg22[%add3A_70, %dma_start3A_201] : memref<10016x8xf32, #tpu.memory_space<vmem_shared>> -> memref<32x8xf32, #tpu.memory_space<vmem_shared>>
      %dma_start3A_203 = arith.constant 0 : i32
      %dma_start3A_204 = tpu.memref_slice %arg22[%add3A_70, %dma_start3A_203] : memref<10016x8xf32, #tpu.memory_space<vmem_shared>> -> memref<32x8xf32, #tpu.memory_space<vmem_shared>>
      tpu.enqueue_dma source(%arg24 : memref<32x8xf32, #tpu.memory_space<vmem>>) target(%dma_start3A_204 : memref<32x8xf32, #tpu.memory_space<vmem_shared>>) target_semaphore(%run_scoped3A_200 : memref<!tpu.dma_semaphore, #tpu.memory_space<semaphore_mem>>)
      %dma_wait3A_205 = arith.constant 0 : i32
      %dma_wait3A_206 = tpu.memref_slice %arg22[%add3A_70, %dma_wait3A_205] : memref<10016x8xf32, #tpu.memory_space<vmem_shared>> -> memref<32x8xf32, #tpu.memory_space<vmem_shared>>
      %dma_wait3A_207 = arith.constant 0 : i32
      %dma_wait3A_208 = tpu.memref_slice %arg22[%add3A_70, %dma_wait3A_207] : memref<10016x8xf32, #tpu.memory_space<vmem_shared>> -> memref<32x8xf32, #tpu.memory_space<vmem_shared>>
      tpu.wait_dma2 semaphore(%run_scoped3A_200 : memref<!tpu.dma_semaphore, #tpu.memory_space<semaphore_mem>>) src(%arg24 : memref<32x8xf32, #tpu.memory_space<vmem>>) dst(%dma_wait3A_208 : memref<32x8xf32, #tpu.memory_space<vmem_shared>>)
      tpu.yield
    }) : () -> ()
    %add3A_71 = arith.constant 544 : i32
    %add3A_72 = arith.addi %mul3A_2, %add3A_71 : i32
    "tpu.region"() ({
      %run_scoped3A_200 = tpu.sem_alloc : memref<!tpu.dma_semaphore, #tpu.memory_space<semaphore_mem>>
      %dma_start3A_201 = arith.constant 0 : i32
      %dma_start3A_202 = tpu.memref_slice %arg10[%add3A_72, %dma_start3A_201] : memref<10016x128xf32, #tpu.memory_space<vmem_shared>> -> memref<32x128xf32, #tpu.memory_space<vmem_shared>>
      %dma_start3A_203 = arith.constant 0 : i32
      %dma_start3A_204 = tpu.memref_slice %arg10[%add3A_72, %dma_start3A_203] : memref<10016x128xf32, #tpu.memory_space<vmem_shared>> -> memref<32x128xf32, #tpu.memory_space<vmem_shared>>
      tpu.enqueue_dma source(%arg13 : memref<32x128xf32, #tpu.memory_space<vmem>>) target(%dma_start3A_204 : memref<32x128xf32, #tpu.memory_space<vmem_shared>>) target_semaphore(%run_scoped3A_200 : memref<!tpu.dma_semaphore, #tpu.memory_space<semaphore_mem>>)
      %dma_wait3A_205 = arith.constant 0 : i32
      %dma_wait3A_206 = tpu.memref_slice %arg10[%add3A_72, %dma_wait3A_205] : memref<10016x128xf32, #tpu.memory_space<vmem_shared>> -> memref<32x128xf32, #tpu.memory_space<vmem_shared>>
      %dma_wait3A_207 = arith.constant 0 : i32
      %dma_wait3A_208 = tpu.memref_slice %arg10[%add3A_72, %dma_wait3A_207] : memref<10016x128xf32, #tpu.memory_space<vmem_shared>> -> memref<32x128xf32, #tpu.memory_space<vmem_shared>>
      tpu.wait_dma2 semaphore(%run_scoped3A_200 : memref<!tpu.dma_semaphore, #tpu.memory_space<semaphore_mem>>) src(%arg13 : memref<32x128xf32, #tpu.memory_space<vmem>>) dst(%dma_wait3A_208 : memref<32x128xf32, #tpu.memory_space<vmem_shared>>)
      tpu.yield
    }) : () -> ()
    %add3A_73 = arith.constant 544 : i32
    %add3A_74 = arith.addi %mul3A_2, %add3A_73 : i32
    "tpu.region"() ({
      %run_scoped3A_200 = tpu.sem_alloc : memref<!tpu.dma_semaphore, #tpu.memory_space<semaphore_mem>>
      %dma_start3A_201 = arith.constant 0 : i32
      %dma_start3A_202 = tpu.memref_slice %arg22[%add3A_74, %dma_start3A_201] : memref<10016x8xf32, #tpu.memory_space<vmem_shared>> -> memref<32x8xf32, #tpu.memory_space<vmem_shared>>
      %dma_start3A_203 = arith.constant 0 : i32
      %dma_start3A_204 = tpu.memref_slice %arg22[%add3A_74, %dma_start3A_203] : memref<10016x8xf32, #tpu.memory_space<vmem_shared>> -> memref<32x8xf32, #tpu.memory_space<vmem_shared>>
      tpu.enqueue_dma source(%arg24 : memref<32x8xf32, #tpu.memory_space<vmem>>) target(%dma_start3A_204 : memref<32x8xf32, #tpu.memory_space<vmem_shared>>) target_semaphore(%run_scoped3A_200 : memref<!tpu.dma_semaphore, #tpu.memory_space<semaphore_mem>>)
      %dma_wait3A_205 = arith.constant 0 : i32
      %dma_wait3A_206 = tpu.memref_slice %arg22[%add3A_74, %dma_wait3A_205] : memref<10016x8xf32, #tpu.memory_space<vmem_shared>> -> memref<32x8xf32, #tpu.memory_space<vmem_shared>>
      %dma_wait3A_207 = arith.constant 0 : i32
      %dma_wait3A_208 = tpu.memref_slice %arg22[%add3A_74, %dma_wait3A_207] : memref<10016x8xf32, #tpu.memory_space<vmem_shared>> -> memref<32x8xf32, #tpu.memory_space<vmem_shared>>
      tpu.wait_dma2 semaphore(%run_scoped3A_200 : memref<!tpu.dma_semaphore, #tpu.memory_space<semaphore_mem>>) src(%arg24 : memref<32x8xf32, #tpu.memory_space<vmem>>) dst(%dma_wait3A_208 : memref<32x8xf32, #tpu.memory_space<vmem_shared>>)
      tpu.yield
    }) : () -> ()
    %add3A_75 = arith.constant 576 : i32
    %add3A_76 = arith.addi %mul3A_2, %add3A_75 : i32
    "tpu.region"() ({
      %run_scoped3A_200 = tpu.sem_alloc : memref<!tpu.dma_semaphore, #tpu.memory_space<semaphore_mem>>
      %dma_start3A_201 = arith.constant 0 : i32
      %dma_start3A_202 = tpu.memref_slice %arg10[%add3A_76, %dma_start3A_201] : memref<10016x128xf32, #tpu.memory_space<vmem_shared>> -> memref<32x128xf32, #tpu.memory_space<vmem_shared>>
      %dma_start3A_203 = arith.constant 0 : i32
      %dma_start3A_204 = tpu.memref_slice %arg10[%add3A_76, %dma_start3A_203] : memref<10016x128xf32, #tpu.memory_space<vmem_shared>> -> memref<32x128xf32, #tpu.memory_space<vmem_shared>>
      tpu.enqueue_dma source(%arg13 : memref<32x128xf32, #tpu.memory_space<vmem>>) target(%dma_start3A_204 : memref<32x128xf32, #tpu.memory_space<vmem_shared>>) target_semaphore(%run_scoped3A_200 : memref<!tpu.dma_semaphore, #tpu.memory_space<semaphore_mem>>)
      %dma_wait3A_205 = arith.constant 0 : i32
      %dma_wait3A_206 = tpu.memref_slice %arg10[%add3A_76, %dma_wait3A_205] : memref<10016x128xf32, #tpu.memory_space<vmem_shared>> -> memref<32x128xf32, #tpu.memory_space<vmem_shared>>
      %dma_wait3A_207 = arith.constant 0 : i32
      %dma_wait3A_208 = tpu.memref_slice %arg10[%add3A_76, %dma_wait3A_207] : memref<10016x128xf32, #tpu.memory_space<vmem_shared>> -> memref<32x128xf32, #tpu.memory_space<vmem_shared>>
      tpu.wait_dma2 semaphore(%run_scoped3A_200 : memref<!tpu.dma_semaphore, #tpu.memory_space<semaphore_mem>>) src(%arg13 : memref<32x128xf32, #tpu.memory_space<vmem>>) dst(%dma_wait3A_208 : memref<32x128xf32, #tpu.memory_space<vmem_shared>>)
      tpu.yield
    }) : () -> ()
    %add3A_77 = arith.constant 576 : i32
    %add3A_78 = arith.addi %mul3A_2, %add3A_77 : i32
    "tpu.region"() ({
      %run_scoped3A_200 = tpu.sem_alloc : memref<!tpu.dma_semaphore, #tpu.memory_space<semaphore_mem>>
      %dma_start3A_201 = arith.constant 0 : i32
      %dma_start3A_202 = tpu.memref_slice %arg22[%add3A_78, %dma_start3A_201] : memref<10016x8xf32, #tpu.memory_space<vmem_shared>> -> memref<32x8xf32, #tpu.memory_space<vmem_shared>>
      %dma_start3A_203 = arith.constant 0 : i32
      %dma_start3A_204 = tpu.memref_slice %arg22[%add3A_78, %dma_start3A_203] : memref<10016x8xf32, #tpu.memory_space<vmem_shared>> -> memref<32x8xf32, #tpu.memory_space<vmem_shared>>
      tpu.enqueue_dma source(%arg24 : memref<32x8xf32, #tpu.memory_space<vmem>>) target(%dma_start3A_204 : memref<32x8xf32, #tpu.memory_space<vmem_shared>>) target_semaphore(%run_scoped3A_200 : memref<!tpu.dma_semaphore, #tpu.memory_space<semaphore_mem>>)
      %dma_wait3A_205 = arith.constant 0 : i32
      %dma_wait3A_206 = tpu.memref_slice %arg22[%add3A_78, %dma_wait3A_205] : memref<10016x8xf32, #tpu.memory_space<vmem_shared>> -> memref<32x8xf32, #tpu.memory_space<vmem_shared>>
      %dma_wait3A_207 = arith.constant 0 : i32
      %dma_wait3A_208 = tpu.memref_slice %arg22[%add3A_78, %dma_wait3A_207] : memref<10016x8xf32, #tpu.memory_space<vmem_shared>> -> memref<32x8xf32, #tpu.memory_space<vmem_shared>>
      tpu.wait_dma2 semaphore(%run_scoped3A_200 : memref<!tpu.dma_semaphore, #tpu.memory_space<semaphore_mem>>) src(%arg24 : memref<32x8xf32, #tpu.memory_space<vmem>>) dst(%dma_wait3A_208 : memref<32x8xf32, #tpu.memory_space<vmem_shared>>)
      tpu.yield
    }) : () -> ()
    %add3A_79 = arith.constant 608 : i32
    %add3A_80 = arith.addi %mul3A_2, %add3A_79 : i32
    "tpu.region"() ({
      %run_scoped3A_200 = tpu.sem_alloc : memref<!tpu.dma_semaphore, #tpu.memory_space<semaphore_mem>>
      %dma_start3A_201 = arith.constant 0 : i32
      %dma_start3A_202 = arith.constant 0 : i32
      %dma_start3A_203 = tpu.memref_slice %arg13[%dma_start3A_201, %dma_start3A_202] : memref<32x128xf32, #tpu.memory_space<vmem>> -> memref<18x128xf32, #tpu.memory_space<vmem>>
      %dma_start3A_204 = arith.constant 0 : i32
      %dma_start3A_205 = tpu.memref_slice %arg10[%add3A_80, %dma_start3A_204] : memref<10016x128xf32, #tpu.memory_space<vmem_shared>> -> memref<18x128xf32, #tpu.memory_space<vmem_shared>>
      %dma_start3A_206 = arith.constant 0 : i32
      %dma_start3A_207 = tpu.memref_slice %arg10[%add3A_80, %dma_start3A_206] : memref<10016x128xf32, #tpu.memory_space<vmem_shared>> -> memref<18x128xf32, #tpu.memory_space<vmem_shared>>
      %dma_start3A_208 = arith.constant 0 : i32
      %dma_start3A_209 = arith.constant 0 : i32
      %dma_start3A_210 = tpu.memref_slice %arg13[%dma_start3A_208, %dma_start3A_209] : memref<32x128xf32, #tpu.memory_space<vmem>> -> memref<18x128xf32, #tpu.memory_space<vmem>>
      tpu.enqueue_dma source(%dma_start3A_210 : memref<18x128xf32, #tpu.memory_space<vmem>>) target(%dma_start3A_207 : memref<18x128xf32, #tpu.memory_space<vmem_shared>>) target_semaphore(%run_scoped3A_200 : memref<!tpu.dma_semaphore, #tpu.memory_space<semaphore_mem>>)
      %dma_wait3A_211 = arith.constant 0 : i32
      %dma_wait3A_212 = arith.constant 0 : i32
      %dma_wait3A_213 = tpu.memref_slice %arg13[%dma_wait3A_211, %dma_wait3A_212] : memref<32x128xf32, #tpu.memory_space<vmem>> -> memref<18x128xf32, #tpu.memory_space<vmem>>
      %dma_wait3A_214 = arith.constant 0 : i32
      %dma_wait3A_215 = tpu.memref_slice %arg10[%add3A_80, %dma_wait3A_214] : memref<10016x128xf32, #tpu.memory_space<vmem_shared>> -> memref<18x128xf32, #tpu.memory_space<vmem_shared>>
      %dma_wait3A_216 = arith.constant 0 : i32
      %dma_wait3A_217 = tpu.memref_slice %arg10[%add3A_80, %dma_wait3A_216] : memref<10016x128xf32, #tpu.memory_space<vmem_shared>> -> memref<18x128xf32, #tpu.memory_space<vmem_shared>>
      %dma_wait3A_218 = arith.constant 0 : i32
      %dma_wait3A_219 = arith.constant 0 : i32
      %dma_wait3A_220 = tpu.memref_slice %arg13[%dma_wait3A_218, %dma_wait3A_219] : memref<32x128xf32, #tpu.memory_space<vmem>> -> memref<18x128xf32, #tpu.memory_space<vmem>>
      tpu.wait_dma2 semaphore(%run_scoped3A_200 : memref<!tpu.dma_semaphore, #tpu.memory_space<semaphore_mem>>) src(%dma_wait3A_220 : memref<18x128xf32, #tpu.memory_space<vmem>>) dst(%dma_wait3A_217 : memref<18x128xf32, #tpu.memory_space<vmem_shared>>)
      tpu.yield
    }) : () -> ()
    "tpu.region"() ({
      %run_scoped3A_200 = tpu.sem_alloc : memref<!tpu.dma_semaphore, #tpu.memory_space<semaphore_mem>>
      %dma_start3A_201 = arith.constant 0 : i32
      %dma_start3A_202 = arith.constant 0 : i32
      %dma_start3A_203 = tpu.memref_slice %arg24[%dma_start3A_201, %dma_start3A_202] : memref<32x8xf32, #tpu.memory_space<vmem>> -> memref<18x8xf32, #tpu.memory_space<vmem>>
      %dma_start3A_204 = arith.constant 0 : i32
      %dma_start3A_205 = tpu.memref_slice %arg22[%add3A_80, %dma_start3A_204] : memref<10016x8xf32, #tpu.memory_space<vmem_shared>> -> memref<18x8xf32, #tpu.memory_space<vmem_shared>>
      %dma_start3A_206 = arith.constant 0 : i32
      %dma_start3A_207 = tpu.memref_slice %arg22[%add3A_80, %dma_start3A_206] : memref<10016x8xf32, #tpu.memory_space<vmem_shared>> -> memref<18x8xf32, #tpu.memory_space<vmem_shared>>
      %dma_start3A_208 = arith.constant 0 : i32
      %dma_start3A_209 = arith.constant 0 : i32
      %dma_start3A_210 = tpu.memref_slice %arg24[%dma_start3A_208, %dma_start3A_209] : memref<32x8xf32, #tpu.memory_space<vmem>> -> memref<18x8xf32, #tpu.memory_space<vmem>>
      tpu.enqueue_dma source(%dma_start3A_210 : memref<18x8xf32, #tpu.memory_space<vmem>>) target(%dma_start3A_207 : memref<18x8xf32, #tpu.memory_space<vmem_shared>>) target_semaphore(%run_scoped3A_200 : memref<!tpu.dma_semaphore, #tpu.memory_space<semaphore_mem>>)
      %dma_wait3A_211 = arith.constant 0 : i32
      %dma_wait3A_212 = arith.constant 0 : i32
      %dma_wait3A_213 = tpu.memref_slice %arg24[%dma_wait3A_211, %dma_wait3A_212] : memref<32x8xf32, #tpu.memory_space<vmem>> -> memref<18x8xf32, #tpu.memory_space<vmem>>
      %dma_wait3A_214 = arith.constant 0 : i32
      %dma_wait3A_215 = tpu.memref_slice %arg22[%add3A_80, %dma_wait3A_214] : memref<10016x8xf32, #tpu.memory_space<vmem_shared>> -> memref<18x8xf32, #tpu.memory_space<vmem_shared>>
      %dma_wait3A_216 = arith.constant 0 : i32
      %dma_wait3A_217 = tpu.memref_slice %arg22[%add3A_80, %dma_wait3A_216] : memref<10016x8xf32, #tpu.memory_space<vmem_shared>> -> memref<18x8xf32, #tpu.memory_space<vmem_shared>>
      %dma_wait3A_218 = arith.constant 0 : i32
      %dma_wait3A_219 = arith.constant 0 : i32
      %dma_wait3A_220 = tpu.memref_slice %arg24[%dma_wait3A_218, %dma_wait3A_219] : memref<32x8xf32, #tpu.memory_space<vmem>> -> memref<18x8xf32, #tpu.memory_space<vmem>>
      tpu.wait_dma2 semaphore(%run_scoped3A_200 : memref<!tpu.dma_semaphore, #tpu.memory_space<semaphore_mem>>) src(%dma_wait3A_220 : memref<18x8xf32, #tpu.memory_space<vmem>>) dst(%dma_wait3A_217 : memref<18x8xf32, #tpu.memory_space<vmem_shared>>)
      tpu.yield
    }) : () -> ()
    %barrier3A = arith.constant 0 : index
    tpu.barrier barrier_id(%barrier3A)
    %dma_start3A = arith.constant 0 : i32
    %dma_start3A_81 = arith.constant 0 : i32
    %dma_start3A_82 = tpu.memref_slice %arg11[%dma_start3A, %dma_start3A_81] : memref<316x32xi32, #tpu.memory_space<vmem>> -> memref<1x32xi32, #tpu.memory_space<vmem>>
    %dma_start3A_83 = tpu.memref_squeeze %dma_start3A_82 : memref<1x32xi32, #tpu.memory_space<vmem>> -> memref<32xi32, #tpu.memory_space<vmem>>
    %dma_start3A_84 = arith.constant 0 : i32
    %dma_start3A_85 = arith.constant 0 : i32
    %dma_start3A_86 = tpu.memref_slice %arg2[%dma_start3A_84, %dma_start3A_85] : memref<10000x128xf32, #tpu.memory_space<hbm>> -> memref<10000x128xf32, #tpu.memory_space<hbm>>
    tpu.enqueue_indirect_dma source(%dma_start3A_86 : memref<10000x128xf32, #tpu.memory_space<hbm>>) target(%arg13 : memref<32x128xf32, #tpu.memory_space<vmem>>) offsets(%dma_start3A_83 : memref<32xi32, #tpu.memory_space<vmem>>) semaphore(%arg17 : memref<!tpu.dma_semaphore, #tpu.memory_space<semaphore_mem>>)
    %dma_start3A_87 = arith.constant 1 : i32
    %dma_start3A_88 = arith.constant 0 : i32
    %dma_start3A_89 = tpu.memref_slice %arg11[%dma_start3A_87, %dma_start3A_88] : memref<316x32xi32, #tpu.memory_space<vmem>> -> memref<1x32xi32, #tpu.memory_space<vmem>>
    %dma_start3A_90 = tpu.memref_squeeze %dma_start3A_89 : memref<1x32xi32, #tpu.memory_space<vmem>> -> memref<32xi32, #tpu.memory_space<vmem>>
    %dma_start3A_91 = arith.constant 0 : i32
    %dma_start3A_92 = arith.constant 0 : i32
    %dma_start3A_93 = tpu.memref_slice %arg2[%dma_start3A_91, %dma_start3A_92] : memref<10000x128xf32, #tpu.memory_space<hbm>> -> memref<10000x128xf32, #tpu.memory_space<hbm>>
    tpu.enqueue_indirect_dma source(%dma_start3A_93 : memref<10000x128xf32, #tpu.memory_space<hbm>>) target(%arg14 : memref<32x128xf32, #tpu.memory_space<vmem>>) offsets(%dma_start3A_90 : memref<32xi32, #tpu.memory_space<vmem>>) semaphore(%arg18 : memref<!tpu.dma_semaphore, #tpu.memory_space<semaphore_mem>>)
    %dma_start3A_94 = arith.constant 2 : i32
    %dma_start3A_95 = arith.constant 0 : i32
    %dma_start3A_96 = tpu.memref_slice %arg11[%dma_start3A_94, %dma_start3A_95] : memref<316x32xi32, #tpu.memory_space<vmem>> -> memref<1x32xi32, #tpu.memory_space<vmem>>
    %dma_start3A_97 = tpu.memref_squeeze %dma_start3A_96 : memref<1x32xi32, #tpu.memory_space<vmem>> -> memref<32xi32, #tpu.memory_space<vmem>>
    %dma_start3A_98 = arith.constant 0 : i32
    %dma_start3A_99 = arith.constant 0 : i32
    %dma_start3A_100 = tpu.memref_slice %arg2[%dma_start3A_98, %dma_start3A_99] : memref<10000x128xf32, #tpu.memory_space<hbm>> -> memref<10000x128xf32, #tpu.memory_space<hbm>>
    tpu.enqueue_indirect_dma source(%dma_start3A_100 : memref<10000x128xf32, #tpu.memory_space<hbm>>) target(%arg15 : memref<32x128xf32, #tpu.memory_space<vmem>>) offsets(%dma_start3A_97 : memref<32xi32, #tpu.memory_space<vmem>>) semaphore(%arg19 : memref<!tpu.dma_semaphore, #tpu.memory_space<semaphore_mem>>)
    %dma_start3A_101 = arith.constant 3 : i32
    %dma_start3A_102 = arith.constant 0 : i32
    %dma_start3A_103 = tpu.memref_slice %arg11[%dma_start3A_101, %dma_start3A_102] : memref<316x32xi32, #tpu.memory_space<vmem>> -> memref<1x32xi32, #tpu.memory_space<vmem>>
    %dma_start3A_104 = tpu.memref_squeeze %dma_start3A_103 : memref<1x32xi32, #tpu.memory_space<vmem>> -> memref<32xi32, #tpu.memory_space<vmem>>
    %dma_start3A_105 = arith.constant 0 : i32
    %dma_start3A_106 = arith.constant 0 : i32
    %dma_start3A_107 = tpu.memref_slice %arg2[%dma_start3A_105, %dma_start3A_106] : memref<10000x128xf32, #tpu.memory_space<hbm>> -> memref<10000x128xf32, #tpu.memory_space<hbm>>
    tpu.enqueue_indirect_dma source(%dma_start3A_107 : memref<10000x128xf32, #tpu.memory_space<hbm>>) target(%arg16 : memref<32x128xf32, #tpu.memory_space<vmem>>) offsets(%dma_start3A_104 : memref<32xi32, #tpu.memory_space<vmem>>) semaphore(%arg20 : memref<!tpu.dma_semaphore, #tpu.memory_space<semaphore_mem>>)
    %scan3A = arith.constant 0 : i32
    %scan3A_108 = arith.constant 0 : i32
    %scan3A_109 = arith.constant 78 : i32
    %scan3A_110 = arith.addi %scan3A_108, %scan3A_109 : i32
    %scan3A_111 = arith.constant 1 : i32
    scf.for %scan3A_200 = %scan3A_108 to %scan3A_110 step %scan3A_111  : i32 {
      %mul3A_201 = arith.constant 4 : i32
      %mul3A_202 = arith.muli %scan3A_200, %mul3A_201 : i32
      %add3A_203 = arith.constant 0 : i32
      %add3A_204 = arith.addi %mul3A_202, %add3A_203 : i32
      %dma_wait3A_205 = arith.constant 0 : i32
      %dma_wait3A_206 = tpu.memref_slice %arg11[%add3A_204, %dma_wait3A_205] : memref<316x32xi32, #tpu.memory_space<vmem>> -> memref<1x32xi32, #tpu.memory_space<vmem>>
      %dma_wait3A_207 = tpu.memref_squeeze %dma_wait3A_206 : memref<1x32xi32, #tpu.memory_space<vmem>> -> memref<32xi32, #tpu.memory_space<vmem>>
      %dma_wait3A_208 = arith.constant 0 : i32
      %dma_wait3A_209 = arith.constant 0 : i32
      %dma_wait3A_210 = tpu.memref_slice %arg2[%dma_wait3A_208, %dma_wait3A_209] : memref<10000x128xf32, #tpu.memory_space<hbm>> -> memref<10000x128xf32, #tpu.memory_space<hbm>>
      tpu.wait_indirect_dma semaphore(%arg17 : memref<!tpu.dma_semaphore, #tpu.memory_space<semaphore_mem>>) src(%dma_wait3A_210 : memref<10000x128xf32, #tpu.memory_space<hbm>>) dst(%arg13 : memref<32x128xf32, #tpu.memory_space<vmem>>)
      %add3A_211 = arith.constant 0 : i32
      %add3A_212 = arith.addi %mul3A_202, %add3A_211 : i32
      %dma_start3A_213 = arith.constant 0 : i32
      %dma_start3A_214 = tpu.memref_slice %arg12[%add3A_212, %dma_start3A_213] : memref<316x32xi32, #tpu.memory_space<vmem>> -> memref<1x32xi32, #tpu.memory_space<vmem>>
      %dma_start3A_215 = tpu.memref_squeeze %dma_start3A_214 : memref<1x32xi32, #tpu.memory_space<vmem>> -> memref<32xi32, #tpu.memory_space<vmem>>
      %dma_start3A_216 = arith.constant 0 : i32
      %dma_start3A_217 = arith.constant 0 : i32
      %dma_start3A_218 = tpu.memref_slice %arg22[%dma_start3A_216, %dma_start3A_217] : memref<10016x8xf32, #tpu.memory_space<vmem_shared>> -> memref<10016x8xf32, #tpu.memory_space<vmem_shared>>
      tpu.enqueue_indirect_dma source(%arg23 : memref<32x8xf32, #tpu.memory_space<vmem>>) target(%dma_start3A_218 : memref<10016x8xf32, #tpu.memory_space<vmem_shared>>) offsets(%dma_start3A_215 : memref<32xi32, #tpu.memory_space<vmem>>) semaphore(%arg21 : memref<!tpu.dma_semaphore, #tpu.memory_space<semaphore_mem>>) {add = true}
      "tpu.region"() ({
        %run_scoped3A_331 = tpu.sem_alloc : memref<!tpu.dma_semaphore, #tpu.memory_space<semaphore_mem>>
        %dma_start3A_332 = arith.constant 0 : i32
        %dma_start3A_333 = tpu.memref_slice %arg12[%add3A_212, %dma_start3A_332] : memref<316x32xi32, #tpu.memory_space<vmem>> -> memref<1x32xi32, #tpu.memory_space<vmem>>
        %dma_start3A_334 = tpu.memref_squeeze %dma_start3A_333 : memref<1x32xi32, #tpu.memory_space<vmem>> -> memref<32xi32, #tpu.memory_space<vmem>>
        %dma_start3A_335 = arith.constant 0 : i32
        %dma_start3A_336 = arith.constant 0 : i32
        %dma_start3A_337 = tpu.memref_slice %arg10[%dma_start3A_335, %dma_start3A_336] : memref<10016x128xf32, #tpu.memory_space<vmem_shared>> -> memref<10016x128xf32, #tpu.memory_space<vmem_shared>>
        tpu.enqueue_indirect_dma source(%arg13 : memref<32x128xf32, #tpu.memory_space<vmem>>) target(%dma_start3A_337 : memref<10016x128xf32, #tpu.memory_space<vmem_shared>>) offsets(%dma_start3A_334 : memref<32xi32, #tpu.memory_space<vmem>>) semaphore(%run_scoped3A_331 : memref<!tpu.dma_semaphore, #tpu.memory_space<semaphore_mem>>) {add = true}
        %dma_wait3A_338 = arith.constant 0 : i32
        %dma_wait3A_339 = tpu.memref_slice %arg12[%add3A_212, %dma_wait3A_338] : memref<316x32xi32, #tpu.memory_space<vmem>> -> memref<1x32xi32, #tpu.memory_space<vmem>>
        %dma_wait3A_340 = tpu.memref_squeeze %dma_wait3A_339 : memref<1x32xi32, #tpu.memory_space<vmem>> -> memref<32xi32, #tpu.memory_space<vmem>>
        %dma_wait3A_341 = arith.constant 0 : i32
        %dma_wait3A_342 = arith.constant 0 : i32
        %dma_wait3A_343 = tpu.memref_slice %arg10[%dma_wait3A_341, %dma_wait3A_342] : memref<10016x128xf32, #tpu.memory_space<vmem_shared>> -> memref<10016x128xf32, #tpu.memory_space<vmem_shared>>
        tpu.wait_indirect_dma semaphore(%run_scoped3A_331 : memref<!tpu.dma_semaphore, #tpu.memory_space<semaphore_mem>>) src(%arg13 : memref<32x128xf32, #tpu.memory_space<vmem>>) dst(%dma_wait3A_343 : memref<10016x128xf32, #tpu.memory_space<vmem_shared>>)
        tpu.yield
      }) : () -> ()
      %dma_wait3A_219 = arith.constant 0 : i32
      %dma_wait3A_220 = tpu.memref_slice %arg12[%add3A_212, %dma_wait3A_219] : memref<316x32xi32, #tpu.memory_space<vmem>> -> memref<1x32xi32, #tpu.memory_space<vmem>>
      %dma_wait3A_221 = tpu.memref_squeeze %dma_wait3A_220 : memref<1x32xi32, #tpu.memory_space<vmem>> -> memref<32xi32, #tpu.memory_space<vmem>>
      %dma_wait3A_222 = arith.constant 0 : i32
      %dma_wait3A_223 = arith.constant 0 : i32
      %dma_wait3A_224 = tpu.memref_slice %arg22[%dma_wait3A_222, %dma_wait3A_223] : memref<10016x8xf32, #tpu.memory_space<vmem_shared>> -> memref<10016x8xf32, #tpu.memory_space<vmem_shared>>
      tpu.wait_indirect_dma semaphore(%arg21 : memref<!tpu.dma_semaphore, #tpu.memory_space<semaphore_mem>>) src(%arg23 : memref<32x8xf32, #tpu.memory_space<vmem>>) dst(%dma_wait3A_224 : memref<10016x8xf32, #tpu.memory_space<vmem_shared>>)
      %add3A_225 = arith.constant 0 : i32
      %add3A_226 = arith.addi %mul3A_202, %add3A_225 : i32
      %add3A_227 = arith.constant 4 : i32
      %add3A_228 = arith.addi %add3A_226, %add3A_227 : i32
      %dma_start3A_229 = arith.constant 0 : i32
      %dma_start3A_230 = tpu.memref_slice %arg11[%add3A_228, %dma_start3A_229] : memref<316x32xi32, #tpu.memory_space<vmem>> -> memref<1x32xi32, #tpu.memory_space<vmem>>
      %dma_start3A_231 = tpu.memref_squeeze %dma_start3A_230 : memref<1x32xi32, #tpu.memory_space<vmem>> -> memref<32xi32, #tpu.memory_space<vmem>>
      %dma_start3A_232 = arith.constant 0 : i32
      %dma_start3A_233 = arith.constant 0 : i32
      %dma_start3A_234 = tpu.memref_slice %arg2[%dma_start3A_232, %dma_start3A_233] : memref<10000x128xf32, #tpu.memory_space<hbm>> -> memref<10000x128xf32, #tpu.memory_space<hbm>>
      tpu.enqueue_indirect_dma source(%dma_start3A_234 : memref<10000x128xf32, #tpu.memory_space<hbm>>) target(%arg13 : memref<32x128xf32, #tpu.memory_space<vmem>>) offsets(%dma_start3A_231 : memref<32xi32, #tpu.memory_space<vmem>>) semaphore(%arg17 : memref<!tpu.dma_semaphore, #tpu.memory_space<semaphore_mem>>)
      %add3A_235 = arith.constant 1 : i32
      %add3A_236 = arith.addi %mul3A_202, %add3A_235 : i32
      %dma_wait3A_237 = arith.constant 0 : i32
      %dma_wait3A_238 = tpu.memref_slice %arg11[%add3A_236, %dma_wait3A_237] : memref<316x32xi32, #tpu.memory_space<vmem>> -> memref<1x32xi32, #tpu.memory_space<vmem>>
      %dma_wait3A_239 = tpu.memref_squeeze %dma_wait3A_238 : memref<1x32xi32, #tpu.memory_space<vmem>> -> memref<32xi32, #tpu.memory_space<vmem>>
      %dma_wait3A_240 = arith.constant 0 : i32
      %dma_wait3A_241 = arith.constant 0 : i32
      %dma_wait3A_242 = tpu.memref_slice %arg2[%dma_wait3A_240, %dma_wait3A_241] : memref<10000x128xf32, #tpu.memory_space<hbm>> -> memref<10000x128xf32, #tpu.memory_space<hbm>>
      tpu.wait_indirect_dma semaphore(%arg18 : memref<!tpu.dma_semaphore, #tpu.memory_space<semaphore_mem>>) src(%dma_wait3A_242 : memref<10000x128xf32, #tpu.memory_space<hbm>>) dst(%arg14 : memref<32x128xf32, #tpu.memory_space<vmem>>)
      %add3A_243 = arith.constant 1 : i32
      %add3A_244 = arith.addi %mul3A_202, %add3A_243 : i32
      %dma_start3A_245 = arith.constant 0 : i32
      %dma_start3A_246 = tpu.memref_slice %arg12[%add3A_244, %dma_start3A_245] : memref<316x32xi32, #tpu.memory_space<vmem>> -> memref<1x32xi32, #tpu.memory_space<vmem>>
      %dma_start3A_247 = tpu.memref_squeeze %dma_start3A_246 : memref<1x32xi32, #tpu.memory_space<vmem>> -> memref<32xi32, #tpu.memory_space<vmem>>
      %dma_start3A_248 = arith.constant 0 : i32
      %dma_start3A_249 = arith.constant 0 : i32
      %dma_start3A_250 = tpu.memref_slice %arg22[%dma_start3A_248, %dma_start3A_249] : memref<10016x8xf32, #tpu.memory_space<vmem_shared>> -> memref<10016x8xf32, #tpu.memory_space<vmem_shared>>
      tpu.enqueue_indirect_dma source(%arg23 : memref<32x8xf32, #tpu.memory_space<vmem>>) target(%dma_start3A_250 : memref<10016x8xf32, #tpu.memory_space<vmem_shared>>) offsets(%dma_start3A_247 : memref<32xi32, #tpu.memory_space<vmem>>) semaphore(%arg21 : memref<!tpu.dma_semaphore, #tpu.memory_space<semaphore_mem>>) {add = true}
      "tpu.region"() ({
        %run_scoped3A_331 = tpu.sem_alloc : memref<!tpu.dma_semaphore, #tpu.memory_space<semaphore_mem>>
        %dma_start3A_332 = arith.constant 0 : i32
        %dma_start3A_333 = tpu.memref_slice %arg12[%add3A_244, %dma_start3A_332] : memref<316x32xi32, #tpu.memory_space<vmem>> -> memref<1x32xi32, #tpu.memory_space<vmem>>
        %dma_start3A_334 = tpu.memref_squeeze %dma_start3A_333 : memref<1x32xi32, #tpu.memory_space<vmem>> -> memref<32xi32, #tpu.memory_space<vmem>>
        %dma_start3A_335 = arith.constant 0 : i32
        %dma_start3A_336 = arith.constant 0 : i32
        %dma_start3A_337 = tpu.memref_slice %arg10[%dma_start3A_335, %dma_start3A_336] : memref<10016x128xf32, #tpu.memory_space<vmem_shared>> -> memref<10016x128xf32, #tpu.memory_space<vmem_shared>>
        tpu.enqueue_indirect_dma source(%arg14 : memref<32x128xf32, #tpu.memory_space<vmem>>) target(%dma_start3A_337 : memref<10016x128xf32, #tpu.memory_space<vmem_shared>>) offsets(%dma_start3A_334 : memref<32xi32, #tpu.memory_space<vmem>>) semaphore(%run_scoped3A_331 : memref<!tpu.dma_semaphore, #tpu.memory_space<semaphore_mem>>) {add = true}
        %dma_wait3A_338 = arith.constant 0 : i32
        %dma_wait3A_339 = tpu.memref_slice %arg12[%add3A_244, %dma_wait3A_338] : memref<316x32xi32, #tpu.memory_space<vmem>> -> memref<1x32xi32, #tpu.memory_space<vmem>>
        %dma_wait3A_340 = tpu.memref_squeeze %dma_wait3A_339 : memref<1x32xi32, #tpu.memory_space<vmem>> -> memref<32xi32, #tpu.memory_space<vmem>>
        %dma_wait3A_341 = arith.constant 0 : i32
        %dma_wait3A_342 = arith.constant 0 : i32
        %dma_wait3A_343 = tpu.memref_slice %arg10[%dma_wait3A_341, %dma_wait3A_342] : memref<10016x128xf32, #tpu.memory_space<vmem_shared>> -> memref<10016x128xf32, #tpu.memory_space<vmem_shared>>
        tpu.wait_indirect_dma semaphore(%run_scoped3A_331 : memref<!tpu.dma_semaphore, #tpu.memory_space<semaphore_mem>>) src(%arg14 : memref<32x128xf32, #tpu.memory_space<vmem>>) dst(%dma_wait3A_343 : memref<10016x128xf32, #tpu.memory_space<vmem_shared>>)
        tpu.yield
      }) : () -> ()
      %dma_wait3A_251 = arith.constant 0 : i32
      %dma_wait3A_252 = tpu.memref_slice %arg12[%add3A_244, %dma_wait3A_251] : memref<316x32xi32, #tpu.memory_space<vmem>> -> memref<1x32xi32, #tpu.memory_space<vmem>>
      %dma_wait3A_253 = tpu.memref_squeeze %dma_wait3A_252 : memref<1x32xi32, #tpu.memory_space<vmem>> -> memref<32xi32, #tpu.memory_space<vmem>>
      %dma_wait3A_254 = arith.constant 0 : i32
      %dma_wait3A_255 = arith.constant 0 : i32
      %dma_wait3A_256 = tpu.memref_slice %arg22[%dma_wait3A_254, %dma_wait3A_255] : memref<10016x8xf32, #tpu.memory_space<vmem_shared>> -> memref<10016x8xf32, #tpu.memory_space<vmem_shared>>
      tpu.wait_indirect_dma semaphore(%arg21 : memref<!tpu.dma_semaphore, #tpu.memory_space<semaphore_mem>>) src(%arg23 : memref<32x8xf32, #tpu.memory_space<vmem>>) dst(%dma_wait3A_256 : memref<10016x8xf32, #tpu.memory_space<vmem_shared>>)
      %add3A_257 = arith.constant 1 : i32
      %add3A_258 = arith.addi %mul3A_202, %add3A_257 : i32
      %add3A_259 = arith.constant 4 : i32
      %add3A_260 = arith.addi %add3A_258, %add3A_259 : i32
      %dma_start3A_261 = arith.constant 0 : i32
      %dma_start3A_262 = tpu.memref_slice %arg11[%add3A_260, %dma_start3A_261] : memref<316x32xi32, #tpu.memory_space<vmem>> -> memref<1x32xi32, #tpu.memory_space<vmem>>
      %dma_start3A_263 = tpu.memref_squeeze %dma_start3A_262 : memref<1x32xi32, #tpu.memory_space<vmem>> -> memref<32xi32, #tpu.memory_space<vmem>>
      %dma_start3A_264 = arith.constant 0 : i32
      %dma_start3A_265 = arith.constant 0 : i32
      %dma_start3A_266 = tpu.memref_slice %arg2[%dma_start3A_264, %dma_start3A_265] : memref<10000x128xf32, #tpu.memory_space<hbm>> -> memref<10000x128xf32, #tpu.memory_space<hbm>>
      tpu.enqueue_indirect_dma source(%dma_start3A_266 : memref<10000x128xf32, #tpu.memory_space<hbm>>) target(%arg14 : memref<32x128xf32, #tpu.memory_space<vmem>>) offsets(%dma_start3A_263 : memref<32xi32, #tpu.memory_space<vmem>>) semaphore(%arg18 : memref<!tpu.dma_semaphore, #tpu.memory_space<semaphore_mem>>)
      %add3A_267 = arith.constant 2 : i32
      %add3A_268 = arith.addi %mul3A_202, %add3A_267 : i32
      %dma_wait3A_269 = arith.constant 0 : i32
      %dma_wait3A_270 = tpu.memref_slice %arg11[%add3A_268, %dma_wait3A_269] : memref<316x32xi32, #tpu.memory_space<vmem>> -> memref<1x32xi32, #tpu.memory_space<vmem>>
      %dma_wait3A_271 = tpu.memref_squeeze %dma_wait3A_270 : memref<1x32xi32, #tpu.memory_space<vmem>> -> memref<32xi32, #tpu.memory_space<vmem>>
      %dma_wait3A_272 = arith.constant 0 : i32
      %dma_wait3A_273 = arith.constant 0 : i32
      %dma_wait3A_274 = tpu.memref_slice %arg2[%dma_wait3A_272, %dma_wait3A_273] : memref<10000x128xf32, #tpu.memory_space<hbm>> -> memref<10000x128xf32, #tpu.memory_space<hbm>>
      tpu.wait_indirect_dma semaphore(%arg19 : memref<!tpu.dma_semaphore, #tpu.memory_space<semaphore_mem>>) src(%dma_wait3A_274 : memref<10000x128xf32, #tpu.memory_space<hbm>>) dst(%arg15 : memref<32x128xf32, #tpu.memory_space<vmem>>)
      %add3A_275 = arith.constant 2 : i32
      %add3A_276 = arith.addi %mul3A_202, %add3A_275 : i32
      %dma_start3A_277 = arith.constant 0 : i32
      %dma_start3A_278 = tpu.memref_slice %arg12[%add3A_276, %dma_start3A_277] : memref<316x32xi32, #tpu.memory_space<vmem>> -> memref<1x32xi32, #tpu.memory_space<vmem>>
      %dma_start3A_279 = tpu.memref_squeeze %dma_start3A_278 : memref<1x32xi32, #tpu.memory_space<vmem>> -> memref<32xi32, #tpu.memory_space<vmem>>
      %dma_start3A_280 = arith.constant 0 : i32
      %dma_start3A_281 = arith.constant 0 : i32
      %dma_start3A_282 = tpu.memref_slice %arg22[%dma_start3A_280, %dma_start3A_281] : memref<10016x8xf32, #tpu.memory_space<vmem_shared>> -> memref<10016x8xf32, #tpu.memory_space<vmem_shared>>
      tpu.enqueue_indirect_dma source(%arg23 : memref<32x8xf32, #tpu.memory_space<vmem>>) target(%dma_start3A_282 : memref<10016x8xf32, #tpu.memory_space<vmem_shared>>) offsets(%dma_start3A_279 : memref<32xi32, #tpu.memory_space<vmem>>) semaphore(%arg21 : memref<!tpu.dma_semaphore, #tpu.memory_space<semaphore_mem>>) {add = true}
      "tpu.region"() ({
        %run_scoped3A_331 = tpu.sem_alloc : memref<!tpu.dma_semaphore, #tpu.memory_space<semaphore_mem>>
        %dma_start3A_332 = arith.constant 0 : i32
        %dma_start3A_333 = tpu.memref_slice %arg12[%add3A_276, %dma_start3A_332] : memref<316x32xi32, #tpu.memory_space<vmem>> -> memref<1x32xi32, #tpu.memory_space<vmem>>
        %dma_start3A_334 = tpu.memref_squeeze %dma_start3A_333 : memref<1x32xi32, #tpu.memory_space<vmem>> -> memref<32xi32, #tpu.memory_space<vmem>>
        %dma_start3A_335 = arith.constant 0 : i32
        %dma_start3A_336 = arith.constant 0 : i32
        %dma_start3A_337 = tpu.memref_slice %arg10[%dma_start3A_335, %dma_start3A_336] : memref<10016x128xf32, #tpu.memory_space<vmem_shared>> -> memref<10016x128xf32, #tpu.memory_space<vmem_shared>>
        tpu.enqueue_indirect_dma source(%arg15 : memref<32x128xf32, #tpu.memory_space<vmem>>) target(%dma_start3A_337 : memref<10016x128xf32, #tpu.memory_space<vmem_shared>>) offsets(%dma_start3A_334 : memref<32xi32, #tpu.memory_space<vmem>>) semaphore(%run_scoped3A_331 : memref<!tpu.dma_semaphore, #tpu.memory_space<semaphore_mem>>) {add = true}
        %dma_wait3A_338 = arith.constant 0 : i32
        %dma_wait3A_339 = tpu.memref_slice %arg12[%add3A_276, %dma_wait3A_338] : memref<316x32xi32, #tpu.memory_space<vmem>> -> memref<1x32xi32, #tpu.memory_space<vmem>>
        %dma_wait3A_340 = tpu.memref_squeeze %dma_wait3A_339 : memref<1x32xi32, #tpu.memory_space<vmem>> -> memref<32xi32, #tpu.memory_space<vmem>>
        %dma_wait3A_341 = arith.constant 0 : i32
        %dma_wait3A_342 = arith.constant 0 : i32
        %dma_wait3A_343 = tpu.memref_slice %arg10[%dma_wait3A_341, %dma_wait3A_342] : memref<10016x128xf32, #tpu.memory_space<vmem_shared>> -> memref<10016x128xf32, #tpu.memory_space<vmem_shared>>
        tpu.wait_indirect_dma semaphore(%run_scoped3A_331 : memref<!tpu.dma_semaphore, #tpu.memory_space<semaphore_mem>>) src(%arg15 : memref<32x128xf32, #tpu.memory_space<vmem>>) dst(%dma_wait3A_343 : memref<10016x128xf32, #tpu.memory_space<vmem_shared>>)
        tpu.yield
      }) : () -> ()
      %dma_wait3A_283 = arith.constant 0 : i32
      %dma_wait3A_284 = tpu.memref_slice %arg12[%add3A_276, %dma_wait3A_283] : memref<316x32xi32, #tpu.memory_space<vmem>> -> memref<1x32xi32, #tpu.memory_space<vmem>>
      %dma_wait3A_285 = tpu.memref_squeeze %dma_wait3A_284 : memref<1x32xi32, #tpu.memory_space<vmem>> -> memref<32xi32, #tpu.memory_space<vmem>>
      %dma_wait3A_286 = arith.constant 0 : i32
      %dma_wait3A_287 = arith.constant 0 : i32
      %dma_wait3A_288 = tpu.memref_slice %arg22[%dma_wait3A_286, %dma_wait3A_287] : memref<10016x8xf32, #tpu.memory_space<vmem_shared>> -> memref<10016x8xf32, #tpu.memory_space<vmem_shared>>
      tpu.wait_indirect_dma semaphore(%arg21 : memref<!tpu.dma_semaphore, #tpu.memory_space<semaphore_mem>>) src(%arg23 : memref<32x8xf32, #tpu.memory_space<vmem>>) dst(%dma_wait3A_288 : memref<10016x8xf32, #tpu.memory_space<vmem_shared>>)
      %add3A_289 = arith.constant 2 : i32
      %add3A_290 = arith.addi %mul3A_202, %add3A_289 : i32
      %add3A_291 = arith.constant 4 : i32
      %add3A_292 = arith.addi %add3A_290, %add3A_291 : i32
      %dma_start3A_293 = arith.constant 0 : i32
      %dma_start3A_294 = tpu.memref_slice %arg11[%add3A_292, %dma_start3A_293] : memref<316x32xi32, #tpu.memory_space<vmem>> -> memref<1x32xi32, #tpu.memory_space<vmem>>
      %dma_start3A_295 = tpu.memref_squeeze %dma_start3A_294 : memref<1x32xi32, #tpu.memory_space<vmem>> -> memref<32xi32, #tpu.memory_space<vmem>>
      %dma_start3A_296 = arith.constant 0 : i32
      %dma_start3A_297 = arith.constant 0 : i32
      %dma_start3A_298 = tpu.memref_slice %arg2[%dma_start3A_296, %dma_start3A_297] : memref<10000x128xf32, #tpu.memory_space<hbm>> -> memref<10000x128xf32, #tpu.memory_space<hbm>>
      tpu.enqueue_indirect_dma source(%dma_start3A_298 : memref<10000x128xf32, #tpu.memory_space<hbm>>) target(%arg15 : memref<32x128xf32, #tpu.memory_space<vmem>>) offsets(%dma_start3A_295 : memref<32xi32, #tpu.memory_space<vmem>>) semaphore(%arg19 : memref<!tpu.dma_semaphore, #tpu.memory_space<semaphore_mem>>)
      %add3A_299 = arith.constant 3 : i32
      %add3A_300 = arith.addi %mul3A_202, %add3A_299 : i32
      %dma_wait3A_301 = arith.constant 0 : i32
      %dma_wait3A_302 = tpu.memref_slice %arg11[%add3A_300, %dma_wait3A_301] : memref<316x32xi32, #tpu.memory_space<vmem>> -> memref<1x32xi32, #tpu.memory_space<vmem>>
      %dma_wait3A_303 = tpu.memref_squeeze %dma_wait3A_302 : memref<1x32xi32, #tpu.memory_space<vmem>> -> memref<32xi32, #tpu.memory_space<vmem>>
      %dma_wait3A_304 = arith.constant 0 : i32
      %dma_wait3A_305 = arith.constant 0 : i32
      %dma_wait3A_306 = tpu.memref_slice %arg2[%dma_wait3A_304, %dma_wait3A_305] : memref<10000x128xf32, #tpu.memory_space<hbm>> -> memref<10000x128xf32, #tpu.memory_space<hbm>>
      tpu.wait_indirect_dma semaphore(%arg20 : memref<!tpu.dma_semaphore, #tpu.memory_space<semaphore_mem>>) src(%dma_wait3A_306 : memref<10000x128xf32, #tpu.memory_space<hbm>>) dst(%arg16 : memref<32x128xf32, #tpu.memory_space<vmem>>)
      %add3A_307 = arith.constant 3 : i32
      %add3A_308 = arith.addi %mul3A_202, %add3A_307 : i32
      %dma_start3A_309 = arith.constant 0 : i32
      %dma_start3A_310 = tpu.memref_slice %arg12[%add3A_308, %dma_start3A_309] : memref<316x32xi32, #tpu.memory_space<vmem>> -> memref<1x32xi32, #tpu.memory_space<vmem>>
      %dma_start3A_311 = tpu.memref_squeeze %dma_start3A_310 : memref<1x32xi32, #tpu.memory_space<vmem>> -> memref<32xi32, #tpu.memory_space<vmem>>
      %dma_start3A_312 = arith.constant 0 : i32
      %dma_start3A_313 = arith.constant 0 : i32
      %dma_start3A_314 = tpu.memref_slice %arg22[%dma_start3A_312, %dma_start3A_313] : memref<10016x8xf32, #tpu.memory_space<vmem_shared>> -> memref<10016x8xf32, #tpu.memory_space<vmem_shared>>
      tpu.enqueue_indirect_dma source(%arg23 : memref<32x8xf32, #tpu.memory_space<vmem>>) target(%dma_start3A_314 : memref<10016x8xf32, #tpu.memory_space<vmem_shared>>) offsets(%dma_start3A_311 : memref<32xi32, #tpu.memory_space<vmem>>) semaphore(%arg21 : memref<!tpu.dma_semaphore, #tpu.memory_space<semaphore_mem>>) {add = true}
      "tpu.region"() ({
        %run_scoped3A_331 = tpu.sem_alloc : memref<!tpu.dma_semaphore, #tpu.memory_space<semaphore_mem>>
        %dma_start3A_332 = arith.constant 0 : i32
        %dma_start3A_333 = tpu.memref_slice %arg12[%add3A_308, %dma_start3A_332] : memref<316x32xi32, #tpu.memory_space<vmem>> -> memref<1x32xi32, #tpu.memory_space<vmem>>
        %dma_start3A_334 = tpu.memref_squeeze %dma_start3A_333 : memref<1x32xi32, #tpu.memory_space<vmem>> -> memref<32xi32, #tpu.memory_space<vmem>>
        %dma_start3A_335 = arith.constant 0 : i32
        %dma_start3A_336 = arith.constant 0 : i32
        %dma_start3A_337 = tpu.memref_slice %arg10[%dma_start3A_335, %dma_start3A_336] : memref<10016x128xf32, #tpu.memory_space<vmem_shared>> -> memref<10016x128xf32, #tpu.memory_space<vmem_shared>>
        tpu.enqueue_indirect_dma source(%arg16 : memref<32x128xf32, #tpu.memory_space<vmem>>) target(%dma_start3A_337 : memref<10016x128xf32, #tpu.memory_space<vmem_shared>>) offsets(%dma_start3A_334 : memref<32xi32, #tpu.memory_space<vmem>>) semaphore(%run_scoped3A_331 : memref<!tpu.dma_semaphore, #tpu.memory_space<semaphore_mem>>) {add = true}
        %dma_wait3A_338 = arith.constant 0 : i32
        %dma_wait3A_339 = tpu.memref_slice %arg12[%add3A_308, %dma_wait3A_338] : memref<316x32xi32, #tpu.memory_space<vmem>> -> memref<1x32xi32, #tpu.memory_space<vmem>>
        %dma_wait3A_340 = tpu.memref_squeeze %dma_wait3A_339 : memref<1x32xi32, #tpu.memory_space<vmem>> -> memref<32xi32, #tpu.memory_space<vmem>>
        %dma_wait3A_341 = arith.constant 0 : i32
        %dma_wait3A_342 = arith.constant 0 : i32
        %dma_wait3A_343 = tpu.memref_slice %arg10[%dma_wait3A_341, %dma_wait3A_342] : memref<10016x128xf32, #tpu.memory_space<vmem_shared>> -> memref<10016x128xf32, #tpu.memory_space<vmem_shared>>
        tpu.wait_indirect_dma semaphore(%run_scoped3A_331 : memref<!tpu.dma_semaphore, #tpu.memory_space<semaphore_mem>>) src(%arg16 : memref<32x128xf32, #tpu.memory_space<vmem>>) dst(%dma_wait3A_343 : memref<10016x128xf32, #tpu.memory_space<vmem_shared>>)
        tpu.yield
      }) : () -> ()
      %dma_wait3A_315 = arith.constant 0 : i32
      %dma_wait3A_316 = tpu.memref_slice %arg12[%add3A_308, %dma_wait3A_315] : memref<316x32xi32, #tpu.memory_space<vmem>> -> memref<1x32xi32, #tpu.memory_space<vmem>>
      %dma_wait3A_317 = tpu.memref_squeeze %dma_wait3A_316 : memref<1x32xi32, #tpu.memory_space<vmem>> -> memref<32xi32, #tpu.memory_space<vmem>>
      %dma_wait3A_318 = arith.constant 0 : i32
      %dma_wait3A_319 = arith.constant 0 : i32
      %dma_wait3A_320 = tpu.memref_slice %arg22[%dma_wait3A_318, %dma_wait3A_319] : memref<10016x8xf32, #tpu.memory_space<vmem_shared>> -> memref<10016x8xf32, #tpu.memory_space<vmem_shared>>
      tpu.wait_indirect_dma semaphore(%arg21 : memref<!tpu.dma_semaphore, #tpu.memory_space<semaphore_mem>>) src(%arg23 : memref<32x8xf32, #tpu.memory_space<vmem>>) dst(%dma_wait3A_320 : memref<10016x8xf32, #tpu.memory_space<vmem_shared>>)
      %add3A_321 = arith.constant 3 : i32
      %add3A_322 = arith.addi %mul3A_202, %add3A_321 : i32
      %add3A_323 = arith.constant 4 : i32
      %add3A_324 = arith.addi %add3A_322, %add3A_323 : i32
      %dma_start3A_325 = arith.constant 0 : i32
      %dma_start3A_326 = tpu.memref_slice %arg11[%add3A_324, %dma_start3A_325] : memref<316x32xi32, #tpu.memory_space<vmem>> -> memref<1x32xi32, #tpu.memory_space<vmem>>
      %dma_start3A_327 = tpu.memref_squeeze %dma_start3A_326 : memref<1x32xi32, #tpu.memory_space<vmem>> -> memref<32xi32, #tpu.memory_space<vmem>>
      %dma_start3A_328 = arith.constant 0 : i32
      %dma_start3A_329 = arith.constant 0 : i32
      %dma_start3A_330 = tpu.memref_slice %arg2[%dma_start3A_328, %dma_start3A_329] : memref<10000x128xf32, #tpu.memory_space<hbm>> -> memref<10000x128xf32, #tpu.memory_space<hbm>>
      tpu.enqueue_indirect_dma source(%dma_start3A_330 : memref<10000x128xf32, #tpu.memory_space<hbm>>) target(%arg16 : memref<32x128xf32, #tpu.memory_space<vmem>>) offsets(%dma_start3A_327 : memref<32xi32, #tpu.memory_space<vmem>>) semaphore(%arg20 : memref<!tpu.dma_semaphore, #tpu.memory_space<semaphore_mem>>)
    }
    %scan3A_112 = arith.constant 78 : i32
    %dma_wait3A = arith.constant 312 : i32
    %dma_wait3A_113 = arith.constant 0 : i32
    %dma_wait3A_114 = tpu.memref_slice %arg11[%dma_wait3A, %dma_wait3A_113] : memref<316x32xi32, #tpu.memory_space<vmem>> -> memref<1x32xi32, #tpu.memory_space<vmem>>
    %dma_wait3A_115 = tpu.memref_squeeze %dma_wait3A_114 : memref<1x32xi32, #tpu.memory_space<vmem>> -> memref<32xi32, #tpu.memory_space<vmem>>
    %dma_wait3A_116 = arith.constant 0 : i32
    %dma_wait3A_117 = arith.constant 0 : i32
    %dma_wait3A_118 = tpu.memref_slice %arg2[%dma_wait3A_116, %dma_wait3A_117] : memref<10000x128xf32, #tpu.memory_space<hbm>> -> memref<10000x128xf32, #tpu.memory_space<hbm>>
    tpu.wait_indirect_dma semaphore(%arg17 : memref<!tpu.dma_semaphore, #tpu.memory_space<semaphore_mem>>) src(%dma_wait3A_118 : memref<10000x128xf32, #tpu.memory_space<hbm>>) dst(%arg13 : memref<32x128xf32, #tpu.memory_space<vmem>>)
    %dma_start3A_119 = arith.constant 312 : i32
    %dma_start3A_120 = arith.constant 0 : i32
    %dma_start3A_121 = tpu.memref_slice %arg12[%dma_start3A_119, %dma_start3A_120] : memref<316x32xi32, #tpu.memory_space<vmem>> -> memref<1x32xi32, #tpu.memory_space<vmem>>
    %dma_start3A_122 = tpu.memref_squeeze %dma_start3A_121 : memref<1x32xi32, #tpu.memory_space<vmem>> -> memref<32xi32, #tpu.memory_space<vmem>>
    %dma_start3A_123 = arith.constant 0 : i32
    %dma_start3A_124 = arith.constant 0 : i32
    %dma_start3A_125 = tpu.memref_slice %arg22[%dma_start3A_123, %dma_start3A_124] : memref<10016x8xf32, #tpu.memory_space<vmem_shared>> -> memref<10016x8xf32, #tpu.memory_space<vmem_shared>>
    tpu.enqueue_indirect_dma source(%arg23 : memref<32x8xf32, #tpu.memory_space<vmem>>) target(%dma_start3A_125 : memref<10016x8xf32, #tpu.memory_space<vmem_shared>>) offsets(%dma_start3A_122 : memref<32xi32, #tpu.memory_space<vmem>>) semaphore(%arg21 : memref<!tpu.dma_semaphore, #tpu.memory_space<semaphore_mem>>) {add = true}
    %run_scoped3A = arith.constant 312 : i32
    "tpu.region"() ({
      %run_scoped3A_200 = tpu.sem_alloc : memref<!tpu.dma_semaphore, #tpu.memory_space<semaphore_mem>>
      %dma_start3A_201 = arith.constant 0 : i32
      %dma_start3A_202 = tpu.memref_slice %arg12[%run_scoped3A, %dma_start3A_201] : memref<316x32xi32, #tpu.memory_space<vmem>> -> memref<1x32xi32, #tpu.memory_space<vmem>>
      %dma_start3A_203 = tpu.memref_squeeze %dma_start3A_202 : memref<1x32xi32, #tpu.memory_space<vmem>> -> memref<32xi32, #tpu.memory_space<vmem>>
      %dma_start3A_204 = arith.constant 0 : i32
      %dma_start3A_205 = arith.constant 0 : i32
      %dma_start3A_206 = tpu.memref_slice %arg10[%dma_start3A_204, %dma_start3A_205] : memref<10016x128xf32, #tpu.memory_space<vmem_shared>> -> memref<10016x128xf32, #tpu.memory_space<vmem_shared>>
      tpu.enqueue_indirect_dma source(%arg13 : memref<32x128xf32, #tpu.memory_space<vmem>>) target(%dma_start3A_206 : memref<10016x128xf32, #tpu.memory_space<vmem_shared>>) offsets(%dma_start3A_203 : memref<32xi32, #tpu.memory_space<vmem>>) semaphore(%run_scoped3A_200 : memref<!tpu.dma_semaphore, #tpu.memory_space<semaphore_mem>>) {add = true}
      %dma_wait3A_207 = arith.constant 0 : i32
      %dma_wait3A_208 = tpu.memref_slice %arg12[%run_scoped3A, %dma_wait3A_207] : memref<316x32xi32, #tpu.memory_space<vmem>> -> memref<1x32xi32, #tpu.memory_space<vmem>>
      %dma_wait3A_209 = tpu.memref_squeeze %dma_wait3A_208 : memref<1x32xi32, #tpu.memory_space<vmem>> -> memref<32xi32, #tpu.memory_space<vmem>>
      %dma_wait3A_210 = arith.constant 0 : i32
      %dma_wait3A_211 = arith.constant 0 : i32
      %dma_wait3A_212 = tpu.memref_slice %arg10[%dma_wait3A_210, %dma_wait3A_211] : memref<10016x128xf32, #tpu.memory_space<vmem_shared>> -> memref<10016x128xf32, #tpu.memory_space<vmem_shared>>
      tpu.wait_indirect_dma semaphore(%run_scoped3A_200 : memref<!tpu.dma_semaphore, #tpu.memory_space<semaphore_mem>>) src(%arg13 : memref<32x128xf32, #tpu.memory_space<vmem>>) dst(%dma_wait3A_212 : memref<10016x128xf32, #tpu.memory_space<vmem_shared>>)
      tpu.yield
    }) : () -> ()
    %dma_wait3A_126 = arith.constant 312 : i32
    %dma_wait3A_127 = arith.constant 0 : i32
    %dma_wait3A_128 = tpu.memref_slice %arg12[%dma_wait3A_126, %dma_wait3A_127] : memref<316x32xi32, #tpu.memory_space<vmem>> -> memref<1x32xi32, #tpu.memory_space<vmem>>
    %dma_wait3A_129 = tpu.memref_squeeze %dma_wait3A_128 : memref<1x32xi32, #tpu.memory_space<vmem>> -> memref<32xi32, #tpu.memory_space<vmem>>
    %dma_wait3A_130 = arith.constant 0 : i32
    %dma_wait3A_131 = arith.constant 0 : i32
    %dma_wait3A_132 = tpu.memref_slice %arg22[%dma_wait3A_130, %dma_wait3A_131] : memref<10016x8xf32, #tpu.memory_space<vmem_shared>> -> memref<10016x8xf32, #tpu.memory_space<vmem_shared>>
    tpu.wait_indirect_dma semaphore(%arg21 : memref<!tpu.dma_semaphore, #tpu.memory_space<semaphore_mem>>) src(%arg23 : memref<32x8xf32, #tpu.memory_space<vmem>>) dst(%dma_wait3A_132 : memref<10016x8xf32, #tpu.memory_space<vmem_shared>>)
    %dma_wait3A_133 = arith.constant 313 : i32
    %dma_wait3A_134 = arith.constant 0 : i32
    %dma_wait3A_135 = tpu.memref_slice %arg11[%dma_wait3A_133, %dma_wait3A_134] : memref<316x32xi32, #tpu.memory_space<vmem>> -> memref<1x32xi32, #tpu.memory_space<vmem>>
    %dma_wait3A_136 = tpu.memref_squeeze %dma_wait3A_135 : memref<1x32xi32, #tpu.memory_space<vmem>> -> memref<32xi32, #tpu.memory_space<vmem>>
    %dma_wait3A_137 = arith.constant 0 : i32
    %dma_wait3A_138 = arith.constant 0 : i32
    %dma_wait3A_139 = tpu.memref_slice %arg2[%dma_wait3A_137, %dma_wait3A_138] : memref<10000x128xf32, #tpu.memory_space<hbm>> -> memref<10000x128xf32, #tpu.memory_space<hbm>>
    tpu.wait_indirect_dma semaphore(%arg18 : memref<!tpu.dma_semaphore, #tpu.memory_space<semaphore_mem>>) src(%dma_wait3A_139 : memref<10000x128xf32, #tpu.memory_space<hbm>>) dst(%arg14 : memref<32x128xf32, #tpu.memory_space<vmem>>)
    %dma_start3A_140 = arith.constant 313 : i32
    %dma_start3A_141 = arith.constant 0 : i32
    %dma_start3A_142 = tpu.memref_slice %arg12[%dma_start3A_140, %dma_start3A_141] : memref<316x32xi32, #tpu.memory_space<vmem>> -> memref<1x32xi32, #tpu.memory_space<vmem>>
    %dma_start3A_143 = tpu.memref_squeeze %dma_start3A_142 : memref<1x32xi32, #tpu.memory_space<vmem>> -> memref<32xi32, #tpu.memory_space<vmem>>
    %dma_start3A_144 = arith.constant 0 : i32
    %dma_start3A_145 = arith.constant 0 : i32
    %dma_start3A_146 = tpu.memref_slice %arg22[%dma_start3A_144, %dma_start3A_145] : memref<10016x8xf32, #tpu.memory_space<vmem_shared>> -> memref<10016x8xf32, #tpu.memory_space<vmem_shared>>
    tpu.enqueue_indirect_dma source(%arg23 : memref<32x8xf32, #tpu.memory_space<vmem>>) target(%dma_start3A_146 : memref<10016x8xf32, #tpu.memory_space<vmem_shared>>) offsets(%dma_start3A_143 : memref<32xi32, #tpu.memory_space<vmem>>) semaphore(%arg21 : memref<!tpu.dma_semaphore, #tpu.memory_space<semaphore_mem>>) {add = true}
    %run_scoped3A_147 = arith.constant 313 : i32
    "tpu.region"() ({
      %run_scoped3A_200 = tpu.sem_alloc : memref<!tpu.dma_semaphore, #tpu.memory_space<semaphore_mem>>
      %dma_start3A_201 = arith.constant 0 : i32
      %dma_start3A_202 = tpu.memref_slice %arg12[%run_scoped3A_147, %dma_start3A_201] : memref<316x32xi32, #tpu.memory_space<vmem>> -> memref<1x32xi32, #tpu.memory_space<vmem>>
      %dma_start3A_203 = tpu.memref_squeeze %dma_start3A_202 : memref<1x32xi32, #tpu.memory_space<vmem>> -> memref<32xi32, #tpu.memory_space<vmem>>
      %dma_start3A_204 = arith.constant 0 : i32
      %dma_start3A_205 = arith.constant 0 : i32
      %dma_start3A_206 = tpu.memref_slice %arg10[%dma_start3A_204, %dma_start3A_205] : memref<10016x128xf32, #tpu.memory_space<vmem_shared>> -> memref<10016x128xf32, #tpu.memory_space<vmem_shared>>
      tpu.enqueue_indirect_dma source(%arg14 : memref<32x128xf32, #tpu.memory_space<vmem>>) target(%dma_start3A_206 : memref<10016x128xf32, #tpu.memory_space<vmem_shared>>) offsets(%dma_start3A_203 : memref<32xi32, #tpu.memory_space<vmem>>) semaphore(%run_scoped3A_200 : memref<!tpu.dma_semaphore, #tpu.memory_space<semaphore_mem>>) {add = true}
      %dma_wait3A_207 = arith.constant 0 : i32
      %dma_wait3A_208 = tpu.memref_slice %arg12[%run_scoped3A_147, %dma_wait3A_207] : memref<316x32xi32, #tpu.memory_space<vmem>> -> memref<1x32xi32, #tpu.memory_space<vmem>>
      %dma_wait3A_209 = tpu.memref_squeeze %dma_wait3A_208 : memref<1x32xi32, #tpu.memory_space<vmem>> -> memref<32xi32, #tpu.memory_space<vmem>>
      %dma_wait3A_210 = arith.constant 0 : i32
      %dma_wait3A_211 = arith.constant 0 : i32
      %dma_wait3A_212 = tpu.memref_slice %arg10[%dma_wait3A_210, %dma_wait3A_211] : memref<10016x128xf32, #tpu.memory_space<vmem_shared>> -> memref<10016x128xf32, #tpu.memory_space<vmem_shared>>
      tpu.wait_indirect_dma semaphore(%run_scoped3A_200 : memref<!tpu.dma_semaphore, #tpu.memory_space<semaphore_mem>>) src(%arg14 : memref<32x128xf32, #tpu.memory_space<vmem>>) dst(%dma_wait3A_212 : memref<10016x128xf32, #tpu.memory_space<vmem_shared>>)
      tpu.yield
    }) : () -> ()
    %dma_wait3A_148 = arith.constant 313 : i32
    %dma_wait3A_149 = arith.constant 0 : i32
    %dma_wait3A_150 = tpu.memref_slice %arg12[%dma_wait3A_148, %dma_wait3A_149] : memref<316x32xi32, #tpu.memory_space<vmem>> -> memref<1x32xi32, #tpu.memory_space<vmem>>
    %dma_wait3A_151 = tpu.memref_squeeze %dma_wait3A_150 : memref<1x32xi32, #tpu.memory_space<vmem>> -> memref<32xi32, #tpu.memory_space<vmem>>
    %dma_wait3A_152 = arith.constant 0 : i32
    %dma_wait3A_153 = arith.constant 0 : i32
    %dma_wait3A_154 = tpu.memref_slice %arg22[%dma_wait3A_152, %dma_wait3A_153] : memref<10016x8xf32, #tpu.memory_space<vmem_shared>> -> memref<10016x8xf32, #tpu.memory_space<vmem_shared>>
    tpu.wait_indirect_dma semaphore(%arg21 : memref<!tpu.dma_semaphore, #tpu.memory_space<semaphore_mem>>) src(%arg23 : memref<32x8xf32, #tpu.memory_space<vmem>>) dst(%dma_wait3A_154 : memref<10016x8xf32, #tpu.memory_space<vmem_shared>>)
    %dma_wait3A_155 = arith.constant 314 : i32
    %dma_wait3A_156 = arith.constant 0 : i32
    %dma_wait3A_157 = tpu.memref_slice %arg11[%dma_wait3A_155, %dma_wait3A_156] : memref<316x32xi32, #tpu.memory_space<vmem>> -> memref<1x32xi32, #tpu.memory_space<vmem>>
    %dma_wait3A_158 = tpu.memref_squeeze %dma_wait3A_157 : memref<1x32xi32, #tpu.memory_space<vmem>> -> memref<32xi32, #tpu.memory_space<vmem>>
    %dma_wait3A_159 = arith.constant 0 : i32
    %dma_wait3A_160 = arith.constant 0 : i32
    %dma_wait3A_161 = tpu.memref_slice %arg2[%dma_wait3A_159, %dma_wait3A_160] : memref<10000x128xf32, #tpu.memory_space<hbm>> -> memref<10000x128xf32, #tpu.memory_space<hbm>>
    tpu.wait_indirect_dma semaphore(%arg19 : memref<!tpu.dma_semaphore, #tpu.memory_space<semaphore_mem>>) src(%dma_wait3A_161 : memref<10000x128xf32, #tpu.memory_space<hbm>>) dst(%arg15 : memref<32x128xf32, #tpu.memory_space<vmem>>)
    %dma_start3A_162 = arith.constant 314 : i32
    %dma_start3A_163 = arith.constant 0 : i32
    %dma_start3A_164 = tpu.memref_slice %arg12[%dma_start3A_162, %dma_start3A_163] : memref<316x32xi32, #tpu.memory_space<vmem>> -> memref<1x32xi32, #tpu.memory_space<vmem>>
    %dma_start3A_165 = tpu.memref_squeeze %dma_start3A_164 : memref<1x32xi32, #tpu.memory_space<vmem>> -> memref<32xi32, #tpu.memory_space<vmem>>
    %dma_start3A_166 = arith.constant 0 : i32
    %dma_start3A_167 = arith.constant 0 : i32
    %dma_start3A_168 = tpu.memref_slice %arg22[%dma_start3A_166, %dma_start3A_167] : memref<10016x8xf32, #tpu.memory_space<vmem_shared>> -> memref<10016x8xf32, #tpu.memory_space<vmem_shared>>
    tpu.enqueue_indirect_dma source(%arg23 : memref<32x8xf32, #tpu.memory_space<vmem>>) target(%dma_start3A_168 : memref<10016x8xf32, #tpu.memory_space<vmem_shared>>) offsets(%dma_start3A_165 : memref<32xi32, #tpu.memory_space<vmem>>) semaphore(%arg21 : memref<!tpu.dma_semaphore, #tpu.memory_space<semaphore_mem>>) {add = true}
    %run_scoped3A_169 = arith.constant 314 : i32
    "tpu.region"() ({
      %run_scoped3A_200 = tpu.sem_alloc : memref<!tpu.dma_semaphore, #tpu.memory_space<semaphore_mem>>
      %dma_start3A_201 = arith.constant 0 : i32
      %dma_start3A_202 = tpu.memref_slice %arg12[%run_scoped3A_169, %dma_start3A_201] : memref<316x32xi32, #tpu.memory_space<vmem>> -> memref<1x32xi32, #tpu.memory_space<vmem>>
      %dma_start3A_203 = tpu.memref_squeeze %dma_start3A_202 : memref<1x32xi32, #tpu.memory_space<vmem>> -> memref<32xi32, #tpu.memory_space<vmem>>
      %dma_start3A_204 = arith.constant 0 : i32
      %dma_start3A_205 = arith.constant 0 : i32
      %dma_start3A_206 = tpu.memref_slice %arg10[%dma_start3A_204, %dma_start3A_205] : memref<10016x128xf32, #tpu.memory_space<vmem_shared>> -> memref<10016x128xf32, #tpu.memory_space<vmem_shared>>
      tpu.enqueue_indirect_dma source(%arg15 : memref<32x128xf32, #tpu.memory_space<vmem>>) target(%dma_start3A_206 : memref<10016x128xf32, #tpu.memory_space<vmem_shared>>) offsets(%dma_start3A_203 : memref<32xi32, #tpu.memory_space<vmem>>) semaphore(%run_scoped3A_200 : memref<!tpu.dma_semaphore, #tpu.memory_space<semaphore_mem>>) {add = true}
      %dma_wait3A_207 = arith.constant 0 : i32
      %dma_wait3A_208 = tpu.memref_slice %arg12[%run_scoped3A_169, %dma_wait3A_207] : memref<316x32xi32, #tpu.memory_space<vmem>> -> memref<1x32xi32, #tpu.memory_space<vmem>>
      %dma_wait3A_209 = tpu.memref_squeeze %dma_wait3A_208 : memref<1x32xi32, #tpu.memory_space<vmem>> -> memref<32xi32, #tpu.memory_space<vmem>>
      %dma_wait3A_210 = arith.constant 0 : i32
      %dma_wait3A_211 = arith.constant 0 : i32
      %dma_wait3A_212 = tpu.memref_slice %arg10[%dma_wait3A_210, %dma_wait3A_211] : memref<10016x128xf32, #tpu.memory_space<vmem_shared>> -> memref<10016x128xf32, #tpu.memory_space<vmem_shared>>
      tpu.wait_indirect_dma semaphore(%run_scoped3A_200 : memref<!tpu.dma_semaphore, #tpu.memory_space<semaphore_mem>>) src(%arg15 : memref<32x128xf32, #tpu.memory_space<vmem>>) dst(%dma_wait3A_212 : memref<10016x128xf32, #tpu.memory_space<vmem_shared>>)
      tpu.yield
    }) : () -> ()
    %dma_wait3A_170 = arith.constant 314 : i32
    %dma_wait3A_171 = arith.constant 0 : i32
    %dma_wait3A_172 = tpu.memref_slice %arg12[%dma_wait3A_170, %dma_wait3A_171] : memref<316x32xi32, #tpu.memory_space<vmem>> -> memref<1x32xi32, #tpu.memory_space<vmem>>
    %dma_wait3A_173 = tpu.memref_squeeze %dma_wait3A_172 : memref<1x32xi32, #tpu.memory_space<vmem>> -> memref<32xi32, #tpu.memory_space<vmem>>
    %dma_wait3A_174 = arith.constant 0 : i32
    %dma_wait3A_175 = arith.constant 0 : i32
    %dma_wait3A_176 = tpu.memref_slice %arg22[%dma_wait3A_174, %dma_wait3A_175] : memref<10016x8xf32, #tpu.memory_space<vmem_shared>> -> memref<10016x8xf32, #tpu.memory_space<vmem_shared>>
    tpu.wait_indirect_dma semaphore(%arg21 : memref<!tpu.dma_semaphore, #tpu.memory_space<semaphore_mem>>) src(%arg23 : memref<32x8xf32, #tpu.memory_space<vmem>>) dst(%dma_wait3A_176 : memref<10016x8xf32, #tpu.memory_space<vmem_shared>>)
    %dma_wait3A_177 = arith.constant 315 : i32
    %dma_wait3A_178 = arith.constant 0 : i32
    %dma_wait3A_179 = tpu.memref_slice %arg11[%dma_wait3A_177, %dma_wait3A_178] : memref<316x32xi32, #tpu.memory_space<vmem>> -> memref<1x32xi32, #tpu.memory_space<vmem>>
    %dma_wait3A_180 = tpu.memref_squeeze %dma_wait3A_179 : memref<1x32xi32, #tpu.memory_space<vmem>> -> memref<32xi32, #tpu.memory_space<vmem>>
    %dma_wait3A_181 = arith.constant 0 : i32
    %dma_wait3A_182 = arith.constant 0 : i32
    %dma_wait3A_183 = tpu.memref_slice %arg2[%dma_wait3A_181, %dma_wait3A_182] : memref<10000x128xf32, #tpu.memory_space<hbm>> -> memref<10000x128xf32, #tpu.memory_space<hbm>>
    tpu.wait_indirect_dma semaphore(%arg20 : memref<!tpu.dma_semaphore, #tpu.memory_space<semaphore_mem>>) src(%dma_wait3A_183 : memref<10000x128xf32, #tpu.memory_space<hbm>>) dst(%arg16 : memref<32x128xf32, #tpu.memory_space<vmem>>)
    %dma_start3A_184 = arith.constant 315 : i32
    %dma_start3A_185 = arith.constant 0 : i32
    %dma_start3A_186 = tpu.memref_slice %arg12[%dma_start3A_184, %dma_start3A_185] : memref<316x32xi32, #tpu.memory_space<vmem>> -> memref<1x32xi32, #tpu.memory_space<vmem>>
    %dma_start3A_187 = tpu.memref_squeeze %dma_start3A_186 : memref<1x32xi32, #tpu.memory_space<vmem>> -> memref<32xi32, #tpu.memory_space<vmem>>
    %dma_start3A_188 = arith.constant 0 : i32
    %dma_start3A_189 = arith.constant 0 : i32
    %dma_start3A_190 = tpu.memref_slice %arg22[%dma_start3A_188, %dma_start3A_189] : memref<10016x8xf32, #tpu.memory_space<vmem_shared>> -> memref<10016x8xf32, #tpu.memory_space<vmem_shared>>
    tpu.enqueue_indirect_dma source(%arg23 : memref<32x8xf32, #tpu.memory_space<vmem>>) target(%dma_start3A_190 : memref<10016x8xf32, #tpu.memory_space<vmem_shared>>) offsets(%dma_start3A_187 : memref<32xi32, #tpu.memory_space<vmem>>) semaphore(%arg21 : memref<!tpu.dma_semaphore, #tpu.memory_space<semaphore_mem>>) {add = true}
    %run_scoped3A_191 = arith.constant 315 : i32
    "tpu.region"() ({
      %run_scoped3A_200 = tpu.sem_alloc : memref<!tpu.dma_semaphore, #tpu.memory_space<semaphore_mem>>
      %dma_start3A_201 = arith.constant 0 : i32
      %dma_start3A_202 = tpu.memref_slice %arg12[%run_scoped3A_191, %dma_start3A_201] : memref<316x32xi32, #tpu.memory_space<vmem>> -> memref<1x32xi32, #tpu.memory_space<vmem>>
      %dma_start3A_203 = tpu.memref_squeeze %dma_start3A_202 : memref<1x32xi32, #tpu.memory_space<vmem>> -> memref<32xi32, #tpu.memory_space<vmem>>
      %dma_start3A_204 = arith.constant 0 : i32
      %dma_start3A_205 = arith.constant 0 : i32
      %dma_start3A_206 = tpu.memref_slice %arg10[%dma_start3A_204, %dma_start3A_205] : memref<10016x128xf32, #tpu.memory_space<vmem_shared>> -> memref<10016x128xf32, #tpu.memory_space<vmem_shared>>
      tpu.enqueue_indirect_dma source(%arg16 : memref<32x128xf32, #tpu.memory_space<vmem>>) target(%dma_start3A_206 : memref<10016x128xf32, #tpu.memory_space<vmem_shared>>) offsets(%dma_start3A_203 : memref<32xi32, #tpu.memory_space<vmem>>) semaphore(%run_scoped3A_200 : memref<!tpu.dma_semaphore, #tpu.memory_space<semaphore_mem>>) {add = true}
      %dma_wait3A_207 = arith.constant 0 : i32
      %dma_wait3A_208 = tpu.memref_slice %arg12[%run_scoped3A_191, %dma_wait3A_207] : memref<316x32xi32, #tpu.memory_space<vmem>> -> memref<1x32xi32, #tpu.memory_space<vmem>>
      %dma_wait3A_209 = tpu.memref_squeeze %dma_wait3A_208 : memref<1x32xi32, #tpu.memory_space<vmem>> -> memref<32xi32, #tpu.memory_space<vmem>>
      %dma_wait3A_210 = arith.constant 0 : i32
      %dma_wait3A_211 = arith.constant 0 : i32
      %dma_wait3A_212 = tpu.memref_slice %arg10[%dma_wait3A_210, %dma_wait3A_211] : memref<10016x128xf32, #tpu.memory_space<vmem_shared>> -> memref<10016x128xf32, #tpu.memory_space<vmem_shared>>
      tpu.wait_indirect_dma semaphore(%run_scoped3A_200 : memref<!tpu.dma_semaphore, #tpu.memory_space<semaphore_mem>>) src(%arg16 : memref<32x128xf32, #tpu.memory_space<vmem>>) dst(%dma_wait3A_212 : memref<10016x128xf32, #tpu.memory_space<vmem_shared>>)
      tpu.yield
    }) : () -> ()
    %dma_wait3A_192 = arith.constant 315 : i32
    %dma_wait3A_193 = arith.constant 0 : i32
    %dma_wait3A_194 = tpu.memref_slice %arg12[%dma_wait3A_192, %dma_wait3A_193] : memref<316x32xi32, #tpu.memory_space<vmem>> -> memref<1x32xi32, #tpu.memory_space<vmem>>
    %dma_wait3A_195 = tpu.memref_squeeze %dma_wait3A_194 : memref<1x32xi32, #tpu.memory_space<vmem>> -> memref<32xi32, #tpu.memory_space<vmem>>
    %dma_wait3A_196 = arith.constant 0 : i32
    %dma_wait3A_197 = arith.constant 0 : i32
    %dma_wait3A_198 = tpu.memref_slice %arg22[%dma_wait3A_196, %dma_wait3A_197] : memref<10016x8xf32, #tpu.memory_space<vmem_shared>> -> memref<10016x8xf32, #tpu.memory_space<vmem_shared>>
    tpu.wait_indirect_dma semaphore(%arg21 : memref<!tpu.dma_semaphore, #tpu.memory_space<semaphore_mem>>) src(%arg23 : memref<32x8xf32, #tpu.memory_space<vmem>>) dst(%dma_wait3A_198 : memref<10016x8xf32, #tpu.memory_space<vmem_shared>>)
    %barrier3A_199 = arith.constant 0 : index
    tpu.barrier barrier_id(%barrier3A_199)
    "tpu.region"() ({
      %run_scoped3A_200 = tpu.sem_alloc : memref<!tpu.dma_semaphore, #tpu.memory_space<semaphore_mem>>
      %dma_start3A_201 = arith.constant 0 : i32
      %dma_start3A_202 = tpu.memref_slice %arg8[%arg0, %mul3A_2, %dma_start3A_201] : memref<2x10016x128xf32, #tpu.memory_space<hbm>> -> memref<1x626x128xf32, #tpu.memory_space<hbm>>
      %dma_start3A_203 = tpu.memref_squeeze %dma_start3A_202 : memref<1x626x128xf32, #tpu.memory_space<hbm>> -> memref<626x128xf32, #tpu.memory_space<hbm>>
      %dma_start3A_204 = arith.constant 0 : i32
      %dma_start3A_205 = tpu.memref_slice %arg10[%mul3A_2, %dma_start3A_204] : memref<10016x128xf32, #tpu.memory_space<vmem_shared>> -> memref<626x128xf32, #tpu.memory_space<vmem_shared>>
      tpu.enqueue_dma source(%dma_start3A_205 : memref<626x128xf32, #tpu.memory_space<vmem_shared>>) target(%dma_start3A_203 : memref<626x128xf32, #tpu.memory_space<hbm>>) target_semaphore(%run_scoped3A_200 : memref<!tpu.dma_semaphore, #tpu.memory_space<semaphore_mem>>)
      %dma_wait3A_206 = arith.constant 0 : i32
      %dma_wait3A_207 = tpu.memref_slice %arg8[%arg0, %mul3A_2, %dma_wait3A_206] : memref<2x10016x128xf32, #tpu.memory_space<hbm>> -> memref<1x626x128xf32, #tpu.memory_space<hbm>>
      %dma_wait3A_208 = tpu.memref_squeeze %dma_wait3A_207 : memref<1x626x128xf32, #tpu.memory_space<hbm>> -> memref<626x128xf32, #tpu.memory_space<hbm>>
      %dma_wait3A_209 = arith.constant 0 : i32
      %dma_wait3A_210 = tpu.memref_slice %arg10[%mul3A_2, %dma_wait3A_209] : memref<10016x128xf32, #tpu.memory_space<vmem_shared>> -> memref<626x128xf32, #tpu.memory_space<vmem_shared>>
      tpu.wait_dma2 semaphore(%run_scoped3A_200 : memref<!tpu.dma_semaphore, #tpu.memory_space<semaphore_mem>>) src(%dma_wait3A_210 : memref<626x128xf32, #tpu.memory_space<vmem_shared>>) dst(%dma_wait3A_208 : memref<626x128xf32, #tpu.memory_space<hbm>>)
      tpu.yield
    }) : () -> ()
    "tpu.region"() ({
      %run_scoped3A_200 = tpu.sem_alloc : memref<!tpu.dma_semaphore, #tpu.memory_space<semaphore_mem>>
      %dma_start3A_201 = arith.constant 0 : i32
      %dma_start3A_202 = tpu.memref_slice %arg9[%arg0, %mul3A_2, %dma_start3A_201] : memref<2x10016x8xf32, #tpu.memory_space<hbm>> -> memref<1x626x8xf32, #tpu.memory_space<hbm>>
      %dma_start3A_203 = tpu.memref_squeeze %dma_start3A_202 : memref<1x626x8xf32, #tpu.memory_space<hbm>> -> memref<626x8xf32, #tpu.memory_space<hbm>>
      %dma_start3A_204 = arith.constant 0 : i32
      %dma_start3A_205 = tpu.memref_slice %arg22[%mul3A_2, %dma_start3A_204] : memref<10016x8xf32, #tpu.memory_space<vmem_shared>> -> memref<626x8xf32, #tpu.memory_space<vmem_shared>>
      tpu.enqueue_dma source(%dma_start3A_205 : memref<626x8xf32, #tpu.memory_space<vmem_shared>>) target(%dma_start3A_203 : memref<626x8xf32, #tpu.memory_space<hbm>>) target_semaphore(%run_scoped3A_200 : memref<!tpu.dma_semaphore, #tpu.memory_space<semaphore_mem>>)
      %dma_wait3A_206 = arith.constant 0 : i32
      %dma_wait3A_207 = tpu.memref_slice %arg9[%arg0, %mul3A_2, %dma_wait3A_206] : memref<2x10016x8xf32, #tpu.memory_space<hbm>> -> memref<1x626x8xf32, #tpu.memory_space<hbm>>
      %dma_wait3A_208 = tpu.memref_squeeze %dma_wait3A_207 : memref<1x626x8xf32, #tpu.memory_space<hbm>> -> memref<626x8xf32, #tpu.memory_space<hbm>>
      %dma_wait3A_209 = arith.constant 0 : i32
      %dma_wait3A_210 = tpu.memref_slice %arg22[%mul3A_2, %dma_wait3A_209] : memref<10016x8xf32, #tpu.memory_space<vmem_shared>> -> memref<626x8xf32, #tpu.memory_space<vmem_shared>>
      tpu.wait_dma2 semaphore(%run_scoped3A_200 : memref<!tpu.dma_semaphore, #tpu.memory_space<semaphore_mem>>) src(%dma_wait3A_210 : memref<626x8xf32, #tpu.memory_space<vmem_shared>>) dst(%dma_wait3A_208 : memref<626x8xf32, #tpu.memory_space<hbm>>)
      tpu.yield
    }) : () -> ()
    return
  }
}

module attributes {stable_mosaic.version = 14 : i64} {
  func.func @_wprep_body(%arg0: memref<128x256xf32, #tpu.memory_space<vmem>>, %arg1: memref<128x256xf32, #tpu.memory_space<vmem>>, %arg2: memref<256x64xf32, #tpu.memory_space<vmem>>, %arg3: memref<256x64xf32, #tpu.memory_space<vmem>>, %arg4: memref<1x256xf32, #tpu.memory_space<vmem>>, %arg5: memref<1x64xf32, #tpu.memory_space<vmem>>, %arg6: memref<128x64xf32, #tpu.memory_space<vmem>>, %arg7: memref<128x64xf32, #tpu.memory_space<vmem>>, %arg8: memref<128x64xf32, #tpu.memory_space<vmem>>, %arg9: memref<1x64xf32, #tpu.memory_space<vmem>>, %arg10: memref<1x64xf32, #tpu.memory_space<vmem>>) attributes {dimension_semantics = [], scalar_prefetch = 0 : i64, scratch_operands = 0 : i64, tpu.core_type = #tpu.core_type<tc>} {
    %get3A = arith.constant 0 : index
    %get3A_0 = arith.constant 0 : index
    %get3A_1 = vector.load %arg0[%get3A, %get3A_0] : memref<128x256xf32, #tpu.memory_space<vmem>>, vector<128x256xf32>
    %get3A_2 = arith.constant 0 : index
    %get3A_3 = arith.constant 0 : index
    %get3A_4 = vector.load %arg1[%get3A_2, %get3A_3] : memref<128x256xf32, #tpu.memory_space<vmem>>, vector<128x256xf32>
    %get3A_5 = arith.constant 0 : index
    %get3A_6 = arith.constant 0 : index
    %get3A_7 = vector.load %arg2[%get3A_5, %get3A_6] : memref<256x64xf32, #tpu.memory_space<vmem>>, vector<256x64xf32>
    %get3A_8 = arith.constant 0 : index
    %get3A_9 = arith.constant 0 : index
    %get3A_10 = vector.load %arg3[%get3A_8, %get3A_9] : memref<256x64xf32, #tpu.memory_space<vmem>>, vector<256x64xf32>
    %dot_general3A = arith.constant dense<0.000000e+00> : vector<128x64xf32>
    %dot_general3A_11 = tpu.matmul %get3A_4, %get3A_10, %dot_general3A {dimension_numbers = #tpu.dot_dimension_numbers<[1], [0], [0], [1], [0, 0, 1, 1], [], []>, transpose_lhs_hint = false} : vector<128x256xf32>, vector<256x64xf32>, vector<128x64xf32> -> vector<128x64xf32>
    %swap3A = arith.constant 0 : index
    %swap3A_12 = arith.constant 0 : index
    %swap3A_13 = vector.load %arg6[%swap3A, %swap3A_12] : memref<128x64xf32, #tpu.memory_space<vmem>>, vector<128x64xf32>
    tpu.vector_store %arg6[%swap3A, %swap3A_12], %dot_general3A_11 {strides = array<i32>} : memref<128x64xf32, #tpu.memory_space<vmem>>, vector<128x64xf32>,
    %dot_general3A_14 = arith.constant dense<0.000000e+00> : vector<128x64xf32>
    %dot_general3A_15 = tpu.matmul %get3A_1, %get3A_7, %dot_general3A_14 {dimension_numbers = #tpu.dot_dimension_numbers<[1], [0], [0], [1], [0, 0, 1, 1], [], []>, transpose_lhs_hint = false} : vector<128x256xf32>, vector<256x64xf32>, vector<128x64xf32> -> vector<128x64xf32>
    %swap3A_16 = arith.constant 0 : index
    %swap3A_17 = arith.constant 0 : index
    %swap3A_18 = vector.load %arg7[%swap3A_16, %swap3A_17] : memref<128x64xf32, #tpu.memory_space<vmem>>, vector<128x64xf32>
    tpu.vector_store %arg7[%swap3A_16, %swap3A_17], %dot_general3A_15 {strides = array<i32>} : memref<128x64xf32, #tpu.memory_space<vmem>>, vector<128x64xf32>,
    %dot_general3A_19 = arith.constant dense<0.000000e+00> : vector<128x64xf32>
    %dot_general3A_20 = tpu.matmul %get3A_4, %get3A_7, %dot_general3A_19 {dimension_numbers = #tpu.dot_dimension_numbers<[1], [0], [0], [1], [0, 0, 1, 1], [], []>, transpose_lhs_hint = false} : vector<128x256xf32>, vector<256x64xf32>, vector<128x64xf32> -> vector<128x64xf32>
    %dot_general3A_21 = arith.constant dense<0.000000e+00> : vector<128x64xf32>
    %dot_general3A_22 = tpu.matmul %get3A_1, %get3A_10, %dot_general3A_21 {dimension_numbers = #tpu.dot_dimension_numbers<[1], [0], [0], [1], [0, 0, 1, 1], [], []>, transpose_lhs_hint = false} : vector<128x256xf32>, vector<256x64xf32>, vector<128x64xf32> -> vector<128x64xf32>
    %add3A = arith.addf %dot_general3A_20, %dot_general3A_22 : vector<128x64xf32>
    %swap3A_23 = arith.constant 0 : index
    %swap3A_24 = arith.constant 0 : index
    %swap3A_25 = vector.load %arg8[%swap3A_23, %swap3A_24] : memref<128x64xf32, #tpu.memory_space<vmem>>, vector<128x64xf32>
    tpu.vector_store %arg8[%swap3A_23, %swap3A_24], %add3A {strides = array<i32>} : memref<128x64xf32, #tpu.memory_space<vmem>>, vector<128x64xf32>,
    %get3A_26 = arith.constant 0 : index
    %get3A_27 = arith.constant 0 : index
    %get3A_28 = vector.load %arg4[%get3A_26, %get3A_27] : memref<1x256xf32, #tpu.memory_space<vmem>>, vector<1x256xf32>
    %dot_general3A_29 = arith.constant dense<0.000000e+00> : vector<1x64xf32>
    %dot_general3A_30 = tpu.matmul %get3A_28, %get3A_10, %dot_general3A_29 {dimension_numbers = #tpu.dot_dimension_numbers<[1], [0], [0], [1], [0, 0, 1, 1], [], []>, transpose_lhs_hint = false} : vector<1x256xf32>, vector<256x64xf32>, vector<1x64xf32> -> vector<1x64xf32>
    %swap3A_31 = arith.constant 0 : index
    %swap3A_32 = arith.constant 0 : index
    %swap3A_33 = vector.load %arg9[%swap3A_31, %swap3A_32] : memref<1x64xf32, #tpu.memory_space<vmem>>, vector<1x64xf32>
    tpu.vector_store %arg9[%swap3A_31, %swap3A_32], %dot_general3A_30 {strides = array<i32>} : memref<1x64xf32, #tpu.memory_space<vmem>>, vector<1x64xf32>,
    %get3A_34 = arith.constant 0 : index
    %get3A_35 = arith.constant 0 : index
    %get3A_36 = vector.load %arg4[%get3A_34, %get3A_35] : memref<1x256xf32, #tpu.memory_space<vmem>>, vector<1x256xf32>
    %dot_general3A_37 = arith.constant dense<0.000000e+00> : vector<1x64xf32>
    %dot_general3A_38 = tpu.matmul %get3A_36, %get3A_7, %dot_general3A_37 {dimension_numbers = #tpu.dot_dimension_numbers<[1], [0], [0], [1], [0, 0, 1, 1], [], []>, transpose_lhs_hint = false} : vector<1x256xf32>, vector<256x64xf32>, vector<1x64xf32> -> vector<1x64xf32>
    %get3A_39 = arith.constant 0 : index
    %get3A_40 = arith.constant 0 : index
    %get3A_41 = vector.load %arg5[%get3A_39, %get3A_40] : memref<1x64xf32, #tpu.memory_space<vmem>>, vector<1x64xf32>
    %add3A_42 = arith.addf %dot_general3A_38, %get3A_41 : vector<1x64xf32>
    %swap3A_43 = arith.constant 0 : index
    %swap3A_44 = arith.constant 0 : index
    %swap3A_45 = vector.load %arg10[%swap3A_43, %swap3A_44] : memref<1x64xf32, #tpu.memory_space<vmem>>, vector<1x64xf32>
    tpu.vector_store %arg10[%swap3A_43, %swap3A_44], %add3A_42 {strides = array<i32>} : memref<1x64xf32, #tpu.memory_space<vmem>>, vector<1x64xf32>,
    return
  }
}

module attributes {stable_mosaic.version = 14 : i64} {
  func.func @_tcmid_body(%arg0: i32, %arg1: memref<2x2504x128xf32, #tpu.memory_space<vmem>>, %arg2: memref<2x2504x8xf32, #tpu.memory_space<vmem>>, %arg3: memref<128x64xf32, #tpu.memory_space<vmem>>, %arg4: memref<2504x64xf32, #tpu.memory_space<vmem>>) attributes {dimension_semantics = [#tpu.dimension_semantics<arbitrary>], iteration_bounds = array<i64: 4>, scalar_prefetch = 0 : i64, scratch_operands = 0 : i64, tpu.core_type = #tpu.core_type<tc>, window_params = [{transform_indices = @transform_0, window_bounds = array<i64: 2, 2504, 128>}, {transform_indices = @transform_1, window_bounds = array<i64: 2, 2504, 8>}, {pipeline_mode = #tpu.pipeline_mode<synchronous>, transform_indices = @transform_2, window_bounds = array<i64: 128, 64>}, {transform_indices = @transform_3, window_bounds = array<i64: 2504, 64>}]} {
    %get3A = arith.constant 0 : index
    %get3A_0 = arith.constant 0 : index
    %get3A_1 = arith.constant 0 : index
    %get3A_2 = vector.load %arg2[%get3A, %get3A_0, %get3A_1] : memref<2x2504x8xf32, #tpu.memory_space<vmem>>, vector<1x2504x1xf32>
    %get3A_3 = vector.shape_cast %get3A_2 : vector<1x2504x1xf32> to vector<2504x1xf32>
    %get3A_4 = arith.constant 1 : index
    %get3A_5 = arith.constant 0 : index
    %get3A_6 = arith.constant 0 : index
    %get3A_7 = vector.load %arg2[%get3A_4, %get3A_5, %get3A_6] : memref<2x2504x8xf32, #tpu.memory_space<vmem>>, vector<1x2504x1xf32>
    %get3A_8 = vector.shape_cast %get3A_7 : vector<1x2504x1xf32> to vector<2504x1xf32>
    %add3A = arith.addf %get3A_3, %get3A_8 : vector<2504x1xf32>
    %max3A = arith.constant 1.000000e+00 : f32
    %max3A_9 = vector.broadcast %max3A : f32 to vector<2504x1xf32>
    %max3A_10 = arith.maximumf %add3A, %max3A_9 : vector<2504x1xf32>
    %div3A = arith.constant 1.000000e+00 : f32
    %div3A_11 = vector.broadcast %div3A : f32 to vector<2504x1xf32>
    %div3A_12 = arith.divf %div3A_11, %max3A_10 : vector<2504x1xf32>
    %get3A_13 = arith.constant 0 : index
    %get3A_14 = arith.constant 0 : index
    %get3A_15 = arith.constant 0 : index
    %get3A_16 = vector.load %arg1[%get3A_13, %get3A_14, %get3A_15] : memref<2x2504x128xf32, #tpu.memory_space<vmem>>, vector<1x2504x128xf32>
    %get3A_17 = vector.shape_cast %get3A_16 : vector<1x2504x128xf32> to vector<2504x128xf32>
    %get3A_18 = arith.constant 1 : index
    %get3A_19 = arith.constant 0 : index
    %get3A_20 = arith.constant 0 : index
    %get3A_21 = vector.load %arg1[%get3A_18, %get3A_19, %get3A_20] : memref<2x2504x128xf32, #tpu.memory_space<vmem>>, vector<1x2504x128xf32>
    %get3A_22 = vector.shape_cast %get3A_21 : vector<1x2504x128xf32> to vector<2504x128xf32>
    %add3A_23 = arith.addf %get3A_17, %get3A_22 : vector<2504x128xf32>
    %get3A_24 = arith.constant 0 : index
    %get3A_25 = arith.constant 0 : index
    %get3A_26 = vector.load %arg3[%get3A_24, %get3A_25] : memref<128x64xf32, #tpu.memory_space<vmem>>, vector<128x64xf32>
    %dot_general3A = arith.constant dense<0.000000e+00> : vector<2504x64xf32>
    %dot_general3A_27 = tpu.matmul %add3A_23, %get3A_26, %dot_general3A {dimension_numbers = #tpu.dot_dimension_numbers<[1], [0], [0], [1], [0, 0, 1, 1], [], []>, transpose_lhs_hint = false} : vector<2504x128xf32>, vector<128x64xf32>, vector<2504x64xf32> -> vector<2504x64xf32>
    %mul3A = vector.broadcast %div3A_12 : vector<2504x1xf32> to vector<2504x64xf32>
    %mul3A_28 = arith.mulf %dot_general3A_27, %mul3A : vector<2504x64xf32>
    %swap3A = arith.constant 0 : index
    %swap3A_29 = arith.constant 0 : index
    %swap3A_30 = vector.load %arg4[%swap3A, %swap3A_29] : memref<2504x64xf32, #tpu.memory_space<vmem>>, vector<2504x64xf32>
    tpu.vector_store %arg4[%swap3A, %swap3A_29], %mul3A_28 {strides = array<i32>} : memref<2504x64xf32, #tpu.memory_space<vmem>>, vector<2504x64xf32>,
    return
  }
  func.func @transform_0(%arg0: i32) -> (i32, i32, i32) {
    %c0_i32 = arith.constant 0 : i32
    %c0_i32_0 = arith.constant 0 : i32
    %c0_i32_1 = arith.constant 0 : i32
    return %c0_i32, %arg0, %c0_i32_0 : i32, i32, i32
  }
  func.func @transform_1(%arg0: i32) -> (i32, i32, i32) {
    %c0_i32 = arith.constant 0 : i32
    %c0_i32_0 = arith.constant 0 : i32
    %c0_i32_1 = arith.constant 0 : i32
    return %c0_i32, %arg0, %c0_i32_0 : i32, i32, i32
  }
  func.func @transform_2(%arg0: i32) -> (i32, i32) {
    %c0_i32 = arith.constant 0 : i32
    %c0_i32_0 = arith.constant 0 : i32
    %c0_i32_1 = arith.constant 0 : i32
    return %c0_i32, %c0_i32_0 : i32, i32
  }
  func.func @transform_3(%arg0: i32) -> (i32, i32) {
    %c0_i32 = arith.constant 0 : i32
    %c0_i32_0 = arith.constant 0 : i32
    return %arg0, %c0_i32 : i32, i32
  }
}

module attributes {stable_mosaic.version = 14 : i64} {
  func.func @_tcpar_body(%arg0: i32, %arg1: memref<2000x128xf32, #tpu.memory_space<vmem>>, %arg2: memref<2x2000x128xf32, #tpu.memory_space<vmem>>, %arg3: memref<2x2000x8xf32, #tpu.memory_space<vmem>>, %arg4: memref<128x64xf32, #tpu.memory_space<vmem>>, %arg5: memref<128x64xf32, #tpu.memory_space<vmem>>, %arg6: memref<1x64xf32, #tpu.memory_space<vmem>>, %arg7: memref<1x64xf32, #tpu.memory_space<vmem>>, %arg8: memref<2000x64xf32, #tpu.memory_space<vmem>>) attributes {dimension_semantics = [#tpu.dimension_semantics<arbitrary>], iteration_bounds = array<i64: 5>, scalar_prefetch = 0 : i64, scratch_operands = 0 : i64, tpu.core_type = #tpu.core_type<tc>, window_params = [{transform_indices = @transform_0, window_bounds = array<i64: 2000, 128>}, {transform_indices = @transform_1, window_bounds = array<i64: 2, 2000, 128>}, {transform_indices = @transform_2, window_bounds = array<i64: 2, 2000, 8>}, {pipeline_mode = #tpu.pipeline_mode<synchronous>, transform_indices = @transform_3, window_bounds = array<i64: 128, 64>}, {pipeline_mode = #tpu.pipeline_mode<synchronous>, transform_indices = @transform_4, window_bounds = array<i64: 128, 64>}, {pipeline_mode = #tpu.pipeline_mode<synchronous>, transform_indices = @transform_5, window_bounds = array<i64: 1, 64>}, {pipeline_mode = #tpu.pipeline_mode<synchronous>, transform_indices = @transform_6, window_bounds = array<i64: 1, 64>}, {transform_indices = @transform_7, window_bounds = array<i64: 2000, 64>}]} {
    %get3A = arith.constant 0 : index
    %get3A_0 = arith.constant 0 : index
    %get3A_1 = arith.constant 0 : index
    %get3A_2 = vector.load %arg3[%get3A, %get3A_0, %get3A_1] : memref<2x2000x8xf32, #tpu.memory_space<vmem>>, vector<1x2000x1xf32>
    %get3A_3 = vector.shape_cast %get3A_2 : vector<1x2000x1xf32> to vector<2000x1xf32>
    %get3A_4 = arith.constant 1 : index
    %get3A_5 = arith.constant 0 : index
    %get3A_6 = arith.constant 0 : index
    %get3A_7 = vector.load %arg3[%get3A_4, %get3A_5, %get3A_6] : memref<2x2000x8xf32, #tpu.memory_space<vmem>>, vector<1x2000x1xf32>
    %get3A_8 = vector.shape_cast %get3A_7 : vector<1x2000x1xf32> to vector<2000x1xf32>
    %add3A = arith.addf %get3A_3, %get3A_8 : vector<2000x1xf32>
    %max3A = arith.constant 1.000000e+00 : f32
    %max3A_9 = vector.broadcast %max3A : f32 to vector<2000x1xf32>
    %max3A_10 = arith.maximumf %add3A, %max3A_9 : vector<2000x1xf32>
    %div3A = arith.constant 1.000000e+00 : f32
    %div3A_11 = vector.broadcast %div3A : f32 to vector<2000x1xf32>
    %div3A_12 = arith.divf %div3A_11, %max3A_10 : vector<2000x1xf32>
    %get3A_13 = arith.constant 0 : index
    %get3A_14 = arith.constant 0 : index
    %get3A_15 = arith.constant 0 : index
    %get3A_16 = vector.load %arg2[%get3A_13, %get3A_14, %get3A_15] : memref<2x2000x128xf32, #tpu.memory_space<vmem>>, vector<1x2000x128xf32>
    %get3A_17 = vector.shape_cast %get3A_16 : vector<1x2000x128xf32> to vector<2000x128xf32>
    %get3A_18 = arith.constant 1 : index
    %get3A_19 = arith.constant 0 : index
    %get3A_20 = arith.constant 0 : index
    %get3A_21 = vector.load %arg2[%get3A_18, %get3A_19, %get3A_20] : memref<2x2000x128xf32, #tpu.memory_space<vmem>>, vector<1x2000x128xf32>
    %get3A_22 = vector.shape_cast %get3A_21 : vector<1x2000x128xf32> to vector<2000x128xf32>
    %add3A_23 = arith.addf %get3A_17, %get3A_22 : vector<2000x128xf32>
    %get3A_24 = arith.constant 0 : index
    %get3A_25 = arith.constant 0 : index
    %get3A_26 = vector.load %arg1[%get3A_24, %get3A_25] : memref<2000x128xf32, #tpu.memory_space<vmem>>, vector<2000x128xf32>
    %get3A_27 = arith.constant 0 : index
    %get3A_28 = arith.constant 0 : index
    %get3A_29 = vector.load %arg4[%get3A_27, %get3A_28] : memref<128x64xf32, #tpu.memory_space<vmem>>, vector<128x64xf32>
    %dot_general3A = arith.constant dense<0.000000e+00> : vector<2000x64xf32>
    %dot_general3A_30 = tpu.matmul %get3A_26, %get3A_29, %dot_general3A {dimension_numbers = #tpu.dot_dimension_numbers<[1], [0], [0], [1], [0, 0, 1, 1], [], []>, transpose_lhs_hint = false} : vector<2000x128xf32>, vector<128x64xf32>, vector<2000x64xf32> -> vector<2000x64xf32>
    %get3A_31 = arith.constant 0 : index
    %get3A_32 = arith.constant 0 : index
    %get3A_33 = vector.load %arg5[%get3A_31, %get3A_32] : memref<128x64xf32, #tpu.memory_space<vmem>>, vector<128x64xf32>
    %dot_general3A_34 = arith.constant dense<0.000000e+00> : vector<2000x64xf32>
    %dot_general3A_35 = tpu.matmul %add3A_23, %get3A_33, %dot_general3A_34 {dimension_numbers = #tpu.dot_dimension_numbers<[1], [0], [0], [1], [0, 0, 1, 1], [], []>, transpose_lhs_hint = false} : vector<2000x128xf32>, vector<128x64xf32>, vector<2000x64xf32> -> vector<2000x64xf32>
    %mul3A = vector.broadcast %div3A_12 : vector<2000x1xf32> to vector<2000x64xf32>
    %mul3A_36 = arith.mulf %dot_general3A_35, %mul3A : vector<2000x64xf32>
    %add3A_37 = arith.addf %dot_general3A_30, %mul3A_36 : vector<2000x64xf32>
    %get3A_38 = arith.constant 0 : index
    %get3A_39 = arith.constant 0 : index
    %get3A_40 = vector.load %arg7[%get3A_38, %get3A_39] : memref<1x64xf32, #tpu.memory_space<vmem>>, vector<1x64xf32>
    %add3A_41 = vector.broadcast %get3A_40 : vector<1x64xf32> to vector<2000x64xf32>
    %add3A_42 = arith.addf %add3A_37, %add3A_41 : vector<2000x64xf32>
    %gt3A = arith.constant 0.000000e+00 : f32
    %gt3A_43 = vector.broadcast %gt3A : f32 to vector<2000x1xf32>
    %gt3A_44 = arith.cmpf ogt, %add3A, %gt3A_43 : vector<2000x1xf32>
    %get3A_45 = arith.constant 0 : index
    %get3A_46 = arith.constant 0 : index
    %get3A_47 = vector.load %arg6[%get3A_45, %get3A_46] : memref<1x64xf32, #tpu.memory_space<vmem>>, vector<1x64xf32>
    %jit3A = arith.constant 0.000000e+00 : f32
    %broadcast_in_dim3A = vector.shape_cast %gt3A_44 : vector<2000x1xi1> to vector<2000x1xi1>
    %broadcast_in_dim3A_48 = vector.broadcast %broadcast_in_dim3A : vector<2000x1xi1> to vector<2000x64xi1>
    %broadcast_in_dim3A_49 = vector.shape_cast %get3A_47 : vector<1x64xf32> to vector<1x64xf32>
    %broadcast_in_dim3A_50 = vector.broadcast %broadcast_in_dim3A_49 : vector<1x64xf32> to vector<2000x64xf32>
    %broadcast_in_dim3A_51 = vector.broadcast %jit3A : f32 to vector<2000x64xf32>
    %select_n3A = arith.select %broadcast_in_dim3A_48, %broadcast_in_dim3A_50, %broadcast_in_dim3A_51 : vector<2000x64xi1>, vector<2000x64xf32>
    %add3A_52 = arith.addf %add3A_42, %select_n3A : vector<2000x64xf32>
    %swap3A = arith.constant 0 : index
    %swap3A_53 = arith.constant 0 : index
    %swap3A_54 = vector.load %arg8[%swap3A, %swap3A_53] : memref<2000x64xf32, #tpu.memory_space<vmem>>, vector<2000x64xf32>
    tpu.vector_store %arg8[%swap3A, %swap3A_53], %add3A_52 {strides = array<i32>} : memref<2000x64xf32, #tpu.memory_space<vmem>>, vector<2000x64xf32>,
    return
  }
  func.func @transform_0(%arg0: i32) -> (i32, i32) {
    %c0_i32 = arith.constant 0 : i32
    %c0_i32_0 = arith.constant 0 : i32
    return %arg0, %c0_i32 : i32, i32
  }
  func.func @transform_1(%arg0: i32) -> (i32, i32, i32) {
    %c0_i32 = arith.constant 0 : i32
    %c0_i32_0 = arith.constant 0 : i32
    %c0_i32_1 = arith.constant 0 : i32
    return %c0_i32, %arg0, %c0_i32_0 : i32, i32, i32
  }
  func.func @transform_2(%arg0: i32) -> (i32, i32, i32) {
    %c0_i32 = arith.constant 0 : i32
    %c0_i32_0 = arith.constant 0 : i32
    %c0_i32_1 = arith.constant 0 : i32
    return %c0_i32, %arg0, %c0_i32_0 : i32, i32, i32
  }
  func.func @transform_3(%arg0: i32) -> (i32, i32) {
    %c0_i32 = arith.constant 0 : i32
    %c0_i32_0 = arith.constant 0 : i32
    %c0_i32_1 = arith.constant 0 : i32
    return %c0_i32, %c0_i32_0 : i32, i32
  }
  func.func @transform_4(%arg0: i32) -> (i32, i32) {
    %c0_i32 = arith.constant 0 : i32
    %c0_i32_0 = arith.constant 0 : i32
    %c0_i32_1 = arith.constant 0 : i32
    return %c0_i32, %c0_i32_0 : i32, i32
  }
  func.func @transform_5(%arg0: i32) -> (i32, i32) {
    %c0_i32 = arith.constant 0 : i32
    %c0_i32_0 = arith.constant 0 : i32
    %c0_i32_1 = arith.constant 0 : i32
    return %c0_i32, %c0_i32_0 : i32, i32
  }
  func.func @transform_6(%arg0: i32) -> (i32, i32) {
    %c0_i32 = arith.constant 0 : i32
    %c0_i32_0 = arith.constant 0 : i32
    %c0_i32_1 = arith.constant 0 : i32
    return %c0_i32, %c0_i32_0 : i32, i32
  }
  func.func @transform_7(%arg0: i32) -> (i32, i32) {
    %c0_i32 = arith.constant 0 : i32
    %c0_i32_0 = arith.constant 0 : i32
    return %arg0, %c0_i32 : i32, i32
  }
}

module attributes {stable_mosaic.version = 14 : i64} {
  func.func @_tcfin_body(%arg0: i32, %arg1: memref<2000x64xf32, #tpu.memory_space<vmem>>, %arg2: memref<2x2000x64xf32, #tpu.memory_space<vmem>>, %arg3: memref<2x2000x8xf32, #tpu.memory_space<vmem>>, %arg4: memref<2000x64xf32, #tpu.memory_space<vmem>>) attributes {dimension_semantics = [#tpu.dimension_semantics<arbitrary>], iteration_bounds = array<i64: 5>, scalar_prefetch = 0 : i64, scratch_operands = 0 : i64, tpu.core_type = #tpu.core_type<tc>, window_params = [{transform_indices = @transform_0, window_bounds = array<i64: 2000, 64>}, {transform_indices = @transform_1, window_bounds = array<i64: 2, 2000, 64>}, {transform_indices = @transform_2, window_bounds = array<i64: 2, 2000, 8>}, {transform_indices = @transform_3, window_bounds = array<i64: 2000, 64>}]} {
    %get3A = arith.constant 0 : index
    %get3A_0 = arith.constant 0 : index
    %get3A_1 = arith.constant 0 : index
    %get3A_2 = vector.load %arg3[%get3A, %get3A_0, %get3A_1] : memref<2x2000x8xf32, #tpu.memory_space<vmem>>, vector<1x2000x1xf32>
    %get3A_3 = vector.shape_cast %get3A_2 : vector<1x2000x1xf32> to vector<2000x1xf32>
    %get3A_4 = arith.constant 1 : index
    %get3A_5 = arith.constant 0 : index
    %get3A_6 = arith.constant 0 : index
    %get3A_7 = vector.load %arg3[%get3A_4, %get3A_5, %get3A_6] : memref<2x2000x8xf32, #tpu.memory_space<vmem>>, vector<1x2000x1xf32>
    %get3A_8 = vector.shape_cast %get3A_7 : vector<1x2000x1xf32> to vector<2000x1xf32>
    %add3A = arith.addf %get3A_3, %get3A_8 : vector<2000x1xf32>
    %max3A = arith.constant 1.000000e+00 : f32
    %max3A_9 = vector.broadcast %max3A : f32 to vector<2000x1xf32>
    %max3A_10 = arith.maximumf %add3A, %max3A_9 : vector<2000x1xf32>
    %div3A = arith.constant 1.000000e+00 : f32
    %div3A_11 = vector.broadcast %div3A : f32 to vector<2000x1xf32>
    %div3A_12 = arith.divf %div3A_11, %max3A_10 : vector<2000x1xf32>
    %get3A_13 = arith.constant 0 : index
    %get3A_14 = arith.constant 0 : index
    %get3A_15 = vector.load %arg1[%get3A_13, %get3A_14] : memref<2000x64xf32, #tpu.memory_space<vmem>>, vector<2000x64xf32>
    %get3A_16 = arith.constant 0 : index
    %get3A_17 = arith.constant 0 : index
    %get3A_18 = arith.constant 0 : index
    %get3A_19 = vector.load %arg2[%get3A_16, %get3A_17, %get3A_18] : memref<2x2000x64xf32, #tpu.memory_space<vmem>>, vector<1x2000x64xf32>
    %get3A_20 = vector.shape_cast %get3A_19 : vector<1x2000x64xf32> to vector<2000x64xf32>
    %get3A_21 = arith.constant 1 : index
    %get3A_22 = arith.constant 0 : index
    %get3A_23 = arith.constant 0 : index
    %get3A_24 = vector.load %arg2[%get3A_21, %get3A_22, %get3A_23] : memref<2x2000x64xf32, #tpu.memory_space<vmem>>, vector<1x2000x64xf32>
    %get3A_25 = vector.shape_cast %get3A_24 : vector<1x2000x64xf32> to vector<2000x64xf32>
    %add3A_26 = arith.addf %get3A_20, %get3A_25 : vector<2000x64xf32>
    %mul3A = vector.broadcast %div3A_12 : vector<2000x1xf32> to vector<2000x64xf32>
    %mul3A_27 = arith.mulf %add3A_26, %mul3A : vector<2000x64xf32>
    %add3A_28 = arith.addf %get3A_15, %mul3A_27 : vector<2000x64xf32>
    %swap3A = arith.constant 0 : index
    %swap3A_29 = arith.constant 0 : index
    %swap3A_30 = vector.load %arg4[%swap3A, %swap3A_29] : memref<2000x64xf32, #tpu.memory_space<vmem>>, vector<2000x64xf32>
    tpu.vector_store %arg4[%swap3A, %swap3A_29], %add3A_28 {strides = array<i32>} : memref<2000x64xf32, #tpu.memory_space<vmem>>, vector<2000x64xf32>,
    return
  }
  func.func @transform_0(%arg0: i32) -> (i32, i32) {
    %c0_i32 = arith.constant 0 : i32
    %c0_i32_0 = arith.constant 0 : i32
    return %arg0, %c0_i32 : i32, i32
  }
  func.func @transform_1(%arg0: i32) -> (i32, i32, i32) {
    %c0_i32 = arith.constant 0 : i32
    %c0_i32_0 = arith.constant 0 : i32
    %c0_i32_1 = arith.constant 0 : i32
    return %c0_i32, %arg0, %c0_i32_0 : i32, i32, i32
  }
  func.func @transform_2(%arg0: i32) -> (i32, i32, i32) {
    %c0_i32 = arith.constant 0 : i32
    %c0_i32_0 = arith.constant 0 : i32
    %c0_i32_1 = arith.constant 0 : i32
    return %c0_i32, %arg0, %c0_i32_0 : i32, i32, i32
  }
  func.func @transform_3(%arg0: i32) -> (i32, i32) {
    %c0_i32 = arith.constant 0 : i32
    %c0_i32_0 = arith.constant 0 : i32
    return %arg0, %c0_i32 : i32, i32
  }
}

</mosaic_0001>

<sc_bundles>
// kernel: kernel.11.cloned.1.call-start
scs
__scs_entry_jumppad:
0x0: {  	(pc) =	sbr.rel $0x88, $3  }
0x1: {  	(tag) =	ssettag $0x0;
	lr =	simm.s32 $0x1  }
0x2: {  	[smem:$0x3F99] =	sst lr;
	_ =	strace $0xD0000000  }
0x3: {  	_ = 	snop  }
0x4: {  	_ = 	snop  }
0x5: {  	_ = 	snop  }
0x6: {  	_ = 	snop  }
0x7: {  	_ = 	snop  }
__scs_overlays_trampoline_lowered:
0x8: {  	[smem:$0x3FA8] =	sst s0  }
0x9: {  	[smem:$0x3FA9] =	sst s1  }
0xa: {  	[smem:$0x3FAA] =	sst s2  }
0xb: {  	[smem:$0x3FAB] =	sst s3  }
0xc: {  	[smem:$0x3FAC] =	sst s4  }
0xd: {  	[smem:$0x3FAD] =	sst s5  }
0xe: {  	[smem:$0x3FAE] =	sst s6  }
0xf: {  	[smem:$0x3FAF] =	sst s7  }
0x10: {  	[smem:$0x3FB0] =	sst s8  }
0x11: {  	[smem:$0x3FB1] =	sst s9;
	s0 =	simm.s32 @!p0 $0x0  }
0x12: {  	s1 =	sld [smem:$0x3F97];
	s0 =	simm.s32 @p0 $0x1  }
0x13: {  	[smem:$0x3FB2] =	sst s0;
	s0 =	simm.s32 @!p1 $0x0  }
0x14: {  	s2 =	sld [smem:$0x3F96];
	s0 =	simm.s32 @p1 $0x1  }
0x15: {  	[smem:$0x3FB3] =	sst s0;
	s0 =	simm.s32 @!p2 $0x0  }
0x16: {  	s3 =	sld [smem:$0x3FDB];
	s0 =	simm.s32 @p2 $0x1  }
0x17: {  	s4 =	simm.s32 $0x1BF5;
	[smem:$0x3FB5] =	sst s0  }
0x18: {  	s0 =	sld [smem:$0x3F98];
	_ =	swait.ge [sflag:s4], $0x0  }
0x19: {  	s7 =	sld [smem:$0x3F99]  }
0x1a: {  	s8 =	sadd.s32 $0xFFFFE003, lr  }
0x1b: {  	s9 =	sadd.s32 $0xFFFFFEF7, lr;
	s5 =	simm.s32 $0xFFFFFFFF;
	p2 =	slt.u32 s8, $0xFFFFF086  }
0x1c: {  	p1 =	slt.u32 s9, $0xF7A;
	s5 =	simm.s32 @!p2 $0x0  }
0x1d: {  	s5 =	simm.s32 @p1 $0x1;
	p0 =	seq.s32 s7, s2  }
0x1e: {  	s7 =	smul.u32 @!p0 $0xF7A, s2;
	p2 =	seq.s32 @!p0 s5, $0x0  }
0x1f: {  	s9 =	smul.u32 $0xF7A, s1;
	s8 =	simm.s32 @!p0 $0x1BF5;
	p2 =	por !p2, p0  }
0x20: {  	[sflag:s8] =	ssyncset.s32 @!p0 $0xFFFFF086;
	s6 =	sadd.s32 @!p0 s3, s7;
	s7 =	simm.s32 @!p0 $0x108  }
0x21: {  	s3 =	sadd.s32 s3, s9;
	s6 =	sadd.s32 @!p0 $0x88, s6;
	s7 =	simm.s32 @p2 $0x1082  }
0x22: {  	[simem:s7], [sflag:s8] =	dma.local @!p0 [hbm:s6], $0xF7A  }
0x23: {  	s9 =	sor.u32 $0xD0000000, s2;
	s6 =	simm.s32 $0x108;
	_ =	swait.ge @!p0 [sflag:s8], $0x0  }
0x24: {  	s3 =	sadd.s32 $0x88, s3;
	s6 =	simm.s32 @!p1 $0x1082;
	[sflag:s4] =	ssyncset.s32 $0xFFFFF086  }
0x25: {  	[simem:s6], [sflag:s4] =	dma.local [hbm:s3], $0xF7A  }
0x26: {  	[smem:$0x3F99] =	sst s1;
	(tag) =	ssettag s2;
	_ =	strace s9  }
0x27: {  	s1 =	sld [smem:$0x3FA9]  }
0x28: {  	s2 =	sld [smem:$0x3FAA]  }
0x29: {  	s4 =	sld [smem:$0x3FAC]  }
0x2a: {  	p0 =	seq.s32 s5, $0x0;
	s5 =	sld [smem:$0x3FAD]  }
0x2b: {  	s6 =	sld [smem:$0x3FAE]  }
0x2c: {  	s7 =	sld [smem:$0x3FAF]  }
0x2d: {  	s3 =	simm.s32 $0x108;
	s8 =	sld [smem:$0x3FB0]  }
0x2e: {  	s3 =	simm.s32 @!p0 $0x1082;
	s9 =	sld [smem:$0x3FB1]  }
0x2f: {  	lr =	sadd.s32 s0, s3;
	s0 =	sld [smem:$0x3FA8]  }
0x30: {  	s3 =	sld [smem:$0x3FAB]  }
0x31: {  	[smem:$0x3FB4] =	sst s10  }
0x32: {  	s10 =	sld [smem:$0x3FB2];
	_ =	sdelay $0x3  }
0x33: {  	p0 =	seq.s32 s10, $0x1;
	s10 =	sld [smem:$0x3FB4];
	_ =	sdelay $0x3  }
0x34: {  	[smem:$0x3FB4] =	sst s10  }
0x35: {  	s10 =	sld [smem:$0x3FB3];
	_ =	sdelay $0x3  }
0x36: {  	p1 =	seq.s32 s10, $0x1;
	s10 =	sld [smem:$0x3FB4];
	_ =	sdelay $0x3  }
0x37: {  	[smem:$0x3FB4] =	sst s10  }
0x38: {  	s10 =	sld [smem:$0x3FB5]  }
0x39: {  	_ = 	snop;
	(pc) =	sbr.ind lr, $3  }
0x3a: {  	_ = 	snop  }
0x3b: {  	_ = 	snop  }
0x3c: {  	p2 =	seq.s32 s10, $0x1;
	s10 =	sld [smem:$0x3FB4]  }
0x3d: {  	_ =	shalt  }
0x3e: {  	_ =	shalt  }
0x3f: {  	_ =	shalt  }
0x40: {  	_ =	shalt  }
0x41: {  	_ =	shalt  }
0x42: {  	_ =	shalt  }
0x43: {  	_ =	shalt  }
0x44: {  	_ =	shalt  }
0x45: {  	_ =	shalt  }
0x46: {  	_ =	shalt  }
0x47: {  	_ =	shalt  }
0x48: {  	_ =	shalt  }
0x49: {  	_ =	shalt  }
0x4a: {  	_ =	shalt  }
0x4b: {  	_ =	shalt  }
0x4c: {  	_ =	shalt  }
0x4d: {  	_ =	shalt  }
0x4e: {  	_ =	shalt  }
0x4f: {  	_ =	shalt  }
0x50: {  	_ =	shalt  }
0x51: {  	_ =	shalt  }
0x52: {  	_ =	shalt  }
0x53: {  	_ =	shalt  }
0x54: {  	_ =	shalt  }
0x55: {  	_ =	shalt  }
0x56: {  	_ =	shalt  }
0x57: {  	_ =	shalt  }
0x58: {  	_ =	shalt  }
0x59: {  	_ =	shalt  }
0x5a: {  	_ =	shalt  }
0x5b: {  	_ =	shalt  }
0x5c: {  	_ =	shalt  }
0x5d: {  	_ =	shalt  }
0x5e: {  	_ =	shalt  }
0x5f: {  	_ =	shalt  }
0x60: {  	_ =	shalt  }
0x61: {  	_ =	shalt  }
0x62: {  	_ =	shalt  }
0x63: {  	_ =	shalt  }
0x64: {  	_ =	shalt  }
0x65: {  	_ =	shalt  }
0x66: {  	_ =	shalt  }
0x67: {  	_ =	shalt  }
0x68: {  	_ =	shalt  }
0x69: {  	_ =	shalt  }
0x6a: {  	_ =	shalt  }
0x6b: {  	_ =	shalt  }
0x6c: {  	_ =	shalt  }
0x6d: {  	_ =	shalt  }
0x6e: {  	_ =	shalt  }
0x6f: {  	_ =	shalt  }
0x70: {  	_ =	shalt  }
0x71: {  	_ =	shalt  }
0x72: {  	_ =	shalt  }
0x73: {  	_ =	shalt  }
0x74: {  	_ =	shalt  }
0x75: {  	_ =	shalt  }
0x76: {  	_ =	shalt  }
0x77: {  	_ =	shalt  }
0x78: {  	_ =	shalt  }
0x79: {  	_ =	shalt  }
0x7a: {  	_ =	shalt  }
0x7b: {  	_ =	shalt  }
0x7c: {  	_ =	shalt  }
0x7d: {  	_ =	shalt  }
0x7e: {  	_ =	shalt  }
0x7f: {  	_ =	shalt  }
0x80: {  	_ =	shalt  }
0x81: {  	_ =	shalt  }
0x82: {  	_ =	shalt  }
0x83: {  	_ =	shalt  }
0x84: {  	_ =	shalt  }
0x85: {  	_ =	shalt  }
0x86: {  	_ =	shalt  }
0x87: {  	_ =	shalt  }
.Lfunc_end0:
.L_simem_size_0:
called_computation.1_lowered:
.L_overlay_start_0:
0x88: {  	s2 =	sld [smem:$0x3FD9]  }
0x89: {  	s3 =	sld [smem:$0x3FFE];
	_ =	sdelay $0x1  }
0x8a: {  	s1 =	srdreg.scid  }
0x8b: {  	s0 =	sand.u32 $0x1, s1  }
0x8c: {  	s17 =	sshll.u32 s0, $0xA;
	s2 =	sadd.s32 s3, s2  }
0x8d: {  	s2 =	sadd.s32 s2, s17  }
0x8e: {  	[smem:$0x3FC0] =	sst s2  }
0x8f: {  	_ = 	snop  }
0x90: {  	s2 =	sld [smem:$0x3FD0];
	(tm) =	ssettm $0x1  }
0x91: {  	s18 =	sld [smem:$0x3FFB];
	_ =	sdelay $0x3  }
0x92: {  	_ =	strace s18  }
0x93: {  	s3 =	sld [smem:$0x3FFC];
	_ =	sdelay $0x3  }
0x94: {  	_ =	strace s3  }
0x95: {  	s3 =	sld [smem:$0x3FFD];
	_ =	sdelay $0x3  }
0x96: {  	_ =	strace s3  }
0x97: {  	_ =	strace $0x8FFFFFFF  }
0x98: {  	s19 =	sld [smem:$0x3FDB];
	_ =	sdelay $0x1  }
0x99: {  	s4 =	simm.s32 $_scs_section_size  }
0x9a: {  	s5 =	simm.s32 $_size__tile_overlayer_lowered;
	s6 =	simm.s32 $_tile_overlayer_lowered  }
0x9b: {  	s22 =	simm.s32 $0x1BFF;
	s21 =	sshll.u32 s6, $0x1;
	s3 =	sadd.s32 s4, s19  }
0x9c: {  	s7 =	simm.s32 $0x0;
	s20 =	sshll.u32 s5, $0x1;
	s5 =	sadd.s32 s21, s3  }
0x9d: {  	[timem:s7], [sflag:s22] =	dma.local [hbm:s5], s20  }
0x9e: {  	_ =	swait.ge [sflag:s22], s20  }
0x9f: {  	s4 =	ssub.s32 $0x0, s20;
	[sflag:s22] =	ssyncset.done $0x0  }
0xa0: {  	[sflag:s22] =	ssyncadd.s32 s4;
	_ =	sdelay $0x1  }
0xa1: {  	s23 =	simm.s32 $0x1B8B  }
0xa2: {  	_ =	swait.ge [sflag:s23], $0x1  }
0xa3: {  	[sflag:s23] =	ssyncset.done $0x0  }
0xa4: {  	s25 =	simm.s32 $0x1B8E;
	s24 =	sld [smem:$0x3FFE];
	[sflag:s23] =	ssyncadd.s32 $0xFFFFFFFF  }
0xa5: {  	s26 =	simm.s32 $execute0_lowered;
	[smem:$0x3FD2] =	sst s25  }
0xa6: {  	s5 =	sshll.u32 s26, $0x1;
	_ =	strace $0x80000049;
	[dreg:$0x1] =	wrdreg $0xFFFFFFFF  }
0xa7: {  	s28 =	simm.s32 $_size_execute0_lowered;
	s3 =	sadd.s32 s3, s5;
	[dreg:$0x0] =	wrdreg $0x0  }
0xa8: {  	s5 =	sshll.u32 s28, $0x1;
	[dreg:$0x2] =	wrdreg s3  }
0xa9: {  	[dreg:$0x3] =	wrdreg s5  }
0xaa: {  	[dreg:$0x4] =	wrdreg $0xC0  }
0xab: {  	_ =	task [dreg:s7], $0x5FFFF  }
0xac: {  	[dreg:$0x1] =	wrdreg $0xFFFFFFFF  }
0xad: {  	[dreg:$0x0] =	wrdreg $0x60  }
0xae: {  	[dreg:$0x2] =	wrdreg s2  }
0xaf: {  	[dreg:$0x3] =	wrdreg s24  }
0xb0: {  	[dreg:$0x4] =	wrdreg $0x0  }
0xb1: {  	[dreg:$0x5] =	wrdreg $0x9  }
0xb2: {  	_ =	task.clear_ibuf [dreg:s7], $0x6FFFF;
	_ =	strace $0x90000049  }
0xb3: {  	s29 =	simm.s32 $0x9;
	_ =	strace $0x8000004B  }
0xb4: {  	_ =	swait.ge [sflag:s29], $0x1  }
0xb5: {  	[sflag:s29] =	ssyncadd.s32 $0xFFFFFFFF  }
0xb6: {  	_ =	strace $0x9000004B  }
0xb7: {  	_ =	sfence  }
0xb8: {  	s30 =	sld [smem:$0x0];
	_ =	sdelay $0x2  }
0xb9: {  	s31 =	sshll.u32 s1, $0xD;
	s1 =	sshrl.u32 s1, $0x2  }
0xba: {  	s3 =	sand.u32 $0x4000, s31;
	s1 =	sadd.s32 s1, s30  }
0xbb: {  	s0 =	sor.u32 s3, s0;
	s1 =	sshll.u32 s1, $0x11  }
0xbc: {  	s0 =	sor.u32 s1, s0  }
0xbd: {  	s0 =	sadd.s32 $0x8F2B, s0  }
0xbe: {  	[sflag:s0] =	ssyncadd.remote.s32 $0x1  }
0xbf: {  	_ =	sfence.sel $0xFFFF  }
0xc0: {  	[dreg:$0x0] =	wrdreg $0xFFFFFFFF;
	(pc) =	sbr.abs _section_cstart, $3  }
0xc1: {  	[dreg:$0x1] =	wrdreg $0xFFFFFFFF  }
0xc2: {  	_ =	task.clear_ibuf [dreg:s7], $0x2FFFF;
	_ =	strace $0x9FFFFFFF  }
0xc3: {  	(tm) =	ssettm $0x7FFFFFFF  }
tec
execute0_lowered:
.L_overlay_start_1:
0x0: {  	(tag) =	ssettag $0x1  }
0x1: {  	s2 =	rddreg [dreg:$0x0]  }
0x2: {  	s0 =	srdreg.scid;
	s5 =	rddreg [dreg:$0x1]  }
0x3: {  	s8 =	stileid.u32;
	s3 =	rddreg [dreg:$0x2];
	s4 =	simm.s32 $0x0  }
0x4: {  	s16 =	simm.s32 $0x9;
	s18 =	simm.s32 $0xEC80;
	s19 =	simm.s32 $0x80  }
0x5: {  	s21 =	simm.s32 $0x10C80;
	s28 =	simm.s32 $0x16C80;
	s30 =	simm.s32 $0x18C80  }
0x6: {  	s20 =	simm.s32 $0x1CC80;
	s29 =	simm.s32 $0x5;
	s31 =	simm.s32 $0x6  }
0x7: {  	s17 =	simm.s32 $0x7;
	s0 =	sand.u32 $0x1, s0;
	s6 =	smul.u32 $0x9C80, s8  }
0x8: {  	[smem:$0x7FF] =	sst s4;
	s9 =	sadd.s32 $0x2000, s5;
	s1 =	sshll.u32 s0, $0x4  }
0x9: {  	s7 =	smul.u32 $0x9C800, s0;
	_ =	strace $0x8000004A;
	s0 =	ssub.s32 $0x2, s0  }
0xa: {  	[dreg:$0x4] =	wrdreg s9;
	s1 =	sor.u32 s8, s1;
	s8 =	smul.u32 $0x27200, s8  }
0xb: {  	s22 =	sshrl.u32 s0, $0x1;
	s1 =	smul.u32 $0x500, s1;
	s7 =	sadd.s32 s6, s7  }
0xc: {  	s0 =	ssub.s32 s0, s22;
	s22 =	simm.s32 $0x1;
	s7 =	sshrl.u32 s7, $0x3  }
0xd: {  	s24 =	sshrl.u32 s8, $0x2;
	s8 =	sadd.s32 s6, s3;
	s14 =	smax.u32 s0, $0x1  }
0xe: {  	s0 =	simm.s32 $0x3;
	s6 =	simm.s32 $0x0;
	s1 =	sadd.s32 s1, s5  }
0xf: {  	s5 =	sadd.s32 s7, s5;
	s25 =	sadd.s32 s24, s3;
	s24 =	simm.s32 $0x2  }
0x10: {  	s23 =	sadd.s32 $0x69800, s1;
	s1 =	sadd.s32 $0x5F800, s1;
	s26 =	sadd.s32 $0x2000, s25  }
0x11: {  	s10 =	sadd.s32 $0x4000, s25;
	s11 =	sadd.s32 $0x6000, s25;
	[dreg:$0x5] =	wrdreg s23  }
0x12: {  	s12 =	sadd.s32 $0x8000, s25;
	s13 =	sadd.s32 $0x2400, s5;
	[dreg:$0x6] =	wrdreg s1  }
0x13: {  	s25 =	simm.s32 $0x14C80;
	s5 =	simm.s32 $0x8;
	[dreg:$0x7] =	wrdreg s26  }
0x14: {  	s23 =	simm.s32 $0x12C80;
	s1 =	simm.s32 $0x1AC80;
	s26 =	simm.s32 $0x4  }
.LBB2_1:
0x15: {  	s7 =	rddreg [dreg:$0x5];
	s9 =	simm.s32 $0x9C80  }
0x16: {  	[tilespmem:s9], [sflag:$0x9] =	stream.linear.gather [hbm4b:s7+s4], $0x2800, $0x38;
	[tilespmem:$0x1EC80] =	vst v63  }
0x17: {  	_ =	swait.ge [sflag:s16], $0x2800  }
0x18: {  	[sflag:s16] =	ssyncset.done $0x0  }
0x19: {  	s15 =	simm.s32 $0xC480;
	s7 =	rddreg [dreg:$0x6];
	[sflag:s16] =	ssyncadd.s32 $0xFFFFD800  }
0x1a: {  	[tilespmem:s15], [sflag:$0x9] =	stream.linear.gather [hbm4b:s7+s4], $0x2800, $0x38;
	[tilespmem:$0x1EC80] =	vst v63  }
0x1b: {  	_ =	swait.ge [sflag:s16], $0x2800  }
0x1c: {  	[sflag:s16] =	ssyncset.done $0x0  }
0x1d: {  	s15 =	rddreg [dreg:$0x4];
	[sflag:s16] =	ssyncadd.s32 $0xFFFFD800  }
0x1e: {  	[tilespmem:s18], [sflag:$0x9] =	stream.linear.gather [hbm4b:s15+s4], $0x2000, $0x38;
	[tilespmem:$0x1EC80] =	vst v63  }
0x1f: {  	_ =	swait.ge [sflag:s16], $0x2000  }
0x20: {  	[sflag:s16] =	ssyncset.done $0x0  }
0x21: {  	[sflag:s16] =	ssyncadd.s32 $0xFFFFE000  }
0x22: {  	[spmem:s8] =	stream.linear.scatter [tilespmem:s18], [sflag:$0x9], $0x2000, $0x38;
	[tilespmem:$0x1EC80] =	vst v63  }
0x23: {  	_ =	swait.ge [sflag:s16], $0x2000  }
0x24: {  	[sflag:s16] =	ssyncset.done $0x0  }
0x25: {  	s15 =	rddreg [dreg:$0x7];
	[sflag:s16] =	ssyncadd.s32 $0xFFFFE000  }
0x26: {  	[spmem:s15] =	stream.linear.scatter [tilespmem:s18], [sflag:$0x9], $0x2000, $0x38;
	[tilespmem:$0x1EC80] =	vst v63  }
0x27: {  	_ =	swait.ge [sflag:s16], $0x2000  }
0x28: {  	[sflag:s16] =	ssyncset.done $0x0  }
0x29: {  	[sflag:s16] =	ssyncadd.s32 $0xFFFFE000  }
0x2a: {  	[spmem:s10] =	stream.linear.scatter [tilespmem:s18], [sflag:$0x9], $0x2000, $0x38;
	[tilespmem:$0x1EC80] =	vst v63  }
0x2b: {  	_ =	swait.ge [sflag:s16], $0x2000  }
0x2c: {  	[sflag:s16] =	ssyncset.done $0x0  }
0x2d: {  	[sflag:s16] =	ssyncadd.s32 $0xFFFFE000  }
0x2e: {  	[spmem:s11] =	stream.linear.scatter [tilespmem:s18], [sflag:$0x9], $0x2000, $0x38;
	[tilespmem:$0x1EC80] =	vst v63  }
0x2f: {  	_ =	swait.ge [sflag:s16], $0x2000  }
0x30: {  	[sflag:s16] =	ssyncset.done $0x0  }
0x31: {  	[sflag:s16] =	ssyncadd.s32 $0xFFFFE000  }
0x32: {  	[spmem:s12] =	stream.linear.scatter [tilespmem:s18], [sflag:$0x9], $0x1C80, $0x38;
	[tilespmem:$0x1EC80] =	vst v63  }
0x33: {  	_ =	swait.ge [sflag:s16], $0x1C80  }
0x34: {  	[sflag:s16] =	ssyncset.done $0x0  }
0x35: {  	[sflag:s16] =	ssyncadd.s32 $0xFFFFE380  }
0x36: {  	[bflag:$0x0] =	sbarrier.arrive $0xFFFF  }
0x37: {  	[tilespmem:s18], [sflag:$0x1] =	stream.indirect.gather [hbm4b:s2+s19], $0x40, s9, s19, $0xb8;
	[tilespmem:$0x1EC80] =	vst v63  }
0x38: {  	s9 =	simm.s32 $0x9D00  }
0x39: {  	[tilespmem:s21], [sflag:$0x2] =	stream.indirect.gather [hbm4b:s2+s19], $0x40, s9, s19, $0xb8;
	[tilespmem:$0x1EC80] =	vst v63  }
0x3a: {  	s15 =	simm.s32 $0x9D80  }
0x3b: {  	[tilespmem:s23], [sflag:$0x3] =	stream.indirect.gather [hbm4b:s2+s19], $0x40, s15, s19, $0xb8;
	[tilespmem:$0x1EC80] =	vst v63  }
0x3c: {  	s9 =	simm.s32 $0x9E00  }
0x3d: {  	[tilespmem:s25], [sflag:$0x4] =	stream.indirect.gather [hbm4b:s2+s19], $0x40, s9, s19, $0xb8;
	[tilespmem:$0x1EC80] =	vst v63  }
0x3e: {  	s15 =	simm.s32 $0x9E80  }
0x3f: {  	[tilespmem:s28], [sflag:$0x5] =	stream.indirect.gather [hbm4b:s2+s19], $0x40, s15, s19, $0xb8;
	[tilespmem:$0x1EC80] =	vst v63  }
0x40: {  	s9 =	simm.s32 $0x9F00  }
0x41: {  	[tilespmem:s30], [sflag:$0x6] =	stream.indirect.gather [hbm4b:s2+s19], $0x40, s9, s19, $0xb8;
	[tilespmem:$0x1EC80] =	vst v63  }
0x42: {  	s15 =	simm.s32 $0x9F80  }
0x43: {  	[tilespmem:s1], [sflag:$0x7] =	stream.indirect.gather [hbm4b:s2+s19], $0x40, s15, s19, $0xb8;
	[tilespmem:$0x1EC80] =	vst v63  }
0x44: {  	s9 =	simm.s32 $0xA000  }
0x45: {  	[tilespmem:s20], [sflag:$0x8] =	stream.indirect.gather [hbm4b:s2+s19], $0x40, s9, s19, $0xb8;
	[tilespmem:$0x1EC80] =	vst v63  }
0x46: {  	_ =	swait.ge [sflag:s22], $0x2000  }
0x47: {  	[sflag:s22] =	ssyncset.done $0x0  }
0x48: {  	s15 =	simm.s32 $0xC480;
	[sflag:s22] =	ssyncadd.s32 $0xFFFFE000  }
0x49: {  	[spmem:s3] =	stream.indirect.scatter.add.f32 [tilespmem:s18], [sflag:$0x9], $0x40, s15, s19, $0xb8;
	[tilespmem:$0x1EC80] =	vst v63  }
0x4a: {  	_ =	swait.ge [sflag:s16], $0x2000  }
0x4b: {  	[sflag:s16] =	ssyncset.done $0x0  }
0x4c: {  	s9 =	simm.s32 $0xA080;
	[sflag:s16] =	ssyncadd.s32 $0xFFFFE000  }
0x4d: {  	[tilespmem:s18], [sflag:$0x1] =	stream.indirect.gather [hbm4b:s2+s19], $0x40, s9, s19, $0xb8;
	[tilespmem:$0x1EC80] =	vst v63  }
0x4e: {  	_ =	swait.ge [sflag:s24], $0x2000  }
0x4f: {  	[sflag:s24] =	ssyncset.done $0x0  }
0x50: {  	s15 =	simm.s32 $0xC500;
	[sflag:s24] =	ssyncadd.s32 $0xFFFFE000  }
0x51: {  	[spmem:s3] =	stream.indirect.scatter.add.f32 [tilespmem:s21], [sflag:$0x9], $0x40, s15, s19, $0xb8;
	[tilespmem:$0x1EC80] =	vst v63  }
0x52: {  	_ =	swait.ge [sflag:s16], $0x2000  }
0x53: {  	[sflag:s16] =	ssyncset.done $0x0  }
0x54: {  	s9 =	simm.s32 $0xA100;
	[sflag:s16] =	ssyncadd.s32 $0xFFFFE000  }
0x55: {  	[tilespmem:s21], [sflag:$0x2] =	stream.indirect.gather [hbm4b:s2+s19], $0x40, s9, s19, $0xb8;
	[tilespmem:$0x1EC80] =	vst v63  }
0x56: {  	_ =	swait.ge [sflag:s0], $0x2000  }
0x57: {  	[sflag:s0] =	ssyncset.done $0x0  }
0x58: {  	s15 =	simm.s32 $0xC580;
	[sflag:s0] =	ssyncadd.s32 $0xFFFFE000  }
0x59: {  	[spmem:s3] =	stream.indirect.scatter.add.f32 [tilespmem:s23], [sflag:$0x9], $0x40, s15, s19, $0xb8;
	[tilespmem:$0x1EC80] =	vst v63  }
0x5a: {  	_ =	swait.ge [sflag:s16], $0x2000  }
0x5b: {  	[sflag:s16] =	ssyncset.done $0x0  }
0x5c: {  	s9 =	simm.s32 $0xA180;
	[sflag:s16] =	ssyncadd.s32 $0xFFFFE000  }
0x5d: {  	[tilespmem:s23], [sflag:$0x3] =	stream.indirect.gather [hbm4b:s2+s19], $0x40, s9, s19, $0xb8;
	[tilespmem:$0x1EC80] =	vst v63  }
0x5e: {  	_ =	swait.ge [sflag:s26], $0x2000  }
0x5f: {  	[sflag:s26] =	ssyncset.done $0x0  }
0x60: {  	s15 =	simm.s32 $0xC600;
	[sflag:s26] =	ssyncadd.s32 $0xFFFFE000  }
0x61: {  	[spmem:s3] =	stream.indirect.scatter.add.f32 [tilespmem:s25], [sflag:$0x9], $0x40, s15, s19, $0xb8;
	[tilespmem:$0x1EC80] =	vst v63  }
0x62: {  	_ =	swait.ge [sflag:s16], $0x2000  }
0x63: {  	[sflag:s16] =	ssyncset.done $0x0  }
0x64: {  	s9 =	simm.s32 $0xA200;
	[sflag:s16] =	ssyncadd.s32 $0xFFFFE000  }
0x65: {  	[tilespmem:s25], [sflag:$0x4] =	stream.indirect.gather [hbm4b:s2+s19], $0x40, s9, s19, $0xb8;
	[tilespmem:$0x1EC80] =	vst v63  }
0x66: {  	_ =	swait.ge [sflag:s29], $0x2000  }
0x67: {  	[sflag:s29] =	ssyncset.done $0x0  }
0x68: {  	s15 =	simm.s32 $0xC680;
	[sflag:s29] =	ssyncadd.s32 $0xFFFFE000  }
0x69: {  	[spmem:s3] =	stream.indirect.scatter.add.f32 [tilespmem:s28], [sflag:$0x9], $0x40, s15, s19, $0xb8;
	[tilespmem:$0x1EC80] =	vst v63  }
0x6a: {  	_ =	swait.ge [sflag:s16], $0x2000  }
0x6b: {  	[sflag:s16] =	ssyncset.done $0x0  }
0x6c: {  	s9 =	simm.s32 $0xA280;
	[sflag:s16] =	ssyncadd.s32 $0xFFFFE000  }
0x6d: {  	[tilespmem:s28], [sflag:$0x5] =	stream.indirect.gather [hbm4b:s2+s19], $0x40, s9, s19, $0xb8;
	[tilespmem:$0x1EC80] =	vst v63  }
0x6e: {  	_ =	swait.ge [sflag:s31], $0x2000  }
0x6f: {  	[sflag:s31] =	ssyncset.done $0x0  }
0x70: {  	s15 =	simm.s32 $0xC700;
	[sflag:s31] =	ssyncadd.s32 $0xFFFFE000  }
0x71: {  	[spmem:s3] =	stream.indirect.scatter.add.f32 [tilespmem:s30], [sflag:$0x9], $0x40, s15, s19, $0xb8;
	[tilespmem:$0x1EC80] =	vst v63  }
0x72: {  	_ =	swait.ge [sflag:s16], $0x2000  }
0x73: {  	[sflag:s16] =	ssyncset.done $0x0  }
0x74: {  	s9 =	simm.s32 $0xA300;
	[sflag:s16] =	ssyncadd.s32 $0xFFFFE000  }
0x75: {  	[tilespmem:s30], [sflag:$0x6] =	stream.indirect.gather [hbm4b:s2+s19], $0x40, s9, s19, $0xb8;
	[tilespmem:$0x1EC80] =	vst v63  }
0x76: {  	_ =	swait.ge [sflag:s17], $0x2000  }
0x77: {  	[sflag:s17] =	ssyncset.done $0x0  }
0x78: {  	s15 =	simm.s32 $0xC780;
	[sflag:s17] =	ssyncadd.s32 $0xFFFFE000  }
0x79: {  	[spmem:s3] =	stream.indirect.scatter.add.f32 [tilespmem:s1], [sflag:$0x9], $0x40, s15, s19, $0xb8;
	[tilespmem:$0x1EC80] =	vst v63  }
0x7a: {  	_ =	swait.ge [sflag:s16], $0x2000  }
0x7b: {  	[sflag:s16] =	ssyncset.done $0x0  }
0x7c: {  	s9 =	simm.s32 $0xA380;
	[sflag:s16] =	ssyncadd.s32 $0xFFFFE000  }
0x7d: {  	[tilespmem:s1], [sflag:$0x7] =	stream.indirect.gather [hbm4b:s2+s19], $0x40, s9, s19, $0xb8;
	[tilespmem:$0x1EC80] =	vst v63  }
0x7e: {  	_ =	swait.ge [sflag:s5], $0x2000  }
0x7f: {  	[sflag:s5] =	ssyncset.done $0x0  }
0x80: {  	s15 =	simm.s32 $0xC800;
	[sflag:s5] =	ssyncadd.s32 $0xFFFFE000  }
0x81: {  	[spmem:s3] =	stream.indirect.scatter.add.f32 [tilespmem:s20], [sflag:$0x9], $0x40, s15, s19, $0xb8;
	[tilespmem:$0x1EC80] =	vst v63  }
0x82: {  	_ =	swait.ge [sflag:s16], $0x2000  }
0x83: {  	[sflag:s16] =	ssyncset.done $0x0  }
0x84: {  	s7 =	simm.s32 $0x1000;
	s15 =	simm.s32 $0xA400;
	[sflag:s16] =	ssyncadd.s32 $0xFFFFE000  }
.LBB2_2:
0x85: {  	[tilespmem:s20], [sflag:$0x8] =	stream.indirect.gather [hbm4b:s2+s19], $0x40, s15, s19, $0xb8;
	[tilespmem:$0x1EC80] =	vst v63  }
0x86: {  	s15 =	smov.u32 s7  }
0x87: {  	p0 =	sne.s32 s7, $0x8000;
	s7 =	sadd.s32 $0x1000, s7;
	_ =	swait.ge [sflag:s22], $0x2000  }
0x88: {  	s15 =	sshra.s32 s15, $0x2;
	[sflag:s22] =	ssyncset.done $0x0  }
0x89: {  	s9 =	sadd.s32 $0xC480, s15;
	[sflag:s22] =	ssyncadd.s32 $0xFFFFE000  }
0x8a: {  	[spmem:s3] =	stream.indirect.scatter.add.f32 [tilespmem:s18], [sflag:$0x9], $0x40, s9, s19, $0xb8;
	[tilespmem:$0x1EC80] =	vst v63  }
0x8b: {  	_ =	swait.ge [sflag:s16], $0x2000  }
0x8c: {  	[sflag:s16] =	ssyncset.done $0x0  }
0x8d: {  	s9 =	sadd.s32 $0xA080, s15;
	[sflag:s16] =	ssyncadd.s32 $0xFFFFE000  }
0x8e: {  	[tilespmem:s18], [sflag:$0x1] =	stream.indirect.gather [hbm4b:s2+s19], $0x40, s9, s19, $0xb8;
	[tilespmem:$0x1EC80] =	vst v63  }
0x8f: {  	_ =	swait.ge [sflag:s24], $0x2000  }
0x90: {  	[sflag:s24] =	ssyncset.done $0x0  }
0x91: {  	s9 =	sadd.s32 $0xC500, s15;
	[sflag:s24] =	ssyncadd.s32 $0xFFFFE000  }
0x92: {  	[spmem:s3] =	stream.indirect.scatter.add.f32 [tilespmem:s21], [sflag:$0x9], $0x40, s9, s19, $0xb8;
	[tilespmem:$0x1EC80] =	vst v63  }
0x93: {  	_ =	swait.ge [sflag:s16], $0x2000  }
0x94: {  	[sflag:s16] =	ssyncset.done $0x0  }
0x95: {  	s9 =	sadd.s32 $0xA100, s15;
	[sflag:s16] =	ssyncadd.s32 $0xFFFFE000  }
0x96: {  	[tilespmem:s21], [sflag:$0x2] =	stream.indirect.gather [hbm4b:s2+s19], $0x40, s9, s19, $0xb8;
	[tilespmem:$0x1EC80] =	vst v63  }
0x97: {  	_ =	swait.ge [sflag:s0], $0x2000  }
0x98: {  	[sflag:s0] =	ssyncset.done $0x0  }
0x99: {  	s9 =	sadd.s32 $0xC580, s15;
	[sflag:s0] =	ssyncadd.s32 $0xFFFFE000  }
0x9a: {  	[spmem:s3] =	stream.indirect.scatter.add.f32 [tilespmem:s23], [sflag:$0x9], $0x40, s9, s19, $0xb8;
	[tilespmem:$0x1EC80] =	vst v63  }
0x9b: {  	_ =	swait.ge [sflag:s16], $0x2000  }
0x9c: {  	[sflag:s16] =	ssyncset.done $0x0  }
0x9d: {  	s9 =	sadd.s32 $0xA180, s15;
	[sflag:s16] =	ssyncadd.s32 $0xFFFFE000  }
0x9e: {  	[tilespmem:s23], [sflag:$0x3] =	stream.indirect.gather [hbm4b:s2+s19], $0x40, s9, s19, $0xb8;
	[tilespmem:$0x1EC80] =	vst v63  }
0x9f: {  	_ =	swait.ge [sflag:s26], $0x2000  }
0xa0: {  	[sflag:s26] =	ssyncset.done $0x0  }
0xa1: {  	s9 =	sadd.s32 $0xC600, s15;
	[sflag:s26] =	ssyncadd.s32 $0xFFFFE000  }
0xa2: {  	[spmem:s3] =	stream.indirect.scatter.add.f32 [tilespmem:s25], [sflag:$0x9], $0x40, s9, s19, $0xb8;
	[tilespmem:$0x1EC80] =	vst v63  }
0xa3: {  	_ =	swait.ge [sflag:s16], $0x2000  }
0xa4: {  	[sflag:s16] =	ssyncset.done $0x0  }
0xa5: {  	s9 =	sadd.s32 $0xA200, s15;
	[sflag:s16] =	ssyncadd.s32 $0xFFFFE000  }
0xa6: {  	[tilespmem:s25], [sflag:$0x4] =	stream.indirect.gather [hbm4b:s2+s19], $0x40, s9, s19, $0xb8;
	[tilespmem:$0x1EC80] =	vst v63  }
0xa7: {  	_ =	swait.ge [sflag:s29], $0x2000  }
0xa8: {  	[sflag:s29] =	ssyncset.done $0x0  }
0xa9: {  	s9 =	sadd.s32 $0xC680, s15;
	[sflag:s29] =	ssyncadd.s32 $0xFFFFE000  }
0xaa: {  	[spmem:s3] =	stream.indirect.scatter.add.f32 [tilespmem:s28], [sflag:$0x9], $0x40, s9, s19, $0xb8;
	[tilespmem:$0x1EC80] =	vst v63  }
0xab: {  	_ =	swait.ge [sflag:s16], $0x2000  }
0xac: {  	[sflag:s16] =	ssyncset.done $0x0  }
0xad: {  	s9 =	sadd.s32 $0xA280, s15;
	[sflag:s16] =	ssyncadd.s32 $0xFFFFE000  }
0xae: {  	[tilespmem:s28], [sflag:$0x5] =	stream.indirect.gather [hbm4b:s2+s19], $0x40, s9, s19, $0xb8;
	[tilespmem:$0x1EC80] =	vst v63  }
0xaf: {  	_ =	swait.ge [sflag:s31], $0x2000  }
0xb0: {  	[sflag:s31] =	ssyncset.done $0x0  }
0xb1: {  	s9 =	sadd.s32 $0xC700, s15;
	[sflag:s31] =	ssyncadd.s32 $0xFFFFE000  }
0xb2: {  	[spmem:s3] =	stream.indirect.scatter.add.f32 [tilespmem:s30], [sflag:$0x9], $0x40, s9, s19, $0xb8;
	[tilespmem:$0x1EC80] =	vst v63  }
0xb3: {  	_ =	swait.ge [sflag:s16], $0x2000  }
0xb4: {  	[sflag:s16] =	ssyncset.done $0x0  }
0xb5: {  	s9 =	sadd.s32 $0xA300, s15;
	[sflag:s16] =	ssyncadd.s32 $0xFFFFE000  }
0xb6: {  	[tilespmem:s30], [sflag:$0x6] =	stream.indirect.gather [hbm4b:s2+s19], $0x40, s9, s19, $0xb8;
	[tilespmem:$0x1EC80] =	vst v63  }
0xb7: {  	_ =	swait.ge [sflag:s17], $0x2000  }
0xb8: {  	[sflag:s17] =	ssyncset.done $0x0  }
0xb9: {  	s9 =	sadd.s32 $0xC780, s15;
	[sflag:s17] =	ssyncadd.s32 $0xFFFFE000  }
0xba: {  	[spmem:s3] =	stream.indirect.scatter.add.f32 [tilespmem:s1], [sflag:$0x9], $0x40, s9, s19, $0xb8;
	[tilespmem:$0x1EC80] =	vst v63  }
0xbb: {  	_ =	swait.ge [sflag:s16], $0x2000  }
0xbc: {  	[sflag:s16] =	ssyncset.done $0x0  }
0xbd: {  	s9 =	sadd.s32 $0xA380, s15;
	[sflag:s16] =	ssyncadd.s32 $0xFFFFE000  }
0xbe: {  	[tilespmem:s1], [sflag:$0x7] =	stream.indirect.gather [hbm4b:s2+s19], $0x40, s9, s19, $0xb8;
	[tilespmem:$0x1EC80] =	vst v63  }
0xbf: {  	_ =	swait.ge [sflag:s5], $0x2000  }
0xc0: {  	[sflag:s5] =	ssyncset.done $0x0  }
.Ltmp0:
0xc1: {  	s9 =	sadd.s32 $0xC800, s15;
	[sflag:s5] =	ssyncadd.s32 $0xFFFFE000;
	(pc) =	sbr.rel @p0 .LBB2_2-.Ltmp0, $4  }
0xc2: {  	[spmem:s3] =	stream.indirect.scatter.add.f32 [tilespmem:s20], [sflag:$0x9], $0x40, s9, s19, $0xb8;
	[tilespmem:$0x1EC80] =	vst v63  }
0xc3: {  	_ =	swait.ge [sflag:s16], $0x2000  }
0xc4: {  	[sflag:s16] =	ssyncset.done $0x0  }
0xc5: {  	s15 =	sadd.s32 $0xA400, s15;
	[sflag:s16] =	ssyncadd.s32 $0xFFFFE000  }
0xc6: {  	[tilespmem:s20], [sflag:$0x8] =	stream.indirect.gather [hbm4b:s2+s19], $0x40, s15, s19, $0xb8;
	[tilespmem:$0x1EC80] =	vst v63  }
0xc7: {  	_ =	swait.ge [sflag:s22], $0x2000  }
0xc8: {  	[sflag:s22] =	ssyncset.done $0x0  }
0xc9: {  	s7 =	simm.s32 $0xE880;
	[sflag:s22] =	ssyncadd.s32 $0xFFFFE000  }
0xca: {  	[spmem:s3] =	stream.indirect.scatter.add.f32 [tilespmem:s18], [sflag:$0x9], $0x40, s7, s19, $0xb8;
	[tilespmem:$0x1EC80] =	vst v63  }
0xcb: {  	_ =	swait.ge [sflag:s16], $0x2000  }
0xcc: {  	[sflag:s16] =	ssyncset.done $0x0  }
0xcd: {  	[sflag:s16] =	ssyncadd.s32 $0xFFFFE000  }
0xce: {  	_ =	swait.ge [sflag:s24], $0x2000  }
0xcf: {  	[sflag:s24] =	ssyncset.done $0x0  }
0xd0: {  	s9 =	simm.s32 $0xE900;
	[sflag:s24] =	ssyncadd.s32 $0xFFFFE000  }
0xd1: {  	[spmem:s3] =	stream.indirect.scatter.add.f32 [tilespmem:s21], [sflag:$0x9], $0x40, s9, s19, $0xb8;
	[tilespmem:$0x1EC80] =	vst v63  }
0xd2: {  	_ =	swait.ge [sflag:s16], $0x2000  }
0xd3: {  	[sflag:s16] =	ssyncset.done $0x0  }
0xd4: {  	[sflag:s16] =	ssyncadd.s32 $0xFFFFE000  }
0xd5: {  	_ =	swait.ge [sflag:s0], $0x2000  }
0xd6: {  	[sflag:s0] =	ssyncset.done $0x0  }
0xd7: {  	s15 =	simm.s32 $0xE980;
	[sflag:s0] =	ssyncadd.s32 $0xFFFFE000  }
0xd8: {  	[spmem:s3] =	stream.indirect.scatter.add.f32 [tilespmem:s23], [sflag:$0x9], $0x40, s15, s19, $0xb8;
	[tilespmem:$0x1EC80] =	vst v63  }
0xd9: {  	_ =	swait.ge [sflag:s16], $0x2000  }
0xda: {  	[sflag:s16] =	ssyncset.done $0x0  }
0xdb: {  	[sflag:s16] =	ssyncadd.s32 $0xFFFFE000  }
0xdc: {  	_ =	swait.ge [sflag:s26], $0x2000  }
0xdd: {  	[sflag:s26] =	ssyncset.done $0x0  }
0xde: {  	s9 =	simm.s32 $0xEA00;
	[sflag:s26] =	ssyncadd.s32 $0xFFFFE000  }
0xdf: {  	[spmem:s3] =	stream.indirect.scatter.add.f32 [tilespmem:s25], [sflag:$0x9], $0x40, s9, s19, $0xb8;
	[tilespmem:$0x1EC80] =	vst v63  }
0xe0: {  	_ =	swait.ge [sflag:s16], $0x2000  }
0xe1: {  	[sflag:s16] =	ssyncset.done $0x0  }
0xe2: {  	[sflag:s16] =	ssyncadd.s32 $0xFFFFE000  }
0xe3: {  	_ =	swait.ge [sflag:s29], $0x2000  }
0xe4: {  	[sflag:s29] =	ssyncset.done $0x0  }
0xe5: {  	s15 =	simm.s32 $0xEA80;
	[sflag:s29] =	ssyncadd.s32 $0xFFFFE000  }
0xe6: {  	[spmem:s3] =	stream.indirect.scatter.add.f32 [tilespmem:s28], [sflag:$0x9], $0x40, s15, s19, $0xb8;
	[tilespmem:$0x1EC80] =	vst v63  }
0xe7: {  	_ =	swait.ge [sflag:s16], $0x2000  }
0xe8: {  	[sflag:s16] =	ssyncset.done $0x0  }
0xe9: {  	[sflag:s16] =	ssyncadd.s32 $0xFFFFE000  }
0xea: {  	_ =	swait.ge [sflag:s31], $0x2000  }
0xeb: {  	[sflag:s31] =	ssyncset.done $0x0  }
0xec: {  	s9 =	simm.s32 $0xEB00;
	[sflag:s31] =	ssyncadd.s32 $0xFFFFE000  }
0xed: {  	[spmem:s3] =	stream.indirect.scatter.add.f32 [tilespmem:s30], [sflag:$0x9], $0x40, s9, s19, $0xb8;
	[tilespmem:$0x1EC80] =	vst v63  }
0xee: {  	_ =	swait.ge [sflag:s16], $0x2000  }
0xef: {  	[sflag:s16] =	ssyncset.done $0x0  }
0xf0: {  	[sflag:s16] =	ssyncadd.s32 $0xFFFFE000  }
0xf1: {  	_ =	swait.ge [sflag:s17], $0x2000  }
0xf2: {  	[sflag:s17] =	ssyncset.done $0x0  }
0xf3: {  	s15 =	simm.s32 $0xEB80;
	[sflag:s17] =	ssyncadd.s32 $0xFFFFE000  }
0xf4: {  	[spmem:s3] =	stream.indirect.scatter.add.f32 [tilespmem:s1], [sflag:$0x9], $0x40, s15, s19, $0xb8;
	[tilespmem:$0x1EC80] =	vst v63  }
0xf5: {  	_ =	swait.ge [sflag:s16], $0x2000  }
0xf6: {  	[sflag:s16] =	ssyncset.done $0x0  }
0xf7: {  	[sflag:s16] =	ssyncadd.s32 $0xFFFFE000  }
0xf8: {  	_ =	swait.ge [sflag:s5], $0x2000  }
0xf9: {  	[sflag:s5] =	ssyncset.done $0x0  }
0xfa: {  	s9 =	simm.s32 $0xEC00;
	[sflag:s5] =	ssyncadd.s32 $0xFFFFE000  }
0xfb: {  	[spmem:s3] =	stream.indirect.scatter.add.f32 [tilespmem:s20], [sflag:$0x9], $0x40, s9, s19, $0xb8;
	[tilespmem:$0x1EC80] =	vst v63  }
0xfc: {  	s15 =	stileid.u32;
	_ =	swait.ge [sflag:s16], $0x2000  }
0xfd: {  	s6 =	sadd.s32 $0x1, s6;
	s7 =	sshll.u32 s15, $0x6;
	[sflag:s16] =	ssyncset.done $0x0  }
0xfe: {  	p0 =	sne.s32 s6, s14;
	s7 =	sor.u32 $0x1C09, s7;
	[sflag:s16] =	ssyncadd.s32 $0xFFFFE000  }
.Ltmp1:
0xff: {  	s9 =	sshrl.u32 s8, $0x3;
	[bflag:$0x0] =	sbarrier.arrive $0xFFFF;
	(pc) =	sbr.rel @p0 .LBB2_1-.Ltmp1, $4  }
0x100: {  	[hbm:s13], [sflag:s7] =	dma.local [spmem:s9], $0x1390  }
0x101: {  	_ =	swait.ge [sflag:s16], $0x1390  }
0x102: {  	[sflag:s16] =	ssyncset.done $0x0  }
0x103: {  	[sflag:s16] =	ssyncadd.s32 $0xFFFFEC70  }
0x104: {  	_ =	sfence.sel $0x180000  }
0x105: {  	[bflag:$0x0] =	sbarrier.arrive $0xFFFF  }
0x106: {  	_ =	strace $0x9000004A  }
0x107: {  	s0 =	stileid.u32;
	[bflag:$0x2] =	sbarrier.arrive $0xFFFF  }
0x108: {  	p0 =	sne.s32 s0, $0x0;
	s0 =	rddreg [dreg:$0x3]  }
0x109: {  	s0 =	sadd.s32 @!p0 $0x100000, s0  }
0x10a: {  	[sflag:s0] =	ssyncadd.tile.s32 @!p0 $0x1;
	_ =	shalt  }
.Lfunc_end2:
_tile_overlayer_lowered:
.L_overlay_start_2:
0x10b: {  	(tag) =	ssettag $0x2  }
0x10c: {  	s0 =	rddreg [dreg:$0x0];
	s2 =	stileid.u32  }
0x10d: {  	s1 =	rddreg [dreg:$0x1];
	p0 =	sne.s32 s2, $0x0  }
0x10e: {  	s3 =	rddreg [dreg:$0x2];
	[bflag:$0x3] =	sbarrier.arrive $0xFFFF;
	s2 =	simm.s32 @!p0 $0x1C09  }
0x10f: {  	[timem:s3], [sflag:s2] =	dma.local @!p0 [hbm:s0], s1  }
0x110: {  	s0 =	simm.s32 @!p0 $0x9  }
0x111: {  	_ =	swait.ge @!p0 [sflag:s0], s1  }
0x112: {  	s1 =	ssub.s32 @!p0 $0x0, s1;
	[sflag:s0] =	ssyncset.done @!p0 $0x0  }
0x113: {  	[sflag:s0] =	ssyncadd.s32 @!p0 s1  }
0x114: {  	[bflag:$0x3] =	sbarrier.arrive $0xFFFF  }
0x115: {  	_ =	shalt  }

// kernel: kernel.8.cloned.1.call-start
scs
__scs_entry_jumppad:
0x0: {  	(pc) =	sbr.rel $0x88, $3  }
0x1: {  	(tag) =	ssettag $0x0;
	lr =	simm.s32 $0x1  }
0x2: {  	[smem:$0x3F99] =	sst lr;
	_ =	strace $0xD0000000  }
0x3: {  	_ = 	snop  }
0x4: {  	_ = 	snop  }
0x5: {  	_ = 	snop  }
0x6: {  	_ = 	snop  }
0x7: {  	_ = 	snop  }
__scs_overlays_trampoline_lowered:
0x8: {  	[smem:$0x3FA8] =	sst s0  }
0x9: {  	[smem:$0x3FA9] =	sst s1  }
0xa: {  	[smem:$0x3FAA] =	sst s2  }
0xb: {  	[smem:$0x3FAB] =	sst s3  }
0xc: {  	[smem:$0x3FAC] =	sst s4  }
0xd: {  	[smem:$0x3FAD] =	sst s5  }
0xe: {  	[smem:$0x3FAE] =	sst s6  }
0xf: {  	[smem:$0x3FAF] =	sst s7  }
0x10: {  	[smem:$0x3FB0] =	sst s8  }
0x11: {  	[smem:$0x3FB1] =	sst s9;
	s0 =	simm.s32 @!p0 $0x0  }
0x12: {  	s1 =	sld [smem:$0x3F97];
	s0 =	simm.s32 @p0 $0x1  }
0x13: {  	[smem:$0x3FB2] =	sst s0;
	s0 =	simm.s32 @!p1 $0x0  }
0x14: {  	s2 =	sld [smem:$0x3F96];
	s0 =	simm.s32 @p1 $0x1  }
0x15: {  	[smem:$0x3FB3] =	sst s0;
	s0 =	simm.s32 @!p2 $0x0  }
0x16: {  	s3 =	sld [smem:$0x3FDB];
	s0 =	simm.s32 @p2 $0x1  }
0x17: {  	s4 =	simm.s32 $0x1BF5;
	[smem:$0x3FB5] =	sst s0  }
0x18: {  	s0 =	sld [smem:$0x3F98];
	_ =	swait.ge [sflag:s4], $0x0  }
0x19: {  	s7 =	sld [smem:$0x3F99]  }
0x1a: {  	s8 =	sadd.s32 $0xFFFFE003, lr  }
0x1b: {  	s9 =	sadd.s32 $0xFFFFFEF7, lr;
	s5 =	simm.s32 $0xFFFFFFFF;
	p2 =	slt.u32 s8, $0xFFFFF086  }
0x1c: {  	p1 =	slt.u32 s9, $0xF7A;
	s5 =	simm.s32 @!p2 $0x0  }
0x1d: {  	s5 =	simm.s32 @p1 $0x1;
	p0 =	seq.s32 s7, s2  }
0x1e: {  	s7 =	smul.u32 @!p0 $0xF7A, s2;
	p2 =	seq.s32 @!p0 s5, $0x0  }
0x1f: {  	s9 =	smul.u32 $0xF7A, s1;
	s8 =	simm.s32 @!p0 $0x1BF5;
	p2 =	por !p2, p0  }
0x20: {  	[sflag:s8] =	ssyncset.s32 @!p0 $0xFFFFF086;
	s6 =	sadd.s32 @!p0 s3, s7;
	s7 =	simm.s32 @!p0 $0x108  }
0x21: {  	s3 =	sadd.s32 s3, s9;
	s6 =	sadd.s32 @!p0 $0x88, s6;
	s7 =	simm.s32 @p2 $0x1082  }
0x22: {  	[simem:s7], [sflag:s8] =	dma.local @!p0 [hbm:s6], $0xF7A  }
0x23: {  	s9 =	sor.u32 $0xD0000000, s2;
	s6 =	simm.s32 $0x108;
	_ =	swait.ge @!p0 [sflag:s8], $0x0  }
0x24: {  	s3 =	sadd.s32 $0x88, s3;
	s6 =	simm.s32 @!p1 $0x1082;
	[sflag:s4] =	ssyncset.s32 $0xFFFFF086  }
0x25: {  	[simem:s6], [sflag:s4] =	dma.local [hbm:s3], $0xF7A  }
0x26: {  	[smem:$0x3F99] =	sst s1;
	(tag) =	ssettag s2;
	_ =	strace s9  }
0x27: {  	s1 =	sld [smem:$0x3FA9]  }
0x28: {  	s2 =	sld [smem:$0x3FAA]  }
0x29: {  	s4 =	sld [smem:$0x3FAC]  }
0x2a: {  	p0 =	seq.s32 s5, $0x0;
	s5 =	sld [smem:$0x3FAD]  }
0x2b: {  	s6 =	sld [smem:$0x3FAE]  }
0x2c: {  	s7 =	sld [smem:$0x3FAF]  }
0x2d: {  	s3 =	simm.s32 $0x108;
	s8 =	sld [smem:$0x3FB0]  }
0x2e: {  	s3 =	simm.s32 @!p0 $0x1082;
	s9 =	sld [smem:$0x3FB1]  }
0x2f: {  	lr =	sadd.s32 s0, s3;
	s0 =	sld [smem:$0x3FA8]  }
0x30: {  	s3 =	sld [smem:$0x3FAB]  }
0x31: {  	[smem:$0x3FB4] =	sst s10  }
0x32: {  	s10 =	sld [smem:$0x3FB2];
	_ =	sdelay $0x3  }
0x33: {  	p0 =	seq.s32 s10, $0x1;
	s10 =	sld [smem:$0x3FB4];
	_ =	sdelay $0x3  }
0x34: {  	[smem:$0x3FB4] =	sst s10  }
0x35: {  	s10 =	sld [smem:$0x3FB3];
	_ =	sdelay $0x3  }
0x36: {  	p1 =	seq.s32 s10, $0x1;
	s10 =	sld [smem:$0x3FB4];
	_ =	sdelay $0x3  }
0x37: {  	[smem:$0x3FB4] =	sst s10  }
0x38: {  	s10 =	sld [smem:$0x3FB5]  }
0x39: {  	_ = 	snop;
	(pc) =	sbr.ind lr, $3  }
0x3a: {  	_ = 	snop  }
0x3b: {  	_ = 	snop  }
0x3c: {  	p2 =	seq.s32 s10, $0x1;
	s10 =	sld [smem:$0x3FB4]  }
0x3d: {  	_ =	shalt  }
0x3e: {  	_ =	shalt  }
0x3f: {  	_ =	shalt  }
0x40: {  	_ =	shalt  }
0x41: {  	_ =	shalt  }
0x42: {  	_ =	shalt  }
0x43: {  	_ =	shalt  }
0x44: {  	_ =	shalt  }
0x45: {  	_ =	shalt  }
0x46: {  	_ =	shalt  }
0x47: {  	_ =	shalt  }
0x48: {  	_ =	shalt  }
0x49: {  	_ =	shalt  }
0x4a: {  	_ =	shalt  }
0x4b: {  	_ =	shalt  }
0x4c: {  	_ =	shalt  }
0x4d: {  	_ =	shalt  }
0x4e: {  	_ =	shalt  }
0x4f: {  	_ =	shalt  }
0x50: {  	_ =	shalt  }
0x51: {  	_ =	shalt  }
0x52: {  	_ =	shalt  }
0x53: {  	_ =	shalt  }
0x54: {  	_ =	shalt  }
0x55: {  	_ =	shalt  }
0x56: {  	_ =	shalt  }
0x57: {  	_ =	shalt  }
0x58: {  	_ =	shalt  }
0x59: {  	_ =	shalt  }
0x5a: {  	_ =	shalt  }
0x5b: {  	_ =	shalt  }
0x5c: {  	_ =	shalt  }
0x5d: {  	_ =	shalt  }
0x5e: {  	_ =	shalt  }
0x5f: {  	_ =	shalt  }
0x60: {  	_ =	shalt  }
0x61: {  	_ =	shalt  }
0x62: {  	_ =	shalt  }
0x63: {  	_ =	shalt  }
0x64: {  	_ =	shalt  }
0x65: {  	_ =	shalt  }
0x66: {  	_ =	shalt  }
0x67: {  	_ =	shalt  }
0x68: {  	_ =	shalt  }
0x69: {  	_ =	shalt  }
0x6a: {  	_ =	shalt  }
0x6b: {  	_ =	shalt  }
0x6c: {  	_ =	shalt  }
0x6d: {  	_ =	shalt  }
0x6e: {  	_ =	shalt  }
0x6f: {  	_ =	shalt  }
0x70: {  	_ =	shalt  }
0x71: {  	_ =	shalt  }
0x72: {  	_ =	shalt  }
0x73: {  	_ =	shalt  }
0x74: {  	_ =	shalt  }
0x75: {  	_ =	shalt  }
0x76: {  	_ =	shalt  }
0x77: {  	_ =	shalt  }
0x78: {  	_ =	shalt  }
0x79: {  	_ =	shalt  }
0x7a: {  	_ =	shalt  }
0x7b: {  	_ =	shalt  }
0x7c: {  	_ =	shalt  }
0x7d: {  	_ =	shalt  }
0x7e: {  	_ =	shalt  }
0x7f: {  	_ =	shalt  }
0x80: {  	_ =	shalt  }
0x81: {  	_ =	shalt  }
0x82: {  	_ =	shalt  }
0x83: {  	_ =	shalt  }
0x84: {  	_ =	shalt  }
0x85: {  	_ =	shalt  }
0x86: {  	_ =	shalt  }
0x87: {  	_ =	shalt  }
.Lfunc_end0:
.L_simem_size_0:
called_computation_lowered:
.L_overlay_start_0:
0x88: {  	s2 =	sld [smem:$0x3FD9]  }
0x89: {  	s3 =	sld [smem:$0x3FFE];
	_ =	sdelay $0x1  }
0x8a: {  	s1 =	srdreg.scid  }
0x8b: {  	s0 =	sand.u32 $0x1, s1  }
0x8c: {  	s17 =	sshll.u32 s0, $0xA;
	s2 =	sadd.s32 s3, s2  }
0x8d: {  	s2 =	sadd.s32 s2, s17  }
0x8e: {  	[smem:$0x3FC0] =	sst s2  }
0x8f: {  	_ = 	snop  }
0x90: {  	s2 =	sld [smem:$0x3FC9]  }
0x91: {  	s18 =	sld [smem:$0x3FD0];
	(tm) =	ssettm $0x1  }
0x92: {  	s4 =	sld [smem:$0x3FFB];
	_ =	sdelay $0x3  }
0x93: {  	_ =	strace s4  }
0x94: {  	s4 =	sld [smem:$0x3FFC];
	_ =	sdelay $0x3  }
0x95: {  	_ =	strace s4  }
0x96: {  	s4 =	sld [smem:$0x3FFD];
	_ =	sdelay $0x3  }
0x97: {  	_ =	strace s4  }
0x98: {  	_ =	strace $0x8FFFFFFF  }
0x99: {  	s19 =	sld [smem:$0x3FDB];
	_ =	sdelay $0x1  }
0x9a: {  	s5 =	simm.s32 $_scs_section_size  }
0x9b: {  	s6 =	simm.s32 $_size__tile_overlayer_lowered;
	s7 =	simm.s32 $_tile_overlayer_lowered  }
0x9c: {  	s22 =	simm.s32 $0x1BFF;
	s21 =	sshll.u32 s7, $0x1;
	s4 =	sadd.s32 s5, s19  }
0x9d: {  	s8 =	simm.s32 $0x0;
	s20 =	sshll.u32 s6, $0x1;
	s6 =	sadd.s32 s21, s4  }
0x9e: {  	[timem:s8], [sflag:s22] =	dma.local [hbm:s6], s20  }
0x9f: {  	_ =	swait.ge [sflag:s22], s20  }
0xa0: {  	s5 =	ssub.s32 $0x0, s20;
	[sflag:s22] =	ssyncset.done $0x0  }
0xa1: {  	[sflag:s22] =	ssyncadd.s32 s5;
	_ =	sdelay $0x1  }
0xa2: {  	s23 =	simm.s32 $0x1B8B  }
0xa3: {  	_ =	swait.ge [sflag:s23], $0x1  }
0xa4: {  	[sflag:s23] =	ssyncset.done $0x0  }
0xa5: {  	s25 =	simm.s32 $0x1B8E;
	s24 =	sld [smem:$0x3FFE];
	[sflag:s23] =	ssyncadd.s32 $0xFFFFFFFF  }
0xa6: {  	s26 =	simm.s32 $execute0_lowered;
	[smem:$0x3FD2] =	sst s25  }
0xa7: {  	s6 =	sshll.u32 s26, $0x1;
	_ =	strace $0x80000046;
	[dreg:$0x1] =	wrdreg $0xFFFFFFFF  }
0xa8: {  	s28 =	simm.s32 $_size_execute0_lowered;
	s4 =	sadd.s32 s4, s6;
	[dreg:$0x0] =	wrdreg $0x0  }
0xa9: {  	s6 =	sshll.u32 s28, $0x1;
	[dreg:$0x2] =	wrdreg s4  }
0xaa: {  	[dreg:$0x3] =	wrdreg s6  }
0xab: {  	[dreg:$0x4] =	wrdreg $0xC0  }
0xac: {  	_ =	task [dreg:s8], $0x5FFFF  }
0xad: {  	[dreg:$0x1] =	wrdreg $0xFFFFFFFF  }
0xae: {  	[dreg:$0x0] =	wrdreg $0x60  }
0xaf: {  	[dreg:$0x2] =	wrdreg s2  }
0xb0: {  	[dreg:$0x3] =	wrdreg s18  }
0xb1: {  	[dreg:$0x4] =	wrdreg s24  }
0xb2: {  	[dreg:$0x5] =	wrdreg $0x0  }
0xb3: {  	[dreg:$0x6] =	wrdreg $0x1C8000  }
0xb4: {  	[dreg:$0x7] =	wrdreg $0x9  }
0xb5: {  	_ =	task.clear_ibuf [dreg:s8], $0x8FFFF;
	_ =	strace $0x90000046  }
0xb6: {  	s29 =	simm.s32 $0x9;
	_ =	strace $0x80000048  }
0xb7: {  	_ =	swait.ge [sflag:s29], $0x1  }
0xb8: {  	[sflag:s29] =	ssyncadd.s32 $0xFFFFFFFF  }
0xb9: {  	_ =	strace $0x90000048  }
0xba: {  	_ =	sfence  }
0xbb: {  	s30 =	sld [smem:$0x0];
	_ =	sdelay $0x2  }
0xbc: {  	s31 =	sshll.u32 s1, $0xD;
	s1 =	sshrl.u32 s1, $0x2  }
0xbd: {  	s3 =	sand.u32 $0x4000, s31;
	s1 =	sadd.s32 s1, s30  }
0xbe: {  	s0 =	sor.u32 s3, s0;
	s1 =	sshll.u32 s1, $0x11  }
0xbf: {  	s0 =	sor.u32 s1, s0  }
0xc0: {  	s0 =	sadd.s32 $0x8F2B, s0  }
0xc1: {  	[sflag:s0] =	ssyncadd.remote.s32 $0x1  }
0xc2: {  	_ =	sfence.sel $0xFFFF  }
0xc3: {  	[dreg:$0x0] =	wrdreg $0xFFFFFFFF;
	(pc) =	sbr.abs _section_cstart, $3  }
0xc4: {  	[dreg:$0x1] =	wrdreg $0xFFFFFFFF  }
0xc5: {  	_ =	task.clear_ibuf [dreg:s8], $0x2FFFF;
	_ =	strace $0x9FFFFFFF  }
0xc6: {  	(tm) =	ssettm $0x7FFFFFFF  }
0xc7: {  	_ =	shalt  }
tec
execute0_lowered:
.L_overlay_start_1:
0x0: {  	(tag) =	ssettag $0x1  }
0x1: {  	s1 =	rddreg [dreg:$0x0]  }
0x2: {  	s8 =	rddreg [dreg:$0x1]  }
0x3: {  	s6 =	rddreg [dreg:$0x2]  }
0x4: {  	s0 =	srdreg.scid;
	s3 =	rddreg [dreg:$0x3]  }
0x5: {  	s14 =	stileid.u32;
	s4 =	rddreg [dreg:$0x4];
	s5 =	simm.s32 $0x0  }
0x6: {  	s31 =	simm.s32 $0x6;
	s2 =	sand.u32 $0x1, s0;
	s10 =	smul.u32 $0x13900, s14  }
0x7: {  	[smem:$0x7FF] =	sst s5;
	s12 =	smul.u32 $0x1390, s14;
	s13 =	sadd.s32 $0xBE00, s6  }
0x8: {  	s20 =	sadd.s32 $0xC200, s6;
	s21 =	sadd.s32 $0xC000, s6;
	s0 =	sshll.u32 s2, $0x4  }
0x9: {  	s19 =	smul.u32 $0x139000, s2;
	_ =	strace $0x80000047;
	[dreg:$0x6] =	wrdreg s13  }
0xa: {  	s7 =	smul.u32 $0x13900, s2;
	[dreg:$0x7] =	wrdreg s20;
	s22 =	ssub.s32 $0x2, s2  }
0xb: {  	[dreg:$0x8] =	wrdreg s21;
	s0 =	sor.u32 s14, s0;
	s23 =	sshrl.u32 s22, $0x1  }
0xc: {  	s9 =	smul.u32 $0x4F0, s0;
	s0 =	sadd.s32 s10, s19;
	s7 =	sadd.s32 s12, s7  }
0xd: {  	s12 =	sadd.s32 s12, s4;
	s0 =	sshrl.u32 s0, $0x3;
	s7 =	sshrl.u32 s7, $0x3  }
0xe: {  	s11 =	sadd.s32 s9, s6;
	s0 =	sadd.s32 s0, s6;
	s2 =	sadd.s32 s7, s6  }
0xf: {  	s7 =	smul.u32 $0x272, s14;
	s6 =	ssub.s32 s22, s23;
	s8 =	sadd.s32 s8, s9  }
0x10: {  	[dreg:$0x9] =	wrdreg s8;
	s24 =	sadd.s32 $0x2000, s11;
	s11 =	sadd.s32 s10, s3  }
0x11: {  	s28 =	sadd.s32 $0xC400, s2;
	s29 =	smax.u32 s6, $0x1;
	s2 =	simm.s32 $0x18800  }
0x12: {  	s6 =	simm.s32 $0x1DC90;
	s10 =	simm.s32 $0x1B800;
	[dreg:$0xa] =	wrdreg s24  }
0x13: {  	s25 =	sadd.s32 $0x20, s7;
	s30 =	sadd.s32 $0x40, s7;
	s14 =	sadd.s32 $0x60, s7  }
0x14: {  	s17 =	sadd.s32 $0x80, s7;
	s19 =	sadd.s32 $0xA0, s7;
	s22 =	sadd.s32 $0xC0, s7  }
0x15: {  	s26 =	sshll.u32 s25, $0x7;
	s8 =	sshll.u32 s25, $0x3;
	s13 =	sshll.u32 s30, $0x3  }
0x16: {  	s15 =	sshll.u32 s14, $0x7;
	s18 =	sshll.u32 s17, $0x7;
	s20 =	sshll.u32 s19, $0x7  }
0x17: {  	s21 =	sshll.u32 s19, $0x3;
	s23 =	sshll.u32 s22, $0x7;
	s25 =	sadd.s32 $0xE0, s7  }
0x18: {  	s19 =	sadd.s32 $0x160, s7;
	s9 =	sadd.s32 s26, s3;
	s8 =	sadd.s32 s8, s4  }
0x19: {  	s26 =	sshll.u32 s25, $0x7;
	[dreg:$0xb] =	wrdreg s9;
	s9 =	sshll.u32 s30, $0x7  }
0x1a: {  	[dreg:$0xc] =	wrdreg s8;
	s30 =	sadd.s32 $0x100, s7;
	s8 =	sadd.s32 s9, s3  }
0x1b: {  	s9 =	sshll.u32 s14, $0x3;
	[dreg:$0xd] =	wrdreg s8;
	s8 =	sadd.s32 s13, s4  }
0x1c: {  	s14 =	sadd.s32 $0x120, s7;
	s16 =	sadd.s32 s9, s4;
	[dreg:$0xe] =	wrdreg s8  }
0x1d: {  	s9 =	sadd.s32 s18, s3;
	s13 =	sshll.u32 s30, $0x3;
	[dreg:$0x10] =	wrdreg s16  }
0x1e: {  	s8 =	sadd.s32 s15, s3;
	[dreg:$0x11] =	wrdreg s9;
	s9 =	sshll.u32 s22, $0x3  }
0x1f: {  	s15 =	sshll.u32 s14, $0x7;
	s22 =	sadd.s32 $0x180, s7;
	[dreg:$0xf] =	wrdreg s8  }
0x20: {  	s8 =	sshll.u32 s17, $0x3;
	s24 =	sadd.s32 s9, s4;
	s9 =	sadd.s32 s26, s3  }
0x21: {  	s17 =	sadd.s32 $0x140, s7;
	s8 =	sadd.s32 s8, s4;
	[dreg:$0x16] =	wrdreg s24  }
0x22: {  	[dreg:$0x17] =	wrdreg s9;
	s9 =	sshll.u32 s30, $0x7;
	s18 =	sshll.u32 s17, $0x7  }
0x23: {  	s30 =	sadd.s32 $0x1C0, s7;
	[dreg:$0x12] =	wrdreg s8;
	s8 =	sadd.s32 s20, s3  }
0x24: {  	s20 =	sshll.u32 s19, $0x7;
	[dreg:$0x13] =	wrdreg s8;
	s8 =	sadd.s32 s21, s4  }
0x25: {  	s21 =	sshll.u32 s19, $0x3;
	[dreg:$0x14] =	wrdreg s8;
	s8 =	sadd.s32 s23, s3  }
0x26: {  	[dreg:$0x15] =	wrdreg s8;
	s8 =	sshll.u32 s25, $0x3;
	s25 =	sadd.s32 $0x1A0, s7  }
0x27: {  	s23 =	sshll.u32 s22, $0x7;
	s8 =	sadd.s32 s8, s4;
	s26 =	sshll.u32 s25, $0x7  }
0x28: {  	[dreg:$0x18] =	wrdreg s8;
	s8 =	sadd.s32 s9, s3;
	s9 =	sshll.u32 s14, $0x3  }
0x29: {  	s14 =	sshll.u32 s30, $0x3;
	[dreg:$0x19] =	wrdreg s8;
	s8 =	sadd.s32 s13, s4  }
0x2a: {  	s16 =	sadd.s32 s9, s4;
	s9 =	sadd.s32 s18, s3;
	[dreg:$0x1a] =	wrdreg s8  }
0x2b: {  	s13 =	sshll.u32 s30, $0x7;
	s18 =	sadd.s32 $0x200, s7;
	[dreg:$0x1c] =	wrdreg s16  }
0x2c: {  	s8 =	sadd.s32 s15, s3;
	[dreg:$0x1d] =	wrdreg s9;
	s9 =	sshll.u32 s22, $0x3  }
0x2d: {  	s15 =	sadd.s32 $0x1E0, s7;
	s19 =	sshll.u32 s18, $0x7;
	[dreg:$0x1b] =	wrdreg s8  }
0x2e: {  	s8 =	sshll.u32 s17, $0x3;
	s24 =	sadd.s32 s9, s4;
	s9 =	sadd.s32 s26, s3  }
0x2f: {  	s16 =	sshll.u32 s15, $0x7;
	s8 =	sadd.s32 s8, s4;
	[smem:$0x7F0] =	sst s24  }
0x30: {  	[smem:$0x7F1] =	sst s9;
	s9 =	sshll.u32 s15, $0x3;
	s15 =	simm.s32 $0x2  }
0x31: {  	[dreg:$0x1e] =	wrdreg s8;
	s8 =	sadd.s32 s20, s3;
	s17 =	sadd.s32 s9, s4  }
0x32: {  	s20 =	sadd.s32 $0x220, s7;
	s9 =	sadd.s32 s19, s3;
	[dreg:$0x1f] =	wrdreg s8  }
0x33: {  	s19 =	simm.s32 $0x187A0;
	s8 =	sadd.s32 s21, s4;
	[smem:$0x7F6] =	sst s17  }
0x34: {  	[smem:$0x7F7] =	sst s9;
	s21 =	sshll.u32 s20, $0x7;
	s22 =	sshll.u32 s20, $0x3  }
0x35: {  	s9 =	simm.s32 $0x1A800;
	s17 =	simm.s32 $0x4;
	s20 =	simm.s32 $0x187C0  }
0x36: {  	[smem:$0x7EE] =	sst s8;
	s8 =	sadd.s32 s23, s3;
	s23 =	sadd.s32 $0x240, s7  }
0x37: {  	s7 =	sadd.s32 $0x260, s7;
	[smem:$0x7EF] =	sst s8;
	s8 =	sshll.u32 s25, $0x3  }
0x38: {  	s24 =	sshll.u32 s23, $0x7;
	s26 =	sshll.u32 s7, $0x7;
	s8 =	sadd.s32 s8, s4  }
0x39: {  	s25 =	sshll.u32 s23, $0x3;
	s30 =	sadd.s32 s26, s3;
	[smem:$0x7F2] =	sst s8  }
0x3a: {  	s7 =	sshll.u32 s7, $0x3;
	s8 =	sadd.s32 s13, s3;
	[smem:$0x7FD] =	sst s30  }
0x3b: {  	s26 =	sadd.s32 $0x11400, s0;
	[smem:$0x7F3] =	sst s8;
	s8 =	sadd.s32 s14, s4  }
0x3c: {  	s0 =	simm.s32 $0x1DB90;
	[smem:$0x7F4] =	sst s8;
	s8 =	sadd.s32 s16, s3  }
0x3d: {  	s13 =	simm.s32 $0x1;
	[smem:$0x7F5] =	sst s8;
	s8 =	sshll.u32 s18, $0x3  }
0x3e: {  	s14 =	simm.s32 $0x5;
	s16 =	simm.s32 $0x3;
	s8 =	sadd.s32 s8, s4  }
0x3f: {  	s18 =	simm.s32 $0x18780;
	[smem:$0x7F8] =	sst s8;
	s8 =	sadd.s32 s21, s3  }
0x40: {  	s21 =	simm.s32 $0x187E0;
	[smem:$0x7F9] =	sst s8;
	s8 =	sadd.s32 s22, s4  }
0x41: {  	s22 =	simm.s32 $0x0;
	[smem:$0x7FA] =	sst s8;
	s8 =	sadd.s32 s24, s3  }
0x42: {  	[smem:$0x7FB] =	sst s8;
	s8 =	sadd.s32 s25, s4;
	s25 =	sadd.s32 s7, s4  }
0x43: {  	s7 =	simm.s32 $0x20;
	[smem:$0x7FC] =	sst s8;
	s8 =	simm.s32 $0x19800  }
.LBB2_1:
0x44: {  	s23 =	rddreg [dreg:$0x9];
	s24 =	simm.s32 $0x13900  }
0x45: {  	[tilespmem:s24], [sflag:$0x6] =	stream.linear.gather [hbm4b:s23+s5], $0x2780, $0x38;
	[tilespmem:$0x1DD90] =	vst v63  }
0x46: {  	_ =	swait.ge [sflag:s31], $0x2780  }
0x47: {  	[sflag:s31] =	ssyncset.done $0x0  }
0x48: {  	s30 =	simm.s32 $0x16080;
	s23 =	rddreg [dreg:$0xa];
	[sflag:s31] =	ssyncadd.s32 $0xFFFFD880  }
0x49: {  	[tilespmem:s30], [sflag:$0x6] =	stream.linear.gather [hbm4b:s23+s5], $0x2780, $0x38;
	[tilespmem:$0x1DD90] =	vst v63  }
0x4a: {  	_ =	swait.ge [sflag:s31], $0x2780  }
0x4b: {  	[sflag:s31] =	ssyncset.done $0x0  }
0x4c: {  	s23 =	rddreg [dreg:$0x6];
	[sflag:s31] =	ssyncadd.s32 $0xFFFFD880  }
0x4d: {  	[tilespmem:s2], [sflag:$0x6] =	stream.linear.gather [hbm4b:s23+s5], $0x1000, $0x38;
	[tilespmem:$0x1DD90] =	vst v63  }
0x4e: {  	_ =	swait.ge [sflag:s31], $0x1000  }
0x4f: {  	[sflag:s31] =	ssyncset.done $0x0  }
0x50: {  	s23 =	rddreg [dreg:$0x7];
	[sflag:s31] =	ssyncadd.s32 $0xFFFFF000  }
0x51: {  	[tilespmem:s0], [sflag:$0x6] =	stream.linear.gather [hbm4b:s23+s5], $0x100, $0x38;
	[tilespmem:$0x1DD90] =	vst v63  }
0x52: {  	_ =	swait.ge [sflag:s31], $0x100  }
0x53: {  	[sflag:s31] =	ssyncset.done $0x0  }
0x54: {  	s23 =	rddreg [dreg:$0x8];
	[sflag:s31] =	ssyncadd.s32 $0xFFFFFF00  }
0x55: {  	[tilespmem:s6], [sflag:$0x6] =	stream.linear.gather [hbm4b:s23+s5], $0x100, $0x38;
	[tilespmem:$0x1DD90] =	vst v63  }
0x56: {  	_ =	swait.ge [sflag:s31], $0x100  }
0x57: {  	[sflag:s31] =	ssyncset.done $0x0  }
0x58: {  	[sflag:s31] =	ssyncadd.s32 $0xFFFFFF00  }
0x59: {  	[spmem:s11] =	stream.linear.scatter [tilespmem:s2], [sflag:$0x6], $0x1000, $0x38;
	[tilespmem:$0x1DD90] =	vst v63  }
0x5a: {  	_ =	swait.ge [sflag:s31], $0x1000  }
0x5b: {  	[sflag:s31] =	ssyncset.done $0x0  }
0x5c: {  	[sflag:s31] =	ssyncadd.s32 $0xFFFFF000  }
0x5d: {  	[spmem:s12] =	stream.linear.scatter [tilespmem:s6], [sflag:$0x6], $0x100, $0x38;
	[tilespmem:$0x1DD90] =	vst v63  }
0x5e: {  	_ =	swait.ge [sflag:s31], $0x100  }
0x5f: {  	[sflag:s31] =	ssyncset.done $0x0  }
0x60: {  	s23 =	rddreg [dreg:$0xb];
	[sflag:s31] =	ssyncadd.s32 $0xFFFFFF00  }
0x61: {  	[spmem:s23] =	stream.linear.scatter [tilespmem:s2], [sflag:$0x6], $0x1000, $0x38;
	[tilespmem:$0x1DD90] =	vst v63  }
0x62: {  	_ =	swait.ge [sflag:s31], $0x1000  }
0x63: {  	[sflag:s31] =	ssyncset.done $0x0  }
0x64: {  	s23 =	rddreg [dreg:$0xc];
	[sflag:s31] =	ssyncadd.s32 $0xFFFFF000  }
0x65: {  	[spmem:s23] =	stream.linear.scatter [tilespmem:s6], [sflag:$0x6], $0x100, $0x38;
	[tilespmem:$0x1DD90] =	vst v63  }
0x66: {  	_ =	swait.ge [sflag:s31], $0x100  }
0x67: {  	[sflag:s31] =	ssyncset.done $0x0  }
0x68: {  	s23 =	rddreg [dreg:$0xd];
	[sflag:s31] =	ssyncadd.s32 $0xFFFFFF00  }
0x69: {  	[spmem:s23] =	stream.linear.scatter [tilespmem:s2], [sflag:$0x6], $0x1000, $0x38;
	[tilespmem:$0x1DD90] =	vst v63  }
0x6a: {  	_ =	swait.ge [sflag:s31], $0x1000  }
0x6b: {  	[sflag:s31] =	ssyncset.done $0x0  }
0x6c: {  	s23 =	rddreg [dreg:$0xe];
	[sflag:s31] =	ssyncadd.s32 $0xFFFFF000  }
0x6d: {  	[spmem:s23] =	stream.linear.scatter [tilespmem:s6], [sflag:$0x6], $0x100, $0x38;
	[tilespmem:$0x1DD90] =	vst v63  }
0x6e: {  	_ =	swait.ge [sflag:s31], $0x100  }
0x6f: {  	[sflag:s31] =	ssyncset.done $0x0  }
0x70: {  	s23 =	rddreg [dreg:$0xf];
	[sflag:s31] =	ssyncadd.s32 $0xFFFFFF00  }
0x71: {  	[spmem:s23] =	stream.linear.scatter [tilespmem:s2], [sflag:$0x6], $0x1000, $0x38;
	[tilespmem:$0x1DD90] =	vst v63  }
0x72: {  	_ =	swait.ge [sflag:s31], $0x1000  }
0x73: {  	[sflag:s31] =	ssyncset.done $0x0  }
0x74: {  	s23 =	rddreg [dreg:$0x10];
	[sflag:s31] =	ssyncadd.s32 $0xFFFFF000  }
0x75: {  	[spmem:s23] =	stream.linear.scatter [tilespmem:s6], [sflag:$0x6], $0x100, $0x38;
	[tilespmem:$0x1DD90] =	vst v63  }
0x76: {  	_ =	swait.ge [sflag:s31], $0x100  }
0x77: {  	[sflag:s31] =	ssyncset.done $0x0  }
0x78: {  	s23 =	rddreg [dreg:$0x11];
	[sflag:s31] =	ssyncadd.s32 $0xFFFFFF00  }
0x79: {  	[spmem:s23] =	stream.linear.scatter [tilespmem:s2], [sflag:$0x6], $0x1000, $0x38;
	[tilespmem:$0x1DD90] =	vst v63  }
0x7a: {  	_ =	swait.ge [sflag:s31], $0x1000  }
0x7b: {  	[sflag:s31] =	ssyncset.done $0x0  }
0x7c: {  	s23 =	rddreg [dreg:$0x12];
	[sflag:s31] =	ssyncadd.s32 $0xFFFFF000  }
0x7d: {  	[spmem:s23] =	stream.linear.scatter [tilespmem:s6], [sflag:$0x6], $0x100, $0x38;
	[tilespmem:$0x1DD90] =	vst v63  }
0x7e: {  	_ =	swait.ge [sflag:s31], $0x100  }
0x7f: {  	[sflag:s31] =	ssyncset.done $0x0  }
0x80: {  	s23 =	rddreg [dreg:$0x13];
	[sflag:s31] =	ssyncadd.s32 $0xFFFFFF00  }
0x81: {  	[spmem:s23] =	stream.linear.scatter [tilespmem:s2], [sflag:$0x6], $0x1000, $0x38;
	[tilespmem:$0x1DD90] =	vst v63  }
0x82: {  	_ =	swait.ge [sflag:s31], $0x1000  }
0x83: {  	[sflag:s31] =	ssyncset.done $0x0  }
0x84: {  	s23 =	rddreg [dreg:$0x14];
	[sflag:s31] =	ssyncadd.s32 $0xFFFFF000  }
0x85: {  	[spmem:s23] =	stream.linear.scatter [tilespmem:s6], [sflag:$0x6], $0x100, $0x38;
	[tilespmem:$0x1DD90] =	vst v63  }
0x86: {  	_ =	swait.ge [sflag:s31], $0x100  }
0x87: {  	[sflag:s31] =	ssyncset.done $0x0  }
0x88: {  	s23 =	rddreg [dreg:$0x15];
	[sflag:s31] =	ssyncadd.s32 $0xFFFFFF00  }
0x89: {  	[spmem:s23] =	stream.linear.scatter [tilespmem:s2], [sflag:$0x6], $0x1000, $0x38;
	[tilespmem:$0x1DD90] =	vst v63  }
0x8a: {  	_ =	swait.ge [sflag:s31], $0x1000  }
0x8b: {  	[sflag:s31] =	ssyncset.done $0x0  }
0x8c: {  	s23 =	rddreg [dreg:$0x16];
	[sflag:s31] =	ssyncadd.s32 $0xFFFFF000  }
0x8d: {  	[spmem:s23] =	stream.linear.scatter [tilespmem:s6], [sflag:$0x6], $0x100, $0x38;
	[tilespmem:$0x1DD90] =	vst v63  }
0x8e: {  	_ =	swait.ge [sflag:s31], $0x100  }
0x8f: {  	[sflag:s31] =	ssyncset.done $0x0  }
0x90: {  	s23 =	rddreg [dreg:$0x17];
	[sflag:s31] =	ssyncadd.s32 $0xFFFFFF00  }
0x91: {  	[spmem:s23] =	stream.linear.scatter [tilespmem:s2], [sflag:$0x6], $0x1000, $0x38;
	[tilespmem:$0x1DD90] =	vst v63  }
0x92: {  	_ =	swait.ge [sflag:s31], $0x1000  }
0x93: {  	[sflag:s31] =	ssyncset.done $0x0  }
0x94: {  	s23 =	rddreg [dreg:$0x18];
	[sflag:s31] =	ssyncadd.s32 $0xFFFFF000  }
0x95: {  	[spmem:s23] =	stream.linear.scatter [tilespmem:s6], [sflag:$0x6], $0x100, $0x38;
	[tilespmem:$0x1DD90] =	vst v63  }
0x96: {  	_ =	swait.ge [sflag:s31], $0x100  }
0x97: {  	[sflag:s31] =	ssyncset.done $0x0  }
0x98: {  	s23 =	rddreg [dreg:$0x19];
	[sflag:s31] =	ssyncadd.s32 $0xFFFFFF00  }
0x99: {  	[spmem:s23] =	stream.linear.scatter [tilespmem:s2], [sflag:$0x6], $0x1000, $0x38;
	[tilespmem:$0x1DD90] =	vst v63  }
0x9a: {  	_ =	swait.ge [sflag:s31], $0x1000  }
0x9b: {  	[sflag:s31] =	ssyncset.done $0x0  }
0x9c: {  	s23 =	rddreg [dreg:$0x1a];
	[sflag:s31] =	ssyncadd.s32 $0xFFFFF000  }
0x9d: {  	[spmem:s23] =	stream.linear.scatter [tilespmem:s6], [sflag:$0x6], $0x100, $0x38;
	[tilespmem:$0x1DD90] =	vst v63  }
0x9e: {  	_ =	swait.ge [sflag:s31], $0x100  }
0x9f: {  	[sflag:s31] =	ssyncset.done $0x0  }
0xa0: {  	s23 =	rddreg [dreg:$0x1b];
	[sflag:s31] =	ssyncadd.s32 $0xFFFFFF00  }
0xa1: {  	[spmem:s23] =	stream.linear.scatter [tilespmem:s2], [sflag:$0x6], $0x1000, $0x38;
	[tilespmem:$0x1DD90] =	vst v63  }
0xa2: {  	_ =	swait.ge [sflag:s31], $0x1000  }
0xa3: {  	[sflag:s31] =	ssyncset.done $0x0  }
0xa4: {  	s23 =	rddreg [dreg:$0x1c];
	[sflag:s31] =	ssyncadd.s32 $0xFFFFF000  }
0xa5: {  	[spmem:s23] =	stream.linear.scatter [tilespmem:s6], [sflag:$0x6], $0x100, $0x38;
	[tilespmem:$0x1DD90] =	vst v63  }
0xa6: {  	_ =	swait.ge [sflag:s31], $0x100  }
0xa7: {  	[sflag:s31] =	ssyncset.done $0x0  }
0xa8: {  	s23 =	rddreg [dreg:$0x1d];
	[sflag:s31] =	ssyncadd.s32 $0xFFFFFF00  }
0xa9: {  	[spmem:s23] =	stream.linear.scatter [tilespmem:s2], [sflag:$0x6], $0x1000, $0x38;
	[tilespmem:$0x1DD90] =	vst v63  }
0xaa: {  	_ =	swait.ge [sflag:s31], $0x1000  }
0xab: {  	[sflag:s31] =	ssyncset.done $0x0  }
0xac: {  	s23 =	rddreg [dreg:$0x1e];
	[sflag:s31] =	ssyncadd.s32 $0xFFFFF000  }
0xad: {  	[spmem:s23] =	stream.linear.scatter [tilespmem:s6], [sflag:$0x6], $0x100, $0x38;
	[tilespmem:$0x1DD90] =	vst v63  }
0xae: {  	_ =	swait.ge [sflag:s31], $0x100  }
0xaf: {  	[sflag:s31] =	ssyncset.done $0x0  }
0xb0: {  	s23 =	rddreg [dreg:$0x1f];
	[sflag:s31] =	ssyncadd.s32 $0xFFFFFF00  }
0xb1: {  	[spmem:s23] =	stream.linear.scatter [tilespmem:s2], [sflag:$0x6], $0x1000, $0x38;
	[tilespmem:$0x1DD90] =	vst v63  }
0xb2: {  	_ =	swait.ge [sflag:s31], $0x1000  }
0xb3: {  	s23 =	sld [smem:$0x7EE]  }
0xb4: {  	[sflag:s31] =	ssyncset.done $0x0  }
0xb5: {  	[sflag:s31] =	ssyncadd.s32 $0xFFFFF000  }
0xb6: {  	[spmem:s23] =	stream.linear.scatter [tilespmem:s6], [sflag:$0x6], $0x100, $0x38;
	[tilespmem:$0x1DD90] =	vst v63  }
0xb7: {  	_ =	swait.ge [sflag:s31], $0x100  }
0xb8: {  	s23 =	sld [smem:$0x7EF]  }
0xb9: {  	[sflag:s31] =	ssyncset.done $0x0  }
0xba: {  	[sflag:s31] =	ssyncadd.s32 $0xFFFFFF00  }
0xbb: {  	[spmem:s23] =	stream.linear.scatter [tilespmem:s2], [sflag:$0x6], $0x1000, $0x38;
	[tilespmem:$0x1DD90] =	vst v63  }
0xbc: {  	_ =	swait.ge [sflag:s31], $0x1000  }
0xbd: {  	s23 =	sld [smem:$0x7F0]  }
0xbe: {  	[sflag:s31] =	ssyncset.done $0x0  }
0xbf: {  	[sflag:s31] =	ssyncadd.s32 $0xFFFFF000  }
0xc0: {  	[spmem:s23] =	stream.linear.scatter [tilespmem:s6], [sflag:$0x6], $0x100, $0x38;
	[tilespmem:$0x1DD90] =	vst v63  }
0xc1: {  	_ =	swait.ge [sflag:s31], $0x100  }
0xc2: {  	s23 =	sld [smem:$0x7F1]  }
0xc3: {  	[sflag:s31] =	ssyncset.done $0x0  }
0xc4: {  	[sflag:s31] =	ssyncadd.s32 $0xFFFFFF00  }
0xc5: {  	[spmem:s23] =	stream.linear.scatter [tilespmem:s2], [sflag:$0x6], $0x1000, $0x38;
	[tilespmem:$0x1DD90] =	vst v63  }
0xc6: {  	_ =	swait.ge [sflag:s31], $0x1000  }
0xc7: {  	s23 =	sld [smem:$0x7F2]  }
0xc8: {  	[sflag:s31] =	ssyncset.done $0x0  }
0xc9: {  	[sflag:s31] =	ssyncadd.s32 $0xFFFFF000  }
0xca: {  	[spmem:s23] =	stream.linear.scatter [tilespmem:s6], [sflag:$0x6], $0x100, $0x38;
	[tilespmem:$0x1DD90] =	vst v63  }
0xcb: {  	_ =	swait.ge [sflag:s31], $0x100  }
0xcc: {  	s23 =	sld [smem:$0x7F3]  }
0xcd: {  	[sflag:s31] =	ssyncset.done $0x0  }
0xce: {  	[sflag:s31] =	ssyncadd.s32 $0xFFFFFF00  }
0xcf: {  	[spmem:s23] =	stream.linear.scatter [tilespmem:s2], [sflag:$0x6], $0x1000, $0x38;
	[tilespmem:$0x1DD90] =	vst v63  }
0xd0: {  	_ =	swait.ge [sflag:s31], $0x1000  }
0xd1: {  	s23 =	sld [smem:$0x7F4]  }
0xd2: {  	[sflag:s31] =	ssyncset.done $0x0  }
0xd3: {  	[sflag:s31] =	ssyncadd.s32 $0xFFFFF000  }
0xd4: {  	[spmem:s23] =	stream.linear.scatter [tilespmem:s6], [sflag:$0x6], $0x100, $0x38;
	[tilespmem:$0x1DD90] =	vst v63  }
0xd5: {  	_ =	swait.ge [sflag:s31], $0x100  }
0xd6: {  	s23 =	sld [smem:$0x7F5]  }
0xd7: {  	[sflag:s31] =	ssyncset.done $0x0  }
0xd8: {  	[sflag:s31] =	ssyncadd.s32 $0xFFFFFF00  }
0xd9: {  	[spmem:s23] =	stream.linear.scatter [tilespmem:s2], [sflag:$0x6], $0x1000, $0x38;
	[tilespmem:$0x1DD90] =	vst v63  }
0xda: {  	_ =	swait.ge [sflag:s31], $0x1000  }
0xdb: {  	s23 =	sld [smem:$0x7F6]  }
0xdc: {  	[sflag:s31] =	ssyncset.done $0x0  }
0xdd: {  	[sflag:s31] =	ssyncadd.s32 $0xFFFFF000  }
0xde: {  	[spmem:s23] =	stream.linear.scatter [tilespmem:s6], [sflag:$0x6], $0x100, $0x38;
	[tilespmem:$0x1DD90] =	vst v63  }
0xdf: {  	_ =	swait.ge [sflag:s31], $0x100  }
0xe0: {  	s23 =	sld [smem:$0x7F7]  }
0xe1: {  	[sflag:s31] =	ssyncset.done $0x0  }
0xe2: {  	[sflag:s31] =	ssyncadd.s32 $0xFFFFFF00  }
0xe3: {  	[spmem:s23] =	stream.linear.scatter [tilespmem:s2], [sflag:$0x6], $0x1000, $0x38;
	[tilespmem:$0x1DD90] =	vst v63  }
0xe4: {  	_ =	swait.ge [sflag:s31], $0x1000  }
0xe5: {  	s23 =	sld [smem:$0x7F8]  }
0xe6: {  	[sflag:s31] =	ssyncset.done $0x0  }
0xe7: {  	[sflag:s31] =	ssyncadd.s32 $0xFFFFF000  }
0xe8: {  	[spmem:s23] =	stream.linear.scatter [tilespmem:s6], [sflag:$0x6], $0x100, $0x38;
	[tilespmem:$0x1DD90] =	vst v63  }
0xe9: {  	_ =	swait.ge [sflag:s31], $0x100  }
0xea: {  	s23 =	sld [smem:$0x7F9]  }
0xeb: {  	[sflag:s31] =	ssyncset.done $0x0  }
0xec: {  	[sflag:s31] =	ssyncadd.s32 $0xFFFFFF00  }
0xed: {  	[spmem:s23] =	stream.linear.scatter [tilespmem:s2], [sflag:$0x6], $0x1000, $0x38;
	[tilespmem:$0x1DD90] =	vst v63  }
0xee: {  	_ =	swait.ge [sflag:s31], $0x1000  }
0xef: {  	s23 =	sld [smem:$0x7FA]  }
0xf0: {  	[sflag:s31] =	ssyncset.done $0x0  }
0xf1: {  	[sflag:s31] =	ssyncadd.s32 $0xFFFFF000  }
0xf2: {  	[spmem:s23] =	stream.linear.scatter [tilespmem:s6], [sflag:$0x6], $0x100, $0x38;
	[tilespmem:$0x1DD90] =	vst v63  }
0xf3: {  	_ =	swait.ge [sflag:s31], $0x100  }
0xf4: {  	s23 =	sld [smem:$0x7FB]  }
0xf5: {  	[sflag:s31] =	ssyncset.done $0x0  }
0xf6: {  	[sflag:s31] =	ssyncadd.s32 $0xFFFFFF00  }
0xf7: {  	[spmem:s23] =	stream.linear.scatter [tilespmem:s2], [sflag:$0x6], $0x1000, $0x38;
	[tilespmem:$0x1DD90] =	vst v63  }
0xf8: {  	_ =	swait.ge [sflag:s31], $0x1000  }
0xf9: {  	s23 =	sld [smem:$0x7FC]  }
0xfa: {  	[sflag:s31] =	ssyncset.done $0x0  }
0xfb: {  	[sflag:s31] =	ssyncadd.s32 $0xFFFFF000  }
0xfc: {  	[spmem:s23] =	stream.linear.scatter [tilespmem:s6], [sflag:$0x6], $0x100, $0x38;
	[tilespmem:$0x1DD90] =	vst v63  }
0xfd: {  	_ =	swait.ge [sflag:s31], $0x100  }
0xfe: {  	s23 =	sld [smem:$0x7FD]  }
0xff: {  	[sflag:s31] =	ssyncset.done $0x0  }
0x100: {  	[sflag:s31] =	ssyncadd.s32 $0xFFFFFF00  }
0x101: {  	[spmem:s23] =	stream.linear.scatter [tilespmem:s2], [sflag:$0x6], $0x900, $0x38;
	[tilespmem:$0x1DD90] =	vst v63  }
0x102: {  	_ =	swait.ge [sflag:s31], $0x900  }
0x103: {  	[sflag:s31] =	ssyncset.done $0x0  }
0x104: {  	[sflag:s31] =	ssyncadd.s32 $0xFFFFF700  }
0x105: {  	[spmem:s25] =	stream.linear.scatter [tilespmem:s6], [sflag:$0x6], $0x90, $0x38;
	[tilespmem:$0x1DD90] =	vst v63  }
0x106: {  	_ =	swait.ge [sflag:s31], $0x90  }
0x107: {  	[sflag:s31] =	ssyncset.done $0x0  }
0x108: {  	[sflag:s31] =	ssyncadd.s32 $0xFFFFFF70  }
0x109: {  	[bflag:$0x0] =	sbarrier.arrive $0xFFFF  }
0x10a: {  	[tilespmem:s2], [sflag:$0x1] =	stream.indirect.gather [hbm4b:s1+s7], $0x80, s24, s7, $0xb8;
	[tilespmem:$0x1DD90] =	vst v63  }
0x10b: {  	s24 =	simm.s32 $0x13920  }
0x10c: {  	[tilespmem:s8], [sflag:$0x2] =	stream.indirect.gather [hbm4b:s1+s7], $0x80, s24, s7, $0xb8;
	[tilespmem:$0x1DD90] =	vst v63  }
0x10d: {  	s24 =	simm.s32 $0x13940  }
0x10e: {  	[tilespmem:s9], [sflag:$0x3] =	stream.indirect.gather [hbm4b:s1+s7], $0x80, s24, s7, $0xb8;
	[tilespmem:$0x1DD90] =	vst v63  }
0x10f: {  	s24 =	simm.s32 $0x13960  }
0x110: {  	[tilespmem:s10], [sflag:$0x4] =	stream.indirect.gather [hbm4b:s1+s7], $0x80, s24, s7, $0xb8;
	[tilespmem:$0x1DD90] =	vst v63  }
0x111: {  	_ =	swait.ge [sflag:s13], $0x1000  }
0x112: {  	[sflag:s13] =	ssyncset.done $0x0  }
0x113: {  	s24 =	simm.s32 $0x16080;
	[sflag:s13] =	ssyncadd.s32 $0xFFFFF000  }
0x114: {  	[spmem:s4] =	stream.indirect.scatter.add.f32 [tilespmem:s0], [sflag:$0x5], $0x8, s24, s7, $0xb8;
	[tilespmem:$0x1DD90] =	vst v63  }
0x115: {  	_ = 	snop  }
0x116: {  	[spmem:s3] =	stream.indirect.scatter.add.f32 [tilespmem:s2], [sflag:$0x6], $0x80, s24, s7, $0xb8;
	[tilespmem:$0x1DD90] =	vst v63  }
0x117: {  	_ =	swait.ge [sflag:s31], $0x1000  }
0x118: {  	[sflag:s31] =	ssyncset.done $0x0  }
0x119: {  	[sflag:s31] =	ssyncadd.s32 $0xFFFFF000  }
0x11a: {  	_ =	swait.ge [sflag:s14], $0x100  }
0x11b: {  	[sflag:s14] =	ssyncset.done $0x0  }
0x11c: {  	s24 =	simm.s32 $0x13980;
	[sflag:s14] =	ssyncadd.s32 $0xFFFFFF00  }
0x11d: {  	[tilespmem:s2], [sflag:$0x1] =	stream.indirect.gather [hbm4b:s1+s7], $0x80, s24, s7, $0xb8;
	[tilespmem:$0x1DD90] =	vst v63  }
0x11e: {  	_ =	swait.ge [sflag:s15], $0x1000  }
0x11f: {  	[sflag:s15] =	ssyncset.done $0x0  }
0x120: {  	s24 =	simm.s32 $0x160A0;
	[sflag:s15] =	ssyncadd.s32 $0xFFFFF000  }
0x121: {  	[spmem:s4] =	stream.indirect.scatter.add.f32 [tilespmem:s0], [sflag:$0x5], $0x8, s24, s7, $0xb8;
	[tilespmem:$0x1DD90] =	vst v63  }
0x122: {  	_ = 	snop  }
0x123: {  	[spmem:s3] =	stream.indirect.scatter.add.f32 [tilespmem:s8], [sflag:$0x6], $0x80, s24, s7, $0xb8;
	[tilespmem:$0x1DD90] =	vst v63  }
0x124: {  	_ =	swait.ge [sflag:s31], $0x1000  }
0x125: {  	[sflag:s31] =	ssyncset.done $0x0  }
0x126: {  	[sflag:s31] =	ssyncadd.s32 $0xFFFFF000  }
0x127: {  	_ =	swait.ge [sflag:s14], $0x100  }
0x128: {  	[sflag:s14] =	ssyncset.done $0x0  }
0x129: {  	s24 =	simm.s32 $0x139A0;
	[sflag:s14] =	ssyncadd.s32 $0xFFFFFF00  }
0x12a: {  	[tilespmem:s8], [sflag:$0x2] =	stream.indirect.gather [hbm4b:s1+s7], $0x80, s24, s7, $0xb8;
	[tilespmem:$0x1DD90] =	vst v63  }
0x12b: {  	_ =	swait.ge [sflag:s16], $0x1000  }
0x12c: {  	[sflag:s16] =	ssyncset.done $0x0  }
0x12d: {  	s24 =	simm.s32 $0x160C0;
	[sflag:s16] =	ssyncadd.s32 $0xFFFFF000  }
0x12e: {  	[spmem:s4] =	stream.indirect.scatter.add.f32 [tilespmem:s0], [sflag:$0x5], $0x8, s24, s7, $0xb8;
	[tilespmem:$0x1DD90] =	vst v63  }
0x12f: {  	_ = 	snop  }
0x130: {  	[spmem:s3] =	stream.indirect.scatter.add.f32 [tilespmem:s9], [sflag:$0x6], $0x80, s24, s7, $0xb8;
	[tilespmem:$0x1DD90] =	vst v63  }
0x131: {  	_ =	swait.ge [sflag:s31], $0x1000  }
0x132: {  	[sflag:s31] =	ssyncset.done $0x0  }
0x133: {  	[sflag:s31] =	ssyncadd.s32 $0xFFFFF000  }
0x134: {  	_ =	swait.ge [sflag:s14], $0x100  }
0x135: {  	[sflag:s14] =	ssyncset.done $0x0  }
0x136: {  	s24 =	simm.s32 $0x139C0;
	[sflag:s14] =	ssyncadd.s32 $0xFFFFFF00  }
0x137: {  	[tilespmem:s9], [sflag:$0x3] =	stream.indirect.gather [hbm4b:s1+s7], $0x80, s24, s7, $0xb8;
	[tilespmem:$0x1DD90] =	vst v63  }
0x138: {  	_ =	swait.ge [sflag:s17], $0x1000  }
0x139: {  	[sflag:s17] =	ssyncset.done $0x0  }
0x13a: {  	s24 =	simm.s32 $0x160E0;
	[sflag:s17] =	ssyncadd.s32 $0xFFFFF000  }
0x13b: {  	[spmem:s4] =	stream.indirect.scatter.add.f32 [tilespmem:s0], [sflag:$0x5], $0x8, s24, s7, $0xb8;
	[tilespmem:$0x1DD90] =	vst v63  }
0x13c: {  	_ = 	snop  }
0x13d: {  	[spmem:s3] =	stream.indirect.scatter.add.f32 [tilespmem:s10], [sflag:$0x6], $0x80, s24, s7, $0xb8;
	[tilespmem:$0x1DD90] =	vst v63  }
0x13e: {  	_ =	swait.ge [sflag:s31], $0x1000  }
0x13f: {  	[sflag:s31] =	ssyncset.done $0x0  }
0x140: {  	[sflag:s31] =	ssyncadd.s32 $0xFFFFF000  }
0x141: {  	_ =	swait.ge [sflag:s14], $0x100  }
0x142: {  	[sflag:s14] =	ssyncset.done $0x0  }
0x143: {  	s30 =	simm.s32 $0x200;
	s23 =	simm.s32 $0x139E0;
	[sflag:s14] =	ssyncadd.s32 $0xFFFFFF00  }
.LBB2_2:
0x144: {  	[tilespmem:s10], [sflag:$0x4] =	stream.indirect.gather [hbm4b:s1+s7], $0x80, s23, s7, $0xb8;
	[tilespmem:$0x1DD90] =	vst v63  }
0x145: {  	s23 =	smov.u32 s30  }
0x146: {  	p0 =	sne.s32 s30, $0x9A00;
	s30 =	sadd.s32 $0x200, s30;
	_ =	swait.ge [sflag:s13], $0x1000  }
0x147: {  	s23 =	sshra.s32 s23, $0x2;
	[sflag:s13] =	ssyncset.done $0x0  }
0x148: {  	s24 =	sadd.s32 $0x16080, s23;
	[sflag:s13] =	ssyncadd.s32 $0xFFFFF000  }
0x149: {  	[spmem:s4] =	stream.indirect.scatter.add.f32 [tilespmem:s0], [sflag:$0x5], $0x8, s24, s7, $0xb8;
	[tilespmem:$0x1DD90] =	vst v63  }
0x14a: {  	_ = 	snop  }
0x14b: {  	[spmem:s3] =	stream.indirect.scatter.add.f32 [tilespmem:s2], [sflag:$0x6], $0x80, s24, s7, $0xb8;
	[tilespmem:$0x1DD90] =	vst v63  }
0x14c: {  	_ =	swait.ge [sflag:s31], $0x1000  }
0x14d: {  	[sflag:s31] =	ssyncset.done $0x0  }
0x14e: {  	[sflag:s31] =	ssyncadd.s32 $0xFFFFF000  }
0x14f: {  	_ =	swait.ge [sflag:s14], $0x100  }
0x150: {  	[sflag:s14] =	ssyncset.done $0x0  }
0x151: {  	s24 =	sadd.s32 $0x13980, s23;
	[sflag:s14] =	ssyncadd.s32 $0xFFFFFF00  }
0x152: {  	[tilespmem:s2], [sflag:$0x1] =	stream.indirect.gather [hbm4b:s1+s7], $0x80, s24, s7, $0xb8;
	[tilespmem:$0x1DD90] =	vst v63  }
0x153: {  	_ =	swait.ge [sflag:s15], $0x1000  }
0x154: {  	[sflag:s15] =	ssyncset.done $0x0  }
0x155: {  	s24 =	sadd.s32 $0x160A0, s23;
	[sflag:s15] =	ssyncadd.s32 $0xFFFFF000  }
0x156: {  	[spmem:s4] =	stream.indirect.scatter.add.f32 [tilespmem:s0], [sflag:$0x5], $0x8, s24, s7, $0xb8;
	[tilespmem:$0x1DD90] =	vst v63  }
0x157: {  	_ = 	snop  }
0x158: {  	[spmem:s3] =	stream.indirect.scatter.add.f32 [tilespmem:s8], [sflag:$0x6], $0x80, s24, s7, $0xb8;
	[tilespmem:$0x1DD90] =	vst v63  }
0x159: {  	_ =	swait.ge [sflag:s31], $0x1000  }
0x15a: {  	[sflag:s31] =	ssyncset.done $0x0  }
0x15b: {  	[sflag:s31] =	ssyncadd.s32 $0xFFFFF000  }
0x15c: {  	_ =	swait.ge [sflag:s14], $0x100  }
0x15d: {  	[sflag:s14] =	ssyncset.done $0x0  }
0x15e: {  	s24 =	sadd.s32 $0x139A0, s23;
	[sflag:s14] =	ssyncadd.s32 $0xFFFFFF00  }
0x15f: {  	[tilespmem:s8], [sflag:$0x2] =	stream.indirect.gather [hbm4b:s1+s7], $0x80, s24, s7, $0xb8;
	[tilespmem:$0x1DD90] =	vst v63  }
0x160: {  	_ =	swait.ge [sflag:s16], $0x1000  }
0x161: {  	[sflag:s16] =	ssyncset.done $0x0  }
0x162: {  	s24 =	sadd.s32 $0x160C0, s23;
	[sflag:s16] =	ssyncadd.s32 $0xFFFFF000  }
0x163: {  	[spmem:s4] =	stream.indirect.scatter.add.f32 [tilespmem:s0], [sflag:$0x5], $0x8, s24, s7, $0xb8;
	[tilespmem:$0x1DD90] =	vst v63  }
0x164: {  	_ = 	snop  }
0x165: {  	[spmem:s3] =	stream.indirect.scatter.add.f32 [tilespmem:s9], [sflag:$0x6], $0x80, s24, s7, $0xb8;
	[tilespmem:$0x1DD90] =	vst v63  }
0x166: {  	_ =	swait.ge [sflag:s31], $0x1000  }
0x167: {  	[sflag:s31] =	ssyncset.done $0x0  }
0x168: {  	[sflag:s31] =	ssyncadd.s32 $0xFFFFF000  }
0x169: {  	_ =	swait.ge [sflag:s14], $0x100  }
0x16a: {  	[sflag:s14] =	ssyncset.done $0x0  }
0x16b: {  	s24 =	sadd.s32 $0x139C0, s23;
	[sflag:s14] =	ssyncadd.s32 $0xFFFFFF00  }
0x16c: {  	[tilespmem:s9], [sflag:$0x3] =	stream.indirect.gather [hbm4b:s1+s7], $0x80, s24, s7, $0xb8;
	[tilespmem:$0x1DD90] =	vst v63  }
0x16d: {  	_ =	swait.ge [sflag:s17], $0x1000  }
0x16e: {  	[sflag:s17] =	ssyncset.done $0x0  }
0x16f: {  	s24 =	sadd.s32 $0x160E0, s23;
	[sflag:s17] =	ssyncadd.s32 $0xFFFFF000  }
0x170: {  	[spmem:s4] =	stream.indirect.scatter.add.f32 [tilespmem:s0], [sflag:$0x5], $0x8, s24, s7, $0xb8;
	[tilespmem:$0x1DD90] =	vst v63  }
0x171: {  	_ = 	snop  }
0x172: {  	[spmem:s3] =	stream.indirect.scatter.add.f32 [tilespmem:s10], [sflag:$0x6], $0x80, s24, s7, $0xb8;
	[tilespmem:$0x1DD90] =	vst v63  }
0x173: {  	_ =	swait.ge [sflag:s31], $0x1000  }
.Ltmp0:
0x174: {  	[sflag:s31] =	ssyncset.done $0x0;
	(pc) =	sbr.rel @p0 .LBB2_2-.Ltmp0, $4  }
0x175: {  	[sflag:s31] =	ssyncadd.s32 $0xFFFFF000  }
0x176: {  	_ =	swait.ge [sflag:s14], $0x100  }
0x177: {  	[sflag:s14] =	ssyncset.done $0x0  }
0x178: {  	s23 =	sadd.s32 $0x139E0, s23;
	[sflag:s14] =	ssyncadd.s32 $0xFFFFFF00  }
0x179: {  	[tilespmem:s10], [sflag:$0x4] =	stream.indirect.gather [hbm4b:s1+s7], $0x80, s23, s7, $0xb8;
	[tilespmem:$0x1DD90] =	vst v63  }
0x17a: {  	_ =	swait.ge [sflag:s13], $0x1000  }
0x17b: {  	[sflag:s13] =	ssyncset.done $0x0  }
0x17c: {  	[sflag:s13] =	ssyncadd.s32 $0xFFFFF000  }
0x17d: {  	[spmem:s4] =	stream.indirect.scatter.add.f32 [tilespmem:s0], [sflag:$0x5], $0x8, s18, s7, $0xb8;
	[tilespmem:$0x1DD90] =	vst v63  }
0x17e: {  	_ = 	snop  }
0x17f: {  	[spmem:s3] =	stream.indirect.scatter.add.f32 [tilespmem:s2], [sflag:$0x6], $0x80, s18, s7, $0xb8;
	[tilespmem:$0x1DD90] =	vst v63  }
0x180: {  	_ =	swait.ge [sflag:s31], $0x1000  }
0x181: {  	[sflag:s31] =	ssyncset.done $0x0  }
0x182: {  	[sflag:s31] =	ssyncadd.s32 $0xFFFFF000  }
0x183: {  	_ =	swait.ge [sflag:s14], $0x100  }
0x184: {  	[sflag:s14] =	ssyncset.done $0x0  }
0x185: {  	[sflag:s14] =	ssyncadd.s32 $0xFFFFFF00  }
0x186: {  	_ =	swait.ge [sflag:s15], $0x1000  }
0x187: {  	[sflag:s15] =	ssyncset.done $0x0  }
0x188: {  	[sflag:s15] =	ssyncadd.s32 $0xFFFFF000  }
0x189: {  	[spmem:s4] =	stream.indirect.scatter.add.f32 [tilespmem:s0], [sflag:$0x5], $0x8, s19, s7, $0xb8;
	[tilespmem:$0x1DD90] =	vst v63  }
0x18a: {  	_ = 	snop  }
0x18b: {  	[spmem:s3] =	stream.indirect.scatter.add.f32 [tilespmem:s8], [sflag:$0x6], $0x80, s19, s7, $0xb8;
	[tilespmem:$0x1DD90] =	vst v63  }
0x18c: {  	_ =	swait.ge [sflag:s31], $0x1000  }
0x18d: {  	[sflag:s31] =	ssyncset.done $0x0  }
0x18e: {  	[sflag:s31] =	ssyncadd.s32 $0xFFFFF000  }
0x18f: {  	_ =	swait.ge [sflag:s14], $0x100  }
0x190: {  	[sflag:s14] =	ssyncset.done $0x0  }
0x191: {  	[sflag:s14] =	ssyncadd.s32 $0xFFFFFF00  }
0x192: {  	_ =	swait.ge [sflag:s16], $0x1000  }
0x193: {  	[sflag:s16] =	ssyncset.done $0x0  }
0x194: {  	[sflag:s16] =	ssyncadd.s32 $0xFFFFF000  }
0x195: {  	[spmem:s4] =	stream.indirect.scatter.add.f32 [tilespmem:s0], [sflag:$0x5], $0x8, s20, s7, $0xb8;
	[tilespmem:$0x1DD90] =	vst v63  }
0x196: {  	_ = 	snop  }
0x197: {  	[spmem:s3] =	stream.indirect.scatter.add.f32 [tilespmem:s9], [sflag:$0x6], $0x80, s20, s7, $0xb8;
	[tilespmem:$0x1DD90] =	vst v63  }
0x198: {  	_ =	swait.ge [sflag:s31], $0x1000  }
0x199: {  	[sflag:s31] =	ssyncset.done $0x0  }
0x19a: {  	[sflag:s31] =	ssyncadd.s32 $0xFFFFF000  }
0x19b: {  	_ =	swait.ge [sflag:s14], $0x100  }
0x19c: {  	[sflag:s14] =	ssyncset.done $0x0  }
0x19d: {  	[sflag:s14] =	ssyncadd.s32 $0xFFFFFF00  }
0x19e: {  	_ =	swait.ge [sflag:s17], $0x1000  }
0x19f: {  	[sflag:s17] =	ssyncset.done $0x0  }
0x1a0: {  	[sflag:s17] =	ssyncadd.s32 $0xFFFFF000  }
0x1a1: {  	[spmem:s4] =	stream.indirect.scatter.add.f32 [tilespmem:s0], [sflag:$0x5], $0x8, s21, s7, $0xb8;
	[tilespmem:$0x1DD90] =	vst v63  }
0x1a2: {  	_ = 	snop  }
0x1a3: {  	[spmem:s3] =	stream.indirect.scatter.add.f32 [tilespmem:s10], [sflag:$0x6], $0x80, s21, s7, $0xb8;
	[tilespmem:$0x1DD90] =	vst v63  }
0x1a4: {  	_ =	swait.ge [sflag:s31], $0x1000  }
0x1a5: {  	[sflag:s31] =	ssyncset.done $0x0  }
0x1a6: {  	[sflag:s31] =	ssyncadd.s32 $0xFFFFF000  }
0x1a7: {  	_ =	swait.ge [sflag:s14], $0x100  }
0x1a8: {  	s24 =	stileid.u32;
	[sflag:s14] =	ssyncset.done $0x0  }
0x1a9: {  	s23 =	sshll.u32 s24, $0x6;
	[sflag:s14] =	ssyncadd.s32 $0xFFFFFF00  }
0x1aa: {  	s24 =	sshrl.u32 s11, $0x3;
	s23 =	sor.u32 $0x1C06, s23;
	[bflag:$0x0] =	sbarrier.arrive $0xFFFF  }
0x1ab: {  	[hbm:s26], [sflag:s23] =	dma.local [spmem:s24], $0x2720  }
0x1ac: {  	s22 =	sadd.s32 $0x1, s22;
	_ =	swait.ge [sflag:s31], $0x2720  }
0x1ad: {  	p0 =	sne.s32 s22, s29;
	[sflag:s31] =	ssyncset.done $0x0  }
.Ltmp1:
0x1ae: {  	s30 =	sshrl.u32 s12, $0x3;
	[sflag:s31] =	ssyncadd.s32 $0xFFFFD8E0;
	(pc) =	sbr.rel @p0 .LBB2_1-.Ltmp1, $4  }
0x1af: {  	[hbm:s28], [sflag:s23] =	dma.local [spmem:s30], $0x272  }
0x1b0: {  	_ =	swait.ge [sflag:s31], $0x272  }
0x1b1: {  	[sflag:s31] =	ssyncset.done $0x0  }
0x1b2: {  	[sflag:s31] =	ssyncadd.s32 $0xFFFFFD8E  }
0x1b3: {  	_ =	sfence.sel $0x180000  }
0x1b4: {  	[bflag:$0x0] =	sbarrier.arrive $0xFFFF  }
0x1b5: {  	_ =	strace $0x90000047  }
0x1b6: {  	s0 =	stileid.u32;
	[bflag:$0x2] =	sbarrier.arrive $0xFFFF  }
0x1b7: {  	p0 =	sne.s32 s0, $0x0;
	s0 =	rddreg [dreg:$0x5]  }
0x1b8: {  	s0 =	sadd.s32 @!p0 $0x100000, s0  }
0x1b9: {  	[sflag:s0] =	ssyncadd.tile.s32 @!p0 $0x1;
	_ =	shalt  }
.Lfunc_end2:
_tile_overlayer_lowered:
.L_overlay_start_2:
0x1ba: {  	(tag) =	ssettag $0x2  }
0x1bb: {  	s0 =	rddreg [dreg:$0x0];
	s2 =	stileid.u32  }
0x1bc: {  	s1 =	rddreg [dreg:$0x1];
	p0 =	sne.s32 s2, $0x0  }
0x1bd: {  	s3 =	rddreg [dreg:$0x2];
	[bflag:$0x3] =	sbarrier.arrive $0xFFFF;
	s2 =	simm.s32 @!p0 $0x1C06  }
0x1be: {  	[timem:s3], [sflag:s2] =	dma.local @!p0 [hbm:s0], s1  }
0x1bf: {  	s0 =	simm.s32 @!p0 $0x6  }
0x1c0: {  	_ =	swait.ge @!p0 [sflag:s0], s1  }
0x1c1: {  	s1 =	ssub.s32 @!p0 $0x0, s1;
	[sflag:s0] =	ssyncset.done @!p0 $0x0  }
0x1c2: {  	[sflag:s0] =	ssyncadd.s32 @!p0 s1  }
0x1c3: {  	[bflag:$0x3] =	sbarrier.arrive $0xFFFF  }
0x1c4: {  	_ =	shalt  }

</sc_bundles>
